<compile_context>
chip_gen: v7x
topology: tpu7x:2x2x1
jax: 0.10.2.dev20260603
libtpu: 0.0.44.dev20260713+nightly
codegen_flags: <defaults>
</compile_context>

<pallas_src>
import functools

import jax
import jax.numpy as jnp
from jax import lax
from jax.experimental import pallas as pl
from jax.experimental.pallas import tpu as pltpu
from jax.experimental.pallas import tpu_sc as plsc

N = 10000
E = 320000
D = 128
G = 32
NC, NS, L = 2, 16, 16
K = 128
EPT = 20480
CHUNKS = EPT // K
DCHUNKS = CHUNKS // NC
EPAD = NS * EPT
NPAD = 10240
RPT = NPAD // NS
PADDST = N
KA = 64
CHA = EPT // KA
HALFN = N // 2
AROWS = 5120
RPT2 = AROWS // NS
TRASH = HALFN
VPE = EPT // L

_mesh = plsc.VectorSubcoreMesh(core_axis_name="c", subcore_axis_name="s")
_f32 = jnp.float32
_i32 = jnp.int32


@functools.partial(
    pl.kernel,
    out_type=jax.ShapeDtypeStruct((NC, NPAD, L), _f32),
    mesh=_mesh,
    scratch_types=[
        pltpu.VMEM((DCHUNKS, K), _i32),
        pltpu.VMEM((K, L), _f32),
        pltpu.VMEM((K, L), _f32),
        pltpu.VMEM_SHARED((NPAD, L), _f32),
    ],
    compiler_params=pltpu.CompilerParams(use_tc_tiling_on_sc=False),
)
def _deg_sc(dst_hbm, out_hbm, didx, oh_buf, zbuf, acc):
    c = lax.axis_index("c")
    s = lax.axis_index("s")
    oh = jnp.where(lax.iota(_i32, L) == 0, _f32(1.0), _f32(0.0))
    z16 = jnp.zeros((L,), _f32)

    @pl.loop(0, K)
    def _(j):
        oh_buf[j, pl.ds(0, L)] = oh
        zbuf[j, pl.ds(0, L)] = z16

    @pl.loop(0, RPT // K)
    def _(j):
        pltpu.sync_copy(zbuf, acc.at[pl.ds(s * RPT + j * K, K)])

    plsc.subcore_barrier()
    pltpu.sync_copy(dst_hbm.at[c, s], didx)

    @pl.loop(0, DCHUNKS)
    def _(j):
        pltpu.sync_copy(oh_buf, acc.at[didx.at[j]], add=True)

    plsc.subcore_barrier()
    pltpu.sync_copy(acc.at[pl.ds(s * RPT, RPT)], out_hbm.at[c, pl.ds(s * RPT, RPT)])


@functools.partial(
    pl.kernel,
    out_type=[jax.ShapeDtypeStruct((NC, NS, EPT), _i32),
              jax.ShapeDtypeStruct((NC, NS, EPT), _i32),
              jax.ShapeDtypeStruct((NC, NS, L), _i32)],
    mesh=_mesh,
    scratch_types=[
        pltpu.VMEM((EPT,), _i32),
        pltpu.VMEM((EPT,), _i32),
        pltpu.VMEM((EPT,), _i32),
        pltpu.VMEM((EPT,), _i32),
        pltpu.VMEM((L,), _i32),
    ],
    compiler_params=pltpu.CompilerParams(use_tc_tiling_on_sc=False,
                                         needs_layout_passes=False),
)
def _part_sc(src_hbm, dst_hbm, so_hbm, do_hbm, cnt_hbm,
             sbuf, dbuf, sobuf, dobuf, cbuf):
    c = lax.axis_index("c")
    s = lax.axis_index("s")
    lo = c * HALFN
    pltpu.sync_copy(src_hbm.at[s], sbuf)
    pltpu.sync_copy(dst_hbm.at[s], dbuf)
    trash_s = jnp.zeros((L,), _i32)
    trash_d = jnp.full((L,), TRASH, _i32)

    @pl.loop(0, VPE)
    def _(v):
        sobuf[pl.ds(v * L, L)] = trash_s
        dobuf[pl.ds(v * L, L)] = trash_d

    @pl.loop(0, VPE, init_carry=jnp.int32(0))
    def cnt(v, cur):
        s16 = sbuf[pl.ds(v * L, L)]
        d16 = dbuf[pl.ds(v * L, L)]
        dl = d16 - lo
        m = (dl >= 0) & (dl < HALFN)
        plsc.store_compressed(sobuf.at[pl.ds(cur, L)], s16, mask=m)
        plsc.store_compressed(dobuf.at[pl.ds(cur, L)], dl, mask=m)
        return cur + jnp.sum(jnp.where(m, 1, 0).astype(_i32))

    pltpu.sync_copy(sobuf, so_hbm.at[c, s])
    pltpu.sync_copy(dobuf, do_hbm.at[c, s])
    cbuf[pl.ds(0, L)] = jnp.full((L,), cnt, _i32)
    pltpu.sync_copy(cbuf, cnt_hbm.at[c, s])


_NBUF = 4


@functools.partial(
    pl.kernel,
    out_type=jax.ShapeDtypeStruct((NC, AROWS, D), _f32),
    mesh=_mesh,
    scratch_types=[
        pltpu.VMEM((CHA, KA), _i32),
        pltpu.VMEM((CHA, KA), _i32),
        [pltpu.VMEM((KA, D), _f32)] * _NBUF,
        pltpu.VMEM((L,), _i32),
        pltpu.VMEM_SHARED((AROWS, D), _f32),
        [pltpu.SemaphoreType.DMA] * _NBUF,
        [pltpu.SemaphoreType.DMA] * _NBUF,
    ],
    compiler_params=pltpu.CompilerParams(use_tc_tiling_on_sc=False,
                                         needs_layout_passes=False),
)
def _agg_sc(y_hbm, src_hbm, dst_hbm, cnt_hbm, out_hbm,
            sidx, didx, rows, cbuf, acc, gsem, ssem):
    c = lax.axis_index("c")
    s = lax.axis_index("s")
    z16 = jnp.zeros((L,), _f32)

    zbuf = rows[0]

    @pl.loop(0, KA)
    def _(j):
        @pl.loop(0, D, step=L)
        def _(k2):
            zbuf[j, pl.ds(k2, L)] = z16

    @pl.loop(0, RPT2 // KA)
    def _(j):
        pltpu.sync_copy(zbuf, acc.at[pl.ds(s * RPT2 + j * KA, KA)])

    plsc.subcore_barrier()
    pltpu.sync_copy(src_hbm.at[c, s], sidx)
    pltpu.sync_copy(dst_hbm.at[c, s], didx)
    pltpu.sync_copy(cnt_hbm.at[c, s], cbuf)
    cnt = jnp.max(cbuf[...])
    nch = (cnt + (KA - 1)) // KA
    nrounds = jnp.maximum((nch + (_NBUF - 1)) // _NBUF, 1)

    def g_start(j, b):
        pltpu.async_copy(y_hbm.at[sidx.at[j]], rows[b], gsem[b])

    def g_wait(j, b):
        pltpu.make_async_copy(y_hbm.at[sidx.at[j]], rows[b], gsem[b]).wait()

    def s_start(j, b):
        pltpu.async_copy(rows[b], acc.at[didx.at[j]], ssem[b], add=True)

    def s_wait(j, b):
        pltpu.make_async_copy(rows[b], acc.at[didx.at[j]], ssem[b]).wait()

    for b in range(_NBUF):
        g_start(b, b)

    @pl.loop(0, nrounds - 1)
    def _(i):
        j0 = i * _NBUF
        for b in range(_NBUF):
            g_wait(j0 + b, b)
            s_start(j0 + b, b)
        for b in range(_NBUF):
            s_wait(j0 + b, b)
            g_start(j0 + _NBUF + b, b)

    j0 = (nrounds - 1) * _NBUF
    for b in range(_NBUF):
        g_wait(j0 + b, b)
        s_start(j0 + b, b)
    for b in range(_NBUF):
        s_wait(j0 + b, b)

    plsc.subcore_barrier()
    pltpu.sync_copy(acc.at[pl.ds(s * RPT2, RPT2)],
                    out_hbm.at[c, pl.ds(s * RPT2, RPT2)])


_BLK = 1000
_GRID = N // _BLK
_PB = HALFN // _BLK


def _row_spec(w):
    return pl.BlockSpec((_BLK, w), lambda i: (i, 0))


def _part_spec():
    return pl.BlockSpec((1, _BLK, D), lambda i: (i // _PB, i % _PB, 0))


def _full_spec(h, w):
    return pl.BlockSpec((h, w), lambda i: (0, 0))


def _k0_body(x, w0, m0):
    m0[...] = jnp.dot(x[...], w0[...], preferred_element_type=_f32)


def _tc_k0(x, w0):
    return pl.pallas_call(
        _k0_body,
        grid=(_GRID,),
        in_specs=[_row_spec(D), _full_spec(D, D)],
        out_specs=_row_spec(D),
        out_shape=jax.ShapeDtypeStruct((N, D), _f32),
    )(x, w0)


def _k1_body(dg0, dg1, m0, y0, dinv):
    deg = dg0[:, 0:1] + dg1[:, 0:1] + _f32(1.0)
    di = lax.rsqrt(jnp.maximum(deg, _f32(1.0)))
    dinv[...] = di
    y0[...] = m0[...] * di


def _tc_k1(dg0, dg1, m0):
    return pl.pallas_call(
        _k1_body,
        grid=(_GRID,),
        in_specs=[_row_spec(L), _row_spec(L), _row_spec(D)],
        out_specs=[_row_spec(D), _row_spec(1)],
        out_shape=[jax.ShapeDtypeStruct((N, D), _f32),
                   jax.ShapeDtypeStruct((N, 1), _f32)],
    )(dg0, dg1, m0)


def _k2_body(p, y, dinv, b, wn, out):
    h = jax.nn.relu((p[0] + y[...]) * dinv[...] + b[...])
    out[...] = jnp.dot(h, wn[...], preferred_element_type=_f32) * dinv[...]


def _tc_k2(p, y, dinv, b, wn):
    return pl.pallas_call(
        _k2_body,
        grid=(_GRID,),
        in_specs=[_part_spec(), _row_spec(D), _row_spec(1),
                  _full_spec(1, D), _full_spec(D, D)],
        out_specs=_row_spec(D),
        out_shape=jax.ShapeDtypeStruct((N, D), _f32),
    )(p, y, dinv, b, wn)


def _k3_body(p, y, dinv, b, wf1, bf1, z, sums):
    h = jax.nn.relu((p[0] + y[...]) * dinv[...] + b[...])
    zz = jnp.dot(h, wf1[...], preferred_element_type=_f32) + bf1[...]
    z[...] = zz

    @pl.when(pl.program_id(0) == 0)
    def _():
        sums[...] = jnp.zeros_like(sums)

    sums[0:1, :] += jnp.sum(zz, axis=0, keepdims=True)
    sums[1:2, :] += jnp.sum(zz * zz, axis=0, keepdims=True)


def _tc_k3(p, y, dinv, b, wf1, bf1):
    return pl.pallas_call(
        _k3_body,
        grid=(_GRID,),
        in_specs=[_part_spec(), _row_spec(D), _row_spec(1),
                  _full_spec(1, D), _full_spec(D, D), _full_spec(1, D)],
        out_specs=[_row_spec(D), _full_spec(8, D)],
        out_shape=[jax.ShapeDtypeStruct((N, D), _f32),
                   jax.ShapeDtypeStruct((8, D), _f32)],
    )(p, y, dinv, b, wf1, bf1)


def _k4_body(z, scale, shift, wf2, bf2, bat, pmax):
    zn = jax.nn.relu(z[...] * scale[...] + shift[...])
    h3 = jax.nn.relu(jnp.dot(zn, wf2[...], preferred_element_type=_f32) + bf2[...])
    bb = bat[...]

    @pl.when(pl.program_id(0) == 0)
    def _():
        pmax[...] = jnp.full_like(pmax, -jnp.inf)

    def _one_graph(g, carry):
        m = jnp.max(jnp.where(bb == g, h3, -jnp.inf), axis=0, keepdims=True)
        pmax[pl.ds(g, 1), :] = jnp.maximum(pmax[pl.ds(g, 1), :], m)
        return carry

    lax.fori_loop(bb[0, 0], bb[_BLK - 1, 0] + 1, _one_graph, 0)


def _tc_k4(z, scale, shift, wf2, bf2, bat):
    return pl.pallas_call(
        _k4_body,
        grid=(_GRID,),
        in_specs=[_row_spec(D), _full_spec(1, D), _full_spec(1, D),
                  _full_spec(D, D), _full_spec(1, D), _row_spec(1)],
        out_specs=_full_spec(G, D),
        out_shape=jax.ShapeDtypeStruct((G, D), _f32),
    )(z, scale, shift, wf2, bf2, bat)


def _k5_body(p, wm1, bm1, gm, betam, wm2, bm2, out):
    p1 = jnp.dot(p[...], wm1[...], preferred_element_type=_f32) + bm1[...]
    mu = jnp.mean(p1, axis=0, keepdims=True)
    var = jnp.mean((p1 - mu) * (p1 - mu), axis=0, keepdims=True)
    p1 = (p1 - mu) * lax.rsqrt(var + _f32(1e-5)) * gm[...] + betam[...]
    p1 = jax.nn.relu(p1)
    out[...] = jnp.dot(p1, wm2[...], preferred_element_type=_f32) + bm2[...]


def _tc_k5(p, wm1, bm1, gm, betam, wm2, bm2):
    HW = D // 2
    return pl.pallas_call(
        _k5_body,
        grid=(1,),
        in_specs=[_full_spec(G, D), _full_spec(D, HW), _full_spec(1, HW),
                  _full_spec(1, HW), _full_spec(1, HW), _full_spec(HW, D),
                  _full_spec(1, D)],
        out_specs=_full_spec(G, D),
        out_shape=jax.ShapeDtypeStruct((G, D), _f32),
    )(p, wm1, bm1, gm, betam, wm2, bm2)


def kernel(x, edge_index, edge_attr, batch, W0, b0, W1, b1, Wf1, bf1, gf, betaf,
           Wf2, bf2, Wm1, bm1, gm, betam, Wm2, bm2):
    src = edge_index[0]
    dst = edge_index[1]
    srcpad = jnp.concatenate([src, jnp.zeros((EPAD - E,), _i32)]).reshape(NS, EPT)
    dstpad = jnp.concatenate([dst, jnp.full((EPAD - E,), PADDST, _i32)]
                             ).reshape(NS, EPT)
    dstd = dstpad.reshape(NS, NC, DCHUNKS, K).transpose(1, 0, 2, 3)

    so, do_, cnts = _part_sc(srcpad, dstpad)
    so4 = so.reshape(NC, NS, CHA, KA)
    do4 = do_.reshape(NC, NS, CHA, KA)

    m0 = _tc_k0(x, W0)
    degp = _deg_sc(dstd)
    y0, dinv = _tc_k1(degp[0, :N, :], degp[1, :N, :], m0)

    parts0 = _agg_sc(y0, so4, do4, cnts)
    y1 = _tc_k2(parts0, y0, dinv, b0.reshape(1, D), W1)

    parts1 = _agg_sc(y1, so4, do4, cnts)
    z, sums = _tc_k3(parts1, y1, dinv, b1.reshape(1, D), Wf1, bf1.reshape(1, D))

    mu = sums[0:1, :] / N
    var = sums[1:2, :] / N - mu * mu
    scale = gf.reshape(1, D) * lax.rsqrt(var + 1e-5)
    shift = betaf.reshape(1, D) - mu * scale

    pmax = _tc_k4(z, scale, shift, Wf2, bf2.reshape(1, D), batch.reshape(N, 1))

    wm2p = jnp.pad(Wm2, ((0, 0), (0, D - 1)))
    bm2p = jnp.pad(bm2.reshape(1, 1), ((0, 0), (0, D - 1)))
    out = _tc_k5(pmax, Wm1, bm1.reshape(1, D // 2), gm.reshape(1, D // 2),
                 betam.reshape(1, D // 2), wm2p, bm2p)
    return out[:, 0]

# --- scband reference (transcript-rebuilt; emitter-appended) ---
"""Pipeline reference for scband-gcn-47682726920576 (READ-ONLY COPY).

The authoritative reference and input builder live on the scoring server;
editing this copy changes nothing except your own understanding.
"""

import jax, jax.numpy as jnp
import numpy as np

N_NODES = 10000
N_EDGES = 320000
D_FEAT = 128
WIDTH = 128
N_GRAPHS = 32


def _batchnorm(x, gamma, beta, eps=1e-5):
    mu = jnp.mean(x, axis=0)
    var = jnp.var(x, axis=0)
    return (x - mu) / jnp.sqrt(var + eps) * gamma + beta


def _gcn_conv(x, src, dst, W, b, num_nodes):
    # GCNConv: add self-loops, symmetric normalization D^-1/2 (A+I) D^-1/2
    loop = jnp.arange(num_nodes, dtype=src.dtype)
    s = jnp.concatenate([src, loop])
    d = jnp.concatenate([dst, loop])
    deg = jnp.zeros((num_nodes,), x.dtype).at[d].add(1.0)
    dinv = jax.lax.rsqrt(jnp.maximum(deg, 1.0))
    norm = dinv[s] * dinv[d]
    h = x @ W
    msg = h[s] * norm[:, None]
    out = jax.ops.segment_sum(msg, d, num_segments=num_nodes)
    return out + b


def setup_inputs(seed: int = 0) -> dict:
    key = jax.random.key(seed)
    ks = jax.random.split(key, 24)
    x = jax.random.normal(ks[0], (N_NODES, D_FEAT), dtype=jnp.float32)
    edge_index = jax.random.randint(ks[1], (2, N_EDGES), 0, N_NODES, dtype=jnp.int32)
    edge_attr = jax.random.normal(ks[2], (N_EDGES, 4), dtype=jnp.float32)
    batch = jnp.sort(jax.random.randint(ks[3], (N_NODES,), 0, N_GRAPHS, dtype=jnp.int32))
    s = 0.05
    params = dict(
        W0=jax.random.normal(ks[4], (D_FEAT, WIDTH), dtype=jnp.float32) * s,
        b0=jnp.zeros((WIDTH,), jnp.float32),
        W1=jax.random.normal(ks[5], (WIDTH, WIDTH), dtype=jnp.float32) * s,
        b1=jnp.zeros((WIDTH,), jnp.float32),
        Wf1=jax.random.normal(ks[6], (WIDTH, WIDTH), dtype=jnp.float32) * s,
        bf1=jnp.zeros((WIDTH,), jnp.float32),
        gf=jnp.ones((WIDTH,), jnp.float32),
        betaf=jnp.zeros((WIDTH,), jnp.float32),
        Wf2=jax.random.normal(ks[7], (WIDTH, WIDTH), dtype=jnp.float32) * s,
        bf2=jnp.zeros((WIDTH,), jnp.float32),
        Wm1=jax.random.normal(ks[8], (WIDTH, WIDTH // 2), dtype=jnp.float32) * s,
        bm1=jnp.zeros((WIDTH // 2,), jnp.float32),
        gm=jnp.ones((WIDTH // 2,), jnp.float32),
        betam=jnp.zeros((WIDTH // 2,), jnp.float32),
        Wm2=jax.random.normal(ks[9], (WIDTH // 2, 1), dtype=jnp.float32) * s,
        bm2=jnp.zeros((1,), jnp.float32),
    )
    return dict(x=x, edge_index=edge_index, edge_attr=edge_attr, batch=batch, **params)


def reference(x, edge_index, edge_attr, batch,
              W0, b0, W1, b1,
              Wf1, bf1, gf, betaf, Wf2, bf2,
              Wm1, bm1, gm, betam, Wm2, bm2):
    edge_attr = edge_attr.astype(jnp.float32)  # data.edge_attr.float(); unused by GCNConv
    src, dst = edge_index[0], edge_index[1]
    h = x
    # depth-2 GCN stack with ReLU
    h = jax.nn.relu(_gcn_conv(h, src, dst, W0, b0, N_NODES))
    h = jax.nn.relu(_gcn_conv(h, src, dst, W1, b1, N_NODES))
    # mlp_first: Linear -> BatchNorm1d -> ReLU -> Linear
    h = h @ Wf1 + bf1
    h = _batchnorm(h, gf, betaf)
    h = jax.nn.relu(h)
    h = h @ Wf2 + bf2
    h = jax.nn.relu(h)
    # global_max_pool over graph ids
    p = jax.ops.segment_max(h, batch, num_segments=N_GRAPHS)
    # mlp: Linear -> BatchNorm1d -> ReLU -> Linear
    p = p @ Wm1 + bm1
    p = _batchnorm(p, gm, betam)
    p = jax.nn.relu(p)
    p = p @ Wm2 + bm2
    return p[:, 0]

if __name__ == "__main__":
    import jax
    _d = setup_inputs()
    print(jax.jit(kernel)(*tuple(_d.values())))

</pallas_src>

<mosaic_0001>
#map = affine_map<(d0, d1) -> (0, 0, 0, 0)>
#map1 = affine_map<(d0, d1) -> (0, 0, 0)>
module attributes {stable_mosaic.version = 14 : i64} {
  func.func @_deg_sc(%arg0: i32, %arg1: i32, %arg2: memref<2x16x80x128xi32, #tpu.memory_space<hbm>>, %arg3: memref<2x10240x16xf32, #tpu.memory_space<hbm>>, %arg4: memref<80x128xi32, #tpu.memory_space<vmem>>, %arg5: memref<128x16xf32, #tpu.memory_space<vmem>>, %arg6: memref<128x16xf32, #tpu.memory_space<vmem>>, %arg7: memref<10240x16xf32, #tpu.memory_space<vmem_shared>>) attributes {dimension_semantics = [#tpu.dimension_semantics<core_parallel>, #tpu.dimension_semantics<subcore_parallel>], iteration_bounds = array<i64: 2, 16>, scalar_prefetch = 0 : i64, scratch_operands = 4 : i64, tpu.core_type = #tpu.core_type<sc_vector_subcore>, window_params = [{transform_indices = #map}, {transform_indices = #map1}]} {
    %iota3A = tpu.iota {dimensions = array<i32: 0>} : vector<16xi32>
    %eq3A = arith.constant 0 : i32
    %eq3A_0 = vector.broadcast %eq3A : i32 to vector<16xi32>
    %eq3A_1 = arith.cmpi eq, %iota3A, %eq3A_0 : vector<16xi32>
    %jit3A = arith.constant 1.000000e+00 : f32
    %jit3A_2 = arith.constant 0.000000e+00 : f32
    %broadcast_in_dim3A = vector.broadcast %jit3A : f32 to vector<16xf32>
    %broadcast_in_dim3A_3 = vector.broadcast %jit3A_2 : f32 to vector<16xf32>
    %select_n3A = arith.select %eq3A_1, %broadcast_in_dim3A, %broadcast_in_dim3A_3 : vector<16xi1>, vector<16xf32>
    %broadcast_in_dim3A_4 = arith.constant 0.000000e+00 : f32
    %broadcast_in_dim3A_5 = vector.broadcast %broadcast_in_dim3A_4 : f32 to vector<16xf32>
    %scan3A = arith.constant 0 : i32
    %scan3A_6 = arith.constant 128 : i32
    %scan3A_7 = arith.addi %scan3A, %scan3A_6 : i32
    %scan3A_8 = arith.constant 1 : i32
    scf.for %scan3A_24 = %scan3A to %scan3A_7 step %scan3A_8  : i32 {
      %mul3A_25 = arith.constant 1 : i32
      %mul3A_26 = arith.muli %scan3A_24, %mul3A_25 : i32
      %add3A = arith.constant 0 : i32
      %add3A_27 = arith.addi %add3A, %mul3A_26 : i32
      %swap3A = arith.index_cast %add3A_27 : i32 to index
      %swap3A_28 = arith.constant 0 : index
      %swap3A_29 = tpu.vector_load %arg5[%swap3A, %swap3A_28] {strides = array<i32>} : memref<128x16xf32, #tpu.memory_space<vmem>>, vector<1x16xf32>,
      %swap3A_30 = vector.shape_cast %swap3A_29 : vector<1x16xf32> to vector<16xf32>
      %swap3A_31 = vector.shape_cast %select_n3A : vector<16xf32> to vector<1x16xf32>
      tpu.vector_store %arg5[%swap3A, %swap3A_28], %swap3A_31 {strides = array<i32>} : memref<128x16xf32, #tpu.memory_space<vmem>>, vector<1x16xf32>,
      %swap3A_32 = arith.index_cast %add3A_27 : i32 to index
      %swap3A_33 = arith.constant 0 : index
      %swap3A_34 = tpu.vector_load %arg6[%swap3A_32, %swap3A_33] {strides = array<i32>} : memref<128x16xf32, #tpu.memory_space<vmem>>, vector<1x16xf32>,
      %swap3A_35 = vector.shape_cast %swap3A_34 : vector<1x16xf32> to vector<16xf32>
      %swap3A_36 = vector.shape_cast %broadcast_in_dim3A_5 : vector<16xf32> to vector<1x16xf32>
      tpu.vector_store %arg6[%swap3A_32, %swap3A_33], %swap3A_36 {strides = array<i32>} : memref<128x16xf32, #tpu.memory_space<vmem>>, vector<1x16xf32>,
    }
    %scan3A_9 = arith.constant 128 : i32
    %scan3A_10 = arith.constant 0 : i32
    %scan3A_11 = arith.constant 5 : i32
    %scan3A_12 = arith.addi %scan3A_10, %scan3A_11 : i32
    %scan3A_13 = arith.constant 1 : i32
    scf.for %scan3A_24 = %scan3A_10 to %scan3A_12 step %scan3A_13  : i32 {
      %mul3A_25 = arith.constant 1 : i32
      %mul3A_26 = arith.muli %scan3A_24, %mul3A_25 : i32
      %add3A = arith.constant 0 : i32
      %add3A_27 = arith.addi %add3A, %mul3A_26 : i32
      %mul3A_28 = arith.constant 640 : i32
      %mul3A_29 = arith.muli %arg1, %mul3A_28 : i32
      %mul3A_30 = arith.constant 128 : i32
      %mul3A_31 = arith.muli %add3A_27, %mul3A_30 : i32
      %add3A_32 = arith.addi %mul3A_29, %mul3A_31 : i32
      "tpu.region"() ({
        %run_scoped3A = tpu.sem_alloc : memref<!tpu.dma_semaphore, #tpu.memory_space<semaphore_mem>>
        %dma_start3A = arith.constant 0 : i32
        %dma_start3A_33 = tpu.memref_slice %arg7[%add3A_32, %dma_start3A] : memref<10240x16xf32, #tpu.memory_space<vmem_shared>> -> memref<128x16xf32, #tpu.memory_space<vmem_shared>>
        %dma_start3A_34 = arith.constant 0 : i32
        %dma_start3A_35 = tpu.memref_slice %arg7[%add3A_32, %dma_start3A_34] : memref<10240x16xf32, #tpu.memory_space<vmem_shared>> -> memref<128x16xf32, #tpu.memory_space<vmem_shared>>
        tpu.enqueue_dma source(%arg6 : memref<128x16xf32, #tpu.memory_space<vmem>>) target(%dma_start3A_35 : memref<128x16xf32, #tpu.memory_space<vmem_shared>>) target_semaphore(%run_scoped3A : memref<!tpu.dma_semaphore, #tpu.memory_space<semaphore_mem>>)
        %dma_wait3A = arith.constant 0 : i32
        %dma_wait3A_36 = tpu.memref_slice %arg7[%add3A_32, %dma_wait3A] : memref<10240x16xf32, #tpu.memory_space<vmem_shared>> -> memref<128x16xf32, #tpu.memory_space<vmem_shared>>
        %dma_wait3A_37 = arith.constant 0 : i32
        %dma_wait3A_38 = tpu.memref_slice %arg7[%add3A_32, %dma_wait3A_37] : memref<10240x16xf32, #tpu.memory_space<vmem_shared>> -> memref<128x16xf32, #tpu.memory_space<vmem_shared>>
        tpu.wait_dma2 semaphore(%run_scoped3A : memref<!tpu.dma_semaphore, #tpu.memory_space<semaphore_mem>>) src(%arg6 : memref<128x16xf32, #tpu.memory_space<vmem>>) dst(%dma_wait3A_38 : memref<128x16xf32, #tpu.memory_space<vmem_shared>>)
        tpu.yield
      }) : () -> ()
    }
    %scan3A_14 = arith.constant 5 : i32
    %barrier3A = arith.constant 0 : index
    tpu.barrier barrier_id(%barrier3A)
    "tpu.region"() ({
      %run_scoped3A = tpu.sem_alloc : memref<!tpu.dma_semaphore, #tpu.memory_space<semaphore_mem>>
      %dma_start3A = arith.constant 0 : i32
      %dma_start3A_24 = arith.constant 0 : i32
      %dma_start3A_25 = tpu.memref_slice %arg2[%arg0, %arg1, %dma_start3A, %dma_start3A_24] : memref<2x16x80x128xi32, #tpu.memory_space<hbm>> -> memref<1x1x80x128xi32, #tpu.memory_space<hbm>>
      %dma_start3A_26 = tpu.memref_squeeze %dma_start3A_25 : memref<1x1x80x128xi32, #tpu.memory_space<hbm>> -> memref<80x128xi32, #tpu.memory_space<hbm>>
      %dma_start3A_27 = arith.constant 0 : i32
      %dma_start3A_28 = arith.constant 0 : i32
      %dma_start3A_29 = tpu.memref_slice %arg2[%arg0, %arg1, %dma_start3A_27, %dma_start3A_28] : memref<2x16x80x128xi32, #tpu.memory_space<hbm>> -> memref<1x1x80x128xi32, #tpu.memory_space<hbm>>
      %dma_start3A_30 = tpu.memref_squeeze %dma_start3A_29 : memref<1x1x80x128xi32, #tpu.memory_space<hbm>> -> memref<80x128xi32, #tpu.memory_space<hbm>>
      tpu.enqueue_dma source(%dma_start3A_30 : memref<80x128xi32, #tpu.memory_space<hbm>>) target(%arg4 : memref<80x128xi32, #tpu.memory_space<vmem>>) target_semaphore(%run_scoped3A : memref<!tpu.dma_semaphore, #tpu.memory_space<semaphore_mem>>)
      %dma_wait3A = arith.constant 0 : i32
      %dma_wait3A_31 = arith.constant 0 : i32
      %dma_wait3A_32 = tpu.memref_slice %arg2[%arg0, %arg1, %dma_wait3A, %dma_wait3A_31] : memref<2x16x80x128xi32, #tpu.memory_space<hbm>> -> memref<1x1x80x128xi32, #tpu.memory_space<hbm>>
      %dma_wait3A_33 = tpu.memref_squeeze %dma_wait3A_32 : memref<1x1x80x128xi32, #tpu.memory_space<hbm>> -> memref<80x128xi32, #tpu.memory_space<hbm>>
      %dma_wait3A_34 = arith.constant 0 : i32
      %dma_wait3A_35 = arith.constant 0 : i32
      %dma_wait3A_36 = tpu.memref_slice %arg2[%arg0, %arg1, %dma_wait3A_34, %dma_wait3A_35] : memref<2x16x80x128xi32, #tpu.memory_space<hbm>> -> memref<1x1x80x128xi32, #tpu.memory_space<hbm>>
      %dma_wait3A_37 = tpu.memref_squeeze %dma_wait3A_36 : memref<1x1x80x128xi32, #tpu.memory_space<hbm>> -> memref<80x128xi32, #tpu.memory_space<hbm>>
      tpu.wait_dma2 semaphore(%run_scoped3A : memref<!tpu.dma_semaphore, #tpu.memory_space<semaphore_mem>>) src(%dma_wait3A_37 : memref<80x128xi32, #tpu.memory_space<hbm>>) dst(%arg4 : memref<80x128xi32, #tpu.memory_space<vmem>>)
      tpu.yield
    }) : () -> ()
    %scan3A_15 = arith.constant 0 : i32
    %scan3A_16 = arith.constant 80 : i32
    %scan3A_17 = arith.addi %scan3A_15, %scan3A_16 : i32
    %scan3A_18 = arith.constant 1 : i32
    scf.for %scan3A_24 = %scan3A_15 to %scan3A_17 step %scan3A_18  : i32 {
      %mul3A_25 = arith.constant 1 : i32
      %mul3A_26 = arith.muli %scan3A_24, %mul3A_25 : i32
      %add3A = arith.constant 0 : i32
      %add3A_27 = arith.addi %add3A, %mul3A_26 : i32
      "tpu.region"() ({
        %run_scoped3A = tpu.sem_alloc : memref<!tpu.dma_semaphore, #tpu.memory_space<semaphore_mem>>
        %dma_start3A = arith.constant 0 : i32
        %dma_start3A_28 = tpu.memref_slice %arg4[%add3A_27, %dma_start3A] : memref<80x128xi32, #tpu.memory_space<vmem>> -> memref<1x128xi32, #tpu.memory_space<vmem>>
        %dma_start3A_29 = tpu.memref_squeeze %dma_start3A_28 : memref<1x128xi32, #tpu.memory_space<vmem>> -> memref<128xi32, #tpu.memory_space<vmem>>
        %dma_start3A_30 = arith.constant 0 : i32
        %dma_start3A_31 = arith.constant 0 : i32
        %dma_start3A_32 = tpu.memref_slice %arg7[%dma_start3A_30, %dma_start3A_31] : memref<10240x16xf32, #tpu.memory_space<vmem_shared>> -> memref<10240x16xf32, #tpu.memory_space<vmem_shared>>
        tpu.enqueue_indirect_dma source(%arg5 : memref<128x16xf32, #tpu.memory_space<vmem>>) target(%dma_start3A_32 : memref<10240x16xf32, #tpu.memory_space<vmem_shared>>) offsets(%dma_start3A_29 : memref<128xi32, #tpu.memory_space<vmem>>) semaphore(%run_scoped3A : memref<!tpu.dma_semaphore, #tpu.memory_space<semaphore_mem>>) {add = true}
        %dma_wait3A = arith.constant 0 : i32
        %dma_wait3A_33 = tpu.memref_slice %arg4[%add3A_27, %dma_wait3A] : memref<80x128xi32, #tpu.memory_space<vmem>> -> memref<1x128xi32, #tpu.memory_space<vmem>>
        %dma_wait3A_34 = tpu.memref_squeeze %dma_wait3A_33 : memref<1x128xi32, #tpu.memory_space<vmem>> -> memref<128xi32, #tpu.memory_space<vmem>>
        %dma_wait3A_35 = arith.constant 0 : i32
        %dma_wait3A_36 = arith.constant 0 : i32
        %dma_wait3A_37 = tpu.memref_slice %arg7[%dma_wait3A_35, %dma_wait3A_36] : memref<10240x16xf32, #tpu.memory_space<vmem_shared>> -> memref<10240x16xf32, #tpu.memory_space<vmem_shared>>
        tpu.wait_indirect_dma semaphore(%run_scoped3A : memref<!tpu.dma_semaphore, #tpu.memory_space<semaphore_mem>>) src(%arg5 : memref<128x16xf32, #tpu.memory_space<vmem>>) dst(%dma_wait3A_37 : memref<10240x16xf32, #tpu.memory_space<vmem_shared>>)
        tpu.yield
      }) : () -> ()
    }
    %scan3A_19 = arith.constant 80 : i32
    %barrier3A_20 = arith.constant 0 : index
    tpu.barrier barrier_id(%barrier3A_20)
    %mul3A = arith.constant 640 : i32
    %mul3A_21 = arith.muli %arg1, %mul3A : i32
    %mul3A_22 = arith.constant 640 : i32
    %mul3A_23 = arith.muli %arg1, %mul3A_22 : i32
    "tpu.region"() ({
      %run_scoped3A = tpu.sem_alloc : memref<!tpu.dma_semaphore, #tpu.memory_space<semaphore_mem>>
      %dma_start3A = arith.constant 0 : i32
      %dma_start3A_24 = tpu.memref_slice %arg3[%arg0, %mul3A_23, %dma_start3A] : memref<2x10240x16xf32, #tpu.memory_space<hbm>> -> memref<1x640x16xf32, #tpu.memory_space<hbm>>
      %dma_start3A_25 = tpu.memref_squeeze %dma_start3A_24 : memref<1x640x16xf32, #tpu.memory_space<hbm>> -> memref<640x16xf32, #tpu.memory_space<hbm>>
      %dma_start3A_26 = arith.constant 0 : i32
      %dma_start3A_27 = tpu.memref_slice %arg7[%mul3A_21, %dma_start3A_26] : memref<10240x16xf32, #tpu.memory_space<vmem_shared>> -> memref<640x16xf32, #tpu.memory_space<vmem_shared>>
      tpu.enqueue_dma source(%dma_start3A_27 : memref<640x16xf32, #tpu.memory_space<vmem_shared>>) target(%dma_start3A_25 : memref<640x16xf32, #tpu.memory_space<hbm>>) target_semaphore(%run_scoped3A : memref<!tpu.dma_semaphore, #tpu.memory_space<semaphore_mem>>)
      %dma_wait3A = arith.constant 0 : i32
      %dma_wait3A_28 = tpu.memref_slice %arg3[%arg0, %mul3A_23, %dma_wait3A] : memref<2x10240x16xf32, #tpu.memory_space<hbm>> -> memref<1x640x16xf32, #tpu.memory_space<hbm>>
      %dma_wait3A_29 = tpu.memref_squeeze %dma_wait3A_28 : memref<1x640x16xf32, #tpu.memory_space<hbm>> -> memref<640x16xf32, #tpu.memory_space<hbm>>
      %dma_wait3A_30 = arith.constant 0 : i32
      %dma_wait3A_31 = tpu.memref_slice %arg7[%mul3A_21, %dma_wait3A_30] : memref<10240x16xf32, #tpu.memory_space<vmem_shared>> -> memref<640x16xf32, #tpu.memory_space<vmem_shared>>
      tpu.wait_dma2 semaphore(%run_scoped3A : memref<!tpu.dma_semaphore, #tpu.memory_space<semaphore_mem>>) src(%dma_wait3A_31 : memref<640x16xf32, #tpu.memory_space<vmem_shared>>) dst(%dma_wait3A_29 : memref<640x16xf32, #tpu.memory_space<hbm>>)
      tpu.yield
    }) : () -> ()
    return
  }
}

#map = affine_map<(d0, d1) -> (0, 0)>
#map1 = affine_map<(d0, d1) -> (0, 0, 0, 0)>
#map2 = affine_map<(d0, d1) -> (0, 0, 0)>
module attributes {stable_mosaic.version = 14 : i64} {
  func.func @_agg_sc(%arg0: i32, %arg1: i32, %arg2: memref<10000x128xf32, #tpu.memory_space<hbm>>, %arg3: memref<2x16x320x64xi32, #tpu.memory_space<hbm>>, %arg4: memref<2x16x320x64xi32, #tpu.memory_space<hbm>>, %arg5: memref<2x16x16xi32, #tpu.memory_space<hbm>>, %arg6: memref<2x5120x128xf32, #tpu.memory_space<hbm>>, %arg7: memref<320x64xi32, #tpu.memory_space<vmem>>, %arg8: memref<320x64xi32, #tpu.memory_space<vmem>>, %arg9: memref<64x128xf32, #tpu.memory_space<vmem>>, %arg10: memref<64x128xf32, #tpu.memory_space<vmem>>, %arg11: memref<64x128xf32, #tpu.memory_space<vmem>>, %arg12: memref<64x128xf32, #tpu.memory_space<vmem>>, %arg13: memref<16xi32, #tpu.memory_space<vmem>>, %arg14: memref<5120x128xf32, #tpu.memory_space<vmem_shared>>, %arg15: memref<!tpu.dma_semaphore, #tpu.memory_space<semaphore_mem>>, %arg16: memref<!tpu.dma_semaphore, #tpu.memory_space<semaphore_mem>>, %arg17: memref<!tpu.dma_semaphore, #tpu.memory_space<semaphore_mem>>, %arg18: memref<!tpu.dma_semaphore, #tpu.memory_space<semaphore_mem>>, %arg19: memref<!tpu.dma_semaphore, #tpu.memory_space<semaphore_mem>>, %arg20: memref<!tpu.dma_semaphore, #tpu.memory_space<semaphore_mem>>, %arg21: memref<!tpu.dma_semaphore, #tpu.memory_space<semaphore_mem>>, %arg22: memref<!tpu.dma_semaphore, #tpu.memory_space<semaphore_mem>>) attributes {dimension_semantics = [#tpu.dimension_semantics<core_parallel>, #tpu.dimension_semantics<subcore_parallel>], iteration_bounds = array<i64: 2, 16>, scalar_prefetch = 0 : i64, scratch_operands = 16 : i64, tpu.core_type = #tpu.core_type<sc_vector_subcore>, window_params = [{transform_indices = #map}, {transform_indices = #map1}, {transform_indices = #map1}, {transform_indices = #map2}, {transform_indices = #map2}]} {
    %broadcast_in_dim3A = arith.constant 0.000000e+00 : f32
    %broadcast_in_dim3A_0 = vector.broadcast %broadcast_in_dim3A : f32 to vector<16xf32>
    %scan3A = arith.constant 0 : i32
    %scan3A_1 = arith.constant 64 : i32
    %scan3A_2 = arith.addi %scan3A, %scan3A_1 : i32
    %scan3A_3 = arith.constant 1 : i32
    scf.for %scan3A_212 = %scan3A to %scan3A_2 step %scan3A_3  : i32 {
      %mul3A_213 = arith.constant 1 : i32
      %mul3A_214 = arith.muli %scan3A_212, %mul3A_213 : i32
      %add3A_215 = arith.constant 0 : i32
      %add3A_216 = arith.addi %add3A_215, %mul3A_214 : i32
      %scan3A_217 = arith.constant 0 : i32
      %scan3A_218 = arith.constant 8 : i32
      %scan3A_219 = arith.addi %scan3A_217, %scan3A_218 : i32
      %scan3A_220 = arith.constant 1 : i32
      scf.for %scan3A_222 = %scan3A_217 to %scan3A_219 step %scan3A_220  : i32 {
        %mul3A_223 = arith.constant 16 : i32
        %mul3A_224 = arith.muli %scan3A_222, %mul3A_223 : i32
        %add3A_225 = arith.constant 0 : i32
        %add3A_226 = arith.addi %add3A_225, %mul3A_224 : i32
        %swap3A = arith.index_cast %add3A_216 : i32 to index
        %swap3A_227 = arith.index_cast %add3A_226 : i32 to index
        %swap3A_228 = tpu.vector_load %arg9[%swap3A, %swap3A_227] {strides = array<i32>} : memref<64x128xf32, #tpu.memory_space<vmem>>, vector<16xf32>,
        tpu.vector_store %arg9[%swap3A, %swap3A_227], %broadcast_in_dim3A_0 {strides = array<i32>} : memref<64x128xf32, #tpu.memory_space<vmem>>, vector<16xf32>,
      }
      %scan3A_221 = arith.constant 8 : i32
    }
    %scan3A_4 = arith.constant 64 : i32
    %scan3A_5 = arith.constant 0 : i32
    %scan3A_6 = arith.constant 5 : i32
    %scan3A_7 = arith.addi %scan3A_5, %scan3A_6 : i32
    %scan3A_8 = arith.constant 1 : i32
    scf.for %scan3A_212 = %scan3A_5 to %scan3A_7 step %scan3A_8  : i32 {
      %mul3A_213 = arith.constant 1 : i32
      %mul3A_214 = arith.muli %scan3A_212, %mul3A_213 : i32
      %add3A_215 = arith.constant 0 : i32
      %add3A_216 = arith.addi %add3A_215, %mul3A_214 : i32
      %mul3A_217 = arith.constant 320 : i32
      %mul3A_218 = arith.muli %arg1, %mul3A_217 : i32
      %mul3A_219 = arith.constant 64 : i32
      %mul3A_220 = arith.muli %add3A_216, %mul3A_219 : i32
      %add3A_221 = arith.addi %mul3A_218, %mul3A_220 : i32
      "tpu.region"() ({
        %run_scoped3A = tpu.sem_alloc : memref<!tpu.dma_semaphore, #tpu.memory_space<semaphore_mem>>
        %dma_start3A_222 = arith.constant 0 : i32
        %dma_start3A_223 = tpu.memref_slice %arg14[%add3A_221, %dma_start3A_222] : memref<5120x128xf32, #tpu.memory_space<vmem_shared>> -> memref<64x128xf32, #tpu.memory_space<vmem_shared>>
        %dma_start3A_224 = arith.constant 0 : i32
        %dma_start3A_225 = tpu.memref_slice %arg14[%add3A_221, %dma_start3A_224] : memref<5120x128xf32, #tpu.memory_space<vmem_shared>> -> memref<64x128xf32, #tpu.memory_space<vmem_shared>>
        tpu.enqueue_dma source(%arg9 : memref<64x128xf32, #tpu.memory_space<vmem>>) target(%dma_start3A_225 : memref<64x128xf32, #tpu.memory_space<vmem_shared>>) target_semaphore(%run_scoped3A : memref<!tpu.dma_semaphore, #tpu.memory_space<semaphore_mem>>)
        %dma_wait3A_226 = arith.constant 0 : i32
        %dma_wait3A_227 = tpu.memref_slice %arg14[%add3A_221, %dma_wait3A_226] : memref<5120x128xf32, #tpu.memory_space<vmem_shared>> -> memref<64x128xf32, #tpu.memory_space<vmem_shared>>
        %dma_wait3A_228 = arith.constant 0 : i32
        %dma_wait3A_229 = tpu.memref_slice %arg14[%add3A_221, %dma_wait3A_228] : memref<5120x128xf32, #tpu.memory_space<vmem_shared>> -> memref<64x128xf32, #tpu.memory_space<vmem_shared>>
        tpu.wait_dma2 semaphore(%run_scoped3A : memref<!tpu.dma_semaphore, #tpu.memory_space<semaphore_mem>>) src(%arg9 : memref<64x128xf32, #tpu.memory_space<vmem>>) dst(%dma_wait3A_229 : memref<64x128xf32, #tpu.memory_space<vmem_shared>>)
        tpu.yield
      }) : () -> ()
    }
    %scan3A_9 = arith.constant 5 : i32
    %barrier3A = arith.constant 0 : index
    tpu.barrier barrier_id(%barrier3A)
    "tpu.region"() ({
      %run_scoped3A = tpu.sem_alloc : memref<!tpu.dma_semaphore, #tpu.memory_space<semaphore_mem>>
      %dma_start3A_212 = arith.constant 0 : i32
      %dma_start3A_213 = arith.constant 0 : i32
      %dma_start3A_214 = tpu.memref_slice %arg3[%arg0, %arg1, %dma_start3A_212, %dma_start3A_213] : memref<2x16x320x64xi32, #tpu.memory_space<hbm>> -> memref<1x1x320x64xi32, #tpu.memory_space<hbm>>
      %dma_start3A_215 = tpu.memref_squeeze %dma_start3A_214 : memref<1x1x320x64xi32, #tpu.memory_space<hbm>> -> memref<320x64xi32, #tpu.memory_space<hbm>>
      %dma_start3A_216 = arith.constant 0 : i32
      %dma_start3A_217 = arith.constant 0 : i32
      %dma_start3A_218 = tpu.memref_slice %arg3[%arg0, %arg1, %dma_start3A_216, %dma_start3A_217] : memref<2x16x320x64xi32, #tpu.memory_space<hbm>> -> memref<1x1x320x64xi32, #tpu.memory_space<hbm>>
      %dma_start3A_219 = tpu.memref_squeeze %dma_start3A_218 : memref<1x1x320x64xi32, #tpu.memory_space<hbm>> -> memref<320x64xi32, #tpu.memory_space<hbm>>
      tpu.enqueue_dma source(%dma_start3A_219 : memref<320x64xi32, #tpu.memory_space<hbm>>) target(%arg7 : memref<320x64xi32, #tpu.memory_space<vmem>>) target_semaphore(%run_scoped3A : memref<!tpu.dma_semaphore, #tpu.memory_space<semaphore_mem>>)
      %dma_wait3A_220 = arith.constant 0 : i32
      %dma_wait3A_221 = arith.constant 0 : i32
      %dma_wait3A_222 = tpu.memref_slice %arg3[%arg0, %arg1, %dma_wait3A_220, %dma_wait3A_221] : memref<2x16x320x64xi32, #tpu.memory_space<hbm>> -> memref<1x1x320x64xi32, #tpu.memory_space<hbm>>
      %dma_wait3A_223 = tpu.memref_squeeze %dma_wait3A_222 : memref<1x1x320x64xi32, #tpu.memory_space<hbm>> -> memref<320x64xi32, #tpu.memory_space<hbm>>
      %dma_wait3A_224 = arith.constant 0 : i32
      %dma_wait3A_225 = arith.constant 0 : i32
      %dma_wait3A_226 = tpu.memref_slice %arg3[%arg0, %arg1, %dma_wait3A_224, %dma_wait3A_225] : memref<2x16x320x64xi32, #tpu.memory_space<hbm>> -> memref<1x1x320x64xi32, #tpu.memory_space<hbm>>
      %dma_wait3A_227 = tpu.memref_squeeze %dma_wait3A_226 : memref<1x1x320x64xi32, #tpu.memory_space<hbm>> -> memref<320x64xi32, #tpu.memory_space<hbm>>
      tpu.wait_dma2 semaphore(%run_scoped3A : memref<!tpu.dma_semaphore, #tpu.memory_space<semaphore_mem>>) src(%dma_wait3A_227 : memref<320x64xi32, #tpu.memory_space<hbm>>) dst(%arg7 : memref<320x64xi32, #tpu.memory_space<vmem>>)
      tpu.yield
    }) : () -> ()
    "tpu.region"() ({
      %run_scoped3A = tpu.sem_alloc : memref<!tpu.dma_semaphore, #tpu.memory_space<semaphore_mem>>
      %dma_start3A_212 = arith.constant 0 : i32
      %dma_start3A_213 = arith.constant 0 : i32
      %dma_start3A_214 = tpu.memref_slice %arg4[%arg0, %arg1, %dma_start3A_212, %dma_start3A_213] : memref<2x16x320x64xi32, #tpu.memory_space<hbm>> -> memref<1x1x320x64xi32, #tpu.memory_space<hbm>>
      %dma_start3A_215 = tpu.memref_squeeze %dma_start3A_214 : memref<1x1x320x64xi32, #tpu.memory_space<hbm>> -> memref<320x64xi32, #tpu.memory_space<hbm>>
      %dma_start3A_216 = arith.constant 0 : i32
      %dma_start3A_217 = arith.constant 0 : i32
      %dma_start3A_218 = tpu.memref_slice %arg4[%arg0, %arg1, %dma_start3A_216, %dma_start3A_217] : memref<2x16x320x64xi32, #tpu.memory_space<hbm>> -> memref<1x1x320x64xi32, #tpu.memory_space<hbm>>
      %dma_start3A_219 = tpu.memref_squeeze %dma_start3A_218 : memref<1x1x320x64xi32, #tpu.memory_space<hbm>> -> memref<320x64xi32, #tpu.memory_space<hbm>>
      tpu.enqueue_dma source(%dma_start3A_219 : memref<320x64xi32, #tpu.memory_space<hbm>>) target(%arg8 : memref<320x64xi32, #tpu.memory_space<vmem>>) target_semaphore(%run_scoped3A : memref<!tpu.dma_semaphore, #tpu.memory_space<semaphore_mem>>)
      %dma_wait3A_220 = arith.constant 0 : i32
      %dma_wait3A_221 = arith.constant 0 : i32
      %dma_wait3A_222 = tpu.memref_slice %arg4[%arg0, %arg1, %dma_wait3A_220, %dma_wait3A_221] : memref<2x16x320x64xi32, #tpu.memory_space<hbm>> -> memref<1x1x320x64xi32, #tpu.memory_space<hbm>>
      %dma_wait3A_223 = tpu.memref_squeeze %dma_wait3A_222 : memref<1x1x320x64xi32, #tpu.memory_space<hbm>> -> memref<320x64xi32, #tpu.memory_space<hbm>>
      %dma_wait3A_224 = arith.constant 0 : i32
      %dma_wait3A_225 = arith.constant 0 : i32
      %dma_wait3A_226 = tpu.memref_slice %arg4[%arg0, %arg1, %dma_wait3A_224, %dma_wait3A_225] : memref<2x16x320x64xi32, #tpu.memory_space<hbm>> -> memref<1x1x320x64xi32, #tpu.memory_space<hbm>>
      %dma_wait3A_227 = tpu.memref_squeeze %dma_wait3A_226 : memref<1x1x320x64xi32, #tpu.memory_space<hbm>> -> memref<320x64xi32, #tpu.memory_space<hbm>>
      tpu.wait_dma2 semaphore(%run_scoped3A : memref<!tpu.dma_semaphore, #tpu.memory_space<semaphore_mem>>) src(%dma_wait3A_227 : memref<320x64xi32, #tpu.memory_space<hbm>>) dst(%arg8 : memref<320x64xi32, #tpu.memory_space<vmem>>)
      tpu.yield
    }) : () -> ()
    "tpu.region"() ({
      %run_scoped3A = tpu.sem_alloc : memref<!tpu.dma_semaphore, #tpu.memory_space<semaphore_mem>>
      %dma_start3A_212 = arith.constant 0 : i32
      %dma_start3A_213 = tpu.memref_slice %arg5[%arg0, %arg1, %dma_start3A_212] : memref<2x16x16xi32, #tpu.memory_space<hbm>> -> memref<1x1x16xi32, #tpu.memory_space<hbm>>
      %dma_start3A_214 = tpu.memref_squeeze %dma_start3A_213 : memref<1x1x16xi32, #tpu.memory_space<hbm>> -> memref<16xi32, #tpu.memory_space<hbm>>
      %dma_start3A_215 = arith.constant 0 : i32
      %dma_start3A_216 = tpu.memref_slice %arg5[%arg0, %arg1, %dma_start3A_215] : memref<2x16x16xi32, #tpu.memory_space<hbm>> -> memref<1x1x16xi32, #tpu.memory_space<hbm>>
      %dma_start3A_217 = tpu.memref_squeeze %dma_start3A_216 : memref<1x1x16xi32, #tpu.memory_space<hbm>> -> memref<16xi32, #tpu.memory_space<hbm>>
      tpu.enqueue_dma source(%dma_start3A_217 : memref<16xi32, #tpu.memory_space<hbm>>) target(%arg13 : memref<16xi32, #tpu.memory_space<vmem>>) target_semaphore(%run_scoped3A : memref<!tpu.dma_semaphore, #tpu.memory_space<semaphore_mem>>)
      %dma_wait3A_218 = arith.constant 0 : i32
      %dma_wait3A_219 = tpu.memref_slice %arg5[%arg0, %arg1, %dma_wait3A_218] : memref<2x16x16xi32, #tpu.memory_space<hbm>> -> memref<1x1x16xi32, #tpu.memory_space<hbm>>
      %dma_wait3A_220 = tpu.memref_squeeze %dma_wait3A_219 : memref<1x1x16xi32, #tpu.memory_space<hbm>> -> memref<16xi32, #tpu.memory_space<hbm>>
      %dma_wait3A_221 = arith.constant 0 : i32
      %dma_wait3A_222 = tpu.memref_slice %arg5[%arg0, %arg1, %dma_wait3A_221] : memref<2x16x16xi32, #tpu.memory_space<hbm>> -> memref<1x1x16xi32, #tpu.memory_space<hbm>>
      %dma_wait3A_223 = tpu.memref_squeeze %dma_wait3A_222 : memref<1x1x16xi32, #tpu.memory_space<hbm>> -> memref<16xi32, #tpu.memory_space<hbm>>
      tpu.wait_dma2 semaphore(%run_scoped3A : memref<!tpu.dma_semaphore, #tpu.memory_space<semaphore_mem>>) src(%dma_wait3A_223 : memref<16xi32, #tpu.memory_space<hbm>>) dst(%arg13 : memref<16xi32, #tpu.memory_space<vmem>>)
      tpu.yield
    }) : () -> ()
    %get3A = arith.constant 0 : index
    %get3A_10 = tpu.vector_load %arg13[%get3A] {strides = array<i32>} : memref<16xi32, #tpu.memory_space<vmem>>, vector<16xi32>,
    %reduce_max3A = arith.constant true
    %reduce_max3A_11 = vector.broadcast %reduce_max3A : i1 to vector<16xi1>
    %reduce_max3A_12 = arith.constant -2147483648 : i32
    %reduce_max3A_13 = vector.broadcast %reduce_max3A_12 : i32 to vector<16xi32>
    %reduce_max3A_14 = arith.xori %get3A_10, %reduce_max3A_13 : vector<16xi32>
    %reduce_max3A_15 = tpu.scan <max>, %reduce_max3A_14 masked %reduce_max3A_11 : vector<16xi32>, vector<16xi1> -> vector<16xi32>
    %reduce_max3A_16 = arith.xori %reduce_max3A_15, %reduce_max3A_13 : vector<16xi32>
    %reduce_max3A_17 = vector.extract %reduce_max3A_16[15] : i32 from vector<16xi32>
    %add3A = arith.constant 63 : i32
    %add3A_18 = arith.addi %reduce_max3A_17, %add3A : i32
    %jit3A = arith.constant 64 : i32
    %div3A = arith.divsi %add3A_18, %jit3A : i32
    %sign3A = arith.constant 0 : i32
    %sign3A_19 = arith.cmpi sgt, %add3A_18, %sign3A : i32
    %sign3A_20 = arith.extui %sign3A_19 : i1 to i32
    %sign3A_21 = arith.constant 0 : i32
    %sign3A_22 = arith.cmpi slt, %add3A_18, %sign3A_21 : i32
    %sign3A_23 = arith.extui %sign3A_22 : i1 to i32
    %sign3A_24 = arith.subi %sign3A_20, %sign3A_23 : i32
    %sign3A_25 = arith.constant 0 : i32
    %sign3A_26 = arith.cmpi sgt, %jit3A, %sign3A_25 : i32
    %sign3A_27 = arith.extui %sign3A_26 : i1 to i32
    %sign3A_28 = arith.constant 0 : i32
    %sign3A_29 = arith.cmpi slt, %jit3A, %sign3A_28 : i32
    %sign3A_30 = arith.extui %sign3A_29 : i1 to i32
    %sign3A_31 = arith.subi %sign3A_27, %sign3A_30 : i32
    %ne3A = arith.cmpi ne, %sign3A_24, %sign3A_31 : i32
    %rem3A = arith.remsi %add3A_18, %jit3A : i32
    %ne3A_32 = arith.constant 0 : i32
    %ne3A_33 = arith.cmpi ne, %rem3A, %ne3A_32 : i32
    %and3A = arith.andi %ne3A, %ne3A_33 : i1
    %sub3A = arith.constant 1 : i32
    %sub3A_34 = arith.subi %div3A, %sub3A : i32
    %select_n3A = arith.select %and3A, %sub3A_34, %div3A : i32
    %add3A_35 = arith.constant 3 : i32
    %add3A_36 = arith.addi %select_n3A, %add3A_35 : i32
    %jit3A_37 = arith.constant 4 : i32
    %div3A_38 = arith.divsi %add3A_36, %jit3A_37 : i32
    %sign3A_39 = arith.constant 0 : i32
    %sign3A_40 = arith.cmpi sgt, %add3A_36, %sign3A_39 : i32
    %sign3A_41 = arith.extui %sign3A_40 : i1 to i32
    %sign3A_42 = arith.constant 0 : i32
    %sign3A_43 = arith.cmpi slt, %add3A_36, %sign3A_42 : i32
    %sign3A_44 = arith.extui %sign3A_43 : i1 to i32
    %sign3A_45 = arith.subi %sign3A_41, %sign3A_44 : i32
    %sign3A_46 = arith.constant 0 : i32
    %sign3A_47 = arith.cmpi sgt, %jit3A_37, %sign3A_46 : i32
    %sign3A_48 = arith.extui %sign3A_47 : i1 to i32
    %sign3A_49 = arith.constant 0 : i32
    %sign3A_50 = arith.cmpi slt, %jit3A_37, %sign3A_49 : i32
    %sign3A_51 = arith.extui %sign3A_50 : i1 to i32
    %sign3A_52 = arith.subi %sign3A_48, %sign3A_51 : i32
    %ne3A_53 = arith.cmpi ne, %sign3A_45, %sign3A_52 : i32
    %rem3A_54 = arith.remsi %add3A_36, %jit3A_37 : i32
    %ne3A_55 = arith.constant 0 : i32
    %ne3A_56 = arith.cmpi ne, %rem3A_54, %ne3A_55 : i32
    %and3A_57 = arith.andi %ne3A_53, %ne3A_56 : i1
    %sub3A_58 = arith.constant 1 : i32
    %sub3A_59 = arith.subi %div3A_38, %sub3A_58 : i32
    %select_n3A_60 = arith.select %and3A_57, %sub3A_59, %div3A_38 : i32
    %max3A = arith.constant 1 : i32
    %max3A_61 = arith.maxsi %select_n3A_60, %max3A : i32
    %dma_start3A = arith.constant 0 : i32
    %dma_start3A_62 = arith.constant 0 : i32
    %dma_start3A_63 = tpu.memref_slice %arg7[%dma_start3A, %dma_start3A_62] : memref<320x64xi32, #tpu.memory_space<vmem>> -> memref<1x64xi32, #tpu.memory_space<vmem>>
    %dma_start3A_64 = tpu.memref_squeeze %dma_start3A_63 : memref<1x64xi32, #tpu.memory_space<vmem>> -> memref<64xi32, #tpu.memory_space<vmem>>
    %dma_start3A_65 = arith.constant 0 : i32
    %dma_start3A_66 = arith.constant 0 : i32
    %dma_start3A_67 = tpu.memref_slice %arg2[%dma_start3A_65, %dma_start3A_66] : memref<10000x128xf32, #tpu.memory_space<hbm>> -> memref<10000x128xf32, #tpu.memory_space<hbm>>
    tpu.enqueue_indirect_dma source(%dma_start3A_67 : memref<10000x128xf32, #tpu.memory_space<hbm>>) target(%arg9 : memref<64x128xf32, #tpu.memory_space<vmem>>) offsets(%dma_start3A_64 : memref<64xi32, #tpu.memory_space<vmem>>) semaphore(%arg15 : memref<!tpu.dma_semaphore, #tpu.memory_space<semaphore_mem>>)
    %dma_start3A_68 = arith.constant 1 : i32
    %dma_start3A_69 = arith.constant 0 : i32
    %dma_start3A_70 = tpu.memref_slice %arg7[%dma_start3A_68, %dma_start3A_69] : memref<320x64xi32, #tpu.memory_space<vmem>> -> memref<1x64xi32, #tpu.memory_space<vmem>>
    %dma_start3A_71 = tpu.memref_squeeze %dma_start3A_70 : memref<1x64xi32, #tpu.memory_space<vmem>> -> memref<64xi32, #tpu.memory_space<vmem>>
    %dma_start3A_72 = arith.constant 0 : i32
    %dma_start3A_73 = arith.constant 0 : i32
    %dma_start3A_74 = tpu.memref_slice %arg2[%dma_start3A_72, %dma_start3A_73] : memref<10000x128xf32, #tpu.memory_space<hbm>> -> memref<10000x128xf32, #tpu.memory_space<hbm>>
    tpu.enqueue_indirect_dma source(%dma_start3A_74 : memref<10000x128xf32, #tpu.memory_space<hbm>>) target(%arg10 : memref<64x128xf32, #tpu.memory_space<vmem>>) offsets(%dma_start3A_71 : memref<64xi32, #tpu.memory_space<vmem>>) semaphore(%arg16 : memref<!tpu.dma_semaphore, #tpu.memory_space<semaphore_mem>>)
    %dma_start3A_75 = arith.constant 2 : i32
    %dma_start3A_76 = arith.constant 0 : i32
    %dma_start3A_77 = tpu.memref_slice %arg7[%dma_start3A_75, %dma_start3A_76] : memref<320x64xi32, #tpu.memory_space<vmem>> -> memref<1x64xi32, #tpu.memory_space<vmem>>
    %dma_start3A_78 = tpu.memref_squeeze %dma_start3A_77 : memref<1x64xi32, #tpu.memory_space<vmem>> -> memref<64xi32, #tpu.memory_space<vmem>>
    %dma_start3A_79 = arith.constant 0 : i32
    %dma_start3A_80 = arith.constant 0 : i32
    %dma_start3A_81 = tpu.memref_slice %arg2[%dma_start3A_79, %dma_start3A_80] : memref<10000x128xf32, #tpu.memory_space<hbm>> -> memref<10000x128xf32, #tpu.memory_space<hbm>>
    tpu.enqueue_indirect_dma source(%dma_start3A_81 : memref<10000x128xf32, #tpu.memory_space<hbm>>) target(%arg11 : memref<64x128xf32, #tpu.memory_space<vmem>>) offsets(%dma_start3A_78 : memref<64xi32, #tpu.memory_space<vmem>>) semaphore(%arg17 : memref<!tpu.dma_semaphore, #tpu.memory_space<semaphore_mem>>)
    %dma_start3A_82 = arith.constant 3 : i32
    %dma_start3A_83 = arith.constant 0 : i32
    %dma_start3A_84 = tpu.memref_slice %arg7[%dma_start3A_82, %dma_start3A_83] : memref<320x64xi32, #tpu.memory_space<vmem>> -> memref<1x64xi32, #tpu.memory_space<vmem>>
    %dma_start3A_85 = tpu.memref_squeeze %dma_start3A_84 : memref<1x64xi32, #tpu.memory_space<vmem>> -> memref<64xi32, #tpu.memory_space<vmem>>
    %dma_start3A_86 = arith.constant 0 : i32
    %dma_start3A_87 = arith.constant 0 : i32
    %dma_start3A_88 = tpu.memref_slice %arg2[%dma_start3A_86, %dma_start3A_87] : memref<10000x128xf32, #tpu.memory_space<hbm>> -> memref<10000x128xf32, #tpu.memory_space<hbm>>
    tpu.enqueue_indirect_dma source(%dma_start3A_88 : memref<10000x128xf32, #tpu.memory_space<hbm>>) target(%arg12 : memref<64x128xf32, #tpu.memory_space<vmem>>) offsets(%dma_start3A_85 : memref<64xi32, #tpu.memory_space<vmem>>) semaphore(%arg18 : memref<!tpu.dma_semaphore, #tpu.memory_space<semaphore_mem>>)
    %sub3A_89 = arith.constant 1 : i32
    %sub3A_90 = arith.subi %max3A_61, %sub3A_89 : i32
    %sub3A_91 = arith.constant 0 : i32
    %sub3A_92 = arith.subi %sub3A_90, %sub3A_91 : i32
    %sub3A_93 = arith.constant 1 : i32
    %sub3A_94 = arith.constant 1 : i32
    %sub3A_95 = arith.subi %sub3A_93, %sub3A_94 : i32
    %add3A_96 = arith.addi %sub3A_92, %sub3A_95 : i32
    %div3A_97 = arith.constant 1 : i32
    %div3A_98 = arith.divsi %add3A_96, %div3A_97 : i32
    %while3A = arith.constant 1 : i32
    %while3A_99 = arith.constant 0 : i32
    %while3A_100 = arith.constant 0 : i32
    %while3A_101 = arith.subi %div3A_98, %while3A_100 : i32
    %while3A_102 = arith.addi %while3A_100, %while3A_101 : i32
    %while3A_103 = arith.constant 1 : i32
    %while3A_104 = arith.divsi %while3A_101, %while3A_103 : i32
    %while3A_105 = arith.muli %while3A_104, %while3A_103 : i32
    %while3A_106 = arith.addi %while3A_100, %while3A_105 : i32
    %while3A_107 = arith.constant 1 : i32
    scf.for %while3A_212 = %while3A_100 to %while3A_106 step %while3A_107  : i32 {
      %mul3A_213 = arith.muli %while3A_212, %while3A : i32
      %add3A_214 = arith.addi %while3A_99, %mul3A_213 : i32
      %mul3A_215 = arith.constant 4 : i32
      %mul3A_216 = arith.muli %add3A_214, %mul3A_215 : i32
      %add3A_217 = arith.constant 0 : i32
      %add3A_218 = arith.addi %mul3A_216, %add3A_217 : i32
      %dma_wait3A_219 = arith.constant 0 : i32
      %dma_wait3A_220 = tpu.memref_slice %arg7[%add3A_218, %dma_wait3A_219] : memref<320x64xi32, #tpu.memory_space<vmem>> -> memref<1x64xi32, #tpu.memory_space<vmem>>
      %dma_wait3A_221 = tpu.memref_squeeze %dma_wait3A_220 : memref<1x64xi32, #tpu.memory_space<vmem>> -> memref<64xi32, #tpu.memory_space<vmem>>
      %dma_wait3A_222 = arith.constant 0 : i32
      %dma_wait3A_223 = arith.constant 0 : i32
      %dma_wait3A_224 = tpu.memref_slice %arg2[%dma_wait3A_222, %dma_wait3A_223] : memref<10000x128xf32, #tpu.memory_space<hbm>> -> memref<10000x128xf32, #tpu.memory_space<hbm>>
      tpu.wait_indirect_dma semaphore(%arg15 : memref<!tpu.dma_semaphore, #tpu.memory_space<semaphore_mem>>) src(%dma_wait3A_224 : memref<10000x128xf32, #tpu.memory_space<hbm>>) dst(%arg9 : memref<64x128xf32, #tpu.memory_space<vmem>>)
      %add3A_225 = arith.constant 0 : i32
      %add3A_226 = arith.addi %mul3A_216, %add3A_225 : i32
      %dma_start3A_227 = arith.constant 0 : i32
      %dma_start3A_228 = tpu.memref_slice %arg8[%add3A_226, %dma_start3A_227] : memref<320x64xi32, #tpu.memory_space<vmem>> -> memref<1x64xi32, #tpu.memory_space<vmem>>
      %dma_start3A_229 = tpu.memref_squeeze %dma_start3A_228 : memref<1x64xi32, #tpu.memory_space<vmem>> -> memref<64xi32, #tpu.memory_space<vmem>>
      %dma_start3A_230 = arith.constant 0 : i32
      %dma_start3A_231 = arith.constant 0 : i32
      %dma_start3A_232 = tpu.memref_slice %arg14[%dma_start3A_230, %dma_start3A_231] : memref<5120x128xf32, #tpu.memory_space<vmem_shared>> -> memref<5120x128xf32, #tpu.memory_space<vmem_shared>>
      tpu.enqueue_indirect_dma source(%arg9 : memref<64x128xf32, #tpu.memory_space<vmem>>) target(%dma_start3A_232 : memref<5120x128xf32, #tpu.memory_space<vmem_shared>>) offsets(%dma_start3A_229 : memref<64xi32, #tpu.memory_space<vmem>>) semaphore(%arg19 : memref<!tpu.dma_semaphore, #tpu.memory_space<semaphore_mem>>) {add = true}
      %add3A_233 = arith.constant 1 : i32
      %add3A_234 = arith.addi %mul3A_216, %add3A_233 : i32
      %dma_wait3A_235 = arith.constant 0 : i32
      %dma_wait3A_236 = tpu.memref_slice %arg7[%add3A_234, %dma_wait3A_235] : memref<320x64xi32, #tpu.memory_space<vmem>> -> memref<1x64xi32, #tpu.memory_space<vmem>>
      %dma_wait3A_237 = tpu.memref_squeeze %dma_wait3A_236 : memref<1x64xi32, #tpu.memory_space<vmem>> -> memref<64xi32, #tpu.memory_space<vmem>>
      %dma_wait3A_238 = arith.constant 0 : i32
      %dma_wait3A_239 = arith.constant 0 : i32
      %dma_wait3A_240 = tpu.memref_slice %arg2[%dma_wait3A_238, %dma_wait3A_239] : memref<10000x128xf32, #tpu.memory_space<hbm>> -> memref<10000x128xf32, #tpu.memory_space<hbm>>
      tpu.wait_indirect_dma semaphore(%arg16 : memref<!tpu.dma_semaphore, #tpu.memory_space<semaphore_mem>>) src(%dma_wait3A_240 : memref<10000x128xf32, #tpu.memory_space<hbm>>) dst(%arg10 : memref<64x128xf32, #tpu.memory_space<vmem>>)
      %add3A_241 = arith.constant 1 : i32
      %add3A_242 = arith.addi %mul3A_216, %add3A_241 : i32
      %dma_start3A_243 = arith.constant 0 : i32
      %dma_start3A_244 = tpu.memref_slice %arg8[%add3A_242, %dma_start3A_243] : memref<320x64xi32, #tpu.memory_space<vmem>> -> memref<1x64xi32, #tpu.memory_space<vmem>>
      %dma_start3A_245 = tpu.memref_squeeze %dma_start3A_244 : memref<1x64xi32, #tpu.memory_space<vmem>> -> memref<64xi32, #tpu.memory_space<vmem>>
      %dma_start3A_246 = arith.constant 0 : i32
      %dma_start3A_247 = arith.constant 0 : i32
      %dma_start3A_248 = tpu.memref_slice %arg14[%dma_start3A_246, %dma_start3A_247] : memref<5120x128xf32, #tpu.memory_space<vmem_shared>> -> memref<5120x128xf32, #tpu.memory_space<vmem_shared>>
      tpu.enqueue_indirect_dma source(%arg10 : memref<64x128xf32, #tpu.memory_space<vmem>>) target(%dma_start3A_248 : memref<5120x128xf32, #tpu.memory_space<vmem_shared>>) offsets(%dma_start3A_245 : memref<64xi32, #tpu.memory_space<vmem>>) semaphore(%arg20 : memref<!tpu.dma_semaphore, #tpu.memory_space<semaphore_mem>>) {add = true}
      %add3A_249 = arith.constant 2 : i32
      %add3A_250 = arith.addi %mul3A_216, %add3A_249 : i32
      %dma_wait3A_251 = arith.constant 0 : i32
      %dma_wait3A_252 = tpu.memref_slice %arg7[%add3A_250, %dma_wait3A_251] : memref<320x64xi32, #tpu.memory_space<vmem>> -> memref<1x64xi32, #tpu.memory_space<vmem>>
      %dma_wait3A_253 = tpu.memref_squeeze %dma_wait3A_252 : memref<1x64xi32, #tpu.memory_space<vmem>> -> memref<64xi32, #tpu.memory_space<vmem>>
      %dma_wait3A_254 = arith.constant 0 : i32
      %dma_wait3A_255 = arith.constant 0 : i32
      %dma_wait3A_256 = tpu.memref_slice %arg2[%dma_wait3A_254, %dma_wait3A_255] : memref<10000x128xf32, #tpu.memory_space<hbm>> -> memref<10000x128xf32, #tpu.memory_space<hbm>>
      tpu.wait_indirect_dma semaphore(%arg17 : memref<!tpu.dma_semaphore, #tpu.memory_space<semaphore_mem>>) src(%dma_wait3A_256 : memref<10000x128xf32, #tpu.memory_space<hbm>>) dst(%arg11 : memref<64x128xf32, #tpu.memory_space<vmem>>)
      %add3A_257 = arith.constant 2 : i32
      %add3A_258 = arith.addi %mul3A_216, %add3A_257 : i32
      %dma_start3A_259 = arith.constant 0 : i32
      %dma_start3A_260 = tpu.memref_slice %arg8[%add3A_258, %dma_start3A_259] : memref<320x64xi32, #tpu.memory_space<vmem>> -> memref<1x64xi32, #tpu.memory_space<vmem>>
      %dma_start3A_261 = tpu.memref_squeeze %dma_start3A_260 : memref<1x64xi32, #tpu.memory_space<vmem>> -> memref<64xi32, #tpu.memory_space<vmem>>
      %dma_start3A_262 = arith.constant 0 : i32
      %dma_start3A_263 = arith.constant 0 : i32
      %dma_start3A_264 = tpu.memref_slice %arg14[%dma_start3A_262, %dma_start3A_263] : memref<5120x128xf32, #tpu.memory_space<vmem_shared>> -> memref<5120x128xf32, #tpu.memory_space<vmem_shared>>
      tpu.enqueue_indirect_dma source(%arg11 : memref<64x128xf32, #tpu.memory_space<vmem>>) target(%dma_start3A_264 : memref<5120x128xf32, #tpu.memory_space<vmem_shared>>) offsets(%dma_start3A_261 : memref<64xi32, #tpu.memory_space<vmem>>) semaphore(%arg21 : memref<!tpu.dma_semaphore, #tpu.memory_space<semaphore_mem>>) {add = true}
      %add3A_265 = arith.constant 3 : i32
      %add3A_266 = arith.addi %mul3A_216, %add3A_265 : i32
      %dma_wait3A_267 = arith.constant 0 : i32
      %dma_wait3A_268 = tpu.memref_slice %arg7[%add3A_266, %dma_wait3A_267] : memref<320x64xi32, #tpu.memory_space<vmem>> -> memref<1x64xi32, #tpu.memory_space<vmem>>
      %dma_wait3A_269 = tpu.memref_squeeze %dma_wait3A_268 : memref<1x64xi32, #tpu.memory_space<vmem>> -> memref<64xi32, #tpu.memory_space<vmem>>
      %dma_wait3A_270 = arith.constant 0 : i32
      %dma_wait3A_271 = arith.constant 0 : i32
      %dma_wait3A_272 = tpu.memref_slice %arg2[%dma_wait3A_270, %dma_wait3A_271] : memref<10000x128xf32, #tpu.memory_space<hbm>> -> memref<10000x128xf32, #tpu.memory_space<hbm>>
      tpu.wait_indirect_dma semaphore(%arg18 : memref<!tpu.dma_semaphore, #tpu.memory_space<semaphore_mem>>) src(%dma_wait3A_272 : memref<10000x128xf32, #tpu.memory_space<hbm>>) dst(%arg12 : memref<64x128xf32, #tpu.memory_space<vmem>>)
      %add3A_273 = arith.constant 3 : i32
      %add3A_274 = arith.addi %mul3A_216, %add3A_273 : i32
      %dma_start3A_275 = arith.constant 0 : i32
      %dma_start3A_276 = tpu.memref_slice %arg8[%add3A_274, %dma_start3A_275] : memref<320x64xi32, #tpu.memory_space<vmem>> -> memref<1x64xi32, #tpu.memory_space<vmem>>
      %dma_start3A_277 = tpu.memref_squeeze %dma_start3A_276 : memref<1x64xi32, #tpu.memory_space<vmem>> -> memref<64xi32, #tpu.memory_space<vmem>>
      %dma_start3A_278 = arith.constant 0 : i32
      %dma_start3A_279 = arith.constant 0 : i32
      %dma_start3A_280 = tpu.memref_slice %arg14[%dma_start3A_278, %dma_start3A_279] : memref<5120x128xf32, #tpu.memory_space<vmem_shared>> -> memref<5120x128xf32, #tpu.memory_space<vmem_shared>>
      tpu.enqueue_indirect_dma source(%arg12 : memref<64x128xf32, #tpu.memory_space<vmem>>) target(%dma_start3A_280 : memref<5120x128xf32, #tpu.memory_space<vmem_shared>>) offsets(%dma_start3A_277 : memref<64xi32, #tpu.memory_space<vmem>>) semaphore(%arg22 : memref<!tpu.dma_semaphore, #tpu.memory_space<semaphore_mem>>) {add = true}
      %add3A_281 = arith.constant 0 : i32
      %add3A_282 = arith.addi %mul3A_216, %add3A_281 : i32
      %dma_wait3A_283 = arith.constant 0 : i32
      %dma_wait3A_284 = tpu.memref_slice %arg8[%add3A_282, %dma_wait3A_283] : memref<320x64xi32, #tpu.memory_space<vmem>> -> memref<1x64xi32, #tpu.memory_space<vmem>>
      %dma_wait3A_285 = tpu.memref_squeeze %dma_wait3A_284 : memref<1x64xi32, #tpu.memory_space<vmem>> -> memref<64xi32, #tpu.memory_space<vmem>>
      %dma_wait3A_286 = arith.constant 0 : i32
      %dma_wait3A_287 = arith.constant 0 : i32
      %dma_wait3A_288 = tpu.memref_slice %arg14[%dma_wait3A_286, %dma_wait3A_287] : memref<5120x128xf32, #tpu.memory_space<vmem_shared>> -> memref<5120x128xf32, #tpu.memory_space<vmem_shared>>
      tpu.wait_indirect_dma semaphore(%arg19 : memref<!tpu.dma_semaphore, #tpu.memory_space<semaphore_mem>>) src(%arg9 : memref<64x128xf32, #tpu.memory_space<vmem>>) dst(%dma_wait3A_288 : memref<5120x128xf32, #tpu.memory_space<vmem_shared>>)
      %add3A_289 = arith.constant 4 : i32
      %add3A_290 = arith.addi %mul3A_216, %add3A_289 : i32
      %add3A_291 = arith.constant 0 : i32
      %add3A_292 = arith.addi %add3A_290, %add3A_291 : i32
      %dma_start3A_293 = arith.constant 0 : i32
      %dma_start3A_294 = tpu.memref_slice %arg7[%add3A_292, %dma_start3A_293] : memref<320x64xi32, #tpu.memory_space<vmem>> -> memref<1x64xi32, #tpu.memory_space<vmem>>
      %dma_start3A_295 = tpu.memref_squeeze %dma_start3A_294 : memref<1x64xi32, #tpu.memory_space<vmem>> -> memref<64xi32, #tpu.memory_space<vmem>>
      %dma_start3A_296 = arith.constant 0 : i32
      %dma_start3A_297 = arith.constant 0 : i32
      %dma_start3A_298 = tpu.memref_slice %arg2[%dma_start3A_296, %dma_start3A_297] : memref<10000x128xf32, #tpu.memory_space<hbm>> -> memref<10000x128xf32, #tpu.memory_space<hbm>>
      tpu.enqueue_indirect_dma source(%dma_start3A_298 : memref<10000x128xf32, #tpu.memory_space<hbm>>) target(%arg9 : memref<64x128xf32, #tpu.memory_space<vmem>>) offsets(%dma_start3A_295 : memref<64xi32, #tpu.memory_space<vmem>>) semaphore(%arg15 : memref<!tpu.dma_semaphore, #tpu.memory_space<semaphore_mem>>)
      %add3A_299 = arith.constant 1 : i32
      %add3A_300 = arith.addi %mul3A_216, %add3A_299 : i32
      %dma_wait3A_301 = arith.constant 0 : i32
      %dma_wait3A_302 = tpu.memref_slice %arg8[%add3A_300, %dma_wait3A_301] : memref<320x64xi32, #tpu.memory_space<vmem>> -> memref<1x64xi32, #tpu.memory_space<vmem>>
      %dma_wait3A_303 = tpu.memref_squeeze %dma_wait3A_302 : memref<1x64xi32, #tpu.memory_space<vmem>> -> memref<64xi32, #tpu.memory_space<vmem>>
      %dma_wait3A_304 = arith.constant 0 : i32
      %dma_wait3A_305 = arith.constant 0 : i32
      %dma_wait3A_306 = tpu.memref_slice %arg14[%dma_wait3A_304, %dma_wait3A_305] : memref<5120x128xf32, #tpu.memory_space<vmem_shared>> -> memref<5120x128xf32, #tpu.memory_space<vmem_shared>>
      tpu.wait_indirect_dma semaphore(%arg20 : memref<!tpu.dma_semaphore, #tpu.memory_space<semaphore_mem>>) src(%arg10 : memref<64x128xf32, #tpu.memory_space<vmem>>) dst(%dma_wait3A_306 : memref<5120x128xf32, #tpu.memory_space<vmem_shared>>)
      %add3A_307 = arith.constant 4 : i32
      %add3A_308 = arith.addi %mul3A_216, %add3A_307 : i32
      %add3A_309 = arith.constant 1 : i32
      %add3A_310 = arith.addi %add3A_308, %add3A_309 : i32
      %dma_start3A_311 = arith.constant 0 : i32
      %dma_start3A_312 = tpu.memref_slice %arg7[%add3A_310, %dma_start3A_311] : memref<320x64xi32, #tpu.memory_space<vmem>> -> memref<1x64xi32, #tpu.memory_space<vmem>>
      %dma_start3A_313 = tpu.memref_squeeze %dma_start3A_312 : memref<1x64xi32, #tpu.memory_space<vmem>> -> memref<64xi32, #tpu.memory_space<vmem>>
      %dma_start3A_314 = arith.constant 0 : i32
      %dma_start3A_315 = arith.constant 0 : i32
      %dma_start3A_316 = tpu.memref_slice %arg2[%dma_start3A_314, %dma_start3A_315] : memref<10000x128xf32, #tpu.memory_space<hbm>> -> memref<10000x128xf32, #tpu.memory_space<hbm>>
      tpu.enqueue_indirect_dma source(%dma_start3A_316 : memref<10000x128xf32, #tpu.memory_space<hbm>>) target(%arg10 : memref<64x128xf32, #tpu.memory_space<vmem>>) offsets(%dma_start3A_313 : memref<64xi32, #tpu.memory_space<vmem>>) semaphore(%arg16 : memref<!tpu.dma_semaphore, #tpu.memory_space<semaphore_mem>>)
      %add3A_317 = arith.constant 2 : i32
      %add3A_318 = arith.addi %mul3A_216, %add3A_317 : i32
      %dma_wait3A_319 = arith.constant 0 : i32
      %dma_wait3A_320 = tpu.memref_slice %arg8[%add3A_318, %dma_wait3A_319] : memref<320x64xi32, #tpu.memory_space<vmem>> -> memref<1x64xi32, #tpu.memory_space<vmem>>
      %dma_wait3A_321 = tpu.memref_squeeze %dma_wait3A_320 : memref<1x64xi32, #tpu.memory_space<vmem>> -> memref<64xi32, #tpu.memory_space<vmem>>
      %dma_wait3A_322 = arith.constant 0 : i32
      %dma_wait3A_323 = arith.constant 0 : i32
      %dma_wait3A_324 = tpu.memref_slice %arg14[%dma_wait3A_322, %dma_wait3A_323] : memref<5120x128xf32, #tpu.memory_space<vmem_shared>> -> memref<5120x128xf32, #tpu.memory_space<vmem_shared>>
      tpu.wait_indirect_dma semaphore(%arg21 : memref<!tpu.dma_semaphore, #tpu.memory_space<semaphore_mem>>) src(%arg11 : memref<64x128xf32, #tpu.memory_space<vmem>>) dst(%dma_wait3A_324 : memref<5120x128xf32, #tpu.memory_space<vmem_shared>>)
      %add3A_325 = arith.constant 4 : i32
      %add3A_326 = arith.addi %mul3A_216, %add3A_325 : i32
      %add3A_327 = arith.constant 2 : i32
      %add3A_328 = arith.addi %add3A_326, %add3A_327 : i32
      %dma_start3A_329 = arith.constant 0 : i32
      %dma_start3A_330 = tpu.memref_slice %arg7[%add3A_328, %dma_start3A_329] : memref<320x64xi32, #tpu.memory_space<vmem>> -> memref<1x64xi32, #tpu.memory_space<vmem>>
      %dma_start3A_331 = tpu.memref_squeeze %dma_start3A_330 : memref<1x64xi32, #tpu.memory_space<vmem>> -> memref<64xi32, #tpu.memory_space<vmem>>
      %dma_start3A_332 = arith.constant 0 : i32
      %dma_start3A_333 = arith.constant 0 : i32
      %dma_start3A_334 = tpu.memref_slice %arg2[%dma_start3A_332, %dma_start3A_333] : memref<10000x128xf32, #tpu.memory_space<hbm>> -> memref<10000x128xf32, #tpu.memory_space<hbm>>
      tpu.enqueue_indirect_dma source(%dma_start3A_334 : memref<10000x128xf32, #tpu.memory_space<hbm>>) target(%arg11 : memref<64x128xf32, #tpu.memory_space<vmem>>) offsets(%dma_start3A_331 : memref<64xi32, #tpu.memory_space<vmem>>) semaphore(%arg17 : memref<!tpu.dma_semaphore, #tpu.memory_space<semaphore_mem>>)
      %add3A_335 = arith.constant 3 : i32
      %add3A_336 = arith.addi %mul3A_216, %add3A_335 : i32
      %dma_wait3A_337 = arith.constant 0 : i32
      %dma_wait3A_338 = tpu.memref_slice %arg8[%add3A_336, %dma_wait3A_337] : memref<320x64xi32, #tpu.memory_space<vmem>> -> memref<1x64xi32, #tpu.memory_space<vmem>>
      %dma_wait3A_339 = tpu.memref_squeeze %dma_wait3A_338 : memref<1x64xi32, #tpu.memory_space<vmem>> -> memref<64xi32, #tpu.memory_space<vmem>>
      %dma_wait3A_340 = arith.constant 0 : i32
      %dma_wait3A_341 = arith.constant 0 : i32
      %dma_wait3A_342 = tpu.memref_slice %arg14[%dma_wait3A_340, %dma_wait3A_341] : memref<5120x128xf32, #tpu.memory_space<vmem_shared>> -> memref<5120x128xf32, #tpu.memory_space<vmem_shared>>
      tpu.wait_indirect_dma semaphore(%arg22 : memref<!tpu.dma_semaphore, #tpu.memory_space<semaphore_mem>>) src(%arg12 : memref<64x128xf32, #tpu.memory_space<vmem>>) dst(%dma_wait3A_342 : memref<5120x128xf32, #tpu.memory_space<vmem_shared>>)
      %add3A_343 = arith.constant 4 : i32
      %add3A_344 = arith.addi %mul3A_216, %add3A_343 : i32
      %add3A_345 = arith.constant 3 : i32
      %add3A_346 = arith.addi %add3A_344, %add3A_345 : i32
      %dma_start3A_347 = arith.constant 0 : i32
      %dma_start3A_348 = tpu.memref_slice %arg7[%add3A_346, %dma_start3A_347] : memref<320x64xi32, #tpu.memory_space<vmem>> -> memref<1x64xi32, #tpu.memory_space<vmem>>
      %dma_start3A_349 = tpu.memref_squeeze %dma_start3A_348 : memref<1x64xi32, #tpu.memory_space<vmem>> -> memref<64xi32, #tpu.memory_space<vmem>>
      %dma_start3A_350 = arith.constant 0 : i32
      %dma_start3A_351 = arith.constant 0 : i32
      %dma_start3A_352 = tpu.memref_slice %arg2[%dma_start3A_350, %dma_start3A_351] : memref<10000x128xf32, #tpu.memory_space<hbm>> -> memref<10000x128xf32, #tpu.memory_space<hbm>>
      tpu.enqueue_indirect_dma source(%dma_start3A_352 : memref<10000x128xf32, #tpu.memory_space<hbm>>) target(%arg12 : memref<64x128xf32, #tpu.memory_space<vmem>>) offsets(%dma_start3A_349 : memref<64xi32, #tpu.memory_space<vmem>>) semaphore(%arg18 : memref<!tpu.dma_semaphore, #tpu.memory_space<semaphore_mem>>)
    }
    %while3A_108 = arith.constant 1 : i32
    scf.for %while3A_212 = %while3A_106 to %while3A_102 step %while3A_108  : i32 {
      %mul3A_213 = arith.muli %while3A_212, %while3A : i32
      %add3A_214 = arith.addi %while3A_99, %mul3A_213 : i32
      %mul3A_215 = arith.constant 4 : i32
      %mul3A_216 = arith.muli %add3A_214, %mul3A_215 : i32
      %add3A_217 = arith.constant 0 : i32
      %add3A_218 = arith.addi %mul3A_216, %add3A_217 : i32
      %dma_wait3A_219 = arith.constant 0 : i32
      %dma_wait3A_220 = tpu.memref_slice %arg7[%add3A_218, %dma_wait3A_219] : memref<320x64xi32, #tpu.memory_space<vmem>> -> memref<1x64xi32, #tpu.memory_space<vmem>>
      %dma_wait3A_221 = tpu.memref_squeeze %dma_wait3A_220 : memref<1x64xi32, #tpu.memory_space<vmem>> -> memref<64xi32, #tpu.memory_space<vmem>>
      %dma_wait3A_222 = arith.constant 0 : i32
      %dma_wait3A_223 = arith.constant 0 : i32
      %dma_wait3A_224 = tpu.memref_slice %arg2[%dma_wait3A_222, %dma_wait3A_223] : memref<10000x128xf32, #tpu.memory_space<hbm>> -> memref<10000x128xf32, #tpu.memory_space<hbm>>
      tpu.wait_indirect_dma semaphore(%arg15 : memref<!tpu.dma_semaphore, #tpu.memory_space<semaphore_mem>>) src(%dma_wait3A_224 : memref<10000x128xf32, #tpu.memory_space<hbm>>) dst(%arg9 : memref<64x128xf32, #tpu.memory_space<vmem>>)
      %add3A_225 = arith.constant 0 : i32
      %add3A_226 = arith.addi %mul3A_216, %add3A_225 : i32
      %dma_start3A_227 = arith.constant 0 : i32
      %dma_start3A_228 = tpu.memref_slice %arg8[%add3A_226, %dma_start3A_227] : memref<320x64xi32, #tpu.memory_space<vmem>> -> memref<1x64xi32, #tpu.memory_space<vmem>>
      %dma_start3A_229 = tpu.memref_squeeze %dma_start3A_228 : memref<1x64xi32, #tpu.memory_space<vmem>> -> memref<64xi32, #tpu.memory_space<vmem>>
      %dma_start3A_230 = arith.constant 0 : i32
      %dma_start3A_231 = arith.constant 0 : i32
      %dma_start3A_232 = tpu.memref_slice %arg14[%dma_start3A_230, %dma_start3A_231] : memref<5120x128xf32, #tpu.memory_space<vmem_shared>> -> memref<5120x128xf32, #tpu.memory_space<vmem_shared>>
      tpu.enqueue_indirect_dma source(%arg9 : memref<64x128xf32, #tpu.memory_space<vmem>>) target(%dma_start3A_232 : memref<5120x128xf32, #tpu.memory_space<vmem_shared>>) offsets(%dma_start3A_229 : memref<64xi32, #tpu.memory_space<vmem>>) semaphore(%arg19 : memref<!tpu.dma_semaphore, #tpu.memory_space<semaphore_mem>>) {add = true}
      %add3A_233 = arith.constant 1 : i32
      %add3A_234 = arith.addi %mul3A_216, %add3A_233 : i32
      %dma_wait3A_235 = arith.constant 0 : i32
      %dma_wait3A_236 = tpu.memref_slice %arg7[%add3A_234, %dma_wait3A_235] : memref<320x64xi32, #tpu.memory_space<vmem>> -> memref<1x64xi32, #tpu.memory_space<vmem>>
      %dma_wait3A_237 = tpu.memref_squeeze %dma_wait3A_236 : memref<1x64xi32, #tpu.memory_space<vmem>> -> memref<64xi32, #tpu.memory_space<vmem>>
      %dma_wait3A_238 = arith.constant 0 : i32
      %dma_wait3A_239 = arith.constant 0 : i32
      %dma_wait3A_240 = tpu.memref_slice %arg2[%dma_wait3A_238, %dma_wait3A_239] : memref<10000x128xf32, #tpu.memory_space<hbm>> -> memref<10000x128xf32, #tpu.memory_space<hbm>>
      tpu.wait_indirect_dma semaphore(%arg16 : memref<!tpu.dma_semaphore, #tpu.memory_space<semaphore_mem>>) src(%dma_wait3A_240 : memref<10000x128xf32, #tpu.memory_space<hbm>>) dst(%arg10 : memref<64x128xf32, #tpu.memory_space<vmem>>)
      %add3A_241 = arith.constant 1 : i32
      %add3A_242 = arith.addi %mul3A_216, %add3A_241 : i32
      %dma_start3A_243 = arith.constant 0 : i32
      %dma_start3A_244 = tpu.memref_slice %arg8[%add3A_242, %dma_start3A_243] : memref<320x64xi32, #tpu.memory_space<vmem>> -> memref<1x64xi32, #tpu.memory_space<vmem>>
      %dma_start3A_245 = tpu.memref_squeeze %dma_start3A_244 : memref<1x64xi32, #tpu.memory_space<vmem>> -> memref<64xi32, #tpu.memory_space<vmem>>
      %dma_start3A_246 = arith.constant 0 : i32
      %dma_start3A_247 = arith.constant 0 : i32
      %dma_start3A_248 = tpu.memref_slice %arg14[%dma_start3A_246, %dma_start3A_247] : memref<5120x128xf32, #tpu.memory_space<vmem_shared>> -> memref<5120x128xf32, #tpu.memory_space<vmem_shared>>
      tpu.enqueue_indirect_dma source(%arg10 : memref<64x128xf32, #tpu.memory_space<vmem>>) target(%dma_start3A_248 : memref<5120x128xf32, #tpu.memory_space<vmem_shared>>) offsets(%dma_start3A_245 : memref<64xi32, #tpu.memory_space<vmem>>) semaphore(%arg20 : memref<!tpu.dma_semaphore, #tpu.memory_space<semaphore_mem>>) {add = true}
      %add3A_249 = arith.constant 2 : i32
      %add3A_250 = arith.addi %mul3A_216, %add3A_249 : i32
      %dma_wait3A_251 = arith.constant 0 : i32
      %dma_wait3A_252 = tpu.memref_slice %arg7[%add3A_250, %dma_wait3A_251] : memref<320x64xi32, #tpu.memory_space<vmem>> -> memref<1x64xi32, #tpu.memory_space<vmem>>
      %dma_wait3A_253 = tpu.memref_squeeze %dma_wait3A_252 : memref<1x64xi32, #tpu.memory_space<vmem>> -> memref<64xi32, #tpu.memory_space<vmem>>
      %dma_wait3A_254 = arith.constant 0 : i32
      %dma_wait3A_255 = arith.constant 0 : i32
      %dma_wait3A_256 = tpu.memref_slice %arg2[%dma_wait3A_254, %dma_wait3A_255] : memref<10000x128xf32, #tpu.memory_space<hbm>> -> memref<10000x128xf32, #tpu.memory_space<hbm>>
      tpu.wait_indirect_dma semaphore(%arg17 : memref<!tpu.dma_semaphore, #tpu.memory_space<semaphore_mem>>) src(%dma_wait3A_256 : memref<10000x128xf32, #tpu.memory_space<hbm>>) dst(%arg11 : memref<64x128xf32, #tpu.memory_space<vmem>>)
      %add3A_257 = arith.constant 2 : i32
      %add3A_258 = arith.addi %mul3A_216, %add3A_257 : i32
      %dma_start3A_259 = arith.constant 0 : i32
      %dma_start3A_260 = tpu.memref_slice %arg8[%add3A_258, %dma_start3A_259] : memref<320x64xi32, #tpu.memory_space<vmem>> -> memref<1x64xi32, #tpu.memory_space<vmem>>
      %dma_start3A_261 = tpu.memref_squeeze %dma_start3A_260 : memref<1x64xi32, #tpu.memory_space<vmem>> -> memref<64xi32, #tpu.memory_space<vmem>>
      %dma_start3A_262 = arith.constant 0 : i32
      %dma_start3A_263 = arith.constant 0 : i32
      %dma_start3A_264 = tpu.memref_slice %arg14[%dma_start3A_262, %dma_start3A_263] : memref<5120x128xf32, #tpu.memory_space<vmem_shared>> -> memref<5120x128xf32, #tpu.memory_space<vmem_shared>>
      tpu.enqueue_indirect_dma source(%arg11 : memref<64x128xf32, #tpu.memory_space<vmem>>) target(%dma_start3A_264 : memref<5120x128xf32, #tpu.memory_space<vmem_shared>>) offsets(%dma_start3A_261 : memref<64xi32, #tpu.memory_space<vmem>>) semaphore(%arg21 : memref<!tpu.dma_semaphore, #tpu.memory_space<semaphore_mem>>) {add = true}
      %add3A_265 = arith.constant 3 : i32
      %add3A_266 = arith.addi %mul3A_216, %add3A_265 : i32
      %dma_wait3A_267 = arith.constant 0 : i32
      %dma_wait3A_268 = tpu.memref_slice %arg7[%add3A_266, %dma_wait3A_267] : memref<320x64xi32, #tpu.memory_space<vmem>> -> memref<1x64xi32, #tpu.memory_space<vmem>>
      %dma_wait3A_269 = tpu.memref_squeeze %dma_wait3A_268 : memref<1x64xi32, #tpu.memory_space<vmem>> -> memref<64xi32, #tpu.memory_space<vmem>>
      %dma_wait3A_270 = arith.constant 0 : i32
      %dma_wait3A_271 = arith.constant 0 : i32
      %dma_wait3A_272 = tpu.memref_slice %arg2[%dma_wait3A_270, %dma_wait3A_271] : memref<10000x128xf32, #tpu.memory_space<hbm>> -> memref<10000x128xf32, #tpu.memory_space<hbm>>
      tpu.wait_indirect_dma semaphore(%arg18 : memref<!tpu.dma_semaphore, #tpu.memory_space<semaphore_mem>>) src(%dma_wait3A_272 : memref<10000x128xf32, #tpu.memory_space<hbm>>) dst(%arg12 : memref<64x128xf32, #tpu.memory_space<vmem>>)
      %add3A_273 = arith.constant 3 : i32
      %add3A_274 = arith.addi %mul3A_216, %add3A_273 : i32
      %dma_start3A_275 = arith.constant 0 : i32
      %dma_start3A_276 = tpu.memref_slice %arg8[%add3A_274, %dma_start3A_275] : memref<320x64xi32, #tpu.memory_space<vmem>> -> memref<1x64xi32, #tpu.memory_space<vmem>>
      %dma_start3A_277 = tpu.memref_squeeze %dma_start3A_276 : memref<1x64xi32, #tpu.memory_space<vmem>> -> memref<64xi32, #tpu.memory_space<vmem>>
      %dma_start3A_278 = arith.constant 0 : i32
      %dma_start3A_279 = arith.constant 0 : i32
      %dma_start3A_280 = tpu.memref_slice %arg14[%dma_start3A_278, %dma_start3A_279] : memref<5120x128xf32, #tpu.memory_space<vmem_shared>> -> memref<5120x128xf32, #tpu.memory_space<vmem_shared>>
      tpu.enqueue_indirect_dma source(%arg12 : memref<64x128xf32, #tpu.memory_space<vmem>>) target(%dma_start3A_280 : memref<5120x128xf32, #tpu.memory_space<vmem_shared>>) offsets(%dma_start3A_277 : memref<64xi32, #tpu.memory_space<vmem>>) semaphore(%arg22 : memref<!tpu.dma_semaphore, #tpu.memory_space<semaphore_mem>>) {add = true}
      %add3A_281 = arith.constant 0 : i32
      %add3A_282 = arith.addi %mul3A_216, %add3A_281 : i32
      %dma_wait3A_283 = arith.constant 0 : i32
      %dma_wait3A_284 = tpu.memref_slice %arg8[%add3A_282, %dma_wait3A_283] : memref<320x64xi32, #tpu.memory_space<vmem>> -> memref<1x64xi32, #tpu.memory_space<vmem>>
      %dma_wait3A_285 = tpu.memref_squeeze %dma_wait3A_284 : memref<1x64xi32, #tpu.memory_space<vmem>> -> memref<64xi32, #tpu.memory_space<vmem>>
      %dma_wait3A_286 = arith.constant 0 : i32
      %dma_wait3A_287 = arith.constant 0 : i32
      %dma_wait3A_288 = tpu.memref_slice %arg14[%dma_wait3A_286, %dma_wait3A_287] : memref<5120x128xf32, #tpu.memory_space<vmem_shared>> -> memref<5120x128xf32, #tpu.memory_space<vmem_shared>>
      tpu.wait_indirect_dma semaphore(%arg19 : memref<!tpu.dma_semaphore, #tpu.memory_space<semaphore_mem>>) src(%arg9 : memref<64x128xf32, #tpu.memory_space<vmem>>) dst(%dma_wait3A_288 : memref<5120x128xf32, #tpu.memory_space<vmem_shared>>)
      %add3A_289 = arith.constant 4 : i32
      %add3A_290 = arith.addi %mul3A_216, %add3A_289 : i32
      %add3A_291 = arith.constant 0 : i32
      %add3A_292 = arith.addi %add3A_290, %add3A_291 : i32
      %dma_start3A_293 = arith.constant 0 : i32
      %dma_start3A_294 = tpu.memref_slice %arg7[%add3A_292, %dma_start3A_293] : memref<320x64xi32, #tpu.memory_space<vmem>> -> memref<1x64xi32, #tpu.memory_space<vmem>>
      %dma_start3A_295 = tpu.memref_squeeze %dma_start3A_294 : memref<1x64xi32, #tpu.memory_space<vmem>> -> memref<64xi32, #tpu.memory_space<vmem>>
      %dma_start3A_296 = arith.constant 0 : i32
      %dma_start3A_297 = arith.constant 0 : i32
      %dma_start3A_298 = tpu.memref_slice %arg2[%dma_start3A_296, %dma_start3A_297] : memref<10000x128xf32, #tpu.memory_space<hbm>> -> memref<10000x128xf32, #tpu.memory_space<hbm>>
      tpu.enqueue_indirect_dma source(%dma_start3A_298 : memref<10000x128xf32, #tpu.memory_space<hbm>>) target(%arg9 : memref<64x128xf32, #tpu.memory_space<vmem>>) offsets(%dma_start3A_295 : memref<64xi32, #tpu.memory_space<vmem>>) semaphore(%arg15 : memref<!tpu.dma_semaphore, #tpu.memory_space<semaphore_mem>>)
      %add3A_299 = arith.constant 1 : i32
      %add3A_300 = arith.addi %mul3A_216, %add3A_299 : i32
      %dma_wait3A_301 = arith.constant 0 : i32
      %dma_wait3A_302 = tpu.memref_slice %arg8[%add3A_300, %dma_wait3A_301] : memref<320x64xi32, #tpu.memory_space<vmem>> -> memref<1x64xi32, #tpu.memory_space<vmem>>
      %dma_wait3A_303 = tpu.memref_squeeze %dma_wait3A_302 : memref<1x64xi32, #tpu.memory_space<vmem>> -> memref<64xi32, #tpu.memory_space<vmem>>
      %dma_wait3A_304 = arith.constant 0 : i32
      %dma_wait3A_305 = arith.constant 0 : i32
      %dma_wait3A_306 = tpu.memref_slice %arg14[%dma_wait3A_304, %dma_wait3A_305] : memref<5120x128xf32, #tpu.memory_space<vmem_shared>> -> memref<5120x128xf32, #tpu.memory_space<vmem_shared>>
      tpu.wait_indirect_dma semaphore(%arg20 : memref<!tpu.dma_semaphore, #tpu.memory_space<semaphore_mem>>) src(%arg10 : memref<64x128xf32, #tpu.memory_space<vmem>>) dst(%dma_wait3A_306 : memref<5120x128xf32, #tpu.memory_space<vmem_shared>>)
      %add3A_307 = arith.constant 4 : i32
      %add3A_308 = arith.addi %mul3A_216, %add3A_307 : i32
      %add3A_309 = arith.constant 1 : i32
      %add3A_310 = arith.addi %add3A_308, %add3A_309 : i32
      %dma_start3A_311 = arith.constant 0 : i32
      %dma_start3A_312 = tpu.memref_slice %arg7[%add3A_310, %dma_start3A_311] : memref<320x64xi32, #tpu.memory_space<vmem>> -> memref<1x64xi32, #tpu.memory_space<vmem>>
      %dma_start3A_313 = tpu.memref_squeeze %dma_start3A_312 : memref<1x64xi32, #tpu.memory_space<vmem>> -> memref<64xi32, #tpu.memory_space<vmem>>
      %dma_start3A_314 = arith.constant 0 : i32
      %dma_start3A_315 = arith.constant 0 : i32
      %dma_start3A_316 = tpu.memref_slice %arg2[%dma_start3A_314, %dma_start3A_315] : memref<10000x128xf32, #tpu.memory_space<hbm>> -> memref<10000x128xf32, #tpu.memory_space<hbm>>
      tpu.enqueue_indirect_dma source(%dma_start3A_316 : memref<10000x128xf32, #tpu.memory_space<hbm>>) target(%arg10 : memref<64x128xf32, #tpu.memory_space<vmem>>) offsets(%dma_start3A_313 : memref<64xi32, #tpu.memory_space<vmem>>) semaphore(%arg16 : memref<!tpu.dma_semaphore, #tpu.memory_space<semaphore_mem>>)
      %add3A_317 = arith.constant 2 : i32
      %add3A_318 = arith.addi %mul3A_216, %add3A_317 : i32
      %dma_wait3A_319 = arith.constant 0 : i32
      %dma_wait3A_320 = tpu.memref_slice %arg8[%add3A_318, %dma_wait3A_319] : memref<320x64xi32, #tpu.memory_space<vmem>> -> memref<1x64xi32, #tpu.memory_space<vmem>>
      %dma_wait3A_321 = tpu.memref_squeeze %dma_wait3A_320 : memref<1x64xi32, #tpu.memory_space<vmem>> -> memref<64xi32, #tpu.memory_space<vmem>>
      %dma_wait3A_322 = arith.constant 0 : i32
      %dma_wait3A_323 = arith.constant 0 : i32
      %dma_wait3A_324 = tpu.memref_slice %arg14[%dma_wait3A_322, %dma_wait3A_323] : memref<5120x128xf32, #tpu.memory_space<vmem_shared>> -> memref<5120x128xf32, #tpu.memory_space<vmem_shared>>
      tpu.wait_indirect_dma semaphore(%arg21 : memref<!tpu.dma_semaphore, #tpu.memory_space<semaphore_mem>>) src(%arg11 : memref<64x128xf32, #tpu.memory_space<vmem>>) dst(%dma_wait3A_324 : memref<5120x128xf32, #tpu.memory_space<vmem_shared>>)
      %add3A_325 = arith.constant 4 : i32
      %add3A_326 = arith.addi %mul3A_216, %add3A_325 : i32
      %add3A_327 = arith.constant 2 : i32
      %add3A_328 = arith.addi %add3A_326, %add3A_327 : i32
      %dma_start3A_329 = arith.constant 0 : i32
      %dma_start3A_330 = tpu.memref_slice %arg7[%add3A_328, %dma_start3A_329] : memref<320x64xi32, #tpu.memory_space<vmem>> -> memref<1x64xi32, #tpu.memory_space<vmem>>
      %dma_start3A_331 = tpu.memref_squeeze %dma_start3A_330 : memref<1x64xi32, #tpu.memory_space<vmem>> -> memref<64xi32, #tpu.memory_space<vmem>>
      %dma_start3A_332 = arith.constant 0 : i32
      %dma_start3A_333 = arith.constant 0 : i32
      %dma_start3A_334 = tpu.memref_slice %arg2[%dma_start3A_332, %dma_start3A_333] : memref<10000x128xf32, #tpu.memory_space<hbm>> -> memref<10000x128xf32, #tpu.memory_space<hbm>>
      tpu.enqueue_indirect_dma source(%dma_start3A_334 : memref<10000x128xf32, #tpu.memory_space<hbm>>) target(%arg11 : memref<64x128xf32, #tpu.memory_space<vmem>>) offsets(%dma_start3A_331 : memref<64xi32, #tpu.memory_space<vmem>>) semaphore(%arg17 : memref<!tpu.dma_semaphore, #tpu.memory_space<semaphore_mem>>)
      %add3A_335 = arith.constant 3 : i32
      %add3A_336 = arith.addi %mul3A_216, %add3A_335 : i32
      %dma_wait3A_337 = arith.constant 0 : i32
      %dma_wait3A_338 = tpu.memref_slice %arg8[%add3A_336, %dma_wait3A_337] : memref<320x64xi32, #tpu.memory_space<vmem>> -> memref<1x64xi32, #tpu.memory_space<vmem>>
      %dma_wait3A_339 = tpu.memref_squeeze %dma_wait3A_338 : memref<1x64xi32, #tpu.memory_space<vmem>> -> memref<64xi32, #tpu.memory_space<vmem>>
      %dma_wait3A_340 = arith.constant 0 : i32
      %dma_wait3A_341 = arith.constant 0 : i32
      %dma_wait3A_342 = tpu.memref_slice %arg14[%dma_wait3A_340, %dma_wait3A_341] : memref<5120x128xf32, #tpu.memory_space<vmem_shared>> -> memref<5120x128xf32, #tpu.memory_space<vmem_shared>>
      tpu.wait_indirect_dma semaphore(%arg22 : memref<!tpu.dma_semaphore, #tpu.memory_space<semaphore_mem>>) src(%arg12 : memref<64x128xf32, #tpu.memory_space<vmem>>) dst(%dma_wait3A_342 : memref<5120x128xf32, #tpu.memory_space<vmem_shared>>)
      %add3A_343 = arith.constant 4 : i32
      %add3A_344 = arith.addi %mul3A_216, %add3A_343 : i32
      %add3A_345 = arith.constant 3 : i32
      %add3A_346 = arith.addi %add3A_344, %add3A_345 : i32
      %dma_start3A_347 = arith.constant 0 : i32
      %dma_start3A_348 = tpu.memref_slice %arg7[%add3A_346, %dma_start3A_347] : memref<320x64xi32, #tpu.memory_space<vmem>> -> memref<1x64xi32, #tpu.memory_space<vmem>>
      %dma_start3A_349 = tpu.memref_squeeze %dma_start3A_348 : memref<1x64xi32, #tpu.memory_space<vmem>> -> memref<64xi32, #tpu.memory_space<vmem>>
      %dma_start3A_350 = arith.constant 0 : i32
      %dma_start3A_351 = arith.constant 0 : i32
      %dma_start3A_352 = tpu.memref_slice %arg2[%dma_start3A_350, %dma_start3A_351] : memref<10000x128xf32, #tpu.memory_space<hbm>> -> memref<10000x128xf32, #tpu.memory_space<hbm>>
      tpu.enqueue_indirect_dma source(%dma_start3A_352 : memref<10000x128xf32, #tpu.memory_space<hbm>>) target(%arg12 : memref<64x128xf32, #tpu.memory_space<vmem>>) offsets(%dma_start3A_349 : memref<64xi32, #tpu.memory_space<vmem>>) semaphore(%arg18 : memref<!tpu.dma_semaphore, #tpu.memory_space<semaphore_mem>>)
    }
    %sub3A_109 = arith.constant 1 : i32
    %sub3A_110 = arith.subi %max3A_61, %sub3A_109 : i32
    %mul3A = arith.constant 4 : i32
    %mul3A_111 = arith.muli %sub3A_110, %mul3A : i32
    %add3A_112 = arith.constant 0 : i32
    %add3A_113 = arith.addi %mul3A_111, %add3A_112 : i32
    %dma_wait3A = arith.constant 0 : i32
    %dma_wait3A_114 = tpu.memref_slice %arg7[%add3A_113, %dma_wait3A] : memref<320x64xi32, #tpu.memory_space<vmem>> -> memref<1x64xi32, #tpu.memory_space<vmem>>
    %dma_wait3A_115 = tpu.memref_squeeze %dma_wait3A_114 : memref<1x64xi32, #tpu.memory_space<vmem>> -> memref<64xi32, #tpu.memory_space<vmem>>
    %dma_wait3A_116 = arith.constant 0 : i32
    %dma_wait3A_117 = arith.constant 0 : i32
    %dma_wait3A_118 = tpu.memref_slice %arg2[%dma_wait3A_116, %dma_wait3A_117] : memref<10000x128xf32, #tpu.memory_space<hbm>> -> memref<10000x128xf32, #tpu.memory_space<hbm>>
    tpu.wait_indirect_dma semaphore(%arg15 : memref<!tpu.dma_semaphore, #tpu.memory_space<semaphore_mem>>) src(%dma_wait3A_118 : memref<10000x128xf32, #tpu.memory_space<hbm>>) dst(%arg9 : memref<64x128xf32, #tpu.memory_space<vmem>>)
    %add3A_119 = arith.constant 0 : i32
    %add3A_120 = arith.addi %mul3A_111, %add3A_119 : i32
    %dma_start3A_121 = arith.constant 0 : i32
    %dma_start3A_122 = tpu.memref_slice %arg8[%add3A_120, %dma_start3A_121] : memref<320x64xi32, #tpu.memory_space<vmem>> -> memref<1x64xi32, #tpu.memory_space<vmem>>
    %dma_start3A_123 = tpu.memref_squeeze %dma_start3A_122 : memref<1x64xi32, #tpu.memory_space<vmem>> -> memref<64xi32, #tpu.memory_space<vmem>>
    %dma_start3A_124 = arith.constant 0 : i32
    %dma_start3A_125 = arith.constant 0 : i32
    %dma_start3A_126 = tpu.memref_slice %arg14[%dma_start3A_124, %dma_start3A_125] : memref<5120x128xf32, #tpu.memory_space<vmem_shared>> -> memref<5120x128xf32, #tpu.memory_space<vmem_shared>>
    tpu.enqueue_indirect_dma source(%arg9 : memref<64x128xf32, #tpu.memory_space<vmem>>) target(%dma_start3A_126 : memref<5120x128xf32, #tpu.memory_space<vmem_shared>>) offsets(%dma_start3A_123 : memref<64xi32, #tpu.memory_space<vmem>>) semaphore(%arg19 : memref<!tpu.dma_semaphore, #tpu.memory_space<semaphore_mem>>) {add = true}
    %add3A_127 = arith.constant 1 : i32
    %add3A_128 = arith.addi %mul3A_111, %add3A_127 : i32
    %dma_wait3A_129 = arith.constant 0 : i32
    %dma_wait3A_130 = tpu.memref_slice %arg7[%add3A_128, %dma_wait3A_129] : memref<320x64xi32, #tpu.memory_space<vmem>> -> memref<1x64xi32, #tpu.memory_space<vmem>>
    %dma_wait3A_131 = tpu.memref_squeeze %dma_wait3A_130 : memref<1x64xi32, #tpu.memory_space<vmem>> -> memref<64xi32, #tpu.memory_space<vmem>>
    %dma_wait3A_132 = arith.constant 0 : i32
    %dma_wait3A_133 = arith.constant 0 : i32
    %dma_wait3A_134 = tpu.memref_slice %arg2[%dma_wait3A_132, %dma_wait3A_133] : memref<10000x128xf32, #tpu.memory_space<hbm>> -> memref<10000x128xf32, #tpu.memory_space<hbm>>
    tpu.wait_indirect_dma semaphore(%arg16 : memref<!tpu.dma_semaphore, #tpu.memory_space<semaphore_mem>>) src(%dma_wait3A_134 : memref<10000x128xf32, #tpu.memory_space<hbm>>) dst(%arg10 : memref<64x128xf32, #tpu.memory_space<vmem>>)
    %add3A_135 = arith.constant 1 : i32
    %add3A_136 = arith.addi %mul3A_111, %add3A_135 : i32
    %dma_start3A_137 = arith.constant 0 : i32
    %dma_start3A_138 = tpu.memref_slice %arg8[%add3A_136, %dma_start3A_137] : memref<320x64xi32, #tpu.memory_space<vmem>> -> memref<1x64xi32, #tpu.memory_space<vmem>>
    %dma_start3A_139 = tpu.memref_squeeze %dma_start3A_138 : memref<1x64xi32, #tpu.memory_space<vmem>> -> memref<64xi32, #tpu.memory_space<vmem>>
    %dma_start3A_140 = arith.constant 0 : i32
    %dma_start3A_141 = arith.constant 0 : i32
    %dma_start3A_142 = tpu.memref_slice %arg14[%dma_start3A_140, %dma_start3A_141] : memref<5120x128xf32, #tpu.memory_space<vmem_shared>> -> memref<5120x128xf32, #tpu.memory_space<vmem_shared>>
    tpu.enqueue_indirect_dma source(%arg10 : memref<64x128xf32, #tpu.memory_space<vmem>>) target(%dma_start3A_142 : memref<5120x128xf32, #tpu.memory_space<vmem_shared>>) offsets(%dma_start3A_139 : memref<64xi32, #tpu.memory_space<vmem>>) semaphore(%arg20 : memref<!tpu.dma_semaphore, #tpu.memory_space<semaphore_mem>>) {add = true}
    %add3A_143 = arith.constant 2 : i32
    %add3A_144 = arith.addi %mul3A_111, %add3A_143 : i32
    %dma_wait3A_145 = arith.constant 0 : i32
    %dma_wait3A_146 = tpu.memref_slice %arg7[%add3A_144, %dma_wait3A_145] : memref<320x64xi32, #tpu.memory_space<vmem>> -> memref<1x64xi32, #tpu.memory_space<vmem>>
    %dma_wait3A_147 = tpu.memref_squeeze %dma_wait3A_146 : memref<1x64xi32, #tpu.memory_space<vmem>> -> memref<64xi32, #tpu.memory_space<vmem>>
    %dma_wait3A_148 = arith.constant 0 : i32
    %dma_wait3A_149 = arith.constant 0 : i32
    %dma_wait3A_150 = tpu.memref_slice %arg2[%dma_wait3A_148, %dma_wait3A_149] : memref<10000x128xf32, #tpu.memory_space<hbm>> -> memref<10000x128xf32, #tpu.memory_space<hbm>>
    tpu.wait_indirect_dma semaphore(%arg17 : memref<!tpu.dma_semaphore, #tpu.memory_space<semaphore_mem>>) src(%dma_wait3A_150 : memref<10000x128xf32, #tpu.memory_space<hbm>>) dst(%arg11 : memref<64x128xf32, #tpu.memory_space<vmem>>)
    %add3A_151 = arith.constant 2 : i32
    %add3A_152 = arith.addi %mul3A_111, %add3A_151 : i32
    %dma_start3A_153 = arith.constant 0 : i32
    %dma_start3A_154 = tpu.memref_slice %arg8[%add3A_152, %dma_start3A_153] : memref<320x64xi32, #tpu.memory_space<vmem>> -> memref<1x64xi32, #tpu.memory_space<vmem>>
    %dma_start3A_155 = tpu.memref_squeeze %dma_start3A_154 : memref<1x64xi32, #tpu.memory_space<vmem>> -> memref<64xi32, #tpu.memory_space<vmem>>
    %dma_start3A_156 = arith.constant 0 : i32
    %dma_start3A_157 = arith.constant 0 : i32
    %dma_start3A_158 = tpu.memref_slice %arg14[%dma_start3A_156, %dma_start3A_157] : memref<5120x128xf32, #tpu.memory_space<vmem_shared>> -> memref<5120x128xf32, #tpu.memory_space<vmem_shared>>
    tpu.enqueue_indirect_dma source(%arg11 : memref<64x128xf32, #tpu.memory_space<vmem>>) target(%dma_start3A_158 : memref<5120x128xf32, #tpu.memory_space<vmem_shared>>) offsets(%dma_start3A_155 : memref<64xi32, #tpu.memory_space<vmem>>) semaphore(%arg21 : memref<!tpu.dma_semaphore, #tpu.memory_space<semaphore_mem>>) {add = true}
    %add3A_159 = arith.constant 3 : i32
    %add3A_160 = arith.addi %mul3A_111, %add3A_159 : i32
    %dma_wait3A_161 = arith.constant 0 : i32
    %dma_wait3A_162 = tpu.memref_slice %arg7[%add3A_160, %dma_wait3A_161] : memref<320x64xi32, #tpu.memory_space<vmem>> -> memref<1x64xi32, #tpu.memory_space<vmem>>
    %dma_wait3A_163 = tpu.memref_squeeze %dma_wait3A_162 : memref<1x64xi32, #tpu.memory_space<vmem>> -> memref<64xi32, #tpu.memory_space<vmem>>
    %dma_wait3A_164 = arith.constant 0 : i32
    %dma_wait3A_165 = arith.constant 0 : i32
    %dma_wait3A_166 = tpu.memref_slice %arg2[%dma_wait3A_164, %dma_wait3A_165] : memref<10000x128xf32, #tpu.memory_space<hbm>> -> memref<10000x128xf32, #tpu.memory_space<hbm>>
    tpu.wait_indirect_dma semaphore(%arg18 : memref<!tpu.dma_semaphore, #tpu.memory_space<semaphore_mem>>) src(%dma_wait3A_166 : memref<10000x128xf32, #tpu.memory_space<hbm>>) dst(%arg12 : memref<64x128xf32, #tpu.memory_space<vmem>>)
    %add3A_167 = arith.constant 3 : i32
    %add3A_168 = arith.addi %mul3A_111, %add3A_167 : i32
    %dma_start3A_169 = arith.constant 0 : i32
    %dma_start3A_170 = tpu.memref_slice %arg8[%add3A_168, %dma_start3A_169] : memref<320x64xi32, #tpu.memory_space<vmem>> -> memref<1x64xi32, #tpu.memory_space<vmem>>
    %dma_start3A_171 = tpu.memref_squeeze %dma_start3A_170 : memref<1x64xi32, #tpu.memory_space<vmem>> -> memref<64xi32, #tpu.memory_space<vmem>>
    %dma_start3A_172 = arith.constant 0 : i32
    %dma_start3A_173 = arith.constant 0 : i32
    %dma_start3A_174 = tpu.memref_slice %arg14[%dma_start3A_172, %dma_start3A_173] : memref<5120x128xf32, #tpu.memory_space<vmem_shared>> -> memref<5120x128xf32, #tpu.memory_space<vmem_shared>>
    tpu.enqueue_indirect_dma source(%arg12 : memref<64x128xf32, #tpu.memory_space<vmem>>) target(%dma_start3A_174 : memref<5120x128xf32, #tpu.memory_space<vmem_shared>>) offsets(%dma_start3A_171 : memref<64xi32, #tpu.memory_space<vmem>>) semaphore(%arg22 : memref<!tpu.dma_semaphore, #tpu.memory_space<semaphore_mem>>) {add = true}
    %add3A_175 = arith.constant 0 : i32
    %add3A_176 = arith.addi %mul3A_111, %add3A_175 : i32
    %dma_wait3A_177 = arith.constant 0 : i32
    %dma_wait3A_178 = tpu.memref_slice %arg8[%add3A_176, %dma_wait3A_177] : memref<320x64xi32, #tpu.memory_space<vmem>> -> memref<1x64xi32, #tpu.memory_space<vmem>>
    %dma_wait3A_179 = tpu.memref_squeeze %dma_wait3A_178 : memref<1x64xi32, #tpu.memory_space<vmem>> -> memref<64xi32, #tpu.memory_space<vmem>>
    %dma_wait3A_180 = arith.constant 0 : i32
    %dma_wait3A_181 = arith.constant 0 : i32
    %dma_wait3A_182 = tpu.memref_slice %arg14[%dma_wait3A_180, %dma_wait3A_181] : memref<5120x128xf32, #tpu.memory_space<vmem_shared>> -> memref<5120x128xf32, #tpu.memory_space<vmem_shared>>
    tpu.wait_indirect_dma semaphore(%arg19 : memref<!tpu.dma_semaphore, #tpu.memory_space<semaphore_mem>>) src(%arg9 : memref<64x128xf32, #tpu.memory_space<vmem>>) dst(%dma_wait3A_182 : memref<5120x128xf32, #tpu.memory_space<vmem_shared>>)
    %add3A_183 = arith.constant 1 : i32
    %add3A_184 = arith.addi %mul3A_111, %add3A_183 : i32
    %dma_wait3A_185 = arith.constant 0 : i32
    %dma_wait3A_186 = tpu.memref_slice %arg8[%add3A_184, %dma_wait3A_185] : memref<320x64xi32, #tpu.memory_space<vmem>> -> memref<1x64xi32, #tpu.memory_space<vmem>>
    %dma_wait3A_187 = tpu.memref_squeeze %dma_wait3A_186 : memref<1x64xi32, #tpu.memory_space<vmem>> -> memref<64xi32, #tpu.memory_space<vmem>>
    %dma_wait3A_188 = arith.constant 0 : i32
    %dma_wait3A_189 = arith.constant 0 : i32
    %dma_wait3A_190 = tpu.memref_slice %arg14[%dma_wait3A_188, %dma_wait3A_189] : memref<5120x128xf32, #tpu.memory_space<vmem_shared>> -> memref<5120x128xf32, #tpu.memory_space<vmem_shared>>
    tpu.wait_indirect_dma semaphore(%arg20 : memref<!tpu.dma_semaphore, #tpu.memory_space<semaphore_mem>>) src(%arg10 : memref<64x128xf32, #tpu.memory_space<vmem>>) dst(%dma_wait3A_190 : memref<5120x128xf32, #tpu.memory_space<vmem_shared>>)
    %add3A_191 = arith.constant 2 : i32
    %add3A_192 = arith.addi %mul3A_111, %add3A_191 : i32
    %dma_wait3A_193 = arith.constant 0 : i32
    %dma_wait3A_194 = tpu.memref_slice %arg8[%add3A_192, %dma_wait3A_193] : memref<320x64xi32, #tpu.memory_space<vmem>> -> memref<1x64xi32, #tpu.memory_space<vmem>>
    %dma_wait3A_195 = tpu.memref_squeeze %dma_wait3A_194 : memref<1x64xi32, #tpu.memory_space<vmem>> -> memref<64xi32, #tpu.memory_space<vmem>>
    %dma_wait3A_196 = arith.constant 0 : i32
    %dma_wait3A_197 = arith.constant 0 : i32
    %dma_wait3A_198 = tpu.memref_slice %arg14[%dma_wait3A_196, %dma_wait3A_197] : memref<5120x128xf32, #tpu.memory_space<vmem_shared>> -> memref<5120x128xf32, #tpu.memory_space<vmem_shared>>
    tpu.wait_indirect_dma semaphore(%arg21 : memref<!tpu.dma_semaphore, #tpu.memory_space<semaphore_mem>>) src(%arg11 : memref<64x128xf32, #tpu.memory_space<vmem>>) dst(%dma_wait3A_198 : memref<5120x128xf32, #tpu.memory_space<vmem_shared>>)
    %add3A_199 = arith.constant 3 : i32
    %add3A_200 = arith.addi %mul3A_111, %add3A_199 : i32
    %dma_wait3A_201 = arith.constant 0 : i32
    %dma_wait3A_202 = tpu.memref_slice %arg8[%add3A_200, %dma_wait3A_201] : memref<320x64xi32, #tpu.memory_space<vmem>> -> memref<1x64xi32, #tpu.memory_space<vmem>>
    %dma_wait3A_203 = tpu.memref_squeeze %dma_wait3A_202 : memref<1x64xi32, #tpu.memory_space<vmem>> -> memref<64xi32, #tpu.memory_space<vmem>>
    %dma_wait3A_204 = arith.constant 0 : i32
    %dma_wait3A_205 = arith.constant 0 : i32
    %dma_wait3A_206 = tpu.memref_slice %arg14[%dma_wait3A_204, %dma_wait3A_205] : memref<5120x128xf32, #tpu.memory_space<vmem_shared>> -> memref<5120x128xf32, #tpu.memory_space<vmem_shared>>
    tpu.wait_indirect_dma semaphore(%arg22 : memref<!tpu.dma_semaphore, #tpu.memory_space<semaphore_mem>>) src(%arg12 : memref<64x128xf32, #tpu.memory_space<vmem>>) dst(%dma_wait3A_206 : memref<5120x128xf32, #tpu.memory_space<vmem_shared>>)
    %barrier3A_207 = arith.constant 0 : index
    tpu.barrier barrier_id(%barrier3A_207)
    %mul3A_208 = arith.constant 320 : i32
    %mul3A_209 = arith.muli %arg1, %mul3A_208 : i32
    %mul3A_210 = arith.constant 320 : i32
    %mul3A_211 = arith.muli %arg1, %mul3A_210 : i32
    "tpu.region"() ({
      %run_scoped3A = tpu.sem_alloc : memref<!tpu.dma_semaphore, #tpu.memory_space<semaphore_mem>>
      %dma_start3A_212 = arith.constant 0 : i32
      %dma_start3A_213 = tpu.memref_slice %arg6[%arg0, %mul3A_211, %dma_start3A_212] : memref<2x5120x128xf32, #tpu.memory_space<hbm>> -> memref<1x320x128xf32, #tpu.memory_space<hbm>>
      %dma_start3A_214 = tpu.memref_squeeze %dma_start3A_213 : memref<1x320x128xf32, #tpu.memory_space<hbm>> -> memref<320x128xf32, #tpu.memory_space<hbm>>
      %dma_start3A_215 = arith.constant 0 : i32
      %dma_start3A_216 = tpu.memref_slice %arg14[%mul3A_209, %dma_start3A_215] : memref<5120x128xf32, #tpu.memory_space<vmem_shared>> -> memref<320x128xf32, #tpu.memory_space<vmem_shared>>
      tpu.enqueue_dma source(%dma_start3A_216 : memref<320x128xf32, #tpu.memory_space<vmem_shared>>) target(%dma_start3A_214 : memref<320x128xf32, #tpu.memory_space<hbm>>) target_semaphore(%run_scoped3A : memref<!tpu.dma_semaphore, #tpu.memory_space<semaphore_mem>>)
      %dma_wait3A_217 = arith.constant 0 : i32
      %dma_wait3A_218 = tpu.memref_slice %arg6[%arg0, %mul3A_211, %dma_wait3A_217] : memref<2x5120x128xf32, #tpu.memory_space<hbm>> -> memref<1x320x128xf32, #tpu.memory_space<hbm>>
      %dma_wait3A_219 = tpu.memref_squeeze %dma_wait3A_218 : memref<1x320x128xf32, #tpu.memory_space<hbm>> -> memref<320x128xf32, #tpu.memory_space<hbm>>
      %dma_wait3A_220 = arith.constant 0 : i32
      %dma_wait3A_221 = tpu.memref_slice %arg14[%mul3A_209, %dma_wait3A_220] : memref<5120x128xf32, #tpu.memory_space<vmem_shared>> -> memref<320x128xf32, #tpu.memory_space<vmem_shared>>
      tpu.wait_dma2 semaphore(%run_scoped3A : memref<!tpu.dma_semaphore, #tpu.memory_space<semaphore_mem>>) src(%dma_wait3A_221 : memref<320x128xf32, #tpu.memory_space<vmem_shared>>) dst(%dma_wait3A_219 : memref<320x128xf32, #tpu.memory_space<hbm>>)
      tpu.yield
    }) : () -> ()
    return
  }
}

#map = affine_map<(d0, d1) -> (0, 0)>
#map1 = affine_map<(d0, d1) -> (0, 0, 0)>
module attributes {stable_mosaic.version = 14 : i64} {
  func.func @_part_sc(%arg0: i32, %arg1: i32, %arg2: memref<16x20480xi32, #tpu.memory_space<hbm>>, %arg3: memref<16x20480xi32, #tpu.memory_space<hbm>>, %arg4: memref<2x16x20480xi32, #tpu.memory_space<hbm>>, %arg5: memref<2x16x20480xi32, #tpu.memory_space<hbm>>, %arg6: memref<2x16x16xi32, #tpu.memory_space<hbm>>, %arg7: memref<20480xi32, #tpu.memory_space<vmem>>, %arg8: memref<20480xi32, #tpu.memory_space<vmem>>, %arg9: memref<20480xi32, #tpu.memory_space<vmem>>, %arg10: memref<20480xi32, #tpu.memory_space<vmem>>, %arg11: memref<16xi32, #tpu.memory_space<vmem>>) attributes {dimension_semantics = [#tpu.dimension_semantics<core_parallel>, #tpu.dimension_semantics<subcore_parallel>], iteration_bounds = array<i64: 2, 16>, scalar_prefetch = 0 : i64, scratch_operands = 5 : i64, tpu.core_type = #tpu.core_type<sc_vector_subcore>, window_params = [{transform_indices = #map}, {transform_indices = #map}, {transform_indices = #map1}, {transform_indices = #map1}, {transform_indices = #map1}]} {
    %mul3A = arith.constant 5000 : i32
    %mul3A_0 = arith.muli %arg0, %mul3A : i32
    "tpu.region"() ({
      %run_scoped3A = tpu.sem_alloc : memref<!tpu.dma_semaphore, #tpu.memory_space<semaphore_mem>>
      %dma_start3A = arith.constant 0 : i32
      %dma_start3A_17 = tpu.memref_slice %arg2[%arg1, %dma_start3A] : memref<16x20480xi32, #tpu.memory_space<hbm>> -> memref<1x20480xi32, #tpu.memory_space<hbm>>
      %dma_start3A_18 = tpu.memref_squeeze %dma_start3A_17 : memref<1x20480xi32, #tpu.memory_space<hbm>> -> memref<20480xi32, #tpu.memory_space<hbm>>
      %dma_start3A_19 = arith.constant 0 : i32
      %dma_start3A_20 = tpu.memref_slice %arg2[%arg1, %dma_start3A_19] : memref<16x20480xi32, #tpu.memory_space<hbm>> -> memref<1x20480xi32, #tpu.memory_space<hbm>>
      %dma_start3A_21 = tpu.memref_squeeze %dma_start3A_20 : memref<1x20480xi32, #tpu.memory_space<hbm>> -> memref<20480xi32, #tpu.memory_space<hbm>>
      tpu.enqueue_dma source(%dma_start3A_21 : memref<20480xi32, #tpu.memory_space<hbm>>) target(%arg7 : memref<20480xi32, #tpu.memory_space<vmem>>) target_semaphore(%run_scoped3A : memref<!tpu.dma_semaphore, #tpu.memory_space<semaphore_mem>>)
      %dma_wait3A = arith.constant 0 : i32
      %dma_wait3A_22 = tpu.memref_slice %arg2[%arg1, %dma_wait3A] : memref<16x20480xi32, #tpu.memory_space<hbm>> -> memref<1x20480xi32, #tpu.memory_space<hbm>>
      %dma_wait3A_23 = tpu.memref_squeeze %dma_wait3A_22 : memref<1x20480xi32, #tpu.memory_space<hbm>> -> memref<20480xi32, #tpu.memory_space<hbm>>
      %dma_wait3A_24 = arith.constant 0 : i32
      %dma_wait3A_25 = tpu.memref_slice %arg2[%arg1, %dma_wait3A_24] : memref<16x20480xi32, #tpu.memory_space<hbm>> -> memref<1x20480xi32, #tpu.memory_space<hbm>>
      %dma_wait3A_26 = tpu.memref_squeeze %dma_wait3A_25 : memref<1x20480xi32, #tpu.memory_space<hbm>> -> memref<20480xi32, #tpu.memory_space<hbm>>
      tpu.wait_dma2 semaphore(%run_scoped3A : memref<!tpu.dma_semaphore, #tpu.memory_space<semaphore_mem>>) src(%dma_wait3A_26 : memref<20480xi32, #tpu.memory_space<hbm>>) dst(%arg7 : memref<20480xi32, #tpu.memory_space<vmem>>)
      tpu.yield
    }) : () -> ()
    "tpu.region"() ({
      %run_scoped3A = tpu.sem_alloc : memref<!tpu.dma_semaphore, #tpu.memory_space<semaphore_mem>>
      %dma_start3A = arith.constant 0 : i32
      %dma_start3A_17 = tpu.memref_slice %arg3[%arg1, %dma_start3A] : memref<16x20480xi32, #tpu.memory_space<hbm>> -> memref<1x20480xi32, #tpu.memory_space<hbm>>
      %dma_start3A_18 = tpu.memref_squeeze %dma_start3A_17 : memref<1x20480xi32, #tpu.memory_space<hbm>> -> memref<20480xi32, #tpu.memory_space<hbm>>
      %dma_start3A_19 = arith.constant 0 : i32
      %dma_start3A_20 = tpu.memref_slice %arg3[%arg1, %dma_start3A_19] : memref<16x20480xi32, #tpu.memory_space<hbm>> -> memref<1x20480xi32, #tpu.memory_space<hbm>>
      %dma_start3A_21 = tpu.memref_squeeze %dma_start3A_20 : memref<1x20480xi32, #tpu.memory_space<hbm>> -> memref<20480xi32, #tpu.memory_space<hbm>>
      tpu.enqueue_dma source(%dma_start3A_21 : memref<20480xi32, #tpu.memory_space<hbm>>) target(%arg8 : memref<20480xi32, #tpu.memory_space<vmem>>) target_semaphore(%run_scoped3A : memref<!tpu.dma_semaphore, #tpu.memory_space<semaphore_mem>>)
      %dma_wait3A = arith.constant 0 : i32
      %dma_wait3A_22 = tpu.memref_slice %arg3[%arg1, %dma_wait3A] : memref<16x20480xi32, #tpu.memory_space<hbm>> -> memref<1x20480xi32, #tpu.memory_space<hbm>>
      %dma_wait3A_23 = tpu.memref_squeeze %dma_wait3A_22 : memref<1x20480xi32, #tpu.memory_space<hbm>> -> memref<20480xi32, #tpu.memory_space<hbm>>
      %dma_wait3A_24 = arith.constant 0 : i32
      %dma_wait3A_25 = tpu.memref_slice %arg3[%arg1, %dma_wait3A_24] : memref<16x20480xi32, #tpu.memory_space<hbm>> -> memref<1x20480xi32, #tpu.memory_space<hbm>>
      %dma_wait3A_26 = tpu.memref_squeeze %dma_wait3A_25 : memref<1x20480xi32, #tpu.memory_space<hbm>> -> memref<20480xi32, #tpu.memory_space<hbm>>
      tpu.wait_dma2 semaphore(%run_scoped3A : memref<!tpu.dma_semaphore, #tpu.memory_space<semaphore_mem>>) src(%dma_wait3A_26 : memref<20480xi32, #tpu.memory_space<hbm>>) dst(%arg8 : memref<20480xi32, #tpu.memory_space<vmem>>)
      tpu.yield
    }) : () -> ()
    %broadcast_in_dim3A = arith.constant 0 : i32
    %broadcast_in_dim3A_1 = vector.broadcast %broadcast_in_dim3A : i32 to vector<16xi32>
    %broadcast_in_dim3A_2 = arith.constant 5000 : i32
    %broadcast_in_dim3A_3 = vector.broadcast %broadcast_in_dim3A_2 : i32 to vector<16xi32>
    %scan3A = arith.constant 0 : i32
    %scan3A_4 = arith.constant 1280 : i32
    %scan3A_5 = arith.addi %scan3A, %scan3A_4 : i32
    %scan3A_6 = arith.constant 1 : i32
    scf.for %scan3A_17 = %scan3A to %scan3A_5 step %scan3A_6  : i32 {
      %mul3A_18 = arith.constant 1 : i32
      %mul3A_19 = arith.muli %scan3A_17, %mul3A_18 : i32
      %add3A = arith.constant 0 : i32
      %add3A_20 = arith.addi %add3A, %mul3A_19 : i32
      %mul3A_21 = arith.constant 16 : i32
      %mul3A_22 = arith.muli %add3A_20, %mul3A_21 : i32
      %swap3A_23 = arith.index_cast %mul3A_22 : i32 to index
      %swap3A_24 = tpu.vector_load %arg9[%swap3A_23] {strides = array<i32>} : memref<20480xi32, #tpu.memory_space<vmem>>, vector<16xi32>,
      tpu.vector_store %arg9[%swap3A_23], %broadcast_in_dim3A_1 {strides = array<i32>} : memref<20480xi32, #tpu.memory_space<vmem>>, vector<16xi32>,
      %mul3A_25 = arith.constant 16 : i32
      %mul3A_26 = arith.muli %add3A_20, %mul3A_25 : i32
      %swap3A_27 = arith.index_cast %mul3A_26 : i32 to index
      %swap3A_28 = tpu.vector_load %arg10[%swap3A_27] {strides = array<i32>} : memref<20480xi32, #tpu.memory_space<vmem>>, vector<16xi32>,
      tpu.vector_store %arg10[%swap3A_27], %broadcast_in_dim3A_3 {strides = array<i32>} : memref<20480xi32, #tpu.memory_space<vmem>>, vector<16xi32>,
    }
    %scan3A_7 = arith.constant 1280 : i32
    %scan3A_8 = arith.constant 0 : i32
    %scan3A_9 = arith.constant 0 : i32
    %scan3A_10 = arith.constant 1280 : i32
    %scan3A_11 = arith.addi %scan3A_9, %scan3A_10 : i32
    %scan3A_12 = arith.constant 1 : i32
    %scan3A_13 = scf.for %scan3A_17 = %scan3A_9 to %scan3A_11 step %scan3A_12 iter_args(%scan3A_18 = %scan3A_8) -> (i32)  : i32 {
      %mul3A_19 = arith.constant 1 : i32
      %mul3A_20 = arith.muli %scan3A_17, %mul3A_19 : i32
      %add3A = arith.constant 0 : i32
      %add3A_21 = arith.addi %add3A, %mul3A_20 : i32
      %mul3A_22 = arith.constant 16 : i32
      %mul3A_23 = arith.muli %add3A_21, %mul3A_22 : i32
      %get3A = arith.index_cast %mul3A_23 : i32 to index
      %get3A_24 = tpu.vector_load %arg7[%get3A] {strides = array<i32>} : memref<20480xi32, #tpu.memory_space<vmem>>, vector<16xi32>,
      %mul3A_25 = arith.constant 16 : i32
      %mul3A_26 = arith.muli %add3A_21, %mul3A_25 : i32
      %get3A_27 = arith.index_cast %mul3A_26 : i32 to index
      %get3A_28 = tpu.vector_load %arg8[%get3A_27] {strides = array<i32>} : memref<20480xi32, #tpu.memory_space<vmem>>, vector<16xi32>,
      %sub3A = vector.broadcast %mul3A_0 : i32 to vector<16xi32>
      %sub3A_29 = arith.subi %get3A_28, %sub3A : vector<16xi32>
      %ge3A = arith.constant 0 : i32
      %ge3A_30 = vector.broadcast %ge3A : i32 to vector<16xi32>
      %ge3A_31 = arith.cmpi sge, %sub3A_29, %ge3A_30 : vector<16xi32>
      %lt3A = arith.constant 5000 : i32
      %lt3A_32 = vector.broadcast %lt3A : i32 to vector<16xi32>
      %lt3A_33 = arith.cmpi slt, %sub3A_29, %lt3A_32 : vector<16xi32>
      %and3A = arith.andi %ge3A_31, %lt3A_33 : vector<16xi1>
      %swap3A_34 = arith.index_cast %scan3A_18 : i32 to index
      %swap3A_35 = tpu.vector_load %arg9[%swap3A_34] masked %and3A {strides = array<i32>} : memref<20480xi32, #tpu.memory_space<vmem>>, vector<16xi32>, vector<16xi1>
      tpu.vector_store %arg9[%swap3A_34], %get3A_24 masked %and3A {strides = array<i32>} : memref<20480xi32, #tpu.memory_space<vmem>>, vector<16xi32>, vector<16xi1>
      %swap3A_36 = arith.index_cast %scan3A_18 : i32 to index
      %swap3A_37 = tpu.vector_load %arg10[%swap3A_36] masked %and3A {strides = array<i32>} : memref<20480xi32, #tpu.memory_space<vmem>>, vector<16xi32>, vector<16xi1>
      tpu.vector_store %arg10[%swap3A_36], %sub3A_29 masked %and3A {strides = array<i32>} : memref<20480xi32, #tpu.memory_space<vmem>>, vector<16xi32>, vector<16xi1>
      %jit3A = arith.constant 1 : i32
      %jit3A_38 = arith.constant 0 : i32
      %broadcast_in_dim3A_39 = vector.broadcast %jit3A : i32 to vector<16xi32>
      %broadcast_in_dim3A_40 = vector.broadcast %jit3A_38 : i32 to vector<16xi32>
      %select_n3A = arith.select %and3A, %broadcast_in_dim3A_39, %broadcast_in_dim3A_40 : vector<16xi1>, vector<16xi32>
      %reduce_sum3A = arith.constant true
      %reduce_sum3A_41 = vector.broadcast %reduce_sum3A : i1 to vector<16xi1>
      %reduce_sum3A_42 = tpu.scan <sum>, %select_n3A masked %reduce_sum3A_41 : vector<16xi32>, vector<16xi1> -> vector<16xi32>
      %reduce_sum3A_43 = vector.extract %reduce_sum3A_42[15] : i32 from vector<16xi32>
      %add3A_44 = arith.addi %scan3A_18, %reduce_sum3A_43 : i32
      scf.yield %add3A_44 : i32
    }
    %scan3A_14 = arith.constant 1280 : i32
    "tpu.region"() ({
      %run_scoped3A = tpu.sem_alloc : memref<!tpu.dma_semaphore, #tpu.memory_space<semaphore_mem>>
      %dma_start3A = arith.constant 0 : i32
      %dma_start3A_17 = tpu.memref_slice %arg4[%arg0, %arg1, %dma_start3A] : memref<2x16x20480xi32, #tpu.memory_space<hbm>> -> memref<1x1x20480xi32, #tpu.memory_space<hbm>>
      %dma_start3A_18 = tpu.memref_squeeze %dma_start3A_17 : memref<1x1x20480xi32, #tpu.memory_space<hbm>> -> memref<20480xi32, #tpu.memory_space<hbm>>
      %dma_start3A_19 = arith.constant 0 : i32
      %dma_start3A_20 = tpu.memref_slice %arg4[%arg0, %arg1, %dma_start3A_19] : memref<2x16x20480xi32, #tpu.memory_space<hbm>> -> memref<1x1x20480xi32, #tpu.memory_space<hbm>>
      %dma_start3A_21 = tpu.memref_squeeze %dma_start3A_20 : memref<1x1x20480xi32, #tpu.memory_space<hbm>> -> memref<20480xi32, #tpu.memory_space<hbm>>
      tpu.enqueue_dma source(%arg9 : memref<20480xi32, #tpu.memory_space<vmem>>) target(%dma_start3A_21 : memref<20480xi32, #tpu.memory_space<hbm>>) target_semaphore(%run_scoped3A : memref<!tpu.dma_semaphore, #tpu.memory_space<semaphore_mem>>)
      %dma_wait3A = arith.constant 0 : i32
      %dma_wait3A_22 = tpu.memref_slice %arg4[%arg0, %arg1, %dma_wait3A] : memref<2x16x20480xi32, #tpu.memory_space<hbm>> -> memref<1x1x20480xi32, #tpu.memory_space<hbm>>
      %dma_wait3A_23 = tpu.memref_squeeze %dma_wait3A_22 : memref<1x1x20480xi32, #tpu.memory_space<hbm>> -> memref<20480xi32, #tpu.memory_space<hbm>>
      %dma_wait3A_24 = arith.constant 0 : i32
      %dma_wait3A_25 = tpu.memref_slice %arg4[%arg0, %arg1, %dma_wait3A_24] : memref<2x16x20480xi32, #tpu.memory_space<hbm>> -> memref<1x1x20480xi32, #tpu.memory_space<hbm>>
      %dma_wait3A_26 = tpu.memref_squeeze %dma_wait3A_25 : memref<1x1x20480xi32, #tpu.memory_space<hbm>> -> memref<20480xi32, #tpu.memory_space<hbm>>
      tpu.wait_dma2 semaphore(%run_scoped3A : memref<!tpu.dma_semaphore, #tpu.memory_space<semaphore_mem>>) src(%arg9 : memref<20480xi32, #tpu.memory_space<vmem>>) dst(%dma_wait3A_26 : memref<20480xi32, #tpu.memory_space<hbm>>)
      tpu.yield
    }) : () -> ()
    "tpu.region"() ({
      %run_scoped3A = tpu.sem_alloc : memref<!tpu.dma_semaphore, #tpu.memory_space<semaphore_mem>>
      %dma_start3A = arith.constant 0 : i32
      %dma_start3A_17 = tpu.memref_slice %arg5[%arg0, %arg1, %dma_start3A] : memref<2x16x20480xi32, #tpu.memory_space<hbm>> -> memref<1x1x20480xi32, #tpu.memory_space<hbm>>
      %dma_start3A_18 = tpu.memref_squeeze %dma_start3A_17 : memref<1x1x20480xi32, #tpu.memory_space<hbm>> -> memref<20480xi32, #tpu.memory_space<hbm>>
      %dma_start3A_19 = arith.constant 0 : i32
      %dma_start3A_20 = tpu.memref_slice %arg5[%arg0, %arg1, %dma_start3A_19] : memref<2x16x20480xi32, #tpu.memory_space<hbm>> -> memref<1x1x20480xi32, #tpu.memory_space<hbm>>
      %dma_start3A_21 = tpu.memref_squeeze %dma_start3A_20 : memref<1x1x20480xi32, #tpu.memory_space<hbm>> -> memref<20480xi32, #tpu.memory_space<hbm>>
      tpu.enqueue_dma source(%arg10 : memref<20480xi32, #tpu.memory_space<vmem>>) target(%dma_start3A_21 : memref<20480xi32, #tpu.memory_space<hbm>>) target_semaphore(%run_scoped3A : memref<!tpu.dma_semaphore, #tpu.memory_space<semaphore_mem>>)
      %dma_wait3A = arith.constant 0 : i32
      %dma_wait3A_22 = tpu.memref_slice %arg5[%arg0, %arg1, %dma_wait3A] : memref<2x16x20480xi32, #tpu.memory_space<hbm>> -> memref<1x1x20480xi32, #tpu.memory_space<hbm>>
      %dma_wait3A_23 = tpu.memref_squeeze %dma_wait3A_22 : memref<1x1x20480xi32, #tpu.memory_space<hbm>> -> memref<20480xi32, #tpu.memory_space<hbm>>
      %dma_wait3A_24 = arith.constant 0 : i32
      %dma_wait3A_25 = tpu.memref_slice %arg5[%arg0, %arg1, %dma_wait3A_24] : memref<2x16x20480xi32, #tpu.memory_space<hbm>> -> memref<1x1x20480xi32, #tpu.memory_space<hbm>>
      %dma_wait3A_26 = tpu.memref_squeeze %dma_wait3A_25 : memref<1x1x20480xi32, #tpu.memory_space<hbm>> -> memref<20480xi32, #tpu.memory_space<hbm>>
      tpu.wait_dma2 semaphore(%run_scoped3A : memref<!tpu.dma_semaphore, #tpu.memory_space<semaphore_mem>>) src(%arg10 : memref<20480xi32, #tpu.memory_space<vmem>>) dst(%dma_wait3A_26 : memref<20480xi32, #tpu.memory_space<hbm>>)
      tpu.yield
    }) : () -> ()
    %broadcast_in_dim3A_15 = vector.broadcast %scan3A_13 : i32 to vector<16xi32>
    %swap3A = arith.constant 0 : index
    %swap3A_16 = tpu.vector_load %arg11[%swap3A] {strides = array<i32>} : memref<16xi32, #tpu.memory_space<vmem>>, vector<16xi32>,
    tpu.vector_store %arg11[%swap3A], %broadcast_in_dim3A_15 {strides = array<i32>} : memref<16xi32, #tpu.memory_space<vmem>>, vector<16xi32>,
    "tpu.region"() ({
      %run_scoped3A = tpu.sem_alloc : memref<!tpu.dma_semaphore, #tpu.memory_space<semaphore_mem>>
      %dma_start3A = arith.constant 0 : i32
      %dma_start3A_17 = tpu.memref_slice %arg6[%arg0, %arg1, %dma_start3A] : memref<2x16x16xi32, #tpu.memory_space<hbm>> -> memref<1x1x16xi32, #tpu.memory_space<hbm>>
      %dma_start3A_18 = tpu.memref_squeeze %dma_start3A_17 : memref<1x1x16xi32, #tpu.memory_space<hbm>> -> memref<16xi32, #tpu.memory_space<hbm>>
      %dma_start3A_19 = arith.constant 0 : i32
      %dma_start3A_20 = tpu.memref_slice %arg6[%arg0, %arg1, %dma_start3A_19] : memref<2x16x16xi32, #tpu.memory_space<hbm>> -> memref<1x1x16xi32, #tpu.memory_space<hbm>>
      %dma_start3A_21 = tpu.memref_squeeze %dma_start3A_20 : memref<1x1x16xi32, #tpu.memory_space<hbm>> -> memref<16xi32, #tpu.memory_space<hbm>>
      tpu.enqueue_dma source(%arg11 : memref<16xi32, #tpu.memory_space<vmem>>) target(%dma_start3A_21 : memref<16xi32, #tpu.memory_space<hbm>>) target_semaphore(%run_scoped3A : memref<!tpu.dma_semaphore, #tpu.memory_space<semaphore_mem>>)
      %dma_wait3A = arith.constant 0 : i32
      %dma_wait3A_22 = tpu.memref_slice %arg6[%arg0, %arg1, %dma_wait3A] : memref<2x16x16xi32, #tpu.memory_space<hbm>> -> memref<1x1x16xi32, #tpu.memory_space<hbm>>
      %dma_wait3A_23 = tpu.memref_squeeze %dma_wait3A_22 : memref<1x1x16xi32, #tpu.memory_space<hbm>> -> memref<16xi32, #tpu.memory_space<hbm>>
      %dma_wait3A_24 = arith.constant 0 : i32
      %dma_wait3A_25 = tpu.memref_slice %arg6[%arg0, %arg1, %dma_wait3A_24] : memref<2x16x16xi32, #tpu.memory_space<hbm>> -> memref<1x1x16xi32, #tpu.memory_space<hbm>>
      %dma_wait3A_26 = tpu.memref_squeeze %dma_wait3A_25 : memref<1x1x16xi32, #tpu.memory_space<hbm>> -> memref<16xi32, #tpu.memory_space<hbm>>
      tpu.wait_dma2 semaphore(%run_scoped3A : memref<!tpu.dma_semaphore, #tpu.memory_space<semaphore_mem>>) src(%arg11 : memref<16xi32, #tpu.memory_space<vmem>>) dst(%dma_wait3A_26 : memref<16xi32, #tpu.memory_space<hbm>>)
      tpu.yield
    }) : () -> ()
    return
  }
}

#map = affine_map<(d0, d1) -> (0, 0)>
#map1 = affine_map<(d0, d1) -> (0, 0, 0, 0)>
#map2 = affine_map<(d0, d1) -> (0, 0, 0)>
module attributes {stable_mosaic.version = 14 : i64} {
  func.func @_agg_sc(%arg0: i32, %arg1: i32, %arg2: memref<10000x128xf32, #tpu.memory_space<hbm>>, %arg3: memref<2x16x320x64xi32, #tpu.memory_space<hbm>>, %arg4: memref<2x16x320x64xi32, #tpu.memory_space<hbm>>, %arg5: memref<2x16x16xi32, #tpu.memory_space<hbm>>, %arg6: memref<2x5120x128xf32, #tpu.memory_space<hbm>>, %arg7: memref<320x64xi32, #tpu.memory_space<vmem>>, %arg8: memref<320x64xi32, #tpu.memory_space<vmem>>, %arg9: memref<64x128xf32, #tpu.memory_space<vmem>>, %arg10: memref<64x128xf32, #tpu.memory_space<vmem>>, %arg11: memref<64x128xf32, #tpu.memory_space<vmem>>, %arg12: memref<64x128xf32, #tpu.memory_space<vmem>>, %arg13: memref<16xi32, #tpu.memory_space<vmem>>, %arg14: memref<5120x128xf32, #tpu.memory_space<vmem_shared>>, %arg15: memref<!tpu.dma_semaphore, #tpu.memory_space<semaphore_mem>>, %arg16: memref<!tpu.dma_semaphore, #tpu.memory_space<semaphore_mem>>, %arg17: memref<!tpu.dma_semaphore, #tpu.memory_space<semaphore_mem>>, %arg18: memref<!tpu.dma_semaphore, #tpu.memory_space<semaphore_mem>>, %arg19: memref<!tpu.dma_semaphore, #tpu.memory_space<semaphore_mem>>, %arg20: memref<!tpu.dma_semaphore, #tpu.memory_space<semaphore_mem>>, %arg21: memref<!tpu.dma_semaphore, #tpu.memory_space<semaphore_mem>>, %arg22: memref<!tpu.dma_semaphore, #tpu.memory_space<semaphore_mem>>) attributes {dimension_semantics = [#tpu.dimension_semantics<core_parallel>, #tpu.dimension_semantics<subcore_parallel>], iteration_bounds = array<i64: 2, 16>, scalar_prefetch = 0 : i64, scratch_operands = 16 : i64, tpu.core_type = #tpu.core_type<sc_vector_subcore>, window_params = [{transform_indices = #map}, {transform_indices = #map1}, {transform_indices = #map1}, {transform_indices = #map2}, {transform_indices = #map2}]} {
    %broadcast_in_dim3A = arith.constant 0.000000e+00 : f32
    %broadcast_in_dim3A_0 = vector.broadcast %broadcast_in_dim3A : f32 to vector<16xf32>
    %scan3A = arith.constant 0 : i32
    %scan3A_1 = arith.constant 64 : i32
    %scan3A_2 = arith.addi %scan3A, %scan3A_1 : i32
    %scan3A_3 = arith.constant 1 : i32
    scf.for %scan3A_212 = %scan3A to %scan3A_2 step %scan3A_3  : i32 {
      %mul3A_213 = arith.constant 1 : i32
      %mul3A_214 = arith.muli %scan3A_212, %mul3A_213 : i32
      %add3A_215 = arith.constant 0 : i32
      %add3A_216 = arith.addi %add3A_215, %mul3A_214 : i32
      %scan3A_217 = arith.constant 0 : i32
      %scan3A_218 = arith.constant 8 : i32
      %scan3A_219 = arith.addi %scan3A_217, %scan3A_218 : i32
      %scan3A_220 = arith.constant 1 : i32
      scf.for %scan3A_222 = %scan3A_217 to %scan3A_219 step %scan3A_220  : i32 {
        %mul3A_223 = arith.constant 16 : i32
        %mul3A_224 = arith.muli %scan3A_222, %mul3A_223 : i32
        %add3A_225 = arith.constant 0 : i32
        %add3A_226 = arith.addi %add3A_225, %mul3A_224 : i32
        %swap3A = arith.index_cast %add3A_216 : i32 to index
        %swap3A_227 = arith.index_cast %add3A_226 : i32 to index
        %swap3A_228 = tpu.vector_load %arg9[%swap3A, %swap3A_227] {strides = array<i32>} : memref<64x128xf32, #tpu.memory_space<vmem>>, vector<16xf32>,
        tpu.vector_store %arg9[%swap3A, %swap3A_227], %broadcast_in_dim3A_0 {strides = array<i32>} : memref<64x128xf32, #tpu.memory_space<vmem>>, vector<16xf32>,
      }
      %scan3A_221 = arith.constant 8 : i32
    }
    %scan3A_4 = arith.constant 64 : i32
    %scan3A_5 = arith.constant 0 : i32
    %scan3A_6 = arith.constant 5 : i32
    %scan3A_7 = arith.addi %scan3A_5, %scan3A_6 : i32
    %scan3A_8 = arith.constant 1 : i32
    scf.for %scan3A_212 = %scan3A_5 to %scan3A_7 step %scan3A_8  : i32 {
      %mul3A_213 = arith.constant 1 : i32
      %mul3A_214 = arith.muli %scan3A_212, %mul3A_213 : i32
      %add3A_215 = arith.constant 0 : i32
      %add3A_216 = arith.addi %add3A_215, %mul3A_214 : i32
      %mul3A_217 = arith.constant 320 : i32
      %mul3A_218 = arith.muli %arg1, %mul3A_217 : i32
      %mul3A_219 = arith.constant 64 : i32
      %mul3A_220 = arith.muli %add3A_216, %mul3A_219 : i32
      %add3A_221 = arith.addi %mul3A_218, %mul3A_220 : i32
      "tpu.region"() ({
        %run_scoped3A = tpu.sem_alloc : memref<!tpu.dma_semaphore, #tpu.memory_space<semaphore_mem>>
        %dma_start3A_222 = arith.constant 0 : i32
        %dma_start3A_223 = tpu.memref_slice %arg14[%add3A_221, %dma_start3A_222] : memref<5120x128xf32, #tpu.memory_space<vmem_shared>> -> memref<64x128xf32, #tpu.memory_space<vmem_shared>>
        %dma_start3A_224 = arith.constant 0 : i32
        %dma_start3A_225 = tpu.memref_slice %arg14[%add3A_221, %dma_start3A_224] : memref<5120x128xf32, #tpu.memory_space<vmem_shared>> -> memref<64x128xf32, #tpu.memory_space<vmem_shared>>
        tpu.enqueue_dma source(%arg9 : memref<64x128xf32, #tpu.memory_space<vmem>>) target(%dma_start3A_225 : memref<64x128xf32, #tpu.memory_space<vmem_shared>>) target_semaphore(%run_scoped3A : memref<!tpu.dma_semaphore, #tpu.memory_space<semaphore_mem>>)
        %dma_wait3A_226 = arith.constant 0 : i32
        %dma_wait3A_227 = tpu.memref_slice %arg14[%add3A_221, %dma_wait3A_226] : memref<5120x128xf32, #tpu.memory_space<vmem_shared>> -> memref<64x128xf32, #tpu.memory_space<vmem_shared>>
        %dma_wait3A_228 = arith.constant 0 : i32
        %dma_wait3A_229 = tpu.memref_slice %arg14[%add3A_221, %dma_wait3A_228] : memref<5120x128xf32, #tpu.memory_space<vmem_shared>> -> memref<64x128xf32, #tpu.memory_space<vmem_shared>>
        tpu.wait_dma2 semaphore(%run_scoped3A : memref<!tpu.dma_semaphore, #tpu.memory_space<semaphore_mem>>) src(%arg9 : memref<64x128xf32, #tpu.memory_space<vmem>>) dst(%dma_wait3A_229 : memref<64x128xf32, #tpu.memory_space<vmem_shared>>)
        tpu.yield
      }) : () -> ()
    }
    %scan3A_9 = arith.constant 5 : i32
    %barrier3A = arith.constant 0 : index
    tpu.barrier barrier_id(%barrier3A)
    "tpu.region"() ({
      %run_scoped3A = tpu.sem_alloc : memref<!tpu.dma_semaphore, #tpu.memory_space<semaphore_mem>>
      %dma_start3A_212 = arith.constant 0 : i32
      %dma_start3A_213 = arith.constant 0 : i32
      %dma_start3A_214 = tpu.memref_slice %arg3[%arg0, %arg1, %dma_start3A_212, %dma_start3A_213] : memref<2x16x320x64xi32, #tpu.memory_space<hbm>> -> memref<1x1x320x64xi32, #tpu.memory_space<hbm>>
      %dma_start3A_215 = tpu.memref_squeeze %dma_start3A_214 : memref<1x1x320x64xi32, #tpu.memory_space<hbm>> -> memref<320x64xi32, #tpu.memory_space<hbm>>
      %dma_start3A_216 = arith.constant 0 : i32
      %dma_start3A_217 = arith.constant 0 : i32
      %dma_start3A_218 = tpu.memref_slice %arg3[%arg0, %arg1, %dma_start3A_216, %dma_start3A_217] : memref<2x16x320x64xi32, #tpu.memory_space<hbm>> -> memref<1x1x320x64xi32, #tpu.memory_space<hbm>>
      %dma_start3A_219 = tpu.memref_squeeze %dma_start3A_218 : memref<1x1x320x64xi32, #tpu.memory_space<hbm>> -> memref<320x64xi32, #tpu.memory_space<hbm>>
      tpu.enqueue_dma source(%dma_start3A_219 : memref<320x64xi32, #tpu.memory_space<hbm>>) target(%arg7 : memref<320x64xi32, #tpu.memory_space<vmem>>) target_semaphore(%run_scoped3A : memref<!tpu.dma_semaphore, #tpu.memory_space<semaphore_mem>>)
      %dma_wait3A_220 = arith.constant 0 : i32
      %dma_wait3A_221 = arith.constant 0 : i32
      %dma_wait3A_222 = tpu.memref_slice %arg3[%arg0, %arg1, %dma_wait3A_220, %dma_wait3A_221] : memref<2x16x320x64xi32, #tpu.memory_space<hbm>> -> memref<1x1x320x64xi32, #tpu.memory_space<hbm>>
      %dma_wait3A_223 = tpu.memref_squeeze %dma_wait3A_222 : memref<1x1x320x64xi32, #tpu.memory_space<hbm>> -> memref<320x64xi32, #tpu.memory_space<hbm>>
      %dma_wait3A_224 = arith.constant 0 : i32
      %dma_wait3A_225 = arith.constant 0 : i32
      %dma_wait3A_226 = tpu.memref_slice %arg3[%arg0, %arg1, %dma_wait3A_224, %dma_wait3A_225] : memref<2x16x320x64xi32, #tpu.memory_space<hbm>> -> memref<1x1x320x64xi32, #tpu.memory_space<hbm>>
      %dma_wait3A_227 = tpu.memref_squeeze %dma_wait3A_226 : memref<1x1x320x64xi32, #tpu.memory_space<hbm>> -> memref<320x64xi32, #tpu.memory_space<hbm>>
      tpu.wait_dma2 semaphore(%run_scoped3A : memref<!tpu.dma_semaphore, #tpu.memory_space<semaphore_mem>>) src(%dma_wait3A_227 : memref<320x64xi32, #tpu.memory_space<hbm>>) dst(%arg7 : memref<320x64xi32, #tpu.memory_space<vmem>>)
      tpu.yield
    }) : () -> ()
    "tpu.region"() ({
      %run_scoped3A = tpu.sem_alloc : memref<!tpu.dma_semaphore, #tpu.memory_space<semaphore_mem>>
      %dma_start3A_212 = arith.constant 0 : i32
      %dma_start3A_213 = arith.constant 0 : i32
      %dma_start3A_214 = tpu.memref_slice %arg4[%arg0, %arg1, %dma_start3A_212, %dma_start3A_213] : memref<2x16x320x64xi32, #tpu.memory_space<hbm>> -> memref<1x1x320x64xi32, #tpu.memory_space<hbm>>
      %dma_start3A_215 = tpu.memref_squeeze %dma_start3A_214 : memref<1x1x320x64xi32, #tpu.memory_space<hbm>> -> memref<320x64xi32, #tpu.memory_space<hbm>>
      %dma_start3A_216 = arith.constant 0 : i32
      %dma_start3A_217 = arith.constant 0 : i32
      %dma_start3A_218 = tpu.memref_slice %arg4[%arg0, %arg1, %dma_start3A_216, %dma_start3A_217] : memref<2x16x320x64xi32, #tpu.memory_space<hbm>> -> memref<1x1x320x64xi32, #tpu.memory_space<hbm>>
      %dma_start3A_219 = tpu.memref_squeeze %dma_start3A_218 : memref<1x1x320x64xi32, #tpu.memory_space<hbm>> -> memref<320x64xi32, #tpu.memory_space<hbm>>
      tpu.enqueue_dma source(%dma_start3A_219 : memref<320x64xi32, #tpu.memory_space<hbm>>) target(%arg8 : memref<320x64xi32, #tpu.memory_space<vmem>>) target_semaphore(%run_scoped3A : memref<!tpu.dma_semaphore, #tpu.memory_space<semaphore_mem>>)
      %dma_wait3A_220 = arith.constant 0 : i32
      %dma_wait3A_221 = arith.constant 0 : i32
      %dma_wait3A_222 = tpu.memref_slice %arg4[%arg0, %arg1, %dma_wait3A_220, %dma_wait3A_221] : memref<2x16x320x64xi32, #tpu.memory_space<hbm>> -> memref<1x1x320x64xi32, #tpu.memory_space<hbm>>
      %dma_wait3A_223 = tpu.memref_squeeze %dma_wait3A_222 : memref<1x1x320x64xi32, #tpu.memory_space<hbm>> -> memref<320x64xi32, #tpu.memory_space<hbm>>
      %dma_wait3A_224 = arith.constant 0 : i32
      %dma_wait3A_225 = arith.constant 0 : i32
      %dma_wait3A_226 = tpu.memref_slice %arg4[%arg0, %arg1, %dma_wait3A_224, %dma_wait3A_225] : memref<2x16x320x64xi32, #tpu.memory_space<hbm>> -> memref<1x1x320x64xi32, #tpu.memory_space<hbm>>
      %dma_wait3A_227 = tpu.memref_squeeze %dma_wait3A_226 : memref<1x1x320x64xi32, #tpu.memory_space<hbm>> -> memref<320x64xi32, #tpu.memory_space<hbm>>
      tpu.wait_dma2 semaphore(%run_scoped3A : memref<!tpu.dma_semaphore, #tpu.memory_space<semaphore_mem>>) src(%dma_wait3A_227 : memref<320x64xi32, #tpu.memory_space<hbm>>) dst(%arg8 : memref<320x64xi32, #tpu.memory_space<vmem>>)
      tpu.yield
    }) : () -> ()
    "tpu.region"() ({
      %run_scoped3A = tpu.sem_alloc : memref<!tpu.dma_semaphore, #tpu.memory_space<semaphore_mem>>
      %dma_start3A_212 = arith.constant 0 : i32
      %dma_start3A_213 = tpu.memref_slice %arg5[%arg0, %arg1, %dma_start3A_212] : memref<2x16x16xi32, #tpu.memory_space<hbm>> -> memref<1x1x16xi32, #tpu.memory_space<hbm>>
      %dma_start3A_214 = tpu.memref_squeeze %dma_start3A_213 : memref<1x1x16xi32, #tpu.memory_space<hbm>> -> memref<16xi32, #tpu.memory_space<hbm>>
      %dma_start3A_215 = arith.constant 0 : i32
      %dma_start3A_216 = tpu.memref_slice %arg5[%arg0, %arg1, %dma_start3A_215] : memref<2x16x16xi32, #tpu.memory_space<hbm>> -> memref<1x1x16xi32, #tpu.memory_space<hbm>>
      %dma_start3A_217 = tpu.memref_squeeze %dma_start3A_216 : memref<1x1x16xi32, #tpu.memory_space<hbm>> -> memref<16xi32, #tpu.memory_space<hbm>>
      tpu.enqueue_dma source(%dma_start3A_217 : memref<16xi32, #tpu.memory_space<hbm>>) target(%arg13 : memref<16xi32, #tpu.memory_space<vmem>>) target_semaphore(%run_scoped3A : memref<!tpu.dma_semaphore, #tpu.memory_space<semaphore_mem>>)
      %dma_wait3A_218 = arith.constant 0 : i32
      %dma_wait3A_219 = tpu.memref_slice %arg5[%arg0, %arg1, %dma_wait3A_218] : memref<2x16x16xi32, #tpu.memory_space<hbm>> -> memref<1x1x16xi32, #tpu.memory_space<hbm>>
      %dma_wait3A_220 = tpu.memref_squeeze %dma_wait3A_219 : memref<1x1x16xi32, #tpu.memory_space<hbm>> -> memref<16xi32, #tpu.memory_space<hbm>>
      %dma_wait3A_221 = arith.constant 0 : i32
      %dma_wait3A_222 = tpu.memref_slice %arg5[%arg0, %arg1, %dma_wait3A_221] : memref<2x16x16xi32, #tpu.memory_space<hbm>> -> memref<1x1x16xi32, #tpu.memory_space<hbm>>
      %dma_wait3A_223 = tpu.memref_squeeze %dma_wait3A_222 : memref<1x1x16xi32, #tpu.memory_space<hbm>> -> memref<16xi32, #tpu.memory_space<hbm>>
      tpu.wait_dma2 semaphore(%run_scoped3A : memref<!tpu.dma_semaphore, #tpu.memory_space<semaphore_mem>>) src(%dma_wait3A_223 : memref<16xi32, #tpu.memory_space<hbm>>) dst(%arg13 : memref<16xi32, #tpu.memory_space<vmem>>)
      tpu.yield
    }) : () -> ()
    %get3A = arith.constant 0 : index
    %get3A_10 = tpu.vector_load %arg13[%get3A] {strides = array<i32>} : memref<16xi32, #tpu.memory_space<vmem>>, vector<16xi32>,
    %reduce_max3A = arith.constant true
    %reduce_max3A_11 = vector.broadcast %reduce_max3A : i1 to vector<16xi1>
    %reduce_max3A_12 = arith.constant -2147483648 : i32
    %reduce_max3A_13 = vector.broadcast %reduce_max3A_12 : i32 to vector<16xi32>
    %reduce_max3A_14 = arith.xori %get3A_10, %reduce_max3A_13 : vector<16xi32>
    %reduce_max3A_15 = tpu.scan <max>, %reduce_max3A_14 masked %reduce_max3A_11 : vector<16xi32>, vector<16xi1> -> vector<16xi32>
    %reduce_max3A_16 = arith.xori %reduce_max3A_15, %reduce_max3A_13 : vector<16xi32>
    %reduce_max3A_17 = vector.extract %reduce_max3A_16[15] : i32 from vector<16xi32>
    %add3A = arith.constant 63 : i32
    %add3A_18 = arith.addi %reduce_max3A_17, %add3A : i32
    %jit3A = arith.constant 64 : i32
    %div3A = arith.divsi %add3A_18, %jit3A : i32
    %sign3A = arith.constant 0 : i32
    %sign3A_19 = arith.cmpi sgt, %add3A_18, %sign3A : i32
    %sign3A_20 = arith.extui %sign3A_19 : i1 to i32
    %sign3A_21 = arith.constant 0 : i32
    %sign3A_22 = arith.cmpi slt, %add3A_18, %sign3A_21 : i32
    %sign3A_23 = arith.extui %sign3A_22 : i1 to i32
    %sign3A_24 = arith.subi %sign3A_20, %sign3A_23 : i32
    %sign3A_25 = arith.constant 0 : i32
    %sign3A_26 = arith.cmpi sgt, %jit3A, %sign3A_25 : i32
    %sign3A_27 = arith.extui %sign3A_26 : i1 to i32
    %sign3A_28 = arith.constant 0 : i32
    %sign3A_29 = arith.cmpi slt, %jit3A, %sign3A_28 : i32
    %sign3A_30 = arith.extui %sign3A_29 : i1 to i32
    %sign3A_31 = arith.subi %sign3A_27, %sign3A_30 : i32
    %ne3A = arith.cmpi ne, %sign3A_24, %sign3A_31 : i32
    %rem3A = arith.remsi %add3A_18, %jit3A : i32
    %ne3A_32 = arith.constant 0 : i32
    %ne3A_33 = arith.cmpi ne, %rem3A, %ne3A_32 : i32
    %and3A = arith.andi %ne3A, %ne3A_33 : i1
    %sub3A = arith.constant 1 : i32
    %sub3A_34 = arith.subi %div3A, %sub3A : i32
    %select_n3A = arith.select %and3A, %sub3A_34, %div3A : i32
    %add3A_35 = arith.constant 3 : i32
    %add3A_36 = arith.addi %select_n3A, %add3A_35 : i32
    %jit3A_37 = arith.constant 4 : i32
    %div3A_38 = arith.divsi %add3A_36, %jit3A_37 : i32
    %sign3A_39 = arith.constant 0 : i32
    %sign3A_40 = arith.cmpi sgt, %add3A_36, %sign3A_39 : i32
    %sign3A_41 = arith.extui %sign3A_40 : i1 to i32
    %sign3A_42 = arith.constant 0 : i32
    %sign3A_43 = arith.cmpi slt, %add3A_36, %sign3A_42 : i32
    %sign3A_44 = arith.extui %sign3A_43 : i1 to i32
    %sign3A_45 = arith.subi %sign3A_41, %sign3A_44 : i32
    %sign3A_46 = arith.constant 0 : i32
    %sign3A_47 = arith.cmpi sgt, %jit3A_37, %sign3A_46 : i32
    %sign3A_48 = arith.extui %sign3A_47 : i1 to i32
    %sign3A_49 = arith.constant 0 : i32
    %sign3A_50 = arith.cmpi slt, %jit3A_37, %sign3A_49 : i32
    %sign3A_51 = arith.extui %sign3A_50 : i1 to i32
    %sign3A_52 = arith.subi %sign3A_48, %sign3A_51 : i32
    %ne3A_53 = arith.cmpi ne, %sign3A_45, %sign3A_52 : i32
    %rem3A_54 = arith.remsi %add3A_36, %jit3A_37 : i32
    %ne3A_55 = arith.constant 0 : i32
    %ne3A_56 = arith.cmpi ne, %rem3A_54, %ne3A_55 : i32
    %and3A_57 = arith.andi %ne3A_53, %ne3A_56 : i1
    %sub3A_58 = arith.constant 1 : i32
    %sub3A_59 = arith.subi %div3A_38, %sub3A_58 : i32
    %select_n3A_60 = arith.select %and3A_57, %sub3A_59, %div3A_38 : i32
    %max3A = arith.constant 1 : i32
    %max3A_61 = arith.maxsi %select_n3A_60, %max3A : i32
    %dma_start3A = arith.constant 0 : i32
    %dma_start3A_62 = arith.constant 0 : i32
    %dma_start3A_63 = tpu.memref_slice %arg7[%dma_start3A, %dma_start3A_62] : memref<320x64xi32, #tpu.memory_space<vmem>> -> memref<1x64xi32, #tpu.memory_space<vmem>>
    %dma_start3A_64 = tpu.memref_squeeze %dma_start3A_63 : memref<1x64xi32, #tpu.memory_space<vmem>> -> memref<64xi32, #tpu.memory_space<vmem>>
    %dma_start3A_65 = arith.constant 0 : i32
    %dma_start3A_66 = arith.constant 0 : i32
    %dma_start3A_67 = tpu.memref_slice %arg2[%dma_start3A_65, %dma_start3A_66] : memref<10000x128xf32, #tpu.memory_space<hbm>> -> memref<10000x128xf32, #tpu.memory_space<hbm>>
    tpu.enqueue_indirect_dma source(%dma_start3A_67 : memref<10000x128xf32, #tpu.memory_space<hbm>>) target(%arg9 : memref<64x128xf32, #tpu.memory_space<vmem>>) offsets(%dma_start3A_64 : memref<64xi32, #tpu.memory_space<vmem>>) semaphore(%arg15 : memref<!tpu.dma_semaphore, #tpu.memory_space<semaphore_mem>>)
    %dma_start3A_68 = arith.constant 1 : i32
    %dma_start3A_69 = arith.constant 0 : i32
    %dma_start3A_70 = tpu.memref_slice %arg7[%dma_start3A_68, %dma_start3A_69] : memref<320x64xi32, #tpu.memory_space<vmem>> -> memref<1x64xi32, #tpu.memory_space<vmem>>
    %dma_start3A_71 = tpu.memref_squeeze %dma_start3A_70 : memref<1x64xi32, #tpu.memory_space<vmem>> -> memref<64xi32, #tpu.memory_space<vmem>>
    %dma_start3A_72 = arith.constant 0 : i32
    %dma_start3A_73 = arith.constant 0 : i32
    %dma_start3A_74 = tpu.memref_slice %arg2[%dma_start3A_72, %dma_start3A_73] : memref<10000x128xf32, #tpu.memory_space<hbm>> -> memref<10000x128xf32, #tpu.memory_space<hbm>>
    tpu.enqueue_indirect_dma source(%dma_start3A_74 : memref<10000x128xf32, #tpu.memory_space<hbm>>) target(%arg10 : memref<64x128xf32, #tpu.memory_space<vmem>>) offsets(%dma_start3A_71 : memref<64xi32, #tpu.memory_space<vmem>>) semaphore(%arg16 : memref<!tpu.dma_semaphore, #tpu.memory_space<semaphore_mem>>)
    %dma_start3A_75 = arith.constant 2 : i32
    %dma_start3A_76 = arith.constant 0 : i32
    %dma_start3A_77 = tpu.memref_slice %arg7[%dma_start3A_75, %dma_start3A_76] : memref<320x64xi32, #tpu.memory_space<vmem>> -> memref<1x64xi32, #tpu.memory_space<vmem>>
    %dma_start3A_78 = tpu.memref_squeeze %dma_start3A_77 : memref<1x64xi32, #tpu.memory_space<vmem>> -> memref<64xi32, #tpu.memory_space<vmem>>
    %dma_start3A_79 = arith.constant 0 : i32
    %dma_start3A_80 = arith.constant 0 : i32
    %dma_start3A_81 = tpu.memref_slice %arg2[%dma_start3A_79, %dma_start3A_80] : memref<10000x128xf32, #tpu.memory_space<hbm>> -> memref<10000x128xf32, #tpu.memory_space<hbm>>
    tpu.enqueue_indirect_dma source(%dma_start3A_81 : memref<10000x128xf32, #tpu.memory_space<hbm>>) target(%arg11 : memref<64x128xf32, #tpu.memory_space<vmem>>) offsets(%dma_start3A_78 : memref<64xi32, #tpu.memory_space<vmem>>) semaphore(%arg17 : memref<!tpu.dma_semaphore, #tpu.memory_space<semaphore_mem>>)
    %dma_start3A_82 = arith.constant 3 : i32
    %dma_start3A_83 = arith.constant 0 : i32
    %dma_start3A_84 = tpu.memref_slice %arg7[%dma_start3A_82, %dma_start3A_83] : memref<320x64xi32, #tpu.memory_space<vmem>> -> memref<1x64xi32, #tpu.memory_space<vmem>>
    %dma_start3A_85 = tpu.memref_squeeze %dma_start3A_84 : memref<1x64xi32, #tpu.memory_space<vmem>> -> memref<64xi32, #tpu.memory_space<vmem>>
    %dma_start3A_86 = arith.constant 0 : i32
    %dma_start3A_87 = arith.constant 0 : i32
    %dma_start3A_88 = tpu.memref_slice %arg2[%dma_start3A_86, %dma_start3A_87] : memref<10000x128xf32, #tpu.memory_space<hbm>> -> memref<10000x128xf32, #tpu.memory_space<hbm>>
    tpu.enqueue_indirect_dma source(%dma_start3A_88 : memref<10000x128xf32, #tpu.memory_space<hbm>>) target(%arg12 : memref<64x128xf32, #tpu.memory_space<vmem>>) offsets(%dma_start3A_85 : memref<64xi32, #tpu.memory_space<vmem>>) semaphore(%arg18 : memref<!tpu.dma_semaphore, #tpu.memory_space<semaphore_mem>>)
    %sub3A_89 = arith.constant 1 : i32
    %sub3A_90 = arith.subi %max3A_61, %sub3A_89 : i32
    %sub3A_91 = arith.constant 0 : i32
    %sub3A_92 = arith.subi %sub3A_90, %sub3A_91 : i32
    %sub3A_93 = arith.constant 1 : i32
    %sub3A_94 = arith.constant 1 : i32
    %sub3A_95 = arith.subi %sub3A_93, %sub3A_94 : i32
    %add3A_96 = arith.addi %sub3A_92, %sub3A_95 : i32
    %div3A_97 = arith.constant 1 : i32
    %div3A_98 = arith.divsi %add3A_96, %div3A_97 : i32
    %while3A = arith.constant 1 : i32
    %while3A_99 = arith.constant 0 : i32
    %while3A_100 = arith.constant 0 : i32
    %while3A_101 = arith.subi %div3A_98, %while3A_100 : i32
    %while3A_102 = arith.addi %while3A_100, %while3A_101 : i32
    %while3A_103 = arith.constant 1 : i32
    %while3A_104 = arith.divsi %while3A_101, %while3A_103 : i32
    %while3A_105 = arith.muli %while3A_104, %while3A_103 : i32
    %while3A_106 = arith.addi %while3A_100, %while3A_105 : i32
    %while3A_107 = arith.constant 1 : i32
    scf.for %while3A_212 = %while3A_100 to %while3A_106 step %while3A_107  : i32 {
      %mul3A_213 = arith.muli %while3A_212, %while3A : i32
      %add3A_214 = arith.addi %while3A_99, %mul3A_213 : i32
      %mul3A_215 = arith.constant 4 : i32
      %mul3A_216 = arith.muli %add3A_214, %mul3A_215 : i32
      %add3A_217 = arith.constant 0 : i32
      %add3A_218 = arith.addi %mul3A_216, %add3A_217 : i32
      %dma_wait3A_219 = arith.constant 0 : i32
      %dma_wait3A_220 = tpu.memref_slice %arg7[%add3A_218, %dma_wait3A_219] : memref<320x64xi32, #tpu.memory_space<vmem>> -> memref<1x64xi32, #tpu.memory_space<vmem>>
      %dma_wait3A_221 = tpu.memref_squeeze %dma_wait3A_220 : memref<1x64xi32, #tpu.memory_space<vmem>> -> memref<64xi32, #tpu.memory_space<vmem>>
      %dma_wait3A_222 = arith.constant 0 : i32
      %dma_wait3A_223 = arith.constant 0 : i32
      %dma_wait3A_224 = tpu.memref_slice %arg2[%dma_wait3A_222, %dma_wait3A_223] : memref<10000x128xf32, #tpu.memory_space<hbm>> -> memref<10000x128xf32, #tpu.memory_space<hbm>>
      tpu.wait_indirect_dma semaphore(%arg15 : memref<!tpu.dma_semaphore, #tpu.memory_space<semaphore_mem>>) src(%dma_wait3A_224 : memref<10000x128xf32, #tpu.memory_space<hbm>>) dst(%arg9 : memref<64x128xf32, #tpu.memory_space<vmem>>)
      %add3A_225 = arith.constant 0 : i32
      %add3A_226 = arith.addi %mul3A_216, %add3A_225 : i32
      %dma_start3A_227 = arith.constant 0 : i32
      %dma_start3A_228 = tpu.memref_slice %arg8[%add3A_226, %dma_start3A_227] : memref<320x64xi32, #tpu.memory_space<vmem>> -> memref<1x64xi32, #tpu.memory_space<vmem>>
      %dma_start3A_229 = tpu.memref_squeeze %dma_start3A_228 : memref<1x64xi32, #tpu.memory_space<vmem>> -> memref<64xi32, #tpu.memory_space<vmem>>
      %dma_start3A_230 = arith.constant 0 : i32
      %dma_start3A_231 = arith.constant 0 : i32
      %dma_start3A_232 = tpu.memref_slice %arg14[%dma_start3A_230, %dma_start3A_231] : memref<5120x128xf32, #tpu.memory_space<vmem_shared>> -> memref<5120x128xf32, #tpu.memory_space<vmem_shared>>
      tpu.enqueue_indirect_dma source(%arg9 : memref<64x128xf32, #tpu.memory_space<vmem>>) target(%dma_start3A_232 : memref<5120x128xf32, #tpu.memory_space<vmem_shared>>) offsets(%dma_start3A_229 : memref<64xi32, #tpu.memory_space<vmem>>) semaphore(%arg19 : memref<!tpu.dma_semaphore, #tpu.memory_space<semaphore_mem>>) {add = true}
      %add3A_233 = arith.constant 1 : i32
      %add3A_234 = arith.addi %mul3A_216, %add3A_233 : i32
      %dma_wait3A_235 = arith.constant 0 : i32
      %dma_wait3A_236 = tpu.memref_slice %arg7[%add3A_234, %dma_wait3A_235] : memref<320x64xi32, #tpu.memory_space<vmem>> -> memref<1x64xi32, #tpu.memory_space<vmem>>
      %dma_wait3A_237 = tpu.memref_squeeze %dma_wait3A_236 : memref<1x64xi32, #tpu.memory_space<vmem>> -> memref<64xi32, #tpu.memory_space<vmem>>
      %dma_wait3A_238 = arith.constant 0 : i32
      %dma_wait3A_239 = arith.constant 0 : i32
      %dma_wait3A_240 = tpu.memref_slice %arg2[%dma_wait3A_238, %dma_wait3A_239] : memref<10000x128xf32, #tpu.memory_space<hbm>> -> memref<10000x128xf32, #tpu.memory_space<hbm>>
      tpu.wait_indirect_dma semaphore(%arg16 : memref<!tpu.dma_semaphore, #tpu.memory_space<semaphore_mem>>) src(%dma_wait3A_240 : memref<10000x128xf32, #tpu.memory_space<hbm>>) dst(%arg10 : memref<64x128xf32, #tpu.memory_space<vmem>>)
      %add3A_241 = arith.constant 1 : i32
      %add3A_242 = arith.addi %mul3A_216, %add3A_241 : i32
      %dma_start3A_243 = arith.constant 0 : i32
      %dma_start3A_244 = tpu.memref_slice %arg8[%add3A_242, %dma_start3A_243] : memref<320x64xi32, #tpu.memory_space<vmem>> -> memref<1x64xi32, #tpu.memory_space<vmem>>
      %dma_start3A_245 = tpu.memref_squeeze %dma_start3A_244 : memref<1x64xi32, #tpu.memory_space<vmem>> -> memref<64xi32, #tpu.memory_space<vmem>>
      %dma_start3A_246 = arith.constant 0 : i32
      %dma_start3A_247 = arith.constant 0 : i32
      %dma_start3A_248 = tpu.memref_slice %arg14[%dma_start3A_246, %dma_start3A_247] : memref<5120x128xf32, #tpu.memory_space<vmem_shared>> -> memref<5120x128xf32, #tpu.memory_space<vmem_shared>>
      tpu.enqueue_indirect_dma source(%arg10 : memref<64x128xf32, #tpu.memory_space<vmem>>) target(%dma_start3A_248 : memref<5120x128xf32, #tpu.memory_space<vmem_shared>>) offsets(%dma_start3A_245 : memref<64xi32, #tpu.memory_space<vmem>>) semaphore(%arg20 : memref<!tpu.dma_semaphore, #tpu.memory_space<semaphore_mem>>) {add = true}
      %add3A_249 = arith.constant 2 : i32
      %add3A_250 = arith.addi %mul3A_216, %add3A_249 : i32
      %dma_wait3A_251 = arith.constant 0 : i32
      %dma_wait3A_252 = tpu.memref_slice %arg7[%add3A_250, %dma_wait3A_251] : memref<320x64xi32, #tpu.memory_space<vmem>> -> memref<1x64xi32, #tpu.memory_space<vmem>>
      %dma_wait3A_253 = tpu.memref_squeeze %dma_wait3A_252 : memref<1x64xi32, #tpu.memory_space<vmem>> -> memref<64xi32, #tpu.memory_space<vmem>>
      %dma_wait3A_254 = arith.constant 0 : i32
      %dma_wait3A_255 = arith.constant 0 : i32
      %dma_wait3A_256 = tpu.memref_slice %arg2[%dma_wait3A_254, %dma_wait3A_255] : memref<10000x128xf32, #tpu.memory_space<hbm>> -> memref<10000x128xf32, #tpu.memory_space<hbm>>
      tpu.wait_indirect_dma semaphore(%arg17 : memref<!tpu.dma_semaphore, #tpu.memory_space<semaphore_mem>>) src(%dma_wait3A_256 : memref<10000x128xf32, #tpu.memory_space<hbm>>) dst(%arg11 : memref<64x128xf32, #tpu.memory_space<vmem>>)
      %add3A_257 = arith.constant 2 : i32
      %add3A_258 = arith.addi %mul3A_216, %add3A_257 : i32
      %dma_start3A_259 = arith.constant 0 : i32
      %dma_start3A_260 = tpu.memref_slice %arg8[%add3A_258, %dma_start3A_259] : memref<320x64xi32, #tpu.memory_space<vmem>> -> memref<1x64xi32, #tpu.memory_space<vmem>>
      %dma_start3A_261 = tpu.memref_squeeze %dma_start3A_260 : memref<1x64xi32, #tpu.memory_space<vmem>> -> memref<64xi32, #tpu.memory_space<vmem>>
      %dma_start3A_262 = arith.constant 0 : i32
      %dma_start3A_263 = arith.constant 0 : i32
      %dma_start3A_264 = tpu.memref_slice %arg14[%dma_start3A_262, %dma_start3A_263] : memref<5120x128xf32, #tpu.memory_space<vmem_shared>> -> memref<5120x128xf32, #tpu.memory_space<vmem_shared>>
      tpu.enqueue_indirect_dma source(%arg11 : memref<64x128xf32, #tpu.memory_space<vmem>>) target(%dma_start3A_264 : memref<5120x128xf32, #tpu.memory_space<vmem_shared>>) offsets(%dma_start3A_261 : memref<64xi32, #tpu.memory_space<vmem>>) semaphore(%arg21 : memref<!tpu.dma_semaphore, #tpu.memory_space<semaphore_mem>>) {add = true}
      %add3A_265 = arith.constant 3 : i32
      %add3A_266 = arith.addi %mul3A_216, %add3A_265 : i32
      %dma_wait3A_267 = arith.constant 0 : i32
      %dma_wait3A_268 = tpu.memref_slice %arg7[%add3A_266, %dma_wait3A_267] : memref<320x64xi32, #tpu.memory_space<vmem>> -> memref<1x64xi32, #tpu.memory_space<vmem>>
      %dma_wait3A_269 = tpu.memref_squeeze %dma_wait3A_268 : memref<1x64xi32, #tpu.memory_space<vmem>> -> memref<64xi32, #tpu.memory_space<vmem>>
      %dma_wait3A_270 = arith.constant 0 : i32
      %dma_wait3A_271 = arith.constant 0 : i32
      %dma_wait3A_272 = tpu.memref_slice %arg2[%dma_wait3A_270, %dma_wait3A_271] : memref<10000x128xf32, #tpu.memory_space<hbm>> -> memref<10000x128xf32, #tpu.memory_space<hbm>>
      tpu.wait_indirect_dma semaphore(%arg18 : memref<!tpu.dma_semaphore, #tpu.memory_space<semaphore_mem>>) src(%dma_wait3A_272 : memref<10000x128xf32, #tpu.memory_space<hbm>>) dst(%arg12 : memref<64x128xf32, #tpu.memory_space<vmem>>)
      %add3A_273 = arith.constant 3 : i32
      %add3A_274 = arith.addi %mul3A_216, %add3A_273 : i32
      %dma_start3A_275 = arith.constant 0 : i32
      %dma_start3A_276 = tpu.memref_slice %arg8[%add3A_274, %dma_start3A_275] : memref<320x64xi32, #tpu.memory_space<vmem>> -> memref<1x64xi32, #tpu.memory_space<vmem>>
      %dma_start3A_277 = tpu.memref_squeeze %dma_start3A_276 : memref<1x64xi32, #tpu.memory_space<vmem>> -> memref<64xi32, #tpu.memory_space<vmem>>
      %dma_start3A_278 = arith.constant 0 : i32
      %dma_start3A_279 = arith.constant 0 : i32
      %dma_start3A_280 = tpu.memref_slice %arg14[%dma_start3A_278, %dma_start3A_279] : memref<5120x128xf32, #tpu.memory_space<vmem_shared>> -> memref<5120x128xf32, #tpu.memory_space<vmem_shared>>
      tpu.enqueue_indirect_dma source(%arg12 : memref<64x128xf32, #tpu.memory_space<vmem>>) target(%dma_start3A_280 : memref<5120x128xf32, #tpu.memory_space<vmem_shared>>) offsets(%dma_start3A_277 : memref<64xi32, #tpu.memory_space<vmem>>) semaphore(%arg22 : memref<!tpu.dma_semaphore, #tpu.memory_space<semaphore_mem>>) {add = true}
      %add3A_281 = arith.constant 0 : i32
      %add3A_282 = arith.addi %mul3A_216, %add3A_281 : i32
      %dma_wait3A_283 = arith.constant 0 : i32
      %dma_wait3A_284 = tpu.memref_slice %arg8[%add3A_282, %dma_wait3A_283] : memref<320x64xi32, #tpu.memory_space<vmem>> -> memref<1x64xi32, #tpu.memory_space<vmem>>
      %dma_wait3A_285 = tpu.memref_squeeze %dma_wait3A_284 : memref<1x64xi32, #tpu.memory_space<vmem>> -> memref<64xi32, #tpu.memory_space<vmem>>
      %dma_wait3A_286 = arith.constant 0 : i32
      %dma_wait3A_287 = arith.constant 0 : i32
      %dma_wait3A_288 = tpu.memref_slice %arg14[%dma_wait3A_286, %dma_wait3A_287] : memref<5120x128xf32, #tpu.memory_space<vmem_shared>> -> memref<5120x128xf32, #tpu.memory_space<vmem_shared>>
      tpu.wait_indirect_dma semaphore(%arg19 : memref<!tpu.dma_semaphore, #tpu.memory_space<semaphore_mem>>) src(%arg9 : memref<64x128xf32, #tpu.memory_space<vmem>>) dst(%dma_wait3A_288 : memref<5120x128xf32, #tpu.memory_space<vmem_shared>>)
      %add3A_289 = arith.constant 4 : i32
      %add3A_290 = arith.addi %mul3A_216, %add3A_289 : i32
      %add3A_291 = arith.constant 0 : i32
      %add3A_292 = arith.addi %add3A_290, %add3A_291 : i32
      %dma_start3A_293 = arith.constant 0 : i32
      %dma_start3A_294 = tpu.memref_slice %arg7[%add3A_292, %dma_start3A_293] : memref<320x64xi32, #tpu.memory_space<vmem>> -> memref<1x64xi32, #tpu.memory_space<vmem>>
      %dma_start3A_295 = tpu.memref_squeeze %dma_start3A_294 : memref<1x64xi32, #tpu.memory_space<vmem>> -> memref<64xi32, #tpu.memory_space<vmem>>
      %dma_start3A_296 = arith.constant 0 : i32
      %dma_start3A_297 = arith.constant 0 : i32
      %dma_start3A_298 = tpu.memref_slice %arg2[%dma_start3A_296, %dma_start3A_297] : memref<10000x128xf32, #tpu.memory_space<hbm>> -> memref<10000x128xf32, #tpu.memory_space<hbm>>
      tpu.enqueue_indirect_dma source(%dma_start3A_298 : memref<10000x128xf32, #tpu.memory_space<hbm>>) target(%arg9 : memref<64x128xf32, #tpu.memory_space<vmem>>) offsets(%dma_start3A_295 : memref<64xi32, #tpu.memory_space<vmem>>) semaphore(%arg15 : memref<!tpu.dma_semaphore, #tpu.memory_space<semaphore_mem>>)
      %add3A_299 = arith.constant 1 : i32
      %add3A_300 = arith.addi %mul3A_216, %add3A_299 : i32
      %dma_wait3A_301 = arith.constant 0 : i32
      %dma_wait3A_302 = tpu.memref_slice %arg8[%add3A_300, %dma_wait3A_301] : memref<320x64xi32, #tpu.memory_space<vmem>> -> memref<1x64xi32, #tpu.memory_space<vmem>>
      %dma_wait3A_303 = tpu.memref_squeeze %dma_wait3A_302 : memref<1x64xi32, #tpu.memory_space<vmem>> -> memref<64xi32, #tpu.memory_space<vmem>>
      %dma_wait3A_304 = arith.constant 0 : i32
      %dma_wait3A_305 = arith.constant 0 : i32
      %dma_wait3A_306 = tpu.memref_slice %arg14[%dma_wait3A_304, %dma_wait3A_305] : memref<5120x128xf32, #tpu.memory_space<vmem_shared>> -> memref<5120x128xf32, #tpu.memory_space<vmem_shared>>
      tpu.wait_indirect_dma semaphore(%arg20 : memref<!tpu.dma_semaphore, #tpu.memory_space<semaphore_mem>>) src(%arg10 : memref<64x128xf32, #tpu.memory_space<vmem>>) dst(%dma_wait3A_306 : memref<5120x128xf32, #tpu.memory_space<vmem_shared>>)
      %add3A_307 = arith.constant 4 : i32
      %add3A_308 = arith.addi %mul3A_216, %add3A_307 : i32
      %add3A_309 = arith.constant 1 : i32
      %add3A_310 = arith.addi %add3A_308, %add3A_309 : i32
      %dma_start3A_311 = arith.constant 0 : i32
      %dma_start3A_312 = tpu.memref_slice %arg7[%add3A_310, %dma_start3A_311] : memref<320x64xi32, #tpu.memory_space<vmem>> -> memref<1x64xi32, #tpu.memory_space<vmem>>
      %dma_start3A_313 = tpu.memref_squeeze %dma_start3A_312 : memref<1x64xi32, #tpu.memory_space<vmem>> -> memref<64xi32, #tpu.memory_space<vmem>>
      %dma_start3A_314 = arith.constant 0 : i32
      %dma_start3A_315 = arith.constant 0 : i32
      %dma_start3A_316 = tpu.memref_slice %arg2[%dma_start3A_314, %dma_start3A_315] : memref<10000x128xf32, #tpu.memory_space<hbm>> -> memref<10000x128xf32, #tpu.memory_space<hbm>>
      tpu.enqueue_indirect_dma source(%dma_start3A_316 : memref<10000x128xf32, #tpu.memory_space<hbm>>) target(%arg10 : memref<64x128xf32, #tpu.memory_space<vmem>>) offsets(%dma_start3A_313 : memref<64xi32, #tpu.memory_space<vmem>>) semaphore(%arg16 : memref<!tpu.dma_semaphore, #tpu.memory_space<semaphore_mem>>)
      %add3A_317 = arith.constant 2 : i32
      %add3A_318 = arith.addi %mul3A_216, %add3A_317 : i32
      %dma_wait3A_319 = arith.constant 0 : i32
      %dma_wait3A_320 = tpu.memref_slice %arg8[%add3A_318, %dma_wait3A_319] : memref<320x64xi32, #tpu.memory_space<vmem>> -> memref<1x64xi32, #tpu.memory_space<vmem>>
      %dma_wait3A_321 = tpu.memref_squeeze %dma_wait3A_320 : memref<1x64xi32, #tpu.memory_space<vmem>> -> memref<64xi32, #tpu.memory_space<vmem>>
      %dma_wait3A_322 = arith.constant 0 : i32
      %dma_wait3A_323 = arith.constant 0 : i32
      %dma_wait3A_324 = tpu.memref_slice %arg14[%dma_wait3A_322, %dma_wait3A_323] : memref<5120x128xf32, #tpu.memory_space<vmem_shared>> -> memref<5120x128xf32, #tpu.memory_space<vmem_shared>>
      tpu.wait_indirect_dma semaphore(%arg21 : memref<!tpu.dma_semaphore, #tpu.memory_space<semaphore_mem>>) src(%arg11 : memref<64x128xf32, #tpu.memory_space<vmem>>) dst(%dma_wait3A_324 : memref<5120x128xf32, #tpu.memory_space<vmem_shared>>)
      %add3A_325 = arith.constant 4 : i32
      %add3A_326 = arith.addi %mul3A_216, %add3A_325 : i32
      %add3A_327 = arith.constant 2 : i32
      %add3A_328 = arith.addi %add3A_326, %add3A_327 : i32
      %dma_start3A_329 = arith.constant 0 : i32
      %dma_start3A_330 = tpu.memref_slice %arg7[%add3A_328, %dma_start3A_329] : memref<320x64xi32, #tpu.memory_space<vmem>> -> memref<1x64xi32, #tpu.memory_space<vmem>>
      %dma_start3A_331 = tpu.memref_squeeze %dma_start3A_330 : memref<1x64xi32, #tpu.memory_space<vmem>> -> memref<64xi32, #tpu.memory_space<vmem>>
      %dma_start3A_332 = arith.constant 0 : i32
      %dma_start3A_333 = arith.constant 0 : i32
      %dma_start3A_334 = tpu.memref_slice %arg2[%dma_start3A_332, %dma_start3A_333] : memref<10000x128xf32, #tpu.memory_space<hbm>> -> memref<10000x128xf32, #tpu.memory_space<hbm>>
      tpu.enqueue_indirect_dma source(%dma_start3A_334 : memref<10000x128xf32, #tpu.memory_space<hbm>>) target(%arg11 : memref<64x128xf32, #tpu.memory_space<vmem>>) offsets(%dma_start3A_331 : memref<64xi32, #tpu.memory_space<vmem>>) semaphore(%arg17 : memref<!tpu.dma_semaphore, #tpu.memory_space<semaphore_mem>>)
      %add3A_335 = arith.constant 3 : i32
      %add3A_336 = arith.addi %mul3A_216, %add3A_335 : i32
      %dma_wait3A_337 = arith.constant 0 : i32
      %dma_wait3A_338 = tpu.memref_slice %arg8[%add3A_336, %dma_wait3A_337] : memref<320x64xi32, #tpu.memory_space<vmem>> -> memref<1x64xi32, #tpu.memory_space<vmem>>
      %dma_wait3A_339 = tpu.memref_squeeze %dma_wait3A_338 : memref<1x64xi32, #tpu.memory_space<vmem>> -> memref<64xi32, #tpu.memory_space<vmem>>
      %dma_wait3A_340 = arith.constant 0 : i32
      %dma_wait3A_341 = arith.constant 0 : i32
      %dma_wait3A_342 = tpu.memref_slice %arg14[%dma_wait3A_340, %dma_wait3A_341] : memref<5120x128xf32, #tpu.memory_space<vmem_shared>> -> memref<5120x128xf32, #tpu.memory_space<vmem_shared>>
      tpu.wait_indirect_dma semaphore(%arg22 : memref<!tpu.dma_semaphore, #tpu.memory_space<semaphore_mem>>) src(%arg12 : memref<64x128xf32, #tpu.memory_space<vmem>>) dst(%dma_wait3A_342 : memref<5120x128xf32, #tpu.memory_space<vmem_shared>>)
      %add3A_343 = arith.constant 4 : i32
      %add3A_344 = arith.addi %mul3A_216, %add3A_343 : i32
      %add3A_345 = arith.constant 3 : i32
      %add3A_346 = arith.addi %add3A_344, %add3A_345 : i32
      %dma_start3A_347 = arith.constant 0 : i32
      %dma_start3A_348 = tpu.memref_slice %arg7[%add3A_346, %dma_start3A_347] : memref<320x64xi32, #tpu.memory_space<vmem>> -> memref<1x64xi32, #tpu.memory_space<vmem>>
      %dma_start3A_349 = tpu.memref_squeeze %dma_start3A_348 : memref<1x64xi32, #tpu.memory_space<vmem>> -> memref<64xi32, #tpu.memory_space<vmem>>
      %dma_start3A_350 = arith.constant 0 : i32
      %dma_start3A_351 = arith.constant 0 : i32
      %dma_start3A_352 = tpu.memref_slice %arg2[%dma_start3A_350, %dma_start3A_351] : memref<10000x128xf32, #tpu.memory_space<hbm>> -> memref<10000x128xf32, #tpu.memory_space<hbm>>
      tpu.enqueue_indirect_dma source(%dma_start3A_352 : memref<10000x128xf32, #tpu.memory_space<hbm>>) target(%arg12 : memref<64x128xf32, #tpu.memory_space<vmem>>) offsets(%dma_start3A_349 : memref<64xi32, #tpu.memory_space<vmem>>) semaphore(%arg18 : memref<!tpu.dma_semaphore, #tpu.memory_space<semaphore_mem>>)
    }
    %while3A_108 = arith.constant 1 : i32
    scf.for %while3A_212 = %while3A_106 to %while3A_102 step %while3A_108  : i32 {
      %mul3A_213 = arith.muli %while3A_212, %while3A : i32
      %add3A_214 = arith.addi %while3A_99, %mul3A_213 : i32
      %mul3A_215 = arith.constant 4 : i32
      %mul3A_216 = arith.muli %add3A_214, %mul3A_215 : i32
      %add3A_217 = arith.constant 0 : i32
      %add3A_218 = arith.addi %mul3A_216, %add3A_217 : i32
      %dma_wait3A_219 = arith.constant 0 : i32
      %dma_wait3A_220 = tpu.memref_slice %arg7[%add3A_218, %dma_wait3A_219] : memref<320x64xi32, #tpu.memory_space<vmem>> -> memref<1x64xi32, #tpu.memory_space<vmem>>
      %dma_wait3A_221 = tpu.memref_squeeze %dma_wait3A_220 : memref<1x64xi32, #tpu.memory_space<vmem>> -> memref<64xi32, #tpu.memory_space<vmem>>
      %dma_wait3A_222 = arith.constant 0 : i32
      %dma_wait3A_223 = arith.constant 0 : i32
      %dma_wait3A_224 = tpu.memref_slice %arg2[%dma_wait3A_222, %dma_wait3A_223] : memref<10000x128xf32, #tpu.memory_space<hbm>> -> memref<10000x128xf32, #tpu.memory_space<hbm>>
      tpu.wait_indirect_dma semaphore(%arg15 : memref<!tpu.dma_semaphore, #tpu.memory_space<semaphore_mem>>) src(%dma_wait3A_224 : memref<10000x128xf32, #tpu.memory_space<hbm>>) dst(%arg9 : memref<64x128xf32, #tpu.memory_space<vmem>>)
      %add3A_225 = arith.constant 0 : i32
      %add3A_226 = arith.addi %mul3A_216, %add3A_225 : i32
      %dma_start3A_227 = arith.constant 0 : i32
      %dma_start3A_228 = tpu.memref_slice %arg8[%add3A_226, %dma_start3A_227] : memref<320x64xi32, #tpu.memory_space<vmem>> -> memref<1x64xi32, #tpu.memory_space<vmem>>
      %dma_start3A_229 = tpu.memref_squeeze %dma_start3A_228 : memref<1x64xi32, #tpu.memory_space<vmem>> -> memref<64xi32, #tpu.memory_space<vmem>>
      %dma_start3A_230 = arith.constant 0 : i32
      %dma_start3A_231 = arith.constant 0 : i32
      %dma_start3A_232 = tpu.memref_slice %arg14[%dma_start3A_230, %dma_start3A_231] : memref<5120x128xf32, #tpu.memory_space<vmem_shared>> -> memref<5120x128xf32, #tpu.memory_space<vmem_shared>>
      tpu.enqueue_indirect_dma source(%arg9 : memref<64x128xf32, #tpu.memory_space<vmem>>) target(%dma_start3A_232 : memref<5120x128xf32, #tpu.memory_space<vmem_shared>>) offsets(%dma_start3A_229 : memref<64xi32, #tpu.memory_space<vmem>>) semaphore(%arg19 : memref<!tpu.dma_semaphore, #tpu.memory_space<semaphore_mem>>) {add = true}
      %add3A_233 = arith.constant 1 : i32
      %add3A_234 = arith.addi %mul3A_216, %add3A_233 : i32
      %dma_wait3A_235 = arith.constant 0 : i32
      %dma_wait3A_236 = tpu.memref_slice %arg7[%add3A_234, %dma_wait3A_235] : memref<320x64xi32, #tpu.memory_space<vmem>> -> memref<1x64xi32, #tpu.memory_space<vmem>>
      %dma_wait3A_237 = tpu.memref_squeeze %dma_wait3A_236 : memref<1x64xi32, #tpu.memory_space<vmem>> -> memref<64xi32, #tpu.memory_space<vmem>>
      %dma_wait3A_238 = arith.constant 0 : i32
      %dma_wait3A_239 = arith.constant 0 : i32
      %dma_wait3A_240 = tpu.memref_slice %arg2[%dma_wait3A_238, %dma_wait3A_239] : memref<10000x128xf32, #tpu.memory_space<hbm>> -> memref<10000x128xf32, #tpu.memory_space<hbm>>
      tpu.wait_indirect_dma semaphore(%arg16 : memref<!tpu.dma_semaphore, #tpu.memory_space<semaphore_mem>>) src(%dma_wait3A_240 : memref<10000x128xf32, #tpu.memory_space<hbm>>) dst(%arg10 : memref<64x128xf32, #tpu.memory_space<vmem>>)
      %add3A_241 = arith.constant 1 : i32
      %add3A_242 = arith.addi %mul3A_216, %add3A_241 : i32
      %dma_start3A_243 = arith.constant 0 : i32
      %dma_start3A_244 = tpu.memref_slice %arg8[%add3A_242, %dma_start3A_243] : memref<320x64xi32, #tpu.memory_space<vmem>> -> memref<1x64xi32, #tpu.memory_space<vmem>>
      %dma_start3A_245 = tpu.memref_squeeze %dma_start3A_244 : memref<1x64xi32, #tpu.memory_space<vmem>> -> memref<64xi32, #tpu.memory_space<vmem>>
      %dma_start3A_246 = arith.constant 0 : i32
      %dma_start3A_247 = arith.constant 0 : i32
      %dma_start3A_248 = tpu.memref_slice %arg14[%dma_start3A_246, %dma_start3A_247] : memref<5120x128xf32, #tpu.memory_space<vmem_shared>> -> memref<5120x128xf32, #tpu.memory_space<vmem_shared>>
      tpu.enqueue_indirect_dma source(%arg10 : memref<64x128xf32, #tpu.memory_space<vmem>>) target(%dma_start3A_248 : memref<5120x128xf32, #tpu.memory_space<vmem_shared>>) offsets(%dma_start3A_245 : memref<64xi32, #tpu.memory_space<vmem>>) semaphore(%arg20 : memref<!tpu.dma_semaphore, #tpu.memory_space<semaphore_mem>>) {add = true}
      %add3A_249 = arith.constant 2 : i32
      %add3A_250 = arith.addi %mul3A_216, %add3A_249 : i32
      %dma_wait3A_251 = arith.constant 0 : i32
      %dma_wait3A_252 = tpu.memref_slice %arg7[%add3A_250, %dma_wait3A_251] : memref<320x64xi32, #tpu.memory_space<vmem>> -> memref<1x64xi32, #tpu.memory_space<vmem>>
      %dma_wait3A_253 = tpu.memref_squeeze %dma_wait3A_252 : memref<1x64xi32, #tpu.memory_space<vmem>> -> memref<64xi32, #tpu.memory_space<vmem>>
      %dma_wait3A_254 = arith.constant 0 : i32
      %dma_wait3A_255 = arith.constant 0 : i32
      %dma_wait3A_256 = tpu.memref_slice %arg2[%dma_wait3A_254, %dma_wait3A_255] : memref<10000x128xf32, #tpu.memory_space<hbm>> -> memref<10000x128xf32, #tpu.memory_space<hbm>>
      tpu.wait_indirect_dma semaphore(%arg17 : memref<!tpu.dma_semaphore, #tpu.memory_space<semaphore_mem>>) src(%dma_wait3A_256 : memref<10000x128xf32, #tpu.memory_space<hbm>>) dst(%arg11 : memref<64x128xf32, #tpu.memory_space<vmem>>)
      %add3A_257 = arith.constant 2 : i32
      %add3A_258 = arith.addi %mul3A_216, %add3A_257 : i32
      %dma_start3A_259 = arith.constant 0 : i32
      %dma_start3A_260 = tpu.memref_slice %arg8[%add3A_258, %dma_start3A_259] : memref<320x64xi32, #tpu.memory_space<vmem>> -> memref<1x64xi32, #tpu.memory_space<vmem>>
      %dma_start3A_261 = tpu.memref_squeeze %dma_start3A_260 : memref<1x64xi32, #tpu.memory_space<vmem>> -> memref<64xi32, #tpu.memory_space<vmem>>
      %dma_start3A_262 = arith.constant 0 : i32
      %dma_start3A_263 = arith.constant 0 : i32
      %dma_start3A_264 = tpu.memref_slice %arg14[%dma_start3A_262, %dma_start3A_263] : memref<5120x128xf32, #tpu.memory_space<vmem_shared>> -> memref<5120x128xf32, #tpu.memory_space<vmem_shared>>
      tpu.enqueue_indirect_dma source(%arg11 : memref<64x128xf32, #tpu.memory_space<vmem>>) target(%dma_start3A_264 : memref<5120x128xf32, #tpu.memory_space<vmem_shared>>) offsets(%dma_start3A_261 : memref<64xi32, #tpu.memory_space<vmem>>) semaphore(%arg21 : memref<!tpu.dma_semaphore, #tpu.memory_space<semaphore_mem>>) {add = true}
      %add3A_265 = arith.constant 3 : i32
      %add3A_266 = arith.addi %mul3A_216, %add3A_265 : i32
      %dma_wait3A_267 = arith.constant 0 : i32
      %dma_wait3A_268 = tpu.memref_slice %arg7[%add3A_266, %dma_wait3A_267] : memref<320x64xi32, #tpu.memory_space<vmem>> -> memref<1x64xi32, #tpu.memory_space<vmem>>
      %dma_wait3A_269 = tpu.memref_squeeze %dma_wait3A_268 : memref<1x64xi32, #tpu.memory_space<vmem>> -> memref<64xi32, #tpu.memory_space<vmem>>
      %dma_wait3A_270 = arith.constant 0 : i32
      %dma_wait3A_271 = arith.constant 0 : i32
      %dma_wait3A_272 = tpu.memref_slice %arg2[%dma_wait3A_270, %dma_wait3A_271] : memref<10000x128xf32, #tpu.memory_space<hbm>> -> memref<10000x128xf32, #tpu.memory_space<hbm>>
      tpu.wait_indirect_dma semaphore(%arg18 : memref<!tpu.dma_semaphore, #tpu.memory_space<semaphore_mem>>) src(%dma_wait3A_272 : memref<10000x128xf32, #tpu.memory_space<hbm>>) dst(%arg12 : memref<64x128xf32, #tpu.memory_space<vmem>>)
      %add3A_273 = arith.constant 3 : i32
      %add3A_274 = arith.addi %mul3A_216, %add3A_273 : i32
      %dma_start3A_275 = arith.constant 0 : i32
      %dma_start3A_276 = tpu.memref_slice %arg8[%add3A_274, %dma_start3A_275] : memref<320x64xi32, #tpu.memory_space<vmem>> -> memref<1x64xi32, #tpu.memory_space<vmem>>
      %dma_start3A_277 = tpu.memref_squeeze %dma_start3A_276 : memref<1x64xi32, #tpu.memory_space<vmem>> -> memref<64xi32, #tpu.memory_space<vmem>>
      %dma_start3A_278 = arith.constant 0 : i32
      %dma_start3A_279 = arith.constant 0 : i32
      %dma_start3A_280 = tpu.memref_slice %arg14[%dma_start3A_278, %dma_start3A_279] : memref<5120x128xf32, #tpu.memory_space<vmem_shared>> -> memref<5120x128xf32, #tpu.memory_space<vmem_shared>>
      tpu.enqueue_indirect_dma source(%arg12 : memref<64x128xf32, #tpu.memory_space<vmem>>) target(%dma_start3A_280 : memref<5120x128xf32, #tpu.memory_space<vmem_shared>>) offsets(%dma_start3A_277 : memref<64xi32, #tpu.memory_space<vmem>>) semaphore(%arg22 : memref<!tpu.dma_semaphore, #tpu.memory_space<semaphore_mem>>) {add = true}
      %add3A_281 = arith.constant 0 : i32
      %add3A_282 = arith.addi %mul3A_216, %add3A_281 : i32
      %dma_wait3A_283 = arith.constant 0 : i32
      %dma_wait3A_284 = tpu.memref_slice %arg8[%add3A_282, %dma_wait3A_283] : memref<320x64xi32, #tpu.memory_space<vmem>> -> memref<1x64xi32, #tpu.memory_space<vmem>>
      %dma_wait3A_285 = tpu.memref_squeeze %dma_wait3A_284 : memref<1x64xi32, #tpu.memory_space<vmem>> -> memref<64xi32, #tpu.memory_space<vmem>>
      %dma_wait3A_286 = arith.constant 0 : i32
      %dma_wait3A_287 = arith.constant 0 : i32
      %dma_wait3A_288 = tpu.memref_slice %arg14[%dma_wait3A_286, %dma_wait3A_287] : memref<5120x128xf32, #tpu.memory_space<vmem_shared>> -> memref<5120x128xf32, #tpu.memory_space<vmem_shared>>
      tpu.wait_indirect_dma semaphore(%arg19 : memref<!tpu.dma_semaphore, #tpu.memory_space<semaphore_mem>>) src(%arg9 : memref<64x128xf32, #tpu.memory_space<vmem>>) dst(%dma_wait3A_288 : memref<5120x128xf32, #tpu.memory_space<vmem_shared>>)
      %add3A_289 = arith.constant 4 : i32
      %add3A_290 = arith.addi %mul3A_216, %add3A_289 : i32
      %add3A_291 = arith.constant 0 : i32
      %add3A_292 = arith.addi %add3A_290, %add3A_291 : i32
      %dma_start3A_293 = arith.constant 0 : i32
      %dma_start3A_294 = tpu.memref_slice %arg7[%add3A_292, %dma_start3A_293] : memref<320x64xi32, #tpu.memory_space<vmem>> -> memref<1x64xi32, #tpu.memory_space<vmem>>
      %dma_start3A_295 = tpu.memref_squeeze %dma_start3A_294 : memref<1x64xi32, #tpu.memory_space<vmem>> -> memref<64xi32, #tpu.memory_space<vmem>>
      %dma_start3A_296 = arith.constant 0 : i32
      %dma_start3A_297 = arith.constant 0 : i32
      %dma_start3A_298 = tpu.memref_slice %arg2[%dma_start3A_296, %dma_start3A_297] : memref<10000x128xf32, #tpu.memory_space<hbm>> -> memref<10000x128xf32, #tpu.memory_space<hbm>>
      tpu.enqueue_indirect_dma source(%dma_start3A_298 : memref<10000x128xf32, #tpu.memory_space<hbm>>) target(%arg9 : memref<64x128xf32, #tpu.memory_space<vmem>>) offsets(%dma_start3A_295 : memref<64xi32, #tpu.memory_space<vmem>>) semaphore(%arg15 : memref<!tpu.dma_semaphore, #tpu.memory_space<semaphore_mem>>)
      %add3A_299 = arith.constant 1 : i32
      %add3A_300 = arith.addi %mul3A_216, %add3A_299 : i32
      %dma_wait3A_301 = arith.constant 0 : i32
      %dma_wait3A_302 = tpu.memref_slice %arg8[%add3A_300, %dma_wait3A_301] : memref<320x64xi32, #tpu.memory_space<vmem>> -> memref<1x64xi32, #tpu.memory_space<vmem>>
      %dma_wait3A_303 = tpu.memref_squeeze %dma_wait3A_302 : memref<1x64xi32, #tpu.memory_space<vmem>> -> memref<64xi32, #tpu.memory_space<vmem>>
      %dma_wait3A_304 = arith.constant 0 : i32
      %dma_wait3A_305 = arith.constant 0 : i32
      %dma_wait3A_306 = tpu.memref_slice %arg14[%dma_wait3A_304, %dma_wait3A_305] : memref<5120x128xf32, #tpu.memory_space<vmem_shared>> -> memref<5120x128xf32, #tpu.memory_space<vmem_shared>>
      tpu.wait_indirect_dma semaphore(%arg20 : memref<!tpu.dma_semaphore, #tpu.memory_space<semaphore_mem>>) src(%arg10 : memref<64x128xf32, #tpu.memory_space<vmem>>) dst(%dma_wait3A_306 : memref<5120x128xf32, #tpu.memory_space<vmem_shared>>)
      %add3A_307 = arith.constant 4 : i32
      %add3A_308 = arith.addi %mul3A_216, %add3A_307 : i32
      %add3A_309 = arith.constant 1 : i32
      %add3A_310 = arith.addi %add3A_308, %add3A_309 : i32
      %dma_start3A_311 = arith.constant 0 : i32
      %dma_start3A_312 = tpu.memref_slice %arg7[%add3A_310, %dma_start3A_311] : memref<320x64xi32, #tpu.memory_space<vmem>> -> memref<1x64xi32, #tpu.memory_space<vmem>>
      %dma_start3A_313 = tpu.memref_squeeze %dma_start3A_312 : memref<1x64xi32, #tpu.memory_space<vmem>> -> memref<64xi32, #tpu.memory_space<vmem>>
      %dma_start3A_314 = arith.constant 0 : i32
      %dma_start3A_315 = arith.constant 0 : i32
      %dma_start3A_316 = tpu.memref_slice %arg2[%dma_start3A_314, %dma_start3A_315] : memref<10000x128xf32, #tpu.memory_space<hbm>> -> memref<10000x128xf32, #tpu.memory_space<hbm>>
      tpu.enqueue_indirect_dma source(%dma_start3A_316 : memref<10000x128xf32, #tpu.memory_space<hbm>>) target(%arg10 : memref<64x128xf32, #tpu.memory_space<vmem>>) offsets(%dma_start3A_313 : memref<64xi32, #tpu.memory_space<vmem>>) semaphore(%arg16 : memref<!tpu.dma_semaphore, #tpu.memory_space<semaphore_mem>>)
      %add3A_317 = arith.constant 2 : i32
      %add3A_318 = arith.addi %mul3A_216, %add3A_317 : i32
      %dma_wait3A_319 = arith.constant 0 : i32
      %dma_wait3A_320 = tpu.memref_slice %arg8[%add3A_318, %dma_wait3A_319] : memref<320x64xi32, #tpu.memory_space<vmem>> -> memref<1x64xi32, #tpu.memory_space<vmem>>
      %dma_wait3A_321 = tpu.memref_squeeze %dma_wait3A_320 : memref<1x64xi32, #tpu.memory_space<vmem>> -> memref<64xi32, #tpu.memory_space<vmem>>
      %dma_wait3A_322 = arith.constant 0 : i32
      %dma_wait3A_323 = arith.constant 0 : i32
      %dma_wait3A_324 = tpu.memref_slice %arg14[%dma_wait3A_322, %dma_wait3A_323] : memref<5120x128xf32, #tpu.memory_space<vmem_shared>> -> memref<5120x128xf32, #tpu.memory_space<vmem_shared>>
      tpu.wait_indirect_dma semaphore(%arg21 : memref<!tpu.dma_semaphore, #tpu.memory_space<semaphore_mem>>) src(%arg11 : memref<64x128xf32, #tpu.memory_space<vmem>>) dst(%dma_wait3A_324 : memref<5120x128xf32, #tpu.memory_space<vmem_shared>>)
      %add3A_325 = arith.constant 4 : i32
      %add3A_326 = arith.addi %mul3A_216, %add3A_325 : i32
      %add3A_327 = arith.constant 2 : i32
      %add3A_328 = arith.addi %add3A_326, %add3A_327 : i32
      %dma_start3A_329 = arith.constant 0 : i32
      %dma_start3A_330 = tpu.memref_slice %arg7[%add3A_328, %dma_start3A_329] : memref<320x64xi32, #tpu.memory_space<vmem>> -> memref<1x64xi32, #tpu.memory_space<vmem>>
      %dma_start3A_331 = tpu.memref_squeeze %dma_start3A_330 : memref<1x64xi32, #tpu.memory_space<vmem>> -> memref<64xi32, #tpu.memory_space<vmem>>
      %dma_start3A_332 = arith.constant 0 : i32
      %dma_start3A_333 = arith.constant 0 : i32
      %dma_start3A_334 = tpu.memref_slice %arg2[%dma_start3A_332, %dma_start3A_333] : memref<10000x128xf32, #tpu.memory_space<hbm>> -> memref<10000x128xf32, #tpu.memory_space<hbm>>
      tpu.enqueue_indirect_dma source(%dma_start3A_334 : memref<10000x128xf32, #tpu.memory_space<hbm>>) target(%arg11 : memref<64x128xf32, #tpu.memory_space<vmem>>) offsets(%dma_start3A_331 : memref<64xi32, #tpu.memory_space<vmem>>) semaphore(%arg17 : memref<!tpu.dma_semaphore, #tpu.memory_space<semaphore_mem>>)
      %add3A_335 = arith.constant 3 : i32
      %add3A_336 = arith.addi %mul3A_216, %add3A_335 : i32
      %dma_wait3A_337 = arith.constant 0 : i32
      %dma_wait3A_338 = tpu.memref_slice %arg8[%add3A_336, %dma_wait3A_337] : memref<320x64xi32, #tpu.memory_space<vmem>> -> memref<1x64xi32, #tpu.memory_space<vmem>>
      %dma_wait3A_339 = tpu.memref_squeeze %dma_wait3A_338 : memref<1x64xi32, #tpu.memory_space<vmem>> -> memref<64xi32, #tpu.memory_space<vmem>>
      %dma_wait3A_340 = arith.constant 0 : i32
      %dma_wait3A_341 = arith.constant 0 : i32
      %dma_wait3A_342 = tpu.memref_slice %arg14[%dma_wait3A_340, %dma_wait3A_341] : memref<5120x128xf32, #tpu.memory_space<vmem_shared>> -> memref<5120x128xf32, #tpu.memory_space<vmem_shared>>
      tpu.wait_indirect_dma semaphore(%arg22 : memref<!tpu.dma_semaphore, #tpu.memory_space<semaphore_mem>>) src(%arg12 : memref<64x128xf32, #tpu.memory_space<vmem>>) dst(%dma_wait3A_342 : memref<5120x128xf32, #tpu.memory_space<vmem_shared>>)
      %add3A_343 = arith.constant 4 : i32
      %add3A_344 = arith.addi %mul3A_216, %add3A_343 : i32
      %add3A_345 = arith.constant 3 : i32
      %add3A_346 = arith.addi %add3A_344, %add3A_345 : i32
      %dma_start3A_347 = arith.constant 0 : i32
      %dma_start3A_348 = tpu.memref_slice %arg7[%add3A_346, %dma_start3A_347] : memref<320x64xi32, #tpu.memory_space<vmem>> -> memref<1x64xi32, #tpu.memory_space<vmem>>
      %dma_start3A_349 = tpu.memref_squeeze %dma_start3A_348 : memref<1x64xi32, #tpu.memory_space<vmem>> -> memref<64xi32, #tpu.memory_space<vmem>>
      %dma_start3A_350 = arith.constant 0 : i32
      %dma_start3A_351 = arith.constant 0 : i32
      %dma_start3A_352 = tpu.memref_slice %arg2[%dma_start3A_350, %dma_start3A_351] : memref<10000x128xf32, #tpu.memory_space<hbm>> -> memref<10000x128xf32, #tpu.memory_space<hbm>>
      tpu.enqueue_indirect_dma source(%dma_start3A_352 : memref<10000x128xf32, #tpu.memory_space<hbm>>) target(%arg12 : memref<64x128xf32, #tpu.memory_space<vmem>>) offsets(%dma_start3A_349 : memref<64xi32, #tpu.memory_space<vmem>>) semaphore(%arg18 : memref<!tpu.dma_semaphore, #tpu.memory_space<semaphore_mem>>)
    }
    %sub3A_109 = arith.constant 1 : i32
    %sub3A_110 = arith.subi %max3A_61, %sub3A_109 : i32
    %mul3A = arith.constant 4 : i32
    %mul3A_111 = arith.muli %sub3A_110, %mul3A : i32
    %add3A_112 = arith.constant 0 : i32
    %add3A_113 = arith.addi %mul3A_111, %add3A_112 : i32
    %dma_wait3A = arith.constant 0 : i32
    %dma_wait3A_114 = tpu.memref_slice %arg7[%add3A_113, %dma_wait3A] : memref<320x64xi32, #tpu.memory_space<vmem>> -> memref<1x64xi32, #tpu.memory_space<vmem>>
    %dma_wait3A_115 = tpu.memref_squeeze %dma_wait3A_114 : memref<1x64xi32, #tpu.memory_space<vmem>> -> memref<64xi32, #tpu.memory_space<vmem>>
    %dma_wait3A_116 = arith.constant 0 : i32
    %dma_wait3A_117 = arith.constant 0 : i32
    %dma_wait3A_118 = tpu.memref_slice %arg2[%dma_wait3A_116, %dma_wait3A_117] : memref<10000x128xf32, #tpu.memory_space<hbm>> -> memref<10000x128xf32, #tpu.memory_space<hbm>>
    tpu.wait_indirect_dma semaphore(%arg15 : memref<!tpu.dma_semaphore, #tpu.memory_space<semaphore_mem>>) src(%dma_wait3A_118 : memref<10000x128xf32, #tpu.memory_space<hbm>>) dst(%arg9 : memref<64x128xf32, #tpu.memory_space<vmem>>)
    %add3A_119 = arith.constant 0 : i32
    %add3A_120 = arith.addi %mul3A_111, %add3A_119 : i32
    %dma_start3A_121 = arith.constant 0 : i32
    %dma_start3A_122 = tpu.memref_slice %arg8[%add3A_120, %dma_start3A_121] : memref<320x64xi32, #tpu.memory_space<vmem>> -> memref<1x64xi32, #tpu.memory_space<vmem>>
    %dma_start3A_123 = tpu.memref_squeeze %dma_start3A_122 : memref<1x64xi32, #tpu.memory_space<vmem>> -> memref<64xi32, #tpu.memory_space<vmem>>
    %dma_start3A_124 = arith.constant 0 : i32
    %dma_start3A_125 = arith.constant 0 : i32
    %dma_start3A_126 = tpu.memref_slice %arg14[%dma_start3A_124, %dma_start3A_125] : memref<5120x128xf32, #tpu.memory_space<vmem_shared>> -> memref<5120x128xf32, #tpu.memory_space<vmem_shared>>
    tpu.enqueue_indirect_dma source(%arg9 : memref<64x128xf32, #tpu.memory_space<vmem>>) target(%dma_start3A_126 : memref<5120x128xf32, #tpu.memory_space<vmem_shared>>) offsets(%dma_start3A_123 : memref<64xi32, #tpu.memory_space<vmem>>) semaphore(%arg19 : memref<!tpu.dma_semaphore, #tpu.memory_space<semaphore_mem>>) {add = true}
    %add3A_127 = arith.constant 1 : i32
    %add3A_128 = arith.addi %mul3A_111, %add3A_127 : i32
    %dma_wait3A_129 = arith.constant 0 : i32
    %dma_wait3A_130 = tpu.memref_slice %arg7[%add3A_128, %dma_wait3A_129] : memref<320x64xi32, #tpu.memory_space<vmem>> -> memref<1x64xi32, #tpu.memory_space<vmem>>
    %dma_wait3A_131 = tpu.memref_squeeze %dma_wait3A_130 : memref<1x64xi32, #tpu.memory_space<vmem>> -> memref<64xi32, #tpu.memory_space<vmem>>
    %dma_wait3A_132 = arith.constant 0 : i32
    %dma_wait3A_133 = arith.constant 0 : i32
    %dma_wait3A_134 = tpu.memref_slice %arg2[%dma_wait3A_132, %dma_wait3A_133] : memref<10000x128xf32, #tpu.memory_space<hbm>> -> memref<10000x128xf32, #tpu.memory_space<hbm>>
    tpu.wait_indirect_dma semaphore(%arg16 : memref<!tpu.dma_semaphore, #tpu.memory_space<semaphore_mem>>) src(%dma_wait3A_134 : memref<10000x128xf32, #tpu.memory_space<hbm>>) dst(%arg10 : memref<64x128xf32, #tpu.memory_space<vmem>>)
    %add3A_135 = arith.constant 1 : i32
    %add3A_136 = arith.addi %mul3A_111, %add3A_135 : i32
    %dma_start3A_137 = arith.constant 0 : i32
    %dma_start3A_138 = tpu.memref_slice %arg8[%add3A_136, %dma_start3A_137] : memref<320x64xi32, #tpu.memory_space<vmem>> -> memref<1x64xi32, #tpu.memory_space<vmem>>
    %dma_start3A_139 = tpu.memref_squeeze %dma_start3A_138 : memref<1x64xi32, #tpu.memory_space<vmem>> -> memref<64xi32, #tpu.memory_space<vmem>>
    %dma_start3A_140 = arith.constant 0 : i32
    %dma_start3A_141 = arith.constant 0 : i32
    %dma_start3A_142 = tpu.memref_slice %arg14[%dma_start3A_140, %dma_start3A_141] : memref<5120x128xf32, #tpu.memory_space<vmem_shared>> -> memref<5120x128xf32, #tpu.memory_space<vmem_shared>>
    tpu.enqueue_indirect_dma source(%arg10 : memref<64x128xf32, #tpu.memory_space<vmem>>) target(%dma_start3A_142 : memref<5120x128xf32, #tpu.memory_space<vmem_shared>>) offsets(%dma_start3A_139 : memref<64xi32, #tpu.memory_space<vmem>>) semaphore(%arg20 : memref<!tpu.dma_semaphore, #tpu.memory_space<semaphore_mem>>) {add = true}
    %add3A_143 = arith.constant 2 : i32
    %add3A_144 = arith.addi %mul3A_111, %add3A_143 : i32
    %dma_wait3A_145 = arith.constant 0 : i32
    %dma_wait3A_146 = tpu.memref_slice %arg7[%add3A_144, %dma_wait3A_145] : memref<320x64xi32, #tpu.memory_space<vmem>> -> memref<1x64xi32, #tpu.memory_space<vmem>>
    %dma_wait3A_147 = tpu.memref_squeeze %dma_wait3A_146 : memref<1x64xi32, #tpu.memory_space<vmem>> -> memref<64xi32, #tpu.memory_space<vmem>>
    %dma_wait3A_148 = arith.constant 0 : i32
    %dma_wait3A_149 = arith.constant 0 : i32
    %dma_wait3A_150 = tpu.memref_slice %arg2[%dma_wait3A_148, %dma_wait3A_149] : memref<10000x128xf32, #tpu.memory_space<hbm>> -> memref<10000x128xf32, #tpu.memory_space<hbm>>
    tpu.wait_indirect_dma semaphore(%arg17 : memref<!tpu.dma_semaphore, #tpu.memory_space<semaphore_mem>>) src(%dma_wait3A_150 : memref<10000x128xf32, #tpu.memory_space<hbm>>) dst(%arg11 : memref<64x128xf32, #tpu.memory_space<vmem>>)
    %add3A_151 = arith.constant 2 : i32
    %add3A_152 = arith.addi %mul3A_111, %add3A_151 : i32
    %dma_start3A_153 = arith.constant 0 : i32
    %dma_start3A_154 = tpu.memref_slice %arg8[%add3A_152, %dma_start3A_153] : memref<320x64xi32, #tpu.memory_space<vmem>> -> memref<1x64xi32, #tpu.memory_space<vmem>>
    %dma_start3A_155 = tpu.memref_squeeze %dma_start3A_154 : memref<1x64xi32, #tpu.memory_space<vmem>> -> memref<64xi32, #tpu.memory_space<vmem>>
    %dma_start3A_156 = arith.constant 0 : i32
    %dma_start3A_157 = arith.constant 0 : i32
    %dma_start3A_158 = tpu.memref_slice %arg14[%dma_start3A_156, %dma_start3A_157] : memref<5120x128xf32, #tpu.memory_space<vmem_shared>> -> memref<5120x128xf32, #tpu.memory_space<vmem_shared>>
    tpu.enqueue_indirect_dma source(%arg11 : memref<64x128xf32, #tpu.memory_space<vmem>>) target(%dma_start3A_158 : memref<5120x128xf32, #tpu.memory_space<vmem_shared>>) offsets(%dma_start3A_155 : memref<64xi32, #tpu.memory_space<vmem>>) semaphore(%arg21 : memref<!tpu.dma_semaphore, #tpu.memory_space<semaphore_mem>>) {add = true}
    %add3A_159 = arith.constant 3 : i32
    %add3A_160 = arith.addi %mul3A_111, %add3A_159 : i32
    %dma_wait3A_161 = arith.constant 0 : i32
    %dma_wait3A_162 = tpu.memref_slice %arg7[%add3A_160, %dma_wait3A_161] : memref<320x64xi32, #tpu.memory_space<vmem>> -> memref<1x64xi32, #tpu.memory_space<vmem>>
    %dma_wait3A_163 = tpu.memref_squeeze %dma_wait3A_162 : memref<1x64xi32, #tpu.memory_space<vmem>> -> memref<64xi32, #tpu.memory_space<vmem>>
    %dma_wait3A_164 = arith.constant 0 : i32
    %dma_wait3A_165 = arith.constant 0 : i32
    %dma_wait3A_166 = tpu.memref_slice %arg2[%dma_wait3A_164, %dma_wait3A_165] : memref<10000x128xf32, #tpu.memory_space<hbm>> -> memref<10000x128xf32, #tpu.memory_space<hbm>>
    tpu.wait_indirect_dma semaphore(%arg18 : memref<!tpu.dma_semaphore, #tpu.memory_space<semaphore_mem>>) src(%dma_wait3A_166 : memref<10000x128xf32, #tpu.memory_space<hbm>>) dst(%arg12 : memref<64x128xf32, #tpu.memory_space<vmem>>)
    %add3A_167 = arith.constant 3 : i32
    %add3A_168 = arith.addi %mul3A_111, %add3A_167 : i32
    %dma_start3A_169 = arith.constant 0 : i32
    %dma_start3A_170 = tpu.memref_slice %arg8[%add3A_168, %dma_start3A_169] : memref<320x64xi32, #tpu.memory_space<vmem>> -> memref<1x64xi32, #tpu.memory_space<vmem>>
    %dma_start3A_171 = tpu.memref_squeeze %dma_start3A_170 : memref<1x64xi32, #tpu.memory_space<vmem>> -> memref<64xi32, #tpu.memory_space<vmem>>
    %dma_start3A_172 = arith.constant 0 : i32
    %dma_start3A_173 = arith.constant 0 : i32
    %dma_start3A_174 = tpu.memref_slice %arg14[%dma_start3A_172, %dma_start3A_173] : memref<5120x128xf32, #tpu.memory_space<vmem_shared>> -> memref<5120x128xf32, #tpu.memory_space<vmem_shared>>
    tpu.enqueue_indirect_dma source(%arg12 : memref<64x128xf32, #tpu.memory_space<vmem>>) target(%dma_start3A_174 : memref<5120x128xf32, #tpu.memory_space<vmem_shared>>) offsets(%dma_start3A_171 : memref<64xi32, #tpu.memory_space<vmem>>) semaphore(%arg22 : memref<!tpu.dma_semaphore, #tpu.memory_space<semaphore_mem>>) {add = true}
    %add3A_175 = arith.constant 0 : i32
    %add3A_176 = arith.addi %mul3A_111, %add3A_175 : i32
    %dma_wait3A_177 = arith.constant 0 : i32
    %dma_wait3A_178 = tpu.memref_slice %arg8[%add3A_176, %dma_wait3A_177] : memref<320x64xi32, #tpu.memory_space<vmem>> -> memref<1x64xi32, #tpu.memory_space<vmem>>
    %dma_wait3A_179 = tpu.memref_squeeze %dma_wait3A_178 : memref<1x64xi32, #tpu.memory_space<vmem>> -> memref<64xi32, #tpu.memory_space<vmem>>
    %dma_wait3A_180 = arith.constant 0 : i32
    %dma_wait3A_181 = arith.constant 0 : i32
    %dma_wait3A_182 = tpu.memref_slice %arg14[%dma_wait3A_180, %dma_wait3A_181] : memref<5120x128xf32, #tpu.memory_space<vmem_shared>> -> memref<5120x128xf32, #tpu.memory_space<vmem_shared>>
    tpu.wait_indirect_dma semaphore(%arg19 : memref<!tpu.dma_semaphore, #tpu.memory_space<semaphore_mem>>) src(%arg9 : memref<64x128xf32, #tpu.memory_space<vmem>>) dst(%dma_wait3A_182 : memref<5120x128xf32, #tpu.memory_space<vmem_shared>>)
    %add3A_183 = arith.constant 1 : i32
    %add3A_184 = arith.addi %mul3A_111, %add3A_183 : i32
    %dma_wait3A_185 = arith.constant 0 : i32
    %dma_wait3A_186 = tpu.memref_slice %arg8[%add3A_184, %dma_wait3A_185] : memref<320x64xi32, #tpu.memory_space<vmem>> -> memref<1x64xi32, #tpu.memory_space<vmem>>
    %dma_wait3A_187 = tpu.memref_squeeze %dma_wait3A_186 : memref<1x64xi32, #tpu.memory_space<vmem>> -> memref<64xi32, #tpu.memory_space<vmem>>
    %dma_wait3A_188 = arith.constant 0 : i32
    %dma_wait3A_189 = arith.constant 0 : i32
    %dma_wait3A_190 = tpu.memref_slice %arg14[%dma_wait3A_188, %dma_wait3A_189] : memref<5120x128xf32, #tpu.memory_space<vmem_shared>> -> memref<5120x128xf32, #tpu.memory_space<vmem_shared>>
    tpu.wait_indirect_dma semaphore(%arg20 : memref<!tpu.dma_semaphore, #tpu.memory_space<semaphore_mem>>) src(%arg10 : memref<64x128xf32, #tpu.memory_space<vmem>>) dst(%dma_wait3A_190 : memref<5120x128xf32, #tpu.memory_space<vmem_shared>>)
    %add3A_191 = arith.constant 2 : i32
    %add3A_192 = arith.addi %mul3A_111, %add3A_191 : i32
    %dma_wait3A_193 = arith.constant 0 : i32
    %dma_wait3A_194 = tpu.memref_slice %arg8[%add3A_192, %dma_wait3A_193] : memref<320x64xi32, #tpu.memory_space<vmem>> -> memref<1x64xi32, #tpu.memory_space<vmem>>
    %dma_wait3A_195 = tpu.memref_squeeze %dma_wait3A_194 : memref<1x64xi32, #tpu.memory_space<vmem>> -> memref<64xi32, #tpu.memory_space<vmem>>
    %dma_wait3A_196 = arith.constant 0 : i32
    %dma_wait3A_197 = arith.constant 0 : i32
    %dma_wait3A_198 = tpu.memref_slice %arg14[%dma_wait3A_196, %dma_wait3A_197] : memref<5120x128xf32, #tpu.memory_space<vmem_shared>> -> memref<5120x128xf32, #tpu.memory_space<vmem_shared>>
    tpu.wait_indirect_dma semaphore(%arg21 : memref<!tpu.dma_semaphore, #tpu.memory_space<semaphore_mem>>) src(%arg11 : memref<64x128xf32, #tpu.memory_space<vmem>>) dst(%dma_wait3A_198 : memref<5120x128xf32, #tpu.memory_space<vmem_shared>>)
    %add3A_199 = arith.constant 3 : i32
    %add3A_200 = arith.addi %mul3A_111, %add3A_199 : i32
    %dma_wait3A_201 = arith.constant 0 : i32
    %dma_wait3A_202 = tpu.memref_slice %arg8[%add3A_200, %dma_wait3A_201] : memref<320x64xi32, #tpu.memory_space<vmem>> -> memref<1x64xi32, #tpu.memory_space<vmem>>
    %dma_wait3A_203 = tpu.memref_squeeze %dma_wait3A_202 : memref<1x64xi32, #tpu.memory_space<vmem>> -> memref<64xi32, #tpu.memory_space<vmem>>
    %dma_wait3A_204 = arith.constant 0 : i32
    %dma_wait3A_205 = arith.constant 0 : i32
    %dma_wait3A_206 = tpu.memref_slice %arg14[%dma_wait3A_204, %dma_wait3A_205] : memref<5120x128xf32, #tpu.memory_space<vmem_shared>> -> memref<5120x128xf32, #tpu.memory_space<vmem_shared>>
    tpu.wait_indirect_dma semaphore(%arg22 : memref<!tpu.dma_semaphore, #tpu.memory_space<semaphore_mem>>) src(%arg12 : memref<64x128xf32, #tpu.memory_space<vmem>>) dst(%dma_wait3A_206 : memref<5120x128xf32, #tpu.memory_space<vmem_shared>>)
    %barrier3A_207 = arith.constant 0 : index
    tpu.barrier barrier_id(%barrier3A_207)
    %mul3A_208 = arith.constant 320 : i32
    %mul3A_209 = arith.muli %arg1, %mul3A_208 : i32
    %mul3A_210 = arith.constant 320 : i32
    %mul3A_211 = arith.muli %arg1, %mul3A_210 : i32
    "tpu.region"() ({
      %run_scoped3A = tpu.sem_alloc : memref<!tpu.dma_semaphore, #tpu.memory_space<semaphore_mem>>
      %dma_start3A_212 = arith.constant 0 : i32
      %dma_start3A_213 = tpu.memref_slice %arg6[%arg0, %mul3A_211, %dma_start3A_212] : memref<2x5120x128xf32, #tpu.memory_space<hbm>> -> memref<1x320x128xf32, #tpu.memory_space<hbm>>
      %dma_start3A_214 = tpu.memref_squeeze %dma_start3A_213 : memref<1x320x128xf32, #tpu.memory_space<hbm>> -> memref<320x128xf32, #tpu.memory_space<hbm>>
      %dma_start3A_215 = arith.constant 0 : i32
      %dma_start3A_216 = tpu.memref_slice %arg14[%mul3A_209, %dma_start3A_215] : memref<5120x128xf32, #tpu.memory_space<vmem_shared>> -> memref<320x128xf32, #tpu.memory_space<vmem_shared>>
      tpu.enqueue_dma source(%dma_start3A_216 : memref<320x128xf32, #tpu.memory_space<vmem_shared>>) target(%dma_start3A_214 : memref<320x128xf32, #tpu.memory_space<hbm>>) target_semaphore(%run_scoped3A : memref<!tpu.dma_semaphore, #tpu.memory_space<semaphore_mem>>)
      %dma_wait3A_217 = arith.constant 0 : i32
      %dma_wait3A_218 = tpu.memref_slice %arg6[%arg0, %mul3A_211, %dma_wait3A_217] : memref<2x5120x128xf32, #tpu.memory_space<hbm>> -> memref<1x320x128xf32, #tpu.memory_space<hbm>>
      %dma_wait3A_219 = tpu.memref_squeeze %dma_wait3A_218 : memref<1x320x128xf32, #tpu.memory_space<hbm>> -> memref<320x128xf32, #tpu.memory_space<hbm>>
      %dma_wait3A_220 = arith.constant 0 : i32
      %dma_wait3A_221 = tpu.memref_slice %arg14[%mul3A_209, %dma_wait3A_220] : memref<5120x128xf32, #tpu.memory_space<vmem_shared>> -> memref<320x128xf32, #tpu.memory_space<vmem_shared>>
      tpu.wait_dma2 semaphore(%run_scoped3A : memref<!tpu.dma_semaphore, #tpu.memory_space<semaphore_mem>>) src(%dma_wait3A_221 : memref<320x128xf32, #tpu.memory_space<vmem_shared>>) dst(%dma_wait3A_219 : memref<320x128xf32, #tpu.memory_space<hbm>>)
      tpu.yield
    }) : () -> ()
    return
  }
}

module attributes {stable_mosaic.version = 14 : i64} {
  func.func @_k0_body(%arg0: i32, %arg1: memref<1000x128xf32, #tpu.memory_space<vmem>>, %arg2: memref<128x128xf32, #tpu.memory_space<vmem>>, %arg3: memref<1000x128xf32, #tpu.memory_space<vmem>>) attributes {dimension_semantics = [#tpu.dimension_semantics<arbitrary>], iteration_bounds = array<i64: 10>, scalar_prefetch = 0 : i64, scratch_operands = 0 : i64, tpu.core_type = #tpu.core_type<tc>, window_params = [{transform_indices = @transform_0, window_bounds = array<i64: 1000, 128>}, {pipeline_mode = #tpu.pipeline_mode<synchronous>, transform_indices = @transform_1, window_bounds = array<i64: 128, 128>}, {transform_indices = @transform_2, window_bounds = array<i64: 1000, 128>}]} {
    %get3A = arith.constant 0 : index
    %get3A_0 = arith.constant 0 : index
    %get3A_1 = vector.load %arg1[%get3A, %get3A_0] : memref<1000x128xf32, #tpu.memory_space<vmem>>, vector<1000x128xf32>
    %get3A_2 = arith.constant 0 : index
    %get3A_3 = arith.constant 0 : index
    %get3A_4 = vector.load %arg2[%get3A_2, %get3A_3] : memref<128x128xf32, #tpu.memory_space<vmem>>, vector<128x128xf32>
    %dot_general3A = arith.constant dense<0.000000e+00> : vector<1000x128xf32>
    %dot_general3A_5 = tpu.matmul %get3A_1, %get3A_4, %dot_general3A {dimension_numbers = #tpu.dot_dimension_numbers<[1], [0], [0], [1], [0, 0, 1, 1], [], []>, transpose_lhs_hint = false} : vector<1000x128xf32>, vector<128x128xf32>, vector<1000x128xf32> -> vector<1000x128xf32>
    %swap3A = arith.constant 0 : index
    %swap3A_6 = arith.constant 0 : index
    %swap3A_7 = vector.load %arg3[%swap3A, %swap3A_6] : memref<1000x128xf32, #tpu.memory_space<vmem>>, vector<1000x128xf32>
    tpu.vector_store %arg3[%swap3A, %swap3A_6], %dot_general3A_5 {strides = array<i32>} : memref<1000x128xf32, #tpu.memory_space<vmem>>, vector<1000x128xf32>,
    return
  }
  func.func @transform_0(%arg0: i32) -> (i32, i32) {
    %c0_i32 = arith.constant 0 : i32
    %c0_i32_0 = arith.constant 0 : i32
    return %arg0, %c0_i32 : i32, i32
  }
  func.func @transform_1(%arg0: i32) -> (i32, i32) {
    %c0_i32 = arith.constant 0 : i32
    %c0_i32_0 = arith.constant 0 : i32
    %c0_i32_1 = arith.constant 0 : i32
    return %c0_i32, %c0_i32_0 : i32, i32
  }
  func.func @transform_2(%arg0: i32) -> (i32, i32) {
    %c0_i32 = arith.constant 0 : i32
    %c0_i32_0 = arith.constant 0 : i32
    return %arg0, %c0_i32 : i32, i32
  }
}

module attributes {stable_mosaic.version = 14 : i64} {
  func.func @_k1_body(%arg0: i32, %arg1: memref<1000x16xf32, #tpu.memory_space<vmem>>, %arg2: memref<1000x16xf32, #tpu.memory_space<vmem>>, %arg3: memref<1000x128xf32, #tpu.memory_space<vmem>>, %arg4: memref<1000x128xf32, #tpu.memory_space<vmem>>, %arg5: memref<1000x1xf32, #tpu.memory_space<vmem>>) attributes {dimension_semantics = [#tpu.dimension_semantics<arbitrary>], iteration_bounds = array<i64: 10>, scalar_prefetch = 0 : i64, scratch_operands = 0 : i64, tpu.core_type = #tpu.core_type<tc>, window_params = [{transform_indices = @transform_0, window_bounds = array<i64: 1000, 16>}, {transform_indices = @transform_1, window_bounds = array<i64: 1000, 16>}, {transform_indices = @transform_2, window_bounds = array<i64: 1000, 128>}, {transform_indices = @transform_3, window_bounds = array<i64: 1000, 128>}, {transform_indices = @transform_4, window_bounds = array<i64: 1000, 1>}]} {
    %get3A = arith.constant 0 : index
    %get3A_0 = arith.constant 0 : index
    %get3A_1 = vector.load %arg1[%get3A, %get3A_0] : memref<1000x16xf32, #tpu.memory_space<vmem>>, vector<1000x1xf32>
    %get3A_2 = arith.constant 0 : index
    %get3A_3 = arith.constant 0 : index
    %get3A_4 = vector.load %arg2[%get3A_2, %get3A_3] : memref<1000x16xf32, #tpu.memory_space<vmem>>, vector<1000x1xf32>
    %add3A = arith.addf %get3A_1, %get3A_4 : vector<1000x1xf32>
    %add3A_5 = arith.constant 1.000000e+00 : f32
    %add3A_6 = vector.broadcast %add3A_5 : f32 to vector<1000x1xf32>
    %add3A_7 = arith.addf %add3A, %add3A_6 : vector<1000x1xf32>
    %max3A = arith.constant 1.000000e+00 : f32
    %max3A_8 = vector.broadcast %max3A : f32 to vector<1000x1xf32>
    %max3A_9 = arith.maximumf %add3A_7, %max3A_8 : vector<1000x1xf32>
    %rsqrt3A = math.rsqrt %max3A_9 : vector<1000x1xf32>
    %swap3A = arith.constant 0 : index
    %swap3A_10 = arith.constant 0 : index
    %swap3A_11 = vector.load %arg5[%swap3A, %swap3A_10] : memref<1000x1xf32, #tpu.memory_space<vmem>>, vector<1000x1xf32>
    tpu.vector_store %arg5[%swap3A, %swap3A_10], %rsqrt3A {strides = array<i32>} : memref<1000x1xf32, #tpu.memory_space<vmem>>, vector<1000x1xf32>,
    %get3A_12 = arith.constant 0 : index
    %get3A_13 = arith.constant 0 : index
    %get3A_14 = vector.load %arg3[%get3A_12, %get3A_13] : memref<1000x128xf32, #tpu.memory_space<vmem>>, vector<1000x128xf32>
    %mul3A = vector.broadcast %rsqrt3A : vector<1000x1xf32> to vector<1000x128xf32>
    %mul3A_15 = arith.mulf %get3A_14, %mul3A : vector<1000x128xf32>
    %swap3A_16 = arith.constant 0 : index
    %swap3A_17 = arith.constant 0 : index
    %swap3A_18 = vector.load %arg4[%swap3A_16, %swap3A_17] : memref<1000x128xf32, #tpu.memory_space<vmem>>, vector<1000x128xf32>
    tpu.vector_store %arg4[%swap3A_16, %swap3A_17], %mul3A_15 {strides = array<i32>} : memref<1000x128xf32, #tpu.memory_space<vmem>>, vector<1000x128xf32>,
    return
  }
  func.func @transform_0(%arg0: i32) -> (i32, i32) {
    %c0_i32 = arith.constant 0 : i32
    %c0_i32_0 = arith.constant 0 : i32
    return %arg0, %c0_i32 : i32, i32
  }
  func.func @transform_1(%arg0: i32) -> (i32, i32) {
    %c0_i32 = arith.constant 0 : i32
    %c0_i32_0 = arith.constant 0 : i32
    return %arg0, %c0_i32 : i32, i32
  }
  func.func @transform_2(%arg0: i32) -> (i32, i32) {
    %c0_i32 = arith.constant 0 : i32
    %c0_i32_0 = arith.constant 0 : i32
    return %arg0, %c0_i32 : i32, i32
  }
  func.func @transform_3(%arg0: i32) -> (i32, i32) {
    %c0_i32 = arith.constant 0 : i32
    %c0_i32_0 = arith.constant 0 : i32
    return %arg0, %c0_i32 : i32, i32
  }
  func.func @transform_4(%arg0: i32) -> (i32, i32) {
    %c0_i32 = arith.constant 0 : i32
    %c0_i32_0 = arith.constant 0 : i32
    return %arg0, %c0_i32 : i32, i32
  }
}

module attributes {stable_mosaic.version = 14 : i64} {
  func.func @_k2_body(%arg0: i32, %arg1: memref<1x1000x128xf32, #tpu.memory_space<vmem>>, %arg2: memref<1000x128xf32, #tpu.memory_space<vmem>>, %arg3: memref<1000x1xf32, #tpu.memory_space<vmem>>, %arg4: memref<1x128xf32, #tpu.memory_space<vmem>>, %arg5: memref<128x128xf32, #tpu.memory_space<vmem>>, %arg6: memref<1000x128xf32, #tpu.memory_space<vmem>>) attributes {dimension_semantics = [#tpu.dimension_semantics<arbitrary>], iteration_bounds = array<i64: 10>, scalar_prefetch = 0 : i64, scratch_operands = 0 : i64, tpu.core_type = #tpu.core_type<tc>, window_params = [{transform_indices = @transform_0, window_bounds = array<i64: 1, 1000, 128>}, {transform_indices = @transform_1, window_bounds = array<i64: 1000, 128>}, {transform_indices = @transform_2, window_bounds = array<i64: 1000, 1>}, {pipeline_mode = #tpu.pipeline_mode<synchronous>, transform_indices = @transform_3, window_bounds = array<i64: 1, 128>}, {pipeline_mode = #tpu.pipeline_mode<synchronous>, transform_indices = @transform_4, window_bounds = array<i64: 128, 128>}, {transform_indices = @transform_5, window_bounds = array<i64: 1000, 128>}]} {
    %get3A = arith.constant 0 : index
    %get3A_0 = arith.constant 0 : index
    %get3A_1 = arith.constant 0 : index
    %get3A_2 = vector.load %arg1[%get3A, %get3A_0, %get3A_1] : memref<1x1000x128xf32, #tpu.memory_space<vmem>>, vector<1x1000x128xf32>
    %get3A_3 = vector.shape_cast %get3A_2 : vector<1x1000x128xf32> to vector<1000x128xf32>
    %get3A_4 = arith.constant 0 : index
    %get3A_5 = arith.constant 0 : index
    %get3A_6 = vector.load %arg2[%get3A_4, %get3A_5] : memref<1000x128xf32, #tpu.memory_space<vmem>>, vector<1000x128xf32>
    %add3A = arith.addf %get3A_3, %get3A_6 : vector<1000x128xf32>
    %get3A_7 = arith.constant 0 : index
    %get3A_8 = arith.constant 0 : index
    %get3A_9 = vector.load %arg3[%get3A_7, %get3A_8] : memref<1000x1xf32, #tpu.memory_space<vmem>>, vector<1000x1xf32>
    %mul3A = vector.broadcast %get3A_9 : vector<1000x1xf32> to vector<1000x128xf32>
    %mul3A_10 = arith.mulf %add3A, %mul3A : vector<1000x128xf32>
    %get3A_11 = arith.constant 0 : index
    %get3A_12 = arith.constant 0 : index
    %get3A_13 = vector.load %arg4[%get3A_11, %get3A_12] : memref<1x128xf32, #tpu.memory_space<vmem>>, vector<1x128xf32>
    %add3A_14 = vector.broadcast %get3A_13 : vector<1x128xf32> to vector<1000x128xf32>
    %add3A_15 = arith.addf %mul3A_10, %add3A_14 : vector<1000x128xf32>
    %max3A = arith.constant 0.000000e+00 : f32
    %max3A_16 = vector.broadcast %max3A : f32 to vector<1000x128xf32>
    %max3A_17 = arith.maximumf %add3A_15, %max3A_16 : vector<1000x128xf32>
    %get3A_18 = arith.constant 0 : index
    %get3A_19 = arith.constant 0 : index
    %get3A_20 = vector.load %arg5[%get3A_18, %get3A_19] : memref<128x128xf32, #tpu.memory_space<vmem>>, vector<128x128xf32>
    %dot_general3A = arith.constant dense<0.000000e+00> : vector<1000x128xf32>
    %dot_general3A_21 = tpu.matmul %max3A_17, %get3A_20, %dot_general3A {dimension_numbers = #tpu.dot_dimension_numbers<[1], [0], [0], [1], [0, 0, 1, 1], [], []>, transpose_lhs_hint = false} : vector<1000x128xf32>, vector<128x128xf32>, vector<1000x128xf32> -> vector<1000x128xf32>
    %get3A_22 = arith.constant 0 : index
    %get3A_23 = arith.constant 0 : index
    %get3A_24 = vector.load %arg3[%get3A_22, %get3A_23] : memref<1000x1xf32, #tpu.memory_space<vmem>>, vector<1000x1xf32>
    %mul3A_25 = vector.broadcast %get3A_24 : vector<1000x1xf32> to vector<1000x128xf32>
    %mul3A_26 = arith.mulf %dot_general3A_21, %mul3A_25 : vector<1000x128xf32>
    %swap3A = arith.constant 0 : index
    %swap3A_27 = arith.constant 0 : index
    %swap3A_28 = vector.load %arg6[%swap3A, %swap3A_27] : memref<1000x128xf32, #tpu.memory_space<vmem>>, vector<1000x128xf32>
    tpu.vector_store %arg6[%swap3A, %swap3A_27], %mul3A_26 {strides = array<i32>} : memref<1000x128xf32, #tpu.memory_space<vmem>>, vector<1000x128xf32>,
    return
  }
  func.func @transform_0(%arg0: i32) -> (i32, i32, i32) {
    %jit3A = arith.constant 5 : i32
    %div3A = arith.divsi %arg0, %jit3A : i32
    %sign3A = arith.constant 0 : i32
    %sign3A_0 = arith.cmpi sgt, %arg0, %sign3A : i32
    %sign3A_1 = arith.extui %sign3A_0 : i1 to i32
    %sign3A_2 = arith.constant 0 : i32
    %sign3A_3 = arith.cmpi slt, %arg0, %sign3A_2 : i32
    %sign3A_4 = arith.extui %sign3A_3 : i1 to i32
    %sign3A_5 = arith.subi %sign3A_1, %sign3A_4 : i32
    %sign3A_6 = arith.constant 0 : i32
    %sign3A_7 = arith.cmpi sgt, %jit3A, %sign3A_6 : i32
    %sign3A_8 = arith.extui %sign3A_7 : i1 to i32
    %sign3A_9 = arith.constant 0 : i32
    %sign3A_10 = arith.cmpi slt, %jit3A, %sign3A_9 : i32
    %sign3A_11 = arith.extui %sign3A_10 : i1 to i32
    %sign3A_12 = arith.subi %sign3A_8, %sign3A_11 : i32
    %ne3A = arith.cmpi ne, %sign3A_5, %sign3A_12 : i32
    %rem3A = arith.remsi %arg0, %jit3A : i32
    %ne3A_13 = arith.constant 0 : i32
    %ne3A_14 = arith.cmpi ne, %rem3A, %ne3A_13 : i32
    %and3A = arith.andi %ne3A, %ne3A_14 : i1
    %sub3A = arith.constant 1 : i32
    %sub3A_15 = arith.subi %div3A, %sub3A : i32
    %select_n3A = arith.select %and3A, %sub3A_15, %div3A : i32
    %jit3A_16 = arith.constant 5 : i32
    %eq3A = arith.constant 0 : i32
    %eq3A_17 = arith.cmpi eq, %jit3A_16, %eq3A : i32
    %jit3A_18 = arith.constant 1 : i32
    %select_n3A_19 = arith.select %eq3A_17, %jit3A_18, %jit3A_16 : i32
    %rem3A_20 = arith.remsi %arg0, %select_n3A_19 : i32
    %ne3A_21 = arith.constant 0 : i32
    %ne3A_22 = arith.cmpi ne, %rem3A_20, %ne3A_21 : i32
    %lt3A = arith.constant 0 : i32
    %lt3A_23 = arith.cmpi slt, %rem3A_20, %lt3A : i32
    %lt3A_24 = arith.constant 0 : i32
    %lt3A_25 = arith.cmpi slt, %select_n3A_19, %lt3A_24 : i32
    %ne3A_26 = arith.xori %lt3A_23, %lt3A_25 : i1
    %and3A_27 = arith.andi %ne3A_26, %ne3A_22 : i1
    %add3A = arith.addi %rem3A_20, %select_n3A_19 : i32
    %select_n3A_28 = arith.select %and3A_27, %add3A, %rem3A_20 : i32
    %c0_i32 = arith.constant 0 : i32
    %c0_i32_29 = arith.constant 0 : i32
    return %select_n3A, %select_n3A_28, %c0_i32 : i32, i32, i32
  }
  func.func @transform_1(%arg0: i32) -> (i32, i32) {
    %c0_i32 = arith.constant 0 : i32
    %c0_i32_0 = arith.constant 0 : i32
    return %arg0, %c0_i32 : i32, i32
  }
  func.func @transform_2(%arg0: i32) -> (i32, i32) {
    %c0_i32 = arith.constant 0 : i32
    %c0_i32_0 = arith.constant 0 : i32
    return %arg0, %c0_i32 : i32, i32
  }
  func.func @transform_3(%arg0: i32) -> (i32, i32) {
    %c0_i32 = arith.constant 0 : i32
    %c0_i32_0 = arith.constant 0 : i32
    %c0_i32_1 = arith.constant 0 : i32
    return %c0_i32, %c0_i32_0 : i32, i32
  }
  func.func @transform_4(%arg0: i32) -> (i32, i32) {
    %c0_i32 = arith.constant 0 : i32
    %c0_i32_0 = arith.constant 0 : i32
    %c0_i32_1 = arith.constant 0 : i32
    return %c0_i32, %c0_i32_0 : i32, i32
  }
  func.func @transform_5(%arg0: i32) -> (i32, i32) {
    %c0_i32 = arith.constant 0 : i32
    %c0_i32_0 = arith.constant 0 : i32
    return %arg0, %c0_i32 : i32, i32
  }
}

module attributes {stable_mosaic.version = 14 : i64} {
  func.func @_k3_body(%arg0: i32, %arg1: memref<1x1000x128xf32, #tpu.memory_space<vmem>>, %arg2: memref<1000x128xf32, #tpu.memory_space<vmem>>, %arg3: memref<1000x1xf32, #tpu.memory_space<vmem>>, %arg4: memref<1x128xf32, #tpu.memory_space<vmem>>, %arg5: memref<128x128xf32, #tpu.memory_space<vmem>>, %arg6: memref<1x128xf32, #tpu.memory_space<vmem>>, %arg7: memref<1000x128xf32, #tpu.memory_space<vmem>>, %arg8: memref<8x128xf32, #tpu.memory_space<vmem>>) attributes {dimension_semantics = [#tpu.dimension_semantics<arbitrary>], iteration_bounds = array<i64: 10>, scalar_prefetch = 0 : i64, scratch_operands = 0 : i64, tpu.core_type = #tpu.core_type<tc>, window_params = [{transform_indices = @transform_0, window_bounds = array<i64: 1, 1000, 128>}, {transform_indices = @transform_1, window_bounds = array<i64: 1000, 128>}, {transform_indices = @transform_2, window_bounds = array<i64: 1000, 1>}, {pipeline_mode = #tpu.pipeline_mode<synchronous>, transform_indices = @transform_3, window_bounds = array<i64: 1, 128>}, {pipeline_mode = #tpu.pipeline_mode<synchronous>, transform_indices = @transform_4, window_bounds = array<i64: 128, 128>}, {pipeline_mode = #tpu.pipeline_mode<synchronous>, transform_indices = @transform_5, window_bounds = array<i64: 1, 128>}, {transform_indices = @transform_6, window_bounds = array<i64: 1000, 128>}, {pipeline_mode = #tpu.pipeline_mode<synchronous>, transform_indices = @transform_7, window_bounds = array<i64: 8, 128>}]} {
    %get3A = arith.constant 0 : index
    %get3A_0 = arith.constant 0 : index
    %get3A_1 = arith.constant 0 : index
    %get3A_2 = vector.load %arg1[%get3A, %get3A_0, %get3A_1] : memref<1x1000x128xf32, #tpu.memory_space<vmem>>, vector<1x1000x128xf32>
    %get3A_3 = vector.shape_cast %get3A_2 : vector<1x1000x128xf32> to vector<1000x128xf32>
    %get3A_4 = arith.constant 0 : index
    %get3A_5 = arith.constant 0 : index
    %get3A_6 = vector.load %arg2[%get3A_4, %get3A_5] : memref<1000x128xf32, #tpu.memory_space<vmem>>, vector<1000x128xf32>
    %add3A = arith.addf %get3A_3, %get3A_6 : vector<1000x128xf32>
    %get3A_7 = arith.constant 0 : index
    %get3A_8 = arith.constant 0 : index
    %get3A_9 = vector.load %arg3[%get3A_7, %get3A_8] : memref<1000x1xf32, #tpu.memory_space<vmem>>, vector<1000x1xf32>
    %mul3A = vector.broadcast %get3A_9 : vector<1000x1xf32> to vector<1000x128xf32>
    %mul3A_10 = arith.mulf %add3A, %mul3A : vector<1000x128xf32>
    %get3A_11 = arith.constant 0 : index
    %get3A_12 = arith.constant 0 : index
    %get3A_13 = vector.load %arg4[%get3A_11, %get3A_12] : memref<1x128xf32, #tpu.memory_space<vmem>>, vector<1x128xf32>
    %add3A_14 = vector.broadcast %get3A_13 : vector<1x128xf32> to vector<1000x128xf32>
    %add3A_15 = arith.addf %mul3A_10, %add3A_14 : vector<1000x128xf32>
    %max3A = arith.constant 0.000000e+00 : f32
    %max3A_16 = vector.broadcast %max3A : f32 to vector<1000x128xf32>
    %max3A_17 = arith.maximumf %add3A_15, %max3A_16 : vector<1000x128xf32>
    %get3A_18 = arith.constant 0 : index
    %get3A_19 = arith.constant 0 : index
    %get3A_20 = vector.load %arg5[%get3A_18, %get3A_19] : memref<128x128xf32, #tpu.memory_space<vmem>>, vector<128x128xf32>
    %dot_general3A = arith.constant dense<0.000000e+00> : vector<1000x128xf32>
    %dot_general3A_21 = tpu.matmul %max3A_17, %get3A_20, %dot_general3A {dimension_numbers = #tpu.dot_dimension_numbers<[1], [0], [0], [1], [0, 0, 1, 1], [], []>, transpose_lhs_hint = false} : vector<1000x128xf32>, vector<128x128xf32>, vector<1000x128xf32> -> vector<1000x128xf32>
    %get3A_22 = arith.constant 0 : index
    %get3A_23 = arith.constant 0 : index
    %get3A_24 = vector.load %arg6[%get3A_22, %get3A_23] : memref<1x128xf32, #tpu.memory_space<vmem>>, vector<1x128xf32>
    %add3A_25 = vector.broadcast %get3A_24 : vector<1x128xf32> to vector<1000x128xf32>
    %add3A_26 = arith.addf %dot_general3A_21, %add3A_25 : vector<1000x128xf32>
    %swap3A = arith.constant 0 : index
    %swap3A_27 = arith.constant 0 : index
    %swap3A_28 = vector.load %arg7[%swap3A, %swap3A_27] : memref<1000x128xf32, #tpu.memory_space<vmem>>, vector<1000x128xf32>
    tpu.vector_store %arg7[%swap3A, %swap3A_27], %add3A_26 {strides = array<i32>} : memref<1000x128xf32, #tpu.memory_space<vmem>>, vector<1000x128xf32>,
    %eq3A = arith.constant 0 : i32
    %eq3A_29 = arith.cmpi eq, %arg0, %eq3A : i32
    %convert_element_type3A = arith.extui %eq3A_29 : i1 to i32
    %cond3A = arith.constant 0 : i32
    %cond3A_30 = arith.cmpi ne, %convert_element_type3A, %cond3A : i32
    scf.if %cond3A_30 {
      %broadcast_in_dim3A_50 = arith.constant 0.000000e+00 : f32
      %broadcast_in_dim3A_51 = vector.broadcast %broadcast_in_dim3A_50 : f32 to vector<8x128xf32>
      %swap3A_52 = arith.constant 0 : index
      %swap3A_53 = arith.constant 0 : index
      %swap3A_54 = vector.load %arg8[%swap3A_52, %swap3A_53] : memref<8x128xf32, #tpu.memory_space<vmem>>, vector<8x128xf32>
      tpu.vector_store %arg8[%swap3A_52, %swap3A_53], %broadcast_in_dim3A_51 {strides = array<i32>} : memref<8x128xf32, #tpu.memory_space<vmem>>, vector<8x128xf32>,
    } else {
    }
    %get3A_31 = arith.constant 0 : index
    %get3A_32 = arith.constant 0 : index
    %get3A_33 = vector.load %arg8[%get3A_31, %get3A_32] : memref<8x128xf32, #tpu.memory_space<vmem>>, vector<1x128xf32>
    %reduce_sum3A = arith.constant dense<0.000000e+00> : vector<128xf32>
    %reduce_sum3A_34 = vector.multi_reduction <add>, %add3A_26, %reduce_sum3A [0] : vector<1000x128xf32> to vector<128xf32>
    %broadcast_in_dim3A = vector.shape_cast %reduce_sum3A_34 : vector<128xf32> to vector<1x128xf32>
    %add3A_35 = arith.addf %get3A_33, %broadcast_in_dim3A : vector<1x128xf32>
    %swap3A_36 = arith.constant 0 : index
    %swap3A_37 = arith.constant 0 : index
    %swap3A_38 = vector.load %arg8[%swap3A_36, %swap3A_37] : memref<8x128xf32, #tpu.memory_space<vmem>>, vector<1x128xf32>
    tpu.vector_store %arg8[%swap3A_36, %swap3A_37], %add3A_35 {strides = array<i32>} : memref<8x128xf32, #tpu.memory_space<vmem>>, vector<1x128xf32>,
    %get3A_39 = arith.constant 1 : index
    %get3A_40 = arith.constant 0 : index
    %get3A_41 = vector.load %arg8[%get3A_39, %get3A_40] : memref<8x128xf32, #tpu.memory_space<vmem>>, vector<1x128xf32>
    %mul3A_42 = arith.mulf %add3A_26, %add3A_26 : vector<1000x128xf32>
    %reduce_sum3A_43 = arith.constant dense<0.000000e+00> : vector<128xf32>
    %reduce_sum3A_44 = vector.multi_reduction <add>, %mul3A_42, %reduce_sum3A_43 [0] : vector<1000x128xf32> to vector<128xf32>
    %broadcast_in_dim3A_45 = vector.shape_cast %reduce_sum3A_44 : vector<128xf32> to vector<1x128xf32>
    %add3A_46 = arith.addf %get3A_41, %broadcast_in_dim3A_45 : vector<1x128xf32>
    %swap3A_47 = arith.constant 1 : index
    %swap3A_48 = arith.constant 0 : index
    %swap3A_49 = vector.load %arg8[%swap3A_47, %swap3A_48] : memref<8x128xf32, #tpu.memory_space<vmem>>, vector<1x128xf32>
    tpu.vector_store %arg8[%swap3A_47, %swap3A_48], %add3A_46 {strides = array<i32>} : memref<8x128xf32, #tpu.memory_space<vmem>>, vector<1x128xf32>,
    return
  }
  func.func @transform_0(%arg0: i32) -> (i32, i32, i32) {
    %jit3A = arith.constant 5 : i32
    %div3A = arith.divsi %arg0, %jit3A : i32
    %sign3A = arith.constant 0 : i32
    %sign3A_0 = arith.cmpi sgt, %arg0, %sign3A : i32
    %sign3A_1 = arith.extui %sign3A_0 : i1 to i32
    %sign3A_2 = arith.constant 0 : i32
    %sign3A_3 = arith.cmpi slt, %arg0, %sign3A_2 : i32
    %sign3A_4 = arith.extui %sign3A_3 : i1 to i32
    %sign3A_5 = arith.subi %sign3A_1, %sign3A_4 : i32
    %sign3A_6 = arith.constant 0 : i32
    %sign3A_7 = arith.cmpi sgt, %jit3A, %sign3A_6 : i32
    %sign3A_8 = arith.extui %sign3A_7 : i1 to i32
    %sign3A_9 = arith.constant 0 : i32
    %sign3A_10 = arith.cmpi slt, %jit3A, %sign3A_9 : i32
    %sign3A_11 = arith.extui %sign3A_10 : i1 to i32
    %sign3A_12 = arith.subi %sign3A_8, %sign3A_11 : i32
    %ne3A = arith.cmpi ne, %sign3A_5, %sign3A_12 : i32
    %rem3A = arith.remsi %arg0, %jit3A : i32
    %ne3A_13 = arith.constant 0 : i32
    %ne3A_14 = arith.cmpi ne, %rem3A, %ne3A_13 : i32
    %and3A = arith.andi %ne3A, %ne3A_14 : i1
    %sub3A = arith.constant 1 : i32
    %sub3A_15 = arith.subi %div3A, %sub3A : i32
    %select_n3A = arith.select %and3A, %sub3A_15, %div3A : i32
    %jit3A_16 = arith.constant 5 : i32
    %eq3A = arith.constant 0 : i32
    %eq3A_17 = arith.cmpi eq, %jit3A_16, %eq3A : i32
    %jit3A_18 = arith.constant 1 : i32
    %select_n3A_19 = arith.select %eq3A_17, %jit3A_18, %jit3A_16 : i32
    %rem3A_20 = arith.remsi %arg0, %select_n3A_19 : i32
    %ne3A_21 = arith.constant 0 : i32
    %ne3A_22 = arith.cmpi ne, %rem3A_20, %ne3A_21 : i32
    %lt3A = arith.constant 0 : i32
    %lt3A_23 = arith.cmpi slt, %rem3A_20, %lt3A : i32
    %lt3A_24 = arith.constant 0 : i32
    %lt3A_25 = arith.cmpi slt, %select_n3A_19, %lt3A_24 : i32
    %ne3A_26 = arith.xori %lt3A_23, %lt3A_25 : i1
    %and3A_27 = arith.andi %ne3A_26, %ne3A_22 : i1
    %add3A = arith.addi %rem3A_20, %select_n3A_19 : i32
    %select_n3A_28 = arith.select %and3A_27, %add3A, %rem3A_20 : i32
    %c0_i32 = arith.constant 0 : i32
    %c0_i32_29 = arith.constant 0 : i32
    return %select_n3A, %select_n3A_28, %c0_i32 : i32, i32, i32
  }
  func.func @transform_1(%arg0: i32) -> (i32, i32) {
    %c0_i32 = arith.constant 0 : i32
    %c0_i32_0 = arith.constant 0 : i32
    return %arg0, %c0_i32 : i32, i32
  }
  func.func @transform_2(%arg0: i32) -> (i32, i32) {
    %c0_i32 = arith.constant 0 : i32
    %c0_i32_0 = arith.constant 0 : i32
    return %arg0, %c0_i32 : i32, i32
  }
  func.func @transform_3(%arg0: i32) -> (i32, i32) {
    %c0_i32 = arith.constant 0 : i32
    %c0_i32_0 = arith.constant 0 : i32
    %c0_i32_1 = arith.constant 0 : i32
    return %c0_i32, %c0_i32_0 : i32, i32
  }
  func.func @transform_4(%arg0: i32) -> (i32, i32) {
    %c0_i32 = arith.constant 0 : i32
    %c0_i32_0 = arith.constant 0 : i32
    %c0_i32_1 = arith.constant 0 : i32
    return %c0_i32, %c0_i32_0 : i32, i32
  }
  func.func @transform_5(%arg0: i32) -> (i32, i32) {
    %c0_i32 = arith.constant 0 : i32
    %c0_i32_0 = arith.constant 0 : i32
    %c0_i32_1 = arith.constant 0 : i32
    return %c0_i32, %c0_i32_0 : i32, i32
  }
  func.func @transform_6(%arg0: i32) -> (i32, i32) {
    %c0_i32 = arith.constant 0 : i32
    %c0_i32_0 = arith.constant 0 : i32
    return %arg0, %c0_i32 : i32, i32
  }
  func.func @transform_7(%arg0: i32) -> (i32, i32) {
    %c0_i32 = arith.constant 0 : i32
    %c0_i32_0 = arith.constant 0 : i32
    %c0_i32_1 = arith.constant 0 : i32
    return %c0_i32, %c0_i32_0 : i32, i32
  }
}

module attributes {stable_mosaic.version = 14 : i64} {
  func.func @_k4_body(%arg0: i32, %arg1: memref<1000x128xf32, #tpu.memory_space<vmem>>, %arg2: memref<1x128xf32, #tpu.memory_space<vmem>>, %arg3: memref<1x128xf32, #tpu.memory_space<vmem>>, %arg4: memref<128x128xf32, #tpu.memory_space<vmem>>, %arg5: memref<1x128xf32, #tpu.memory_space<vmem>>, %arg6: memref<1000x1xi32, #tpu.memory_space<vmem>>, %arg7: memref<32x128xf32, #tpu.memory_space<vmem>>) attributes {dimension_semantics = [#tpu.dimension_semantics<arbitrary>], iteration_bounds = array<i64: 10>, scalar_prefetch = 0 : i64, scratch_operands = 0 : i64, tpu.core_type = #tpu.core_type<tc>, window_params = [{transform_indices = @transform_0, window_bounds = array<i64: 1000, 128>}, {pipeline_mode = #tpu.pipeline_mode<synchronous>, transform_indices = @transform_1, window_bounds = array<i64: 1, 128>}, {pipeline_mode = #tpu.pipeline_mode<synchronous>, transform_indices = @transform_2, window_bounds = array<i64: 1, 128>}, {pipeline_mode = #tpu.pipeline_mode<synchronous>, transform_indices = @transform_3, window_bounds = array<i64: 128, 128>}, {pipeline_mode = #tpu.pipeline_mode<synchronous>, transform_indices = @transform_4, window_bounds = array<i64: 1, 128>}, {transform_indices = @transform_5, window_bounds = array<i64: 1000, 1>}, {pipeline_mode = #tpu.pipeline_mode<synchronous>, transform_indices = @transform_6, window_bounds = array<i64: 32, 128>}]} {
    %get3A = arith.constant 0 : index
    %get3A_0 = arith.constant 0 : index
    %get3A_1 = vector.load %arg1[%get3A, %get3A_0] : memref<1000x128xf32, #tpu.memory_space<vmem>>, vector<1000x128xf32>
    %get3A_2 = arith.constant 0 : index
    %get3A_3 = arith.constant 0 : index
    %get3A_4 = vector.load %arg2[%get3A_2, %get3A_3] : memref<1x128xf32, #tpu.memory_space<vmem>>, vector<1x128xf32>
    %mul3A = vector.broadcast %get3A_4 : vector<1x128xf32> to vector<1000x128xf32>
    %mul3A_5 = arith.mulf %get3A_1, %mul3A : vector<1000x128xf32>
    %get3A_6 = arith.constant 0 : index
    %get3A_7 = arith.constant 0 : index
    %get3A_8 = vector.load %arg3[%get3A_6, %get3A_7] : memref<1x128xf32, #tpu.memory_space<vmem>>, vector<1x128xf32>
    %add3A = vector.broadcast %get3A_8 : vector<1x128xf32> to vector<1000x128xf32>
    %add3A_9 = arith.addf %mul3A_5, %add3A : vector<1000x128xf32>
    %max3A = arith.constant 0.000000e+00 : f32
    %max3A_10 = vector.broadcast %max3A : f32 to vector<1000x128xf32>
    %max3A_11 = arith.maximumf %add3A_9, %max3A_10 : vector<1000x128xf32>
    %get3A_12 = arith.constant 0 : index
    %get3A_13 = arith.constant 0 : index
    %get3A_14 = vector.load %arg4[%get3A_12, %get3A_13] : memref<128x128xf32, #tpu.memory_space<vmem>>, vector<128x128xf32>
    %dot_general3A = arith.constant dense<0.000000e+00> : vector<1000x128xf32>
    %dot_general3A_15 = tpu.matmul %max3A_11, %get3A_14, %dot_general3A {dimension_numbers = #tpu.dot_dimension_numbers<[1], [0], [0], [1], [0, 0, 1, 1], [], []>, transpose_lhs_hint = false} : vector<1000x128xf32>, vector<128x128xf32>, vector<1000x128xf32> -> vector<1000x128xf32>
    %get3A_16 = arith.constant 0 : index
    %get3A_17 = arith.constant 0 : index
    %get3A_18 = vector.load %arg5[%get3A_16, %get3A_17] : memref<1x128xf32, #tpu.memory_space<vmem>>, vector<1x128xf32>
    %add3A_19 = vector.broadcast %get3A_18 : vector<1x128xf32> to vector<1000x128xf32>
    %add3A_20 = arith.addf %dot_general3A_15, %add3A_19 : vector<1000x128xf32>
    %max3A_21 = arith.constant 0.000000e+00 : f32
    %max3A_22 = vector.broadcast %max3A_21 : f32 to vector<1000x128xf32>
    %max3A_23 = arith.maximumf %add3A_20, %max3A_22 : vector<1000x128xf32>
    %get3A_24 = arith.constant 0 : index
    %get3A_25 = arith.constant 0 : index
    %get3A_26 = vector.load %arg6[%get3A_24, %get3A_25] : memref<1000x1xi32, #tpu.memory_space<vmem>>, vector<1000x1xi32>
    %eq3A = arith.constant 0 : i32
    %eq3A_27 = arith.cmpi eq, %arg0, %eq3A : i32
    %convert_element_type3A = arith.extui %eq3A_27 : i1 to i32
    %cond3A = arith.constant 0 : i32
    %cond3A_28 = arith.cmpi ne, %convert_element_type3A, %cond3A : i32
    scf.if %cond3A_28 {
      %broadcast_in_dim3A = arith.constant 0xFF800000 : f32
      %broadcast_in_dim3A_41 = vector.broadcast %broadcast_in_dim3A : f32 to vector<32x128xf32>
      %swap3A = arith.constant 0 : index
      %swap3A_42 = arith.constant 0 : index
      %swap3A_43 = vector.load %arg7[%swap3A, %swap3A_42] : memref<32x128xf32, #tpu.memory_space<vmem>>, vector<32x128xf32>
      tpu.vector_store %arg7[%swap3A, %swap3A_42], %broadcast_in_dim3A_41 {strides = array<i32>} : memref<32x128xf32, #tpu.memory_space<vmem>>, vector<32x128xf32>,
    } else {
    }
    %slice3A = vector.extract_strided_slice %get3A_26 {offsets = [0, 0], sizes = [1, 1], strides = [1, 1]} : vector<1000x1xi32> to vector<1x1xi32>
    %squeeze3A = vector.extract %slice3A[0, 0] : i32 from vector<1x1xi32>
    %slice3A_29 = vector.extract_strided_slice %get3A_26 {offsets = [999, 0], sizes = [1, 1], strides = [1, 1]} : vector<1000x1xi32> to vector<1x1xi32>
    %squeeze3A_30 = vector.extract %slice3A_29[0, 0] : i32 from vector<1x1xi32>
    %add3A_31 = arith.constant 1 : i32
    %add3A_32 = arith.addi %squeeze3A_30, %add3A_31 : i32
    %while3A = arith.constant 0 : i32
    %while3A_33 = arith.subi %add3A_32, %squeeze3A : i32
    %while3A_34 = arith.addi %squeeze3A, %while3A_33 : i32
    %while3A_35 = arith.constant 1 : i32
    %while3A_36 = arith.divsi %while3A_33, %while3A_35 : i32
    %while3A_37 = arith.muli %while3A_36, %while3A_35 : i32
    %while3A_38 = arith.addi %squeeze3A, %while3A_37 : i32
    %while3A_39 = arith.constant 1 : i32
    scf.for %while3A_41 = %squeeze3A to %while3A_38 step %while3A_39  : i32 {
      %eq3A_42 = vector.broadcast %while3A_41 : i32 to vector<1000x1xi32>
      %eq3A_43 = arith.cmpi eq, %get3A_26, %eq3A_42 : vector<1000x1xi32>
      %jit3A = arith.constant 0xFF800000 : f32
      %broadcast_in_dim3A = vector.shape_cast %eq3A_43 : vector<1000x1xi1> to vector<1000x1xi1>
      %broadcast_in_dim3A_44 = vector.broadcast %broadcast_in_dim3A : vector<1000x1xi1> to vector<1000x128xi1>
      %broadcast_in_dim3A_45 = vector.broadcast %jit3A : f32 to vector<1000x128xf32>
      %select_n3A = arith.select %broadcast_in_dim3A_44, %max3A_23, %broadcast_in_dim3A_45 : vector<1000x128xi1>, vector<1000x128xf32>
      %reduce_max3A = arith.constant dense<0xFF800000> : vector<128xf32>
      %reduce_max3A_46 = vector.multi_reduction <maximumf>, %select_n3A, %reduce_max3A [0] : vector<1000x128xf32> to vector<128xf32>
      %broadcast_in_dim3A_47 = vector.shape_cast %reduce_max3A_46 : vector<128xf32> to vector<1x128xf32>
      %get3A_48 = arith.index_cast %while3A_41 : i32 to index
      %get3A_49 = arith.constant 0 : index
      %get3A_50 = vector.load %arg7[%get3A_48, %get3A_49] : memref<32x128xf32, #tpu.memory_space<vmem>>, vector<1x128xf32>
      %max3A_51 = arith.maximumf %get3A_50, %broadcast_in_dim3A_47 : vector<1x128xf32>
      %swap3A = arith.index_cast %while3A_41 : i32 to index
      %swap3A_52 = arith.constant 0 : index
      %swap3A_53 = vector.load %arg7[%swap3A, %swap3A_52] : memref<32x128xf32, #tpu.memory_space<vmem>>, vector<1x128xf32>
      tpu.vector_store %arg7[%swap3A, %swap3A_52], %max3A_51 {strides = array<i32>} : memref<32x128xf32, #tpu.memory_space<vmem>>, vector<1x128xf32>,
    }
    %while3A_40 = arith.constant 1 : i32
    scf.for %while3A_41 = %while3A_38 to %while3A_34 step %while3A_40  : i32 {
      %eq3A_42 = vector.broadcast %while3A_41 : i32 to vector<1000x1xi32>
      %eq3A_43 = arith.cmpi eq, %get3A_26, %eq3A_42 : vector<1000x1xi32>
      %jit3A = arith.constant 0xFF800000 : f32
      %broadcast_in_dim3A = vector.shape_cast %eq3A_43 : vector<1000x1xi1> to vector<1000x1xi1>
      %broadcast_in_dim3A_44 = vector.broadcast %broadcast_in_dim3A : vector<1000x1xi1> to vector<1000x128xi1>
      %broadcast_in_dim3A_45 = vector.broadcast %jit3A : f32 to vector<1000x128xf32>
      %select_n3A = arith.select %broadcast_in_dim3A_44, %max3A_23, %broadcast_in_dim3A_45 : vector<1000x128xi1>, vector<1000x128xf32>
      %reduce_max3A = arith.constant dense<0xFF800000> : vector<128xf32>
      %reduce_max3A_46 = vector.multi_reduction <maximumf>, %select_n3A, %reduce_max3A [0] : vector<1000x128xf32> to vector<128xf32>
      %broadcast_in_dim3A_47 = vector.shape_cast %reduce_max3A_46 : vector<128xf32> to vector<1x128xf32>
      %get3A_48 = arith.index_cast %while3A_41 : i32 to index
      %get3A_49 = arith.constant 0 : index
      %get3A_50 = vector.load %arg7[%get3A_48, %get3A_49] : memref<32x128xf32, #tpu.memory_space<vmem>>, vector<1x128xf32>
      %max3A_51 = arith.maximumf %get3A_50, %broadcast_in_dim3A_47 : vector<1x128xf32>
      %swap3A = arith.index_cast %while3A_41 : i32 to index
      %swap3A_52 = arith.constant 0 : index
      %swap3A_53 = vector.load %arg7[%swap3A, %swap3A_52] : memref<32x128xf32, #tpu.memory_space<vmem>>, vector<1x128xf32>
      tpu.vector_store %arg7[%swap3A, %swap3A_52], %max3A_51 {strides = array<i32>} : memref<32x128xf32, #tpu.memory_space<vmem>>, vector<1x128xf32>,
    }
    return
  }
  func.func @transform_0(%arg0: i32) -> (i32, i32) {
    %c0_i32 = arith.constant 0 : i32
    %c0_i32_0 = arith.constant 0 : i32
    return %arg0, %c0_i32 : i32, i32
  }
  func.func @transform_1(%arg0: i32) -> (i32, i32) {
    %c0_i32 = arith.constant 0 : i32
    %c0_i32_0 = arith.constant 0 : i32
    %c0_i32_1 = arith.constant 0 : i32
    return %c0_i32, %c0_i32_0 : i32, i32
  }
  func.func @transform_2(%arg0: i32) -> (i32, i32) {
    %c0_i32 = arith.constant 0 : i32
    %c0_i32_0 = arith.constant 0 : i32
    %c0_i32_1 = arith.constant 0 : i32
    return %c0_i32, %c0_i32_0 : i32, i32
  }
  func.func @transform_3(%arg0: i32) -> (i32, i32) {
    %c0_i32 = arith.constant 0 : i32
    %c0_i32_0 = arith.constant 0 : i32
    %c0_i32_1 = arith.constant 0 : i32
    return %c0_i32, %c0_i32_0 : i32, i32
  }
  func.func @transform_4(%arg0: i32) -> (i32, i32) {
    %c0_i32 = arith.constant 0 : i32
    %c0_i32_0 = arith.constant 0 : i32
    %c0_i32_1 = arith.constant 0 : i32
    return %c0_i32, %c0_i32_0 : i32, i32
  }
  func.func @transform_5(%arg0: i32) -> (i32, i32) {
    %c0_i32 = arith.constant 0 : i32
    %c0_i32_0 = arith.constant 0 : i32
    return %arg0, %c0_i32 : i32, i32
  }
  func.func @transform_6(%arg0: i32) -> (i32, i32) {
    %c0_i32 = arith.constant 0 : i32
    %c0_i32_0 = arith.constant 0 : i32
    %c0_i32_1 = arith.constant 0 : i32
    return %c0_i32, %c0_i32_0 : i32, i32
  }
}

module attributes {stable_mosaic.version = 14 : i64} {
  func.func @_k5_body(%arg0: i32, %arg1: memref<32x128xf32, #tpu.memory_space<vmem>>, %arg2: memref<128x64xf32, #tpu.memory_space<vmem>>, %arg3: memref<1x64xf32, #tpu.memory_space<vmem>>, %arg4: memref<1x64xf32, #tpu.memory_space<vmem>>, %arg5: memref<1x64xf32, #tpu.memory_space<vmem>>, %arg6: memref<64x128xf32, #tpu.memory_space<vmem>>, %arg7: memref<1x128xf32, #tpu.memory_space<vmem>>, %arg8: memref<32x128xf32, #tpu.memory_space<vmem>>) attributes {dimension_semantics = [#tpu.dimension_semantics<arbitrary>], iteration_bounds = array<i64: 1>, scalar_prefetch = 0 : i64, scratch_operands = 0 : i64, tpu.core_type = #tpu.core_type<tc>, window_params = [{pipeline_mode = #tpu.pipeline_mode<synchronous>, transform_indices = @transform_0, window_bounds = array<i64: 32, 128>}, {pipeline_mode = #tpu.pipeline_mode<synchronous>, transform_indices = @transform_1, window_bounds = array<i64: 128, 64>}, {pipeline_mode = #tpu.pipeline_mode<synchronous>, transform_indices = @transform_2, window_bounds = array<i64: 1, 64>}, {pipeline_mode = #tpu.pipeline_mode<synchronous>, transform_indices = @transform_3, window_bounds = array<i64: 1, 64>}, {pipeline_mode = #tpu.pipeline_mode<synchronous>, transform_indices = @transform_4, window_bounds = array<i64: 1, 64>}, {pipeline_mode = #tpu.pipeline_mode<synchronous>, transform_indices = @transform_5, window_bounds = array<i64: 64, 128>}, {pipeline_mode = #tpu.pipeline_mode<synchronous>, transform_indices = @transform_6, window_bounds = array<i64: 1, 128>}, {pipeline_mode = #tpu.pipeline_mode<synchronous>, transform_indices = @transform_7, window_bounds = array<i64: 32, 128>}]} {
    %get3A = arith.constant 0 : index
    %get3A_0 = arith.constant 0 : index
    %get3A_1 = vector.load %arg1[%get3A, %get3A_0] : memref<32x128xf32, #tpu.memory_space<vmem>>, vector<32x128xf32>
    %get3A_2 = arith.constant 0 : index
    %get3A_3 = arith.constant 0 : index
    %get3A_4 = vector.load %arg2[%get3A_2, %get3A_3] : memref<128x64xf32, #tpu.memory_space<vmem>>, vector<128x64xf32>
    %dot_general3A = arith.constant dense<0.000000e+00> : vector<32x64xf32>
    %dot_general3A_5 = tpu.matmul %get3A_1, %get3A_4, %dot_general3A {dimension_numbers = #tpu.dot_dimension_numbers<[1], [0], [0], [1], [0, 0, 1, 1], [], []>, transpose_lhs_hint = false} : vector<32x128xf32>, vector<128x64xf32>, vector<32x64xf32> -> vector<32x64xf32>
    %get3A_6 = arith.constant 0 : index
    %get3A_7 = arith.constant 0 : index
    %get3A_8 = vector.load %arg3[%get3A_6, %get3A_7] : memref<1x64xf32, #tpu.memory_space<vmem>>, vector<1x64xf32>
    %add3A = vector.broadcast %get3A_8 : vector<1x64xf32> to vector<32x64xf32>
    %add3A_9 = arith.addf %dot_general3A_5, %add3A : vector<32x64xf32>
    %reduce_sum3A = arith.constant dense<0.000000e+00> : vector<64xf32>
    %reduce_sum3A_10 = vector.multi_reduction <add>, %add3A_9, %reduce_sum3A [0] : vector<32x64xf32> to vector<64xf32>
    %broadcast_in_dim3A = vector.shape_cast %reduce_sum3A_10 : vector<64xf32> to vector<1x64xf32>
    %div3A = arith.constant 3.200000e+01 : f32
    %div3A_11 = vector.broadcast %div3A : f32 to vector<1x64xf32>
    %div3A_12 = arith.divf %broadcast_in_dim3A, %div3A_11 : vector<1x64xf32>
    %sub3A = vector.broadcast %div3A_12 : vector<1x64xf32> to vector<32x64xf32>
    %sub3A_13 = arith.subf %add3A_9, %sub3A : vector<32x64xf32>
    %sub3A_14 = vector.broadcast %div3A_12 : vector<1x64xf32> to vector<32x64xf32>
    %sub3A_15 = arith.subf %add3A_9, %sub3A_14 : vector<32x64xf32>
    %mul3A = arith.mulf %sub3A_13, %sub3A_15 : vector<32x64xf32>
    %reduce_sum3A_16 = arith.constant dense<0.000000e+00> : vector<64xf32>
    %reduce_sum3A_17 = vector.multi_reduction <add>, %mul3A, %reduce_sum3A_16 [0] : vector<32x64xf32> to vector<64xf32>
    %broadcast_in_dim3A_18 = vector.shape_cast %reduce_sum3A_17 : vector<64xf32> to vector<1x64xf32>
    %div3A_19 = arith.constant 3.200000e+01 : f32
    %div3A_20 = vector.broadcast %div3A_19 : f32 to vector<1x64xf32>
    %div3A_21 = arith.divf %broadcast_in_dim3A_18, %div3A_20 : vector<1x64xf32>
    %sub3A_22 = vector.broadcast %div3A_12 : vector<1x64xf32> to vector<32x64xf32>
    %sub3A_23 = arith.subf %add3A_9, %sub3A_22 : vector<32x64xf32>
    %add3A_24 = arith.constant 9.99999974E-6 : f32
    %add3A_25 = vector.broadcast %add3A_24 : f32 to vector<1x64xf32>
    %add3A_26 = arith.addf %div3A_21, %add3A_25 : vector<1x64xf32>
    %rsqrt3A = math.rsqrt %add3A_26 : vector<1x64xf32>
    %mul3A_27 = vector.broadcast %rsqrt3A : vector<1x64xf32> to vector<32x64xf32>
    %mul3A_28 = arith.mulf %sub3A_23, %mul3A_27 : vector<32x64xf32>
    %get3A_29 = arith.constant 0 : index
    %get3A_30 = arith.constant 0 : index
    %get3A_31 = vector.load %arg4[%get3A_29, %get3A_30] : memref<1x64xf32, #tpu.memory_space<vmem>>, vector<1x64xf32>
    %mul3A_32 = vector.broadcast %get3A_31 : vector<1x64xf32> to vector<32x64xf32>
    %mul3A_33 = arith.mulf %mul3A_28, %mul3A_32 : vector<32x64xf32>
    %get3A_34 = arith.constant 0 : index
    %get3A_35 = arith.constant 0 : index
    %get3A_36 = vector.load %arg5[%get3A_34, %get3A_35] : memref<1x64xf32, #tpu.memory_space<vmem>>, vector<1x64xf32>
    %add3A_37 = vector.broadcast %get3A_36 : vector<1x64xf32> to vector<32x64xf32>
    %add3A_38 = arith.addf %mul3A_33, %add3A_37 : vector<32x64xf32>
    %max3A = arith.constant 0.000000e+00 : f32
    %max3A_39 = vector.broadcast %max3A : f32 to vector<32x64xf32>
    %max3A_40 = arith.maximumf %add3A_38, %max3A_39 : vector<32x64xf32>
    %get3A_41 = arith.constant 0 : index
    %get3A_42 = arith.constant 0 : index
    %get3A_43 = vector.load %arg6[%get3A_41, %get3A_42] : memref<64x128xf32, #tpu.memory_space<vmem>>, vector<64x128xf32>
    %dot_general3A_44 = arith.constant dense<0.000000e+00> : vector<32x128xf32>
    %dot_general3A_45 = tpu.matmul %max3A_40, %get3A_43, %dot_general3A_44 {dimension_numbers = #tpu.dot_dimension_numbers<[1], [0], [0], [1], [0, 0, 1, 1], [], []>, transpose_lhs_hint = false} : vector<32x64xf32>, vector<64x128xf32>, vector<32x128xf32> -> vector<32x128xf32>
    %get3A_46 = arith.constant 0 : index
    %get3A_47 = arith.constant 0 : index
    %get3A_48 = vector.load %arg7[%get3A_46, %get3A_47] : memref<1x128xf32, #tpu.memory_space<vmem>>, vector<1x128xf32>
    %add3A_49 = vector.broadcast %get3A_48 : vector<1x128xf32> to vector<32x128xf32>
    %add3A_50 = arith.addf %dot_general3A_45, %add3A_49 : vector<32x128xf32>
    %swap3A = arith.constant 0 : index
    %swap3A_51 = arith.constant 0 : index
    %swap3A_52 = vector.load %arg8[%swap3A, %swap3A_51] : memref<32x128xf32, #tpu.memory_space<vmem>>, vector<32x128xf32>
    tpu.vector_store %arg8[%swap3A, %swap3A_51], %add3A_50 {strides = array<i32>} : memref<32x128xf32, #tpu.memory_space<vmem>>, vector<32x128xf32>,
    return
  }
  func.func @transform_0(%arg0: i32) -> (i32, i32) {
    %c0_i32 = arith.constant 0 : i32
    %c0_i32_0 = arith.constant 0 : i32
    %c0_i32_1 = arith.constant 0 : i32
    return %c0_i32, %c0_i32_0 : i32, i32
  }
  func.func @transform_1(%arg0: i32) -> (i32, i32) {
    %c0_i32 = arith.constant 0 : i32
    %c0_i32_0 = arith.constant 0 : i32
    %c0_i32_1 = arith.constant 0 : i32
    return %c0_i32, %c0_i32_0 : i32, i32
  }
  func.func @transform_2(%arg0: i32) -> (i32, i32) {
    %c0_i32 = arith.constant 0 : i32
    %c0_i32_0 = arith.constant 0 : i32
    %c0_i32_1 = arith.constant 0 : i32
    return %c0_i32, %c0_i32_0 : i32, i32
  }
  func.func @transform_3(%arg0: i32) -> (i32, i32) {
    %c0_i32 = arith.constant 0 : i32
    %c0_i32_0 = arith.constant 0 : i32
    %c0_i32_1 = arith.constant 0 : i32
    return %c0_i32, %c0_i32_0 : i32, i32
  }
  func.func @transform_4(%arg0: i32) -> (i32, i32) {
    %c0_i32 = arith.constant 0 : i32
    %c0_i32_0 = arith.constant 0 : i32
    %c0_i32_1 = arith.constant 0 : i32
    return %c0_i32, %c0_i32_0 : i32, i32
  }
  func.func @transform_5(%arg0: i32) -> (i32, i32) {
    %c0_i32 = arith.constant 0 : i32
    %c0_i32_0 = arith.constant 0 : i32
    %c0_i32_1 = arith.constant 0 : i32
    return %c0_i32, %c0_i32_0 : i32, i32
  }
  func.func @transform_6(%arg0: i32) -> (i32, i32) {
    %c0_i32 = arith.constant 0 : i32
    %c0_i32_0 = arith.constant 0 : i32
    %c0_i32_1 = arith.constant 0 : i32
    return %c0_i32, %c0_i32_0 : i32, i32
  }
  func.func @transform_7(%arg0: i32) -> (i32, i32) {
    %c0_i32 = arith.constant 0 : i32
    %c0_i32_0 = arith.constant 0 : i32
    %c0_i32_1 = arith.constant 0 : i32
    return %c0_i32, %c0_i32_0 : i32, i32
  }
}

</mosaic_0001>

<sc_bundles>
// kernel: kernel.12.cloned.1.call-start
scs
__scs_entry_jumppad:
0x0: {  	(pc) =	sbr.rel $0x88, $3  }
0x1: {  	(tag) =	ssettag $0x0;
	lr =	simm.s32 $0x1  }
0x2: {  	[smem:$0x3F8E] =	sst lr;
	_ =	strace $0xD0000000  }
0x3: {  	_ = 	snop  }
0x4: {  	_ = 	snop  }
0x5: {  	_ = 	snop  }
0x6: {  	_ = 	snop  }
0x7: {  	_ = 	snop  }
__scs_overlays_trampoline_lowered:
0x8: {  	[smem:$0x3F9D] =	sst s0  }
0x9: {  	[smem:$0x3F9E] =	sst s1  }
0xa: {  	[smem:$0x3F9F] =	sst s2  }
0xb: {  	[smem:$0x3FA0] =	sst s3  }
0xc: {  	[smem:$0x3FA1] =	sst s4  }
0xd: {  	[smem:$0x3FA2] =	sst s5  }
0xe: {  	[smem:$0x3FA3] =	sst s6  }
0xf: {  	[smem:$0x3FA4] =	sst s7  }
0x10: {  	[smem:$0x3FA5] =	sst s8  }
0x11: {  	[smem:$0x3FA6] =	sst s9;
	s0 =	simm.s32 @!p0 $0x0  }
0x12: {  	s1 =	sld [smem:$0x3F8C];
	s0 =	simm.s32 @p0 $0x1  }
0x13: {  	[smem:$0x3FA7] =	sst s0;
	s0 =	simm.s32 @!p1 $0x0  }
0x14: {  	s2 =	sld [smem:$0x3F8B];
	s0 =	simm.s32 @p1 $0x1  }
0x15: {  	[smem:$0x3FA8] =	sst s0;
	s0 =	simm.s32 @!p2 $0x0  }
0x16: {  	s3 =	sld [smem:$0x3FDB];
	s0 =	simm.s32 @p2 $0x1  }
0x17: {  	s4 =	simm.s32 $0x1BF5;
	[smem:$0x3FAA] =	sst s0  }
0x18: {  	s0 =	sld [smem:$0x3F8D];
	_ =	swait.ge [sflag:s4], $0x0  }
0x19: {  	s7 =	sld [smem:$0x3F8E]  }
0x1a: {  	s8 =	sadd.s32 $0xFFFFE003, lr  }
0x1b: {  	s9 =	sadd.s32 $0xFFFFFEF7, lr;
	s5 =	simm.s32 $0xFFFFFFFF;
	p2 =	slt.u32 s8, $0xFFFFF086  }
0x1c: {  	p1 =	slt.u32 s9, $0xF7A;
	s5 =	simm.s32 @!p2 $0x0  }
0x1d: {  	s5 =	simm.s32 @p1 $0x1;
	p0 =	seq.s32 s7, s2  }
0x1e: {  	s7 =	smul.u32 @!p0 $0xF7A, s2;
	p2 =	seq.s32 @!p0 s5, $0x0  }
0x1f: {  	s9 =	smul.u32 $0xF7A, s1;
	s8 =	simm.s32 @!p0 $0x1BF5;
	p2 =	por !p2, p0  }
0x20: {  	[sflag:s8] =	ssyncset.s32 @!p0 $0xFFFFF086;
	s6 =	sadd.s32 @!p0 s3, s7;
	s7 =	simm.s32 @!p0 $0x108  }
0x21: {  	s3 =	sadd.s32 s3, s9;
	s6 =	sadd.s32 @!p0 $0x88, s6;
	s7 =	simm.s32 @p2 $0x1082  }
0x22: {  	[simem:s7], [sflag:s8] =	dma.local @!p0 [hbm:s6], $0xF7A  }
0x23: {  	s9 =	sor.u32 $0xD0000000, s2;
	s6 =	simm.s32 $0x108;
	_ =	swait.ge @!p0 [sflag:s8], $0x0  }
0x24: {  	s3 =	sadd.s32 $0x88, s3;
	s6 =	simm.s32 @!p1 $0x1082;
	[sflag:s4] =	ssyncset.s32 $0xFFFFF086  }
0x25: {  	[simem:s6], [sflag:s4] =	dma.local [hbm:s3], $0xF7A  }
0x26: {  	[smem:$0x3F8E] =	sst s1;
	(tag) =	ssettag s2;
	_ =	strace s9  }
0x27: {  	s1 =	sld [smem:$0x3F9E]  }
0x28: {  	s2 =	sld [smem:$0x3F9F]  }
0x29: {  	s4 =	sld [smem:$0x3FA1]  }
0x2a: {  	p0 =	seq.s32 s5, $0x0;
	s5 =	sld [smem:$0x3FA2]  }
0x2b: {  	s6 =	sld [smem:$0x3FA3]  }
0x2c: {  	s7 =	sld [smem:$0x3FA4]  }
0x2d: {  	s3 =	simm.s32 $0x108;
	s8 =	sld [smem:$0x3FA5]  }
0x2e: {  	s3 =	simm.s32 @!p0 $0x1082;
	s9 =	sld [smem:$0x3FA6]  }
0x2f: {  	lr =	sadd.s32 s0, s3;
	s0 =	sld [smem:$0x3F9D]  }
0x30: {  	s3 =	sld [smem:$0x3FA0]  }
0x31: {  	[smem:$0x3FA9] =	sst s10  }
0x32: {  	s10 =	sld [smem:$0x3FA7];
	_ =	sdelay $0x3  }
0x33: {  	p0 =	seq.s32 s10, $0x1;
	s10 =	sld [smem:$0x3FA9];
	_ =	sdelay $0x3  }
0x34: {  	[smem:$0x3FA9] =	sst s10  }
0x35: {  	s10 =	sld [smem:$0x3FA8];
	_ =	sdelay $0x3  }
0x36: {  	p1 =	seq.s32 s10, $0x1;
	s10 =	sld [smem:$0x3FA9];
	_ =	sdelay $0x3  }
0x37: {  	[smem:$0x3FA9] =	sst s10  }
0x38: {  	s10 =	sld [smem:$0x3FAA]  }
0x39: {  	_ = 	snop;
	(pc) =	sbr.ind lr, $3  }
0x3a: {  	_ = 	snop  }
0x3b: {  	_ = 	snop  }
0x3c: {  	p2 =	seq.s32 s10, $0x1;
	s10 =	sld [smem:$0x3FA9]  }
0x3d: {  	_ =	shalt  }
0x3e: {  	_ =	shalt  }
0x3f: {  	_ =	shalt  }
0x40: {  	_ =	shalt  }
0x41: {  	_ =	shalt  }
0x42: {  	_ =	shalt  }
0x43: {  	_ =	shalt  }
0x44: {  	_ =	shalt  }
0x45: {  	_ =	shalt  }
0x46: {  	_ =	shalt  }
0x47: {  	_ =	shalt  }
0x48: {  	_ =	shalt  }
0x49: {  	_ =	shalt  }
0x4a: {  	_ =	shalt  }
0x4b: {  	_ =	shalt  }
0x4c: {  	_ =	shalt  }
0x4d: {  	_ =	shalt  }
0x4e: {  	_ =	shalt  }
0x4f: {  	_ =	shalt  }
0x50: {  	_ =	shalt  }
0x51: {  	_ =	shalt  }
0x52: {  	_ =	shalt  }
0x53: {  	_ =	shalt  }
0x54: {  	_ =	shalt  }
0x55: {  	_ =	shalt  }
0x56: {  	_ =	shalt  }
0x57: {  	_ =	shalt  }
0x58: {  	_ =	shalt  }
0x59: {  	_ =	shalt  }
0x5a: {  	_ =	shalt  }
0x5b: {  	_ =	shalt  }
0x5c: {  	_ =	shalt  }
0x5d: {  	_ =	shalt  }
0x5e: {  	_ =	shalt  }
0x5f: {  	_ =	shalt  }
0x60: {  	_ =	shalt  }
0x61: {  	_ =	shalt  }
0x62: {  	_ =	shalt  }
0x63: {  	_ =	shalt  }
0x64: {  	_ =	shalt  }
0x65: {  	_ =	shalt  }
0x66: {  	_ =	shalt  }
0x67: {  	_ =	shalt  }
0x68: {  	_ =	shalt  }
0x69: {  	_ =	shalt  }
0x6a: {  	_ =	shalt  }
0x6b: {  	_ =	shalt  }
0x6c: {  	_ =	shalt  }
0x6d: {  	_ =	shalt  }
0x6e: {  	_ =	shalt  }
0x6f: {  	_ =	shalt  }
0x70: {  	_ =	shalt  }
0x71: {  	_ =	shalt  }
0x72: {  	_ =	shalt  }
0x73: {  	_ =	shalt  }
0x74: {  	_ =	shalt  }
0x75: {  	_ =	shalt  }
0x76: {  	_ =	shalt  }
0x77: {  	_ =	shalt  }
0x78: {  	_ =	shalt  }
0x79: {  	_ =	shalt  }
0x7a: {  	_ =	shalt  }
0x7b: {  	_ =	shalt  }
0x7c: {  	_ =	shalt  }
0x7d: {  	_ =	shalt  }
0x7e: {  	_ =	shalt  }
0x7f: {  	_ =	shalt  }
0x80: {  	_ =	shalt  }
0x81: {  	_ =	shalt  }
0x82: {  	_ =	shalt  }
0x83: {  	_ =	shalt  }
0x84: {  	_ =	shalt  }
0x85: {  	_ =	shalt  }
0x86: {  	_ =	shalt  }
0x87: {  	_ =	shalt  }
.Lfunc_end0:
.L_simem_size_0:
called_computation_lowered:
.L_overlay_start_0:
0x88: {  	s2 =	sld [smem:$0x3FD9]  }
0x89: {  	s3 =	sld [smem:$0x3FFE];
	_ =	sdelay $0x1  }
0x8a: {  	s1 =	srdreg.scid  }
0x8b: {  	s0 =	sand.u32 $0x1, s1  }
0x8c: {  	s17 =	sshll.u32 s0, $0xA;
	s2 =	sadd.s32 s3, s2  }
0x8d: {  	s2 =	sadd.s32 s2, s17  }
0x8e: {  	[smem:$0x3FB5] =	sst s2  }
0x8f: {  	_ = 	snop  }
0x90: {  	(tm) =	ssettm $0x1  }
0x91: {  	s18 =	sld [smem:$0x3FFB];
	_ =	sdelay $0x3  }
0x92: {  	_ =	strace s18  }
0x93: {  	s2 =	sld [smem:$0x3FFC];
	_ =	sdelay $0x3  }
0x94: {  	_ =	strace s2  }
0x95: {  	s2 =	sld [smem:$0x3FFD];
	_ =	sdelay $0x3  }
0x96: {  	_ =	strace s2  }
0x97: {  	_ =	strace $0x8FFFFFFF  }
0x98: {  	s19 =	sld [smem:$0x3FDB];
	_ =	sdelay $0x1  }
0x99: {  	s20 =	simm.s32 $_scs_section_size  }
0x9a: {  	s4 =	simm.s32 $_size__tile_overlayer_lowered;
	s5 =	simm.s32 $_tile_overlayer_lowered  }
0x9b: {  	s6 =	simm.s32 $0x1BFF;
	s21 =	sshll.u32 s5, $0x1;
	s3 =	sadd.s32 s20, s19  }
0x9c: {  	s22 =	simm.s32 $0x0;
	s4 =	sshll.u32 s4, $0x1;
	s5 =	sadd.s32 s21, s3  }
0x9d: {  	[timem:s22], [sflag:s6] =	dma.local [hbm:s5], s4  }
0x9e: {  	_ =	swait.ge [sflag:s6], s4  }
0x9f: {  	s4 =	ssub.s32 $0x0, s4;
	[sflag:s6] =	ssyncset.done $0x0  }
0xa0: {  	[sflag:s6] =	ssyncadd.s32 s4;
	_ =	sdelay $0x1  }
0xa1: {  	s23 =	simm.s32 $0x1B8B  }
0xa2: {  	_ =	swait.ge [sflag:s23], $0x1  }
0xa3: {  	[sflag:s23] =	ssyncset.done $0x0  }
0xa4: {  	[sflag:s23] =	ssyncadd.s32 $0xFFFFFFFF  }
0xa5: {  	s4 =	sld [smem:$0x0]  }
0xa6: {  	s5 =	sand.u32 $0xFFFFFFFE, s1  }
0xa7: {  	p0 =	sne.s32 s1, s5  }
0xa8: {  	s5 =	sshll.u32 @p0 s5, $0xE  }
0xa9: {  	s5 =	sadd.s32 @p0 $0x11B8D, s5;
	s6 =	sshll.u32 @p0 s4, $0x11  }
0xaa: {  	s5 =	sor.u32 @p0 s6, s5  }
0xab: {  	[sflag:s5] =	ssyncadd.remote.s32 @p0 $0x1;
	_ =	sdelay $0x1  }
0xac: {  	s5 =	simm.s32 @p0 $0x1B8D  }
0xad: {  	_ =	swait.eq @p0 [sflag:s5], $0x1  }
0xae: {  	[sflag:s5] =	ssyncadd.s32 @p0 $0xFFFFFFFF  }
0xaf: {  	s6 =	sshll.u32 @!p0 s1, $0xE  }
0xb0: {  	s6 =	sor.u32 @!p0 $0x4000, s6;
	s5 =	simm.s32 @!p0 $0x1B8D  }
0xb1: {  	s4 =	sshll.u32 @!p0 s4, $0x11;
	s6 =	sadd.s32 @!p0 $0x11B8D, s6;
	_ =	swait.eq @!p0 [sflag:s5], $0x1  }
0xb2: {  	s4 =	sor.u32 @!p0 s4, s6;
	[sflag:s5] =	ssyncadd.s32 @!p0 $0xFFFFFFFF  }
0xb3: {  	s25 =	simm.s32 $0x1B8E;
	s24 =	sld [smem:$0x3FFE];
	[sflag:s4] =	ssyncadd.remote.s32 @!p0 $0x1  }
0xb4: {  	s26 =	simm.s32 $execute0_lowered;
	[smem:$0x3FD2] =	sst s25  }
0xb5: {  	s5 =	sshll.u32 s26, $0x1;
	_ =	strace $0x80000049;
	[dreg:$0x1] =	wrdreg $0xFFFFFFFF  }
0xb6: {  	s28 =	simm.s32 $_size_execute0_lowered;
	s3 =	sadd.s32 s3, s5;
	[dreg:$0x0] =	wrdreg $0x0  }
0xb7: {  	s5 =	sshll.u32 s28, $0x1;
	[dreg:$0x2] =	wrdreg s3  }
0xb8: {  	[dreg:$0x3] =	wrdreg s5  }
0xb9: {  	[dreg:$0x4] =	wrdreg $0xC0  }
0xba: {  	_ =	task [dreg:s22], $0x5FFFF  }
0xbb: {  	[dreg:$0x1] =	wrdreg $0xFFFFFFFF  }
0xbc: {  	[dreg:$0x0] =	wrdreg $0x60  }
0xbd: {  	[dreg:$0x2] =	wrdreg s24  }
0xbe: {  	[dreg:$0x3] =	wrdreg $0x9  }
0xbf: {  	_ =	task.clear_ibuf [dreg:s22], $0x4FFFF;
	_ =	strace $0x90000049  }
0xc0: {  	s29 =	simm.s32 $0x9;
	_ =	strace $0x8000004B  }
0xc1: {  	_ =	swait.ge [sflag:s29], $0x1  }
0xc2: {  	[sflag:s29] =	ssyncadd.s32 $0xFFFFFFFF  }
0xc3: {  	_ =	strace $0x9000004B  }
0xc4: {  	_ =	sfence  }
0xc5: {  	s30 =	sld [smem:$0x0];
	_ =	sdelay $0x2  }
0xc6: {  	s31 =	sshll.u32 s1, $0xD;
	s1 =	sshrl.u32 s1, $0x2  }
0xc7: {  	s4 =	sand.u32 $0x4000, s31;
	s1 =	sadd.s32 s1, s30  }
0xc8: {  	s0 =	sor.u32 s4, s0;
	s1 =	sshll.u32 s1, $0x11  }
0xc9: {  	s0 =	sor.u32 s1, s0  }
0xca: {  	s0 =	sadd.s32 $0x8F2B, s0  }
0xcb: {  	[sflag:s0] =	ssyncadd.remote.s32 $0x1  }
0xcc: {  	_ =	sfence.sel $0xFFFF  }
0xcd: {  	[dreg:$0x0] =	wrdreg $0xFFFFFFFF;
	(pc) =	sbr.abs _section_cstart, $3  }
0xce: {  	[dreg:$0x1] =	wrdreg $0xFFFFFFFF  }
0xcf: {  	_ =	task.clear_ibuf [dreg:s22], $0x2FFFF;
	_ =	strace $0x9FFFFFFF  }
0xd0: {  	(tm) =	ssettm $0x7FFFFFFF  }
0xd1: {  	_ =	shalt  }
tec
execute0_lowered:
.L_overlay_start_1:
0x0: {  	(tag) =	ssettag $0x1  }
0x1: {  	s3 =	rddreg [dreg:$0x0]  }
0x2: {  	s0 =	rddreg [dreg:$0x1]  }
0x3: {  	s1 =	stileid.u32;
	s4 =	srdreg.scid;
	s2 =	simm.s32 $0x0  }
0x4: {  	s11 =	simm.s32 $0xA000;
	s13 =	simm.s32 $0x14000;
	s14 =	simm.s32 $0x0  }
0x5: {  	s5 =	smul.u32 $0x5000, s1;
	s4 =	sand.u32 $0x1, s4;
	[smem:$0x7FF] =	sst s2  }
0x6: {  	s8 =	sshll.u32 s1, $0x1;
	s6 =	smul.u32 $0x50000, s4;
	_ =	strace $0x8000004A  }
0x7: {  	s29 =	ssub.s32 $0x2, s4;
	s8 =	sadd.s32 s8, s3;
	s12 =	smul.u32 $0xFFFFEC78, s4  }
0x8: {  	s30 =	sshll.u32 s4, $0x5;
	s7 =	sshrl.u32 s5, $0x3;
	s9 =	sshrl.u32 s29, $0x1  }
0x9: {  	s31 =	sadd.s32 s30, s8;
	s7 =	sadd.s32 s7, s3;
	s5 =	sadd.s32 s5, s6  }
0xa: {  	s9 =	ssub.s32 s29, s9;
	v0 =	vmov s12;
	s12 =	simm.s32 $0xF000;
	s5 =	sshrl.u32 s5, $0x3  }
0xb: {  	s4 =	sadd.s32 $0x4600, s7;
	s8 =	smax.u32 s9, $0x1;
	s9 =	simm.s32 $0x1  }
0xc: {  	s10 =	sadd.s32 s5, s3;
	s3 =	sadd.s32 $0x22600, s7;
	s7 =	sadd.s32 $0x54600, s31  }
0xd: {  	v1 =	vimm.s32 $0x0;
	v2 =	vimm.s32 $0x1388;
	s5 =	sadd.s32 $0x2C600, s10;
	s6 =	sadd.s32 $0x40600, s10;
	s10 =	simm.s32 $0x5000  }
.LBB2_1:
0xe: {  	[tilespmem:s2], [sflag:$0x1] =	stream.linear.gather [hbm4b:s3+s2], $0x5000, $0x38;
	[tilespmem:$0x14010] =	vst v63  }
0xf: {  	_ =	swait.ge [sflag:s9], $0x5000  }
0x10: {  	[sflag:s9] =	ssyncset.done $0x0  }
0x11: {  	[sflag:s9] =	ssyncadd.s32 $0xFFFFB000  }
0x12: {  	[tilespmem:s10], [sflag:$0x1] =	stream.linear.gather [hbm4b:s4+s2], $0x5000, $0x38;
	[tilespmem:$0x14010] =	vst v63  }
0x13: {  	_ =	swait.ge [sflag:s9], $0x5000  }
0x14: {  	[sflag:s9] =	ssyncset.done $0x0  }
0x15: {  	s15 =	simm.s32 $0x0;
	[sflag:s9] =	ssyncadd.s32 $0xFFFFB000  }
.LBB2_2:
0x16: {  	p0 =	sne.s32 s15, $0x13FC0  }
.Ltmp0:
0x17: {  	_ = 	snop;
	(pc) =	sbr.rel @p0 .LBB2_2-.Ltmp0, $4  }
0x18: {  	_ = 	snop  }
0x19: {  	s16 =	sshra.s32 s15, $0x2  }
0x1a: {  	[tilespmem:s16+$0xA000] =	vst v1  }
0x1b: {  	s15 =	sadd.s32 $0x40, s15;
	[tilespmem:s16+$0xF000] =	vst v2  }
0x1c: {  	s15 =	simm.s32 $0x0  }
0x1d: {  	v3 =	vld [tilespmem:s15+$0x5000];
	_ =	sdelay $0x4  }
0x1e: {  	v3 =	vadd.s32 v0, v3  }
0x1f: {  	vm0 =	vlt.u32 v3, $0x1388  }
0x20: {  	v4 =	vsel vm0, $0x1, v1  }
0x21: {  	(xrf0) =	vadd.scan.msk.s32 $0xffff, v4;
	_ =	sdelay $0x1  }
0x22: {  	v63 =	vld [tilespmem:s15+$0x0];
	_ =	sdelay $0x3  }
0x23: {  	s15 =	simm.s32 $0x0;
	v5, _, _ =	vpop (xrf0)  }
0x24: {  	[tilespmem:s15+$0xA000] =	vst.msk vm0, v63;
	(v2sf) =	vpush v5, $0xF  }
0x25: {  	s17 =	simm.s32 $0x10;
	s16 =	simm.s32 $0x80;
	[tilespmem:s15+$0xF000] =	vst.msk vm0, v3  }
.LBB2_4:
0x26: {  	p0 =	sne.s32 s16, $0x13FC0;
	v3 =	vld [tilespmem:s17+$0x5000];
	_ =	sdelay $0x4  }
0x27: {  	v3 =	vadd.s32 v0, v3  }
0x28: {  	vm0 =	vlt.u32 v3, $0x1388  }
0x29: {  	v4 =	vsel vm0, $0x1, v1  }
0x2a: {  	(xrf0) =	vadd.scan.msk.s32 $0xffff, v4;
	_ =	sdelay $0x1  }
0x2b: {  	v4 =	vld [tilespmem:s17+$0x0];
	_ =	sdelay $0x1  }
.Ltmp1:
0x2c: {  	(pc) =	sbr.rel @p0 .LBB2_4-.Ltmp1, $4  }
0x2d: {  	s17 =	spop (v2sf)  }
0x2e: {  	v5, _, _ =	vpop (xrf0);
	s15 =	sadd.s32 s15, s17  }
0x2f: {  	[tilespmem:s15+$0xA000] =	vst.msk vm0, v4;
	(v2sf) =	vpush v5, $0xF  }
0x30: {  	s17 =	sshra.s32 s16, $0x2;
	s16 =	sadd.s32 $0x40, s16;
	[tilespmem:s15+$0xF000] =	vst.msk vm0, v3  }
0x31: {  	v3 =	vld [tilespmem:s17+$0x5000];
	_ =	sdelay $0x4  }
0x32: {  	v3 =	vadd.s32 v0, v3  }
0x33: {  	vm0 =	vlt.u32 v3, $0x1388  }
0x34: {  	v4 =	vsel vm0, $0x1, v1  }
0x35: {  	(xrf0) =	vadd.scan.msk.s32 $0xffff, v4;
	_ =	sdelay $0x5  }
0x36: {  	v4, _, _ =	vpop (xrf0)  }
0x37: {  	(v2sf) =	vpush v4, $0xF;
	_ =	sdelay $0x6  }
0x38: {  	v63 =	vld [tilespmem:s17+$0x0];
	_ =	sdelay $0x2  }
0x39: {  	s16 =	spop (v2sf)  }
0x3a: {  	s15 =	sadd.s32 s15, s16  }
0x3b: {  	[tilespmem:s15+$0xA000] =	vst.msk vm0, v63  }
0x3c: {  	[tilespmem:s15+$0xF000] =	vst.msk vm0, v3  }
0x3d: {  	[hbm4b:s5+s2] =	stream.linear.scatter [tilespmem:s11], [sflag:$0x1], $0x5000, $0x38;
	[tilespmem:$0x14010] =	vst v63  }
0x3e: {  	s31 =	spop (v2sf)  }
0x3f: {  	_ =	swait.ge [sflag:s9], $0x5000  }
0x40: {  	[sflag:s9] =	ssyncset.done $0x0  }
0x41: {  	[sflag:s9] =	ssyncadd.s32 $0xFFFFB000  }
0x42: {  	[hbm4b:s6+s2] =	stream.linear.scatter [tilespmem:s12], [sflag:$0x1], $0x5000, $0x38;
	[tilespmem:$0x14010] =	vst v63  }
0x43: {  	_ =	swait.ge [sflag:s9], $0x5000  }
0x44: {  	s14 =	sadd.s32 $0x1, s14;
	s15 =	sadd.s32 s15, s31;
	[sflag:s9] =	ssyncset.done $0x0  }
0x45: {  	p0 =	sne.s32 s14, s8;
	v3 =	vmov s15;
	[sflag:s9] =	ssyncadd.s32 $0xFFFFB000  }
.Ltmp2:
0x46: {  	[tilespmem:$0x14000] =	vst v3;
	(pc) =	sbr.rel @p0 .LBB2_1-.Ltmp2, $4  }
0x47: {  	[hbm4b:s7+s2] =	stream.linear.scatter [tilespmem:s13], [sflag:$0x1], $0x10, $0x38;
	[tilespmem:$0x14010] =	vst v63  }
0x48: {  	_ =	swait.ge [sflag:s9], $0x10  }
0x49: {  	[sflag:s9] =	ssyncset.done $0x0  }
0x4a: {  	[sflag:s9] =	ssyncadd.s32 $0xFFFFFFF0  }
0x4b: {  	_ =	sfence.sel $0x180000  }
0x4c: {  	[bflag:$0x0] =	sbarrier.arrive $0xFFFF  }
0x4d: {  	p0 =	sne.s32 s1, $0x0;
	_ =	strace $0x9000004A  }
0x4e: {  	s0 =	sadd.s32 @!p0 $0x100000, s0;
	[bflag:$0x2] =	sbarrier.arrive $0xFFFF  }
0x4f: {  	[sflag:s0] =	ssyncadd.tile.s32 @!p0 $0x1;
	_ =	shalt  }
.Lfunc_end2:
_tile_overlayer_lowered:
.L_overlay_start_2:
0x50: {  	(tag) =	ssettag $0x2  }
0x51: {  	s0 =	rddreg [dreg:$0x0];
	s2 =	stileid.u32  }
0x52: {  	s1 =	rddreg [dreg:$0x1];
	p0 =	sne.s32 s2, $0x0  }
0x53: {  	s3 =	rddreg [dreg:$0x2];
	[bflag:$0x3] =	sbarrier.arrive $0xFFFF;
	s2 =	simm.s32 @!p0 $0x1C01  }
0x54: {  	[timem:s3], [sflag:s2] =	dma.local @!p0 [hbm:s0], s1  }
0x55: {  	s0 =	simm.s32 @!p0 $0x1  }
0x56: {  	_ =	swait.ge @!p0 [sflag:s0], s1  }
0x57: {  	s1 =	ssub.s32 @!p0 $0x0, s1;
	[sflag:s0] =	ssyncset.done @!p0 $0x0  }
0x58: {  	[sflag:s0] =	ssyncadd.s32 @!p0 s1  }
0x59: {  	[bflag:$0x3] =	sbarrier.arrive $0xFFFF  }
0x5a: {  	_ =	shalt  }

// kernel: kernel.15.cloned.1.call-start
scs
__scs_entry_jumppad:
0x0: {  	(pc) =	sbr.rel $0x88, $3  }
0x1: {  	(tag) =	ssettag $0x0;
	lr =	simm.s32 $0x1  }
0x2: {  	[smem:$0x3F8E] =	sst lr;
	_ =	strace $0xD0000000  }
0x3: {  	_ = 	snop  }
0x4: {  	_ = 	snop  }
0x5: {  	_ = 	snop  }
0x6: {  	_ = 	snop  }
0x7: {  	_ = 	snop  }
__scs_overlays_trampoline_lowered:
0x8: {  	[smem:$0x3F9D] =	sst s0  }
0x9: {  	[smem:$0x3F9E] =	sst s1  }
0xa: {  	[smem:$0x3F9F] =	sst s2  }
0xb: {  	[smem:$0x3FA0] =	sst s3  }
0xc: {  	[smem:$0x3FA1] =	sst s4  }
0xd: {  	[smem:$0x3FA2] =	sst s5  }
0xe: {  	[smem:$0x3FA3] =	sst s6  }
0xf: {  	[smem:$0x3FA4] =	sst s7  }
0x10: {  	[smem:$0x3FA5] =	sst s8  }
0x11: {  	[smem:$0x3FA6] =	sst s9;
	s0 =	simm.s32 @!p0 $0x0  }
0x12: {  	s1 =	sld [smem:$0x3F8C];
	s0 =	simm.s32 @p0 $0x1  }
0x13: {  	[smem:$0x3FA7] =	sst s0;
	s0 =	simm.s32 @!p1 $0x0  }
0x14: {  	s2 =	sld [smem:$0x3F8B];
	s0 =	simm.s32 @p1 $0x1  }
0x15: {  	[smem:$0x3FA8] =	sst s0;
	s0 =	simm.s32 @!p2 $0x0  }
0x16: {  	s3 =	sld [smem:$0x3FDB];
	s0 =	simm.s32 @p2 $0x1  }
0x17: {  	s4 =	simm.s32 $0x1BF5;
	[smem:$0x3FAA] =	sst s0  }
0x18: {  	s0 =	sld [smem:$0x3F8D];
	_ =	swait.ge [sflag:s4], $0x0  }
0x19: {  	s7 =	sld [smem:$0x3F8E]  }
0x1a: {  	s8 =	sadd.s32 $0xFFFFE003, lr  }
0x1b: {  	s9 =	sadd.s32 $0xFFFFFEF7, lr;
	s5 =	simm.s32 $0xFFFFFFFF;
	p2 =	slt.u32 s8, $0xFFFFF086  }
0x1c: {  	p1 =	slt.u32 s9, $0xF7A;
	s5 =	simm.s32 @!p2 $0x0  }
0x1d: {  	s5 =	simm.s32 @p1 $0x1;
	p0 =	seq.s32 s7, s2  }
0x1e: {  	s7 =	smul.u32 @!p0 $0xF7A, s2;
	p2 =	seq.s32 @!p0 s5, $0x0  }
0x1f: {  	s9 =	smul.u32 $0xF7A, s1;
	s8 =	simm.s32 @!p0 $0x1BF5;
	p2 =	por !p2, p0  }
0x20: {  	[sflag:s8] =	ssyncset.s32 @!p0 $0xFFFFF086;
	s6 =	sadd.s32 @!p0 s3, s7;
	s7 =	simm.s32 @!p0 $0x108  }
0x21: {  	s3 =	sadd.s32 s3, s9;
	s6 =	sadd.s32 @!p0 $0x88, s6;
	s7 =	simm.s32 @p2 $0x1082  }
0x22: {  	[simem:s7], [sflag:s8] =	dma.local @!p0 [hbm:s6], $0xF7A  }
0x23: {  	s9 =	sor.u32 $0xD0000000, s2;
	s6 =	simm.s32 $0x108;
	_ =	swait.ge @!p0 [sflag:s8], $0x0  }
0x24: {  	s3 =	sadd.s32 $0x88, s3;
	s6 =	simm.s32 @!p1 $0x1082;
	[sflag:s4] =	ssyncset.s32 $0xFFFFF086  }
0x25: {  	[simem:s6], [sflag:s4] =	dma.local [hbm:s3], $0xF7A  }
0x26: {  	[smem:$0x3F8E] =	sst s1;
	(tag) =	ssettag s2;
	_ =	strace s9  }
0x27: {  	s1 =	sld [smem:$0x3F9E]  }
0x28: {  	s2 =	sld [smem:$0x3F9F]  }
0x29: {  	s4 =	sld [smem:$0x3FA1]  }
0x2a: {  	p0 =	seq.s32 s5, $0x0;
	s5 =	sld [smem:$0x3FA2]  }
0x2b: {  	s6 =	sld [smem:$0x3FA3]  }
0x2c: {  	s7 =	sld [smem:$0x3FA4]  }
0x2d: {  	s3 =	simm.s32 $0x108;
	s8 =	sld [smem:$0x3FA5]  }
0x2e: {  	s3 =	simm.s32 @!p0 $0x1082;
	s9 =	sld [smem:$0x3FA6]  }
0x2f: {  	lr =	sadd.s32 s0, s3;
	s0 =	sld [smem:$0x3F9D]  }
0x30: {  	s3 =	sld [smem:$0x3FA0]  }
0x31: {  	[smem:$0x3FA9] =	sst s10  }
0x32: {  	s10 =	sld [smem:$0x3FA7];
	_ =	sdelay $0x3  }
0x33: {  	p0 =	seq.s32 s10, $0x1;
	s10 =	sld [smem:$0x3FA9];
	_ =	sdelay $0x3  }
0x34: {  	[smem:$0x3FA9] =	sst s10  }
0x35: {  	s10 =	sld [smem:$0x3FA8];
	_ =	sdelay $0x3  }
0x36: {  	p1 =	seq.s32 s10, $0x1;
	s10 =	sld [smem:$0x3FA9];
	_ =	sdelay $0x3  }
0x37: {  	[smem:$0x3FA9] =	sst s10  }
0x38: {  	s10 =	sld [smem:$0x3FAA]  }
0x39: {  	_ = 	snop;
	(pc) =	sbr.ind lr, $3  }
0x3a: {  	_ = 	snop  }
0x3b: {  	_ = 	snop  }
0x3c: {  	p2 =	seq.s32 s10, $0x1;
	s10 =	sld [smem:$0x3FA9]  }
0x3d: {  	_ =	shalt  }
0x3e: {  	_ =	shalt  }
0x3f: {  	_ =	shalt  }
0x40: {  	_ =	shalt  }
0x41: {  	_ =	shalt  }
0x42: {  	_ =	shalt  }
0x43: {  	_ =	shalt  }
0x44: {  	_ =	shalt  }
0x45: {  	_ =	shalt  }
0x46: {  	_ =	shalt  }
0x47: {  	_ =	shalt  }
0x48: {  	_ =	shalt  }
0x49: {  	_ =	shalt  }
0x4a: {  	_ =	shalt  }
0x4b: {  	_ =	shalt  }
0x4c: {  	_ =	shalt  }
0x4d: {  	_ =	shalt  }
0x4e: {  	_ =	shalt  }
0x4f: {  	_ =	shalt  }
0x50: {  	_ =	shalt  }
0x51: {  	_ =	shalt  }
0x52: {  	_ =	shalt  }
0x53: {  	_ =	shalt  }
0x54: {  	_ =	shalt  }
0x55: {  	_ =	shalt  }
0x56: {  	_ =	shalt  }
0x57: {  	_ =	shalt  }
0x58: {  	_ =	shalt  }
0x59: {  	_ =	shalt  }
0x5a: {  	_ =	shalt  }
0x5b: {  	_ =	shalt  }
0x5c: {  	_ =	shalt  }
0x5d: {  	_ =	shalt  }
0x5e: {  	_ =	shalt  }
0x5f: {  	_ =	shalt  }
0x60: {  	_ =	shalt  }
0x61: {  	_ =	shalt  }
0x62: {  	_ =	shalt  }
0x63: {  	_ =	shalt  }
0x64: {  	_ =	shalt  }
0x65: {  	_ =	shalt  }
0x66: {  	_ =	shalt  }
0x67: {  	_ =	shalt  }
0x68: {  	_ =	shalt  }
0x69: {  	_ =	shalt  }
0x6a: {  	_ =	shalt  }
0x6b: {  	_ =	shalt  }
0x6c: {  	_ =	shalt  }
0x6d: {  	_ =	shalt  }
0x6e: {  	_ =	shalt  }
0x6f: {  	_ =	shalt  }
0x70: {  	_ =	shalt  }
0x71: {  	_ =	shalt  }
0x72: {  	_ =	shalt  }
0x73: {  	_ =	shalt  }
0x74: {  	_ =	shalt  }
0x75: {  	_ =	shalt  }
0x76: {  	_ =	shalt  }
0x77: {  	_ =	shalt  }
0x78: {  	_ =	shalt  }
0x79: {  	_ =	shalt  }
0x7a: {  	_ =	shalt  }
0x7b: {  	_ =	shalt  }
0x7c: {  	_ =	shalt  }
0x7d: {  	_ =	shalt  }
0x7e: {  	_ =	shalt  }
0x7f: {  	_ =	shalt  }
0x80: {  	_ =	shalt  }
0x81: {  	_ =	shalt  }
0x82: {  	_ =	shalt  }
0x83: {  	_ =	shalt  }
0x84: {  	_ =	shalt  }
0x85: {  	_ =	shalt  }
0x86: {  	_ =	shalt  }
0x87: {  	_ =	shalt  }
.Lfunc_end0:
.L_simem_size_0:
called_computation.1_lowered:
.L_overlay_start_0:
0x88: {  	s2 =	sld [smem:$0x3FD9]  }
0x89: {  	s3 =	sld [smem:$0x3FFE];
	_ =	sdelay $0x1  }
0x8a: {  	s1 =	srdreg.scid  }
0x8b: {  	s0 =	sand.u32 $0x1, s1  }
0x8c: {  	s16 =	sshll.u32 s0, $0xA;
	s2 =	sadd.s32 s3, s2  }
0x8d: {  	s2 =	sadd.s32 s2, s16  }
0x8e: {  	[smem:$0x3FB5] =	sst s2  }
0x8f: {  	_ = 	snop  }
0x90: {  	(tm) =	ssettm $0x1  }
0x91: {  	s17 =	sld [smem:$0x3FFB];
	_ =	sdelay $0x3  }
0x92: {  	_ =	strace s17  }
0x93: {  	s2 =	sld [smem:$0x3FFC];
	_ =	sdelay $0x3  }
0x94: {  	_ =	strace s2  }
0x95: {  	s2 =	sld [smem:$0x3FFD];
	_ =	sdelay $0x3  }
0x96: {  	_ =	strace s2  }
0x97: {  	_ =	strace $0x8FFFFFFF  }
0x98: {  	s18 =	sld [smem:$0x3FDB];
	_ =	sdelay $0x1  }
0x99: {  	s19 =	simm.s32 $_scs_section_size  }
0x9a: {  	s4 =	simm.s32 $_size__tile_overlayer_lowered;
	s5 =	simm.s32 $_tile_overlayer_lowered  }
0x9b: {  	s22 =	simm.s32 $0x1BFF;
	s21 =	sshll.u32 s5, $0x1;
	s2 =	sadd.s32 s19, s18  }
0x9c: {  	s6 =	simm.s32 $0x0;
	s20 =	sshll.u32 s4, $0x1;
	s4 =	sadd.s32 s21, s2  }
0x9d: {  	[timem:s6], [sflag:s22] =	dma.local [hbm:s4], s20  }
0x9e: {  	_ =	swait.ge [sflag:s22], s20  }
0x9f: {  	s3 =	ssub.s32 $0x0, s20;
	[sflag:s22] =	ssyncset.done $0x0  }
0xa0: {  	[sflag:s22] =	ssyncadd.s32 s3;
	_ =	sdelay $0x1  }
0xa1: {  	s23 =	simm.s32 $0x1B8B  }
0xa2: {  	_ =	swait.ge [sflag:s23], $0x1  }
0xa3: {  	[sflag:s23] =	ssyncset.done $0x0  }
0xa4: {  	s25 =	simm.s32 $0x1B8E;
	s24 =	sld [smem:$0x3FFE];
	[sflag:s23] =	ssyncadd.s32 $0xFFFFFFFF  }
0xa5: {  	s26 =	simm.s32 $execute0_lowered;
	[smem:$0x3FD2] =	sst s25  }
0xa6: {  	s4 =	sshll.u32 s26, $0x1;
	_ =	strace $0x80000046;
	[dreg:$0x1] =	wrdreg $0xFFFFFFFF  }
0xa7: {  	s28 =	simm.s32 $_size_execute0_lowered;
	s2 =	sadd.s32 s2, s4;
	[dreg:$0x0] =	wrdreg $0x0  }
0xa8: {  	s4 =	sshll.u32 s28, $0x1;
	[dreg:$0x2] =	wrdreg s2  }
0xa9: {  	[dreg:$0x3] =	wrdreg s4  }
0xaa: {  	[dreg:$0x4] =	wrdreg $0xC0  }
0xab: {  	_ =	task [dreg:s6], $0x5FFFF  }
0xac: {  	[dreg:$0x1] =	wrdreg $0xFFFFFFFF  }
0xad: {  	[dreg:$0x0] =	wrdreg $0x60  }
0xae: {  	[dreg:$0x2] =	wrdreg s24  }
0xaf: {  	[dreg:$0x3] =	wrdreg $0x38000  }
0xb0: {  	[dreg:$0x4] =	wrdreg $0xA  }
0xb1: {  	_ =	task.clear_ibuf [dreg:s6], $0x5FFFF;
	_ =	strace $0x90000046  }
0xb2: {  	s29 =	simm.s32 $0xA;
	_ =	strace $0x80000048  }
0xb3: {  	_ =	swait.ge [sflag:s29], $0x1  }
0xb4: {  	[sflag:s29] =	ssyncadd.s32 $0xFFFFFFFF  }
0xb5: {  	_ =	strace $0x90000048  }
0xb6: {  	_ =	sfence  }
0xb7: {  	s30 =	sld [smem:$0x0];
	_ =	sdelay $0x2  }
0xb8: {  	s31 =	sshll.u32 s1, $0xD;
	s1 =	sshrl.u32 s1, $0x2  }
0xb9: {  	s3 =	sand.u32 $0x4000, s31;
	s1 =	sadd.s32 s1, s30  }
0xba: {  	s0 =	sor.u32 s3, s0;
	s1 =	sshll.u32 s1, $0x11  }
0xbb: {  	s0 =	sor.u32 s1, s0  }
0xbc: {  	s0 =	sadd.s32 $0x8F2B, s0  }
0xbd: {  	[sflag:s0] =	ssyncadd.remote.s32 $0x1  }
0xbe: {  	_ =	sfence.sel $0xFFFF  }
0xbf: {  	[dreg:$0x0] =	wrdreg $0xFFFFFFFF;
	(pc) =	sbr.abs _section_cstart, $3  }
0xc0: {  	[dreg:$0x1] =	wrdreg $0xFFFFFFFF  }
0xc1: {  	_ =	task.clear_ibuf [dreg:s6], $0x2FFFF;
	_ =	strace $0x9FFFFFFF  }
0xc2: {  	(tm) =	ssettm $0x7FFFFFFF  }
0xc3: {  	_ =	shalt  }
tec
execute0_lowered:
.L_overlay_start_1:
0x0: {  	(tag) =	ssettag $0x1  }
0x1: {  	s4 =	rddreg [dreg:$0x0];
	s0 =	srdreg.scid  }
0x2: {  	s2 =	rddreg [dreg:$0x1];
	s1 =	stileid.u32;
	s3 =	simm.s32 $0x0  }
0x3: {  	s12 =	simm.s32 $0x3000;
	s13 =	simm.s32 $0x1;
	s14 =	simm.s32 $0x80  }
0x4: {  	s5 =	sand.u32 $0x1, s0;
	s0 =	rddreg [dreg:$0x2];
	s7 =	smul.u32 $0x2800, s1  }
0x5: {  	s15 =	simm.s32 $0x2800;
	[smem:$0x7FF] =	sst s3;
	s8 =	smul.u32 $0xA000, s1  }
0x6: {  	s16 =	sshll.u32 s1, $0x6;
	s6 =	smul.u32 $0x28000, s5;
	s5 =	ssub.s32 $0x2, s5  }
0x7: {  	_ =	strace $0x80000047;
	s16 =	sor.u32 $0x1C01, s16;
	s9 =	sshrl.u32 s5, $0x1  }
0x8: {  	s8 =	sshrl.u32 s8, $0x2;
	s17 =	sadd.s32 s7, s2;
	s6 =	sadd.s32 s7, s6  }
0x9: {  	s9 =	ssub.s32 s5, s9;
	s17 =	sshrl.u32 s17, $0x3;
	s6 =	sshrl.u32 s6, $0x3  }
0xa: {  	s7 =	smax.u32 s9, $0x1;
	s6 =	sadd.s32 s6, s4;
	s4 =	sadd.s32 s8, s2  }
0xb: {  	vm0 =	vcmask $0x300;
	v0 =	vimm.f32 $0.0e+00;
	s5 =	sadd.s32 $0xE600, s6;
	s6 =	sadd.s32 $0x18600, s6;
	s8 =	sadd.s32 $0x800, s4  }
0xc: {  	v1 =	vsel vm0, $0x3F800000, v0;
	s9 =	sadd.s32 $0x1000, s4;
	s10 =	sadd.s32 $0x1800, s4;
	s11 =	sadd.s32 $0x2000, s4  }
.LBB2_1:
0xd: {  	s18 =	simm.s32 $0x40;
	s19 =	simm.s32 $0x0  }
.LBB2_2:
0xe: {  	p0 =	sne.s32 s18, $0x1FC0;
	[tilespmem:s19+$0x2800] =	vst v1;
	s20 =	smov.u32 s18;
	s18 =	sadd.s32 $0x40, s18  }
.Ltmp0:
0xf: {  	[tilespmem:s19+$0x3000] =	vst v0;
	(pc) =	sbr.rel @p0 .LBB2_2-.Ltmp0, $2  }
0x10: {  	_ =	sdelay $0x2  }
0x11: {  	s19 =	sshra.s32 s20, $0x2  }
0x12: {  	[tilespmem:s19+$0x2800] =	vst v1  }
0x13: {  	[tilespmem:s19+$0x3000] =	vst v0  }
0x14: {  	[spmem:s4] =	stream.linear.scatter [tilespmem:s12], [sflag:$0x1], $0x800, $0x38;
	[tilespmem:$0x6000] =	vst v63  }
0x15: {  	_ =	swait.ge [sflag:s13], $0x800  }
0x16: {  	[sflag:s13] =	ssyncset.done $0x0  }
0x17: {  	[sflag:s13] =	ssyncadd.s32 $0xFFFFF800  }
0x18: {  	[spmem:s8] =	stream.linear.scatter [tilespmem:s12], [sflag:$0x1], $0x800, $0x38;
	[tilespmem:$0x6000] =	vst v63  }
0x19: {  	_ =	swait.ge [sflag:s13], $0x800  }
0x1a: {  	[sflag:s13] =	ssyncset.done $0x0  }
0x1b: {  	[sflag:s13] =	ssyncadd.s32 $0xFFFFF800  }
0x1c: {  	[spmem:s9] =	stream.linear.scatter [tilespmem:s12], [sflag:$0x1], $0x800, $0x38;
	[tilespmem:$0x6000] =	vst v63  }
0x1d: {  	_ =	swait.ge [sflag:s13], $0x800  }
0x1e: {  	[sflag:s13] =	ssyncset.done $0x0  }
0x1f: {  	[sflag:s13] =	ssyncadd.s32 $0xFFFFF800  }
0x20: {  	[spmem:s10] =	stream.linear.scatter [tilespmem:s12], [sflag:$0x1], $0x800, $0x38;
	[tilespmem:$0x6000] =	vst v63  }
0x21: {  	_ =	swait.ge [sflag:s13], $0x800  }
0x22: {  	[sflag:s13] =	ssyncset.done $0x0  }
0x23: {  	[sflag:s13] =	ssyncadd.s32 $0xFFFFF800  }
0x24: {  	[spmem:s11] =	stream.linear.scatter [tilespmem:s12], [sflag:$0x1], $0x800, $0x38;
	[tilespmem:$0x6000] =	vst v63  }
0x25: {  	_ =	swait.ge [sflag:s13], $0x800  }
0x26: {  	[sflag:s13] =	ssyncset.done $0x0  }
0x27: {  	[sflag:s13] =	ssyncadd.s32 $0xFFFFF800  }
0x28: {  	s18 =	simm.s32 $0x0;
	[bflag:$0x0] =	sbarrier.arrive $0xFFFF  }
0x29: {  	[tilespmem:s18], [sflag:$0x1] =	stream.linear.gather [hbm4b:s5+s18], $0x2800, $0x38;
	[tilespmem:$0x6000] =	vst v63  }
0x2a: {  	_ =	swait.ge [sflag:s13], $0x2800  }
0x2b: {  	[sflag:s13] =	ssyncset.done $0x0  }
0x2c: {  	s31 =	simm.s32 $0x0;
	[sflag:s13] =	ssyncadd.s32 $0xFFFFD800  }
0x2d: {  	[spmem:s2] =	stream.indirect.scatter.add.f32 [tilespmem:s15], [sflag:$0x1], $0x10, s31, s14, $0xb8;
	[tilespmem:$0x6000] =	vst v63  }
0x2e: {  	_ =	swait.ge [sflag:s13], $0x800  }
0x2f: {  	s18 =	simm.s32 $0x200;
	[sflag:s13] =	ssyncset.done $0x0  }
.LBB2_4:
0x30: {  	s19 =	sshra.s32 s18, $0x2;
	[sflag:s13] =	ssyncadd.s32 $0xFFFFF800;
	p0 =	sne.s32 s18, $0x9E00  }
0x31: {  	[spmem:s2] =	stream.indirect.scatter.add.f32 [tilespmem:s15], [sflag:$0x1], $0x10, s19, s14, $0xb8;
	[tilespmem:$0x6000] =	vst v63  }
.Ltmp1:
0x32: {  	_ = 	snop;
	(pc) =	sbr.rel @p0 .LBB2_4-.Ltmp1, $4  }
0x33: {  	_ = 	snop  }
0x34: {  	s18 =	sadd.s32 $0x200, s18  }
0x35: {  	_ =	swait.ge [sflag:s13], $0x800  }
0x36: {  	[sflag:s13] =	ssyncset.done $0x0  }
0x37: {  	s3 =	sadd.s32 $0x1, s3  }
0x38: {  	[sflag:s13] =	ssyncadd.s32 $0xFFFFF800;
	p0 =	sne.s32 s3, s7  }
.Ltmp2:
0x39: {  	[bflag:$0x0] =	sbarrier.arrive $0xFFFF;
	(pc) =	sbr.rel @p0 .LBB2_1-.Ltmp2, $4  }
0x3a: {  	[hbm:s6], [sflag:s16] =	dma.local [spmem:s17], $0x500  }
0x3b: {  	_ =	swait.ge [sflag:s13], $0x500  }
0x3c: {  	[sflag:s13] =	ssyncset.done $0x0  }
0x3d: {  	[sflag:s13] =	ssyncadd.s32 $0xFFFFFB00  }
0x3e: {  	_ =	sfence.sel $0x180000  }
0x3f: {  	[bflag:$0x0] =	sbarrier.arrive $0xFFFF  }
0x40: {  	p0 =	sne.s32 s1, $0x0;
	_ =	strace $0x90000047  }
0x41: {  	s0 =	sadd.s32 @!p0 $0x100000, s0;
	[bflag:$0x2] =	sbarrier.arrive $0xFFFF  }
0x42: {  	[sflag:s0] =	ssyncadd.tile.s32 @!p0 $0x1;
	_ =	shalt  }
.Lfunc_end2:
_tile_overlayer_lowered:
.L_overlay_start_2:
0x43: {  	(tag) =	ssettag $0x2  }
0x44: {  	s0 =	rddreg [dreg:$0x0];
	s2 =	stileid.u32  }
0x45: {  	s1 =	rddreg [dreg:$0x1];
	p0 =	sne.s32 s2, $0x0  }
0x46: {  	s3 =	rddreg [dreg:$0x2];
	[bflag:$0x3] =	sbarrier.arrive $0xFFFF;
	s2 =	simm.s32 @!p0 $0x1C01  }
0x47: {  	[timem:s3], [sflag:s2] =	dma.local @!p0 [hbm:s0], s1  }
0x48: {  	s0 =	simm.s32 @!p0 $0x1  }
0x49: {  	_ =	swait.ge @!p0 [sflag:s0], s1  }
0x4a: {  	s1 =	ssub.s32 @!p0 $0x0, s1;
	[sflag:s0] =	ssyncset.done @!p0 $0x0  }
0x4b: {  	[sflag:s0] =	ssyncadd.s32 @!p0 s1  }
0x4c: {  	[bflag:$0x3] =	sbarrier.arrive $0xFFFF  }
0x4d: {  	_ =	shalt  }

// kernel: kernel.18.cloned.1.call-start
scs
__scs_entry_jumppad:
0x0: {  	(pc) =	sbr.rel $0x88, $3  }
0x1: {  	(tag) =	ssettag $0x0;
	lr =	simm.s32 $0x1  }
0x2: {  	[smem:$0x3F8E] =	sst lr;
	_ =	strace $0xD0000000  }
0x3: {  	_ = 	snop  }
0x4: {  	_ = 	snop  }
0x5: {  	_ = 	snop  }
0x6: {  	_ = 	snop  }
0x7: {  	_ = 	snop  }
__scs_overlays_trampoline_lowered:
0x8: {  	[smem:$0x3F9D] =	sst s0  }
0x9: {  	[smem:$0x3F9E] =	sst s1  }
0xa: {  	[smem:$0x3F9F] =	sst s2  }
0xb: {  	[smem:$0x3FA0] =	sst s3  }
0xc: {  	[smem:$0x3FA1] =	sst s4  }
0xd: {  	[smem:$0x3FA2] =	sst s5  }
0xe: {  	[smem:$0x3FA3] =	sst s6  }
0xf: {  	[smem:$0x3FA4] =	sst s7  }
0x10: {  	[smem:$0x3FA5] =	sst s8  }
0x11: {  	[smem:$0x3FA6] =	sst s9;
	s0 =	simm.s32 @!p0 $0x0  }
0x12: {  	s1 =	sld [smem:$0x3F8C];
	s0 =	simm.s32 @p0 $0x1  }
0x13: {  	[smem:$0x3FA7] =	sst s0;
	s0 =	simm.s32 @!p1 $0x0  }
0x14: {  	s2 =	sld [smem:$0x3F8B];
	s0 =	simm.s32 @p1 $0x1  }
0x15: {  	[smem:$0x3FA8] =	sst s0;
	s0 =	simm.s32 @!p2 $0x0  }
0x16: {  	s3 =	sld [smem:$0x3FDB];
	s0 =	simm.s32 @p2 $0x1  }
0x17: {  	s4 =	simm.s32 $0x1BF5;
	[smem:$0x3FAA] =	sst s0  }
0x18: {  	s0 =	sld [smem:$0x3F8D];
	_ =	swait.ge [sflag:s4], $0x0  }
0x19: {  	s7 =	sld [smem:$0x3F8E]  }
0x1a: {  	s8 =	sadd.s32 $0xFFFFE003, lr  }
0x1b: {  	s9 =	sadd.s32 $0xFFFFFEF7, lr;
	s5 =	simm.s32 $0xFFFFFFFF;
	p2 =	slt.u32 s8, $0xFFFFF086  }
0x1c: {  	p1 =	slt.u32 s9, $0xF7A;
	s5 =	simm.s32 @!p2 $0x0  }
0x1d: {  	s5 =	simm.s32 @p1 $0x1;
	p0 =	seq.s32 s7, s2  }
0x1e: {  	s7 =	smul.u32 @!p0 $0xF7A, s2;
	p2 =	seq.s32 @!p0 s5, $0x0  }
0x1f: {  	s9 =	smul.u32 $0xF7A, s1;
	s8 =	simm.s32 @!p0 $0x1BF5;
	p2 =	por !p2, p0  }
0x20: {  	[sflag:s8] =	ssyncset.s32 @!p0 $0xFFFFF086;
	s6 =	sadd.s32 @!p0 s3, s7;
	s7 =	simm.s32 @!p0 $0x108  }
0x21: {  	s3 =	sadd.s32 s3, s9;
	s6 =	sadd.s32 @!p0 $0x88, s6;
	s7 =	simm.s32 @p2 $0x1082  }
0x22: {  	[simem:s7], [sflag:s8] =	dma.local @!p0 [hbm:s6], $0xF7A  }
0x23: {  	s9 =	sor.u32 $0xD0000000, s2;
	s6 =	simm.s32 $0x108;
	_ =	swait.ge @!p0 [sflag:s8], $0x0  }
0x24: {  	s3 =	sadd.s32 $0x88, s3;
	s6 =	simm.s32 @!p1 $0x1082;
	[sflag:s4] =	ssyncset.s32 $0xFFFFF086  }
0x25: {  	[simem:s6], [sflag:s4] =	dma.local [hbm:s3], $0xF7A  }
0x26: {  	[smem:$0x3F8E] =	sst s1;
	(tag) =	ssettag s2;
	_ =	strace s9  }
0x27: {  	s1 =	sld [smem:$0x3F9E]  }
0x28: {  	s2 =	sld [smem:$0x3F9F]  }
0x29: {  	s4 =	sld [smem:$0x3FA1]  }
0x2a: {  	p0 =	seq.s32 s5, $0x0;
	s5 =	sld [smem:$0x3FA2]  }
0x2b: {  	s6 =	sld [smem:$0x3FA3]  }
0x2c: {  	s7 =	sld [smem:$0x3FA4]  }
0x2d: {  	s3 =	simm.s32 $0x108;
	s8 =	sld [smem:$0x3FA5]  }
0x2e: {  	s3 =	simm.s32 @!p0 $0x1082;
	s9 =	sld [smem:$0x3FA6]  }
0x2f: {  	lr =	sadd.s32 s0, s3;
	s0 =	sld [smem:$0x3F9D]  }
0x30: {  	s3 =	sld [smem:$0x3FA0]  }
0x31: {  	[smem:$0x3FA9] =	sst s10  }
0x32: {  	s10 =	sld [smem:$0x3FA7];
	_ =	sdelay $0x3  }
0x33: {  	p0 =	seq.s32 s10, $0x1;
	s10 =	sld [smem:$0x3FA9];
	_ =	sdelay $0x3  }
0x34: {  	[smem:$0x3FA9] =	sst s10  }
0x35: {  	s10 =	sld [smem:$0x3FA8];
	_ =	sdelay $0x3  }
0x36: {  	p1 =	seq.s32 s10, $0x1;
	s10 =	sld [smem:$0x3FA9];
	_ =	sdelay $0x3  }
0x37: {  	[smem:$0x3FA9] =	sst s10  }
0x38: {  	s10 =	sld [smem:$0x3FAA]  }
0x39: {  	_ = 	snop;
	(pc) =	sbr.ind lr, $3  }
0x3a: {  	_ = 	snop  }
0x3b: {  	_ = 	snop  }
0x3c: {  	p2 =	seq.s32 s10, $0x1;
	s10 =	sld [smem:$0x3FA9]  }
0x3d: {  	_ =	shalt  }
0x3e: {  	_ =	shalt  }
0x3f: {  	_ =	shalt  }
0x40: {  	_ =	shalt  }
0x41: {  	_ =	shalt  }
0x42: {  	_ =	shalt  }
0x43: {  	_ =	shalt  }
0x44: {  	_ =	shalt  }
0x45: {  	_ =	shalt  }
0x46: {  	_ =	shalt  }
0x47: {  	_ =	shalt  }
0x48: {  	_ =	shalt  }
0x49: {  	_ =	shalt  }
0x4a: {  	_ =	shalt  }
0x4b: {  	_ =	shalt  }
0x4c: {  	_ =	shalt  }
0x4d: {  	_ =	shalt  }
0x4e: {  	_ =	shalt  }
0x4f: {  	_ =	shalt  }
0x50: {  	_ =	shalt  }
0x51: {  	_ =	shalt  }
0x52: {  	_ =	shalt  }
0x53: {  	_ =	shalt  }
0x54: {  	_ =	shalt  }
0x55: {  	_ =	shalt  }
0x56: {  	_ =	shalt  }
0x57: {  	_ =	shalt  }
0x58: {  	_ =	shalt  }
0x59: {  	_ =	shalt  }
0x5a: {  	_ =	shalt  }
0x5b: {  	_ =	shalt  }
0x5c: {  	_ =	shalt  }
0x5d: {  	_ =	shalt  }
0x5e: {  	_ =	shalt  }
0x5f: {  	_ =	shalt  }
0x60: {  	_ =	shalt  }
0x61: {  	_ =	shalt  }
0x62: {  	_ =	shalt  }
0x63: {  	_ =	shalt  }
0x64: {  	_ =	shalt  }
0x65: {  	_ =	shalt  }
0x66: {  	_ =	shalt  }
0x67: {  	_ =	shalt  }
0x68: {  	_ =	shalt  }
0x69: {  	_ =	shalt  }
0x6a: {  	_ =	shalt  }
0x6b: {  	_ =	shalt  }
0x6c: {  	_ =	shalt  }
0x6d: {  	_ =	shalt  }
0x6e: {  	_ =	shalt  }
0x6f: {  	_ =	shalt  }
0x70: {  	_ =	shalt  }
0x71: {  	_ =	shalt  }
0x72: {  	_ =	shalt  }
0x73: {  	_ =	shalt  }
0x74: {  	_ =	shalt  }
0x75: {  	_ =	shalt  }
0x76: {  	_ =	shalt  }
0x77: {  	_ =	shalt  }
0x78: {  	_ =	shalt  }
0x79: {  	_ =	shalt  }
0x7a: {  	_ =	shalt  }
0x7b: {  	_ =	shalt  }
0x7c: {  	_ =	shalt  }
0x7d: {  	_ =	shalt  }
0x7e: {  	_ =	shalt  }
0x7f: {  	_ =	shalt  }
0x80: {  	_ =	shalt  }
0x81: {  	_ =	shalt  }
0x82: {  	_ =	shalt  }
0x83: {  	_ =	shalt  }
0x84: {  	_ =	shalt  }
0x85: {  	_ =	shalt  }
0x86: {  	_ =	shalt  }
0x87: {  	_ =	shalt  }
.Lfunc_end0:
.L_simem_size_0:
called_computation.2_lowered:
.L_overlay_start_0:
0x88: {  	s2 =	sld [smem:$0x3FD9]  }
0x89: {  	s3 =	sld [smem:$0x3FFE];
	_ =	sdelay $0x1  }
0x8a: {  	s1 =	srdreg.scid  }
0x8b: {  	s0 =	sand.u32 $0x1, s1  }
0x8c: {  	s16 =	sshll.u32 s0, $0xA;
	s2 =	sadd.s32 s3, s2  }
0x8d: {  	s2 =	sadd.s32 s2, s16  }
0x8e: {  	[smem:$0x3FB5] =	sst s2  }
0x8f: {  	_ = 	snop  }
0x90: {  	(tm) =	ssettm $0x1  }
0x91: {  	s17 =	sld [smem:$0x3FFB];
	_ =	sdelay $0x3  }
0x92: {  	_ =	strace s17  }
0x93: {  	s2 =	sld [smem:$0x3FFC];
	_ =	sdelay $0x3  }
0x94: {  	_ =	strace s2  }
0x95: {  	s2 =	sld [smem:$0x3FFD];
	_ =	sdelay $0x3  }
0x96: {  	_ =	strace s2  }
0x97: {  	_ =	strace $0x8FFFFFFF  }
0x98: {  	s18 =	sld [smem:$0x3FDB];
	_ =	sdelay $0x1  }
0x99: {  	s19 =	simm.s32 $_scs_section_size  }
0x9a: {  	s4 =	simm.s32 $_size__tile_overlayer_lowered;
	s5 =	simm.s32 $_tile_overlayer_lowered  }
0x9b: {  	s22 =	simm.s32 $0x1BFF;
	s21 =	sshll.u32 s5, $0x1;
	s2 =	sadd.s32 s19, s18  }
0x9c: {  	s6 =	simm.s32 $0x0;
	s20 =	sshll.u32 s4, $0x1;
	s4 =	sadd.s32 s21, s2  }
0x9d: {  	[timem:s6], [sflag:s22] =	dma.local [hbm:s4], s20  }
0x9e: {  	_ =	swait.ge [sflag:s22], s20  }
0x9f: {  	s3 =	ssub.s32 $0x0, s20;
	[sflag:s22] =	ssyncset.done $0x0  }
0xa0: {  	[sflag:s22] =	ssyncadd.s32 s3;
	_ =	sdelay $0x1  }
0xa1: {  	s23 =	simm.s32 $0x1B8B  }
0xa2: {  	_ =	swait.ge [sflag:s23], $0x1  }
0xa3: {  	[sflag:s23] =	ssyncset.done $0x0  }
0xa4: {  	s25 =	simm.s32 $0x1B8E;
	s24 =	sld [smem:$0x3FFE];
	[sflag:s23] =	ssyncadd.s32 $0xFFFFFFFF  }
0xa5: {  	s26 =	simm.s32 $execute0_lowered;
	[smem:$0x3FD2] =	sst s25  }
0xa6: {  	s4 =	sshll.u32 s26, $0x1;
	_ =	strace $0x8000004C;
	[dreg:$0x1] =	wrdreg $0xFFFFFFFF  }
0xa7: {  	s28 =	simm.s32 $_size_execute0_lowered;
	s2 =	sadd.s32 s2, s4;
	[dreg:$0x0] =	wrdreg $0x0  }
0xa8: {  	s4 =	sshll.u32 s28, $0x1;
	[dreg:$0x2] =	wrdreg s2  }
0xa9: {  	[dreg:$0x3] =	wrdreg s4  }
0xaa: {  	[dreg:$0x4] =	wrdreg $0xC0  }
0xab: {  	_ =	task [dreg:s6], $0x5FFFF  }
0xac: {  	[dreg:$0x1] =	wrdreg $0xFFFFFFFF  }
0xad: {  	[dreg:$0x0] =	wrdreg $0x60  }
0xae: {  	[dreg:$0x2] =	wrdreg s24  }
0xaf: {  	[dreg:$0x3] =	wrdreg $0x120100  }
0xb0: {  	[dreg:$0x4] =	wrdreg $0x9  }
0xb1: {  	_ =	task.clear_ibuf [dreg:s6], $0x5FFFF;
	_ =	strace $0x9000004C  }
0xb2: {  	s29 =	simm.s32 $0x9;
	_ =	strace $0x8000004E  }
0xb3: {  	_ =	swait.ge [sflag:s29], $0x1  }
0xb4: {  	[sflag:s29] =	ssyncadd.s32 $0xFFFFFFFF  }
0xb5: {  	_ =	strace $0x9000004E  }
0xb6: {  	_ =	sfence  }
0xb7: {  	s30 =	sld [smem:$0x0];
	_ =	sdelay $0x2  }
0xb8: {  	s31 =	sshll.u32 s1, $0xD;
	s1 =	sshrl.u32 s1, $0x2  }
0xb9: {  	s3 =	sand.u32 $0x4000, s31;
	s1 =	sadd.s32 s1, s30  }
0xba: {  	s0 =	sor.u32 s3, s0;
	s1 =	sshll.u32 s1, $0x11  }
0xbb: {  	s0 =	sor.u32 s1, s0  }
0xbc: {  	s0 =	sadd.s32 $0x8F2B, s0  }
0xbd: {  	[sflag:s0] =	ssyncadd.remote.s32 $0x1  }
0xbe: {  	_ =	sfence.sel $0xFFFF  }
0xbf: {  	[dreg:$0x0] =	wrdreg $0xFFFFFFFF;
	(pc) =	sbr.abs _section_cstart, $3  }
0xc0: {  	[dreg:$0x1] =	wrdreg $0xFFFFFFFF  }
0xc1: {  	_ =	task.clear_ibuf [dreg:s6], $0x2FFFF;
	_ =	strace $0x9FFFFFFF  }
0xc2: {  	(tm) =	ssettm $0x7FFFFFFF  }
0xc3: {  	_ =	shalt  }
tec
execute0_lowered:
.L_overlay_start_1:
0x0: {  	(tag) =	ssettag $0x1  }
0x1: {  	s0 =	srdreg.scid  }
0x2: {  	s1 =	rddreg [dreg:$0x0];
	s24 =	stileid.u32  }
0x3: {  	s2 =	rddreg [dreg:$0x1];
	s3 =	simm.s32 $0x0;
	s15 =	simm.s32 $0xA000  }
0x4: {  	s16 =	simm.s32 $0x9;
	s19 =	simm.s32 $0x1;
	s28 =	simm.s32 $0x2  }
0x5: {  	s29 =	simm.s32 $0x3;
	s30 =	simm.s32 $0x4;
	s5 =	smul.u32 $0x5000, s24  }
0x6: {  	s31 =	simm.s32 $0x5;
	s17 =	simm.s32 $0x7;
	s7 =	smul.u32 $0xA000, s24  }
0x7: {  	s18 =	simm.s32 $0x8;
	s0 =	sand.u32 $0x1, s0;
	s9 =	smul.u32 $0x28000, s24  }
0x8: {  	[smem:$0x7FF] =	sst s3;
	s21 =	sshll.u32 s24, $0x1;
	s4 =	smul.u32 $0x50000, s0  }
0x9: {  	s6 =	smul.u32 $0xA0000, s0;
	_ =	strace $0x8000004D;
	s22 =	ssub.s32 $0x2, s0  }
0xa: {  	s0 =	sshll.u32 s0, $0x5;
	s10 =	sshrl.u32 s22, $0x1;
	s9 =	sshrl.u32 s9, $0x2  }
0xb: {  	s26 =	sadd.s32 s7, s2;
	s4 =	sadd.s32 s5, s4;
	s20 =	sadd.s32 s7, s6  }
0xc: {  	s6 =	sadd.s32 s21, s1;
	s10 =	ssub.s32 s22, s10;
	s21 =	simm.s32 $0xC000  }
0xd: {  	s22 =	simm.s32 $0x0;
	s5 =	sshrl.u32 s4, $0x3;
	s4 =	sadd.s32 $0x54800, s1  }
0xe: {  	s0 =	sadd.s32 s0, s6;
	s8 =	sadd.s32 s5, s1;
	s5 =	sshrl.u32 s20, $0x3  }
0xf: {  	s10 =	smax.u32 s10, $0x1;
	s20 =	simm.s32 $0x40;
	s1 =	sadd.s32 s5, s1  }
0x10: {  	s5 =	sadd.s32 s9, s2;
	s23 =	sadd.s32 $0x2C600, s8;
	s8 =	sadd.s32 $0x40600, s8  }
.Ltmp0:
0x11: {  	s9 =	sadd.s32 $0x54600, s0;
	s0 =	sshrl.u32 s26, $0x3;
	(pc) =	sbr.rel .LBB2_1-.Ltmp0, $4  }
0x12: {  	s26 =	simm.s32 $0x10000;
	[dreg:$0x3] =	wrdreg s23;
	s25 =	sadd.s32 $0x4600, s1  }
0x13: {  	s11 =	sadd.s32 $0x2000, s5;
	s12 =	sadd.s32 $0x4000, s5;
	s13 =	sadd.s32 $0x6000, s5  }
0x14: {  	s14 =	sadd.s32 $0x8000, s5;
	s23 =	simm.s32 $0xE000;
	[dreg:$0x5] =	wrdreg s0  }
0x15: {  	v0 =	vimm.f32 $0.0e+00;
	s1 =	simm.s32 $0x6;
	[dreg:$0x4] =	wrdreg s25;
	s25 =	simm.s32 $0x5000  }
.LBB2_6:
0x16: {  	[tilespmem:s26], [sflag:$0x4] =	stream.indirect.gather [hbm4b:s4+s20], $0x80, s7, s20, $0xb8;
	[tilespmem:$0x1C010] =	vst v63  }
0x17: {  	s24 =	stileid.u32;
	s8 =	smov.u32 s9;
	s9 =	smov.u32 s10  }
0x18: {  	s10 =	smov.u32 s11;
	s11 =	smov.u32 s12;
	s12 =	smov.u32 s13  }
0x19: {  	s13 =	smov.u32 s14;
	s14 =	smov.u32 s25;
	s25 =	simm.s32 $0x5000  }
.LBB2_7:
0x1a: {  	_ =	swait.ge [sflag:s19], $0x2000;
	s0 =	sshll.u32 s0, $0xA  }
0x1b: {  	[sflag:s19] =	ssyncset.done $0x0;
	s0 =	sshra.s32 s0, $0x2  }
0x1c: {  	[sflag:s19] =	ssyncadd.s32 $0xFFFFE000;
	s6 =	sadd.s32 $0x5000, s0  }
0x1d: {  	[spmem:s2] =	stream.indirect.scatter.add.f32 [tilespmem:s15], [sflag:$0x5], $0x80, s6, s20, $0xb8;
	[tilespmem:$0x1C010] =	vst v63  }
0x1e: {  	_ =	swait.ge [sflag:s28], $0x2000  }
0x1f: {  	[sflag:s28] =	ssyncset.done $0x0  }
0x20: {  	s7 =	sadd.s32 $0x5040, s0;
	[sflag:s28] =	ssyncadd.s32 $0xFFFFE000  }
0x21: {  	[spmem:s2] =	stream.indirect.scatter.add.f32 [tilespmem:s21], [sflag:$0x6], $0x80, s7, s20, $0xb8;
	[tilespmem:$0x1C010] =	vst v63  }
0x22: {  	_ =	swait.ge [sflag:s29], $0x2000  }
0x23: {  	[sflag:s29] =	ssyncset.done $0x0  }
0x24: {  	s7 =	sadd.s32 $0x5080, s0;
	[sflag:s29] =	ssyncadd.s32 $0xFFFFE000  }
0x25: {  	[spmem:s2] =	stream.indirect.scatter.add.f32 [tilespmem:s23], [sflag:$0x7], $0x80, s7, s20, $0xb8;
	[tilespmem:$0x1C010] =	vst v63  }
0x26: {  	_ =	swait.ge [sflag:s30], $0x2000  }
0x27: {  	[sflag:s30] =	ssyncset.done $0x0  }
0x28: {  	s0 =	sadd.s32 $0x50C0, s0;
	[sflag:s30] =	ssyncadd.s32 $0xFFFFE000  }
0x29: {  	[spmem:s2] =	stream.indirect.scatter.add.f32 [tilespmem:s26], [sflag:$0x8], $0x80, s0, s20, $0xb8;
	[tilespmem:$0x1C010] =	vst v63  }
0x2a: {  	_ =	swait.ge [sflag:s31], $0x2000  }
0x2b: {  	[sflag:s31] =	ssyncset.done $0x0  }
0x2c: {  	[sflag:s31] =	ssyncadd.s32 $0xFFFFE000  }
0x2d: {  	_ =	swait.ge [sflag:s1], $0x2000  }
0x2e: {  	[sflag:s1] =	ssyncset.done $0x0  }
0x2f: {  	[sflag:s1] =	ssyncadd.s32 $0xFFFFE000  }
0x30: {  	_ =	swait.ge [sflag:s17], $0x2000  }
0x31: {  	[sflag:s17] =	ssyncset.done $0x0  }
0x32: {  	[sflag:s17] =	ssyncadd.s32 $0xFFFFE000  }
0x33: {  	_ =	swait.ge [sflag:s18], $0x2000  }
0x34: {  	[sflag:s18] =	ssyncset.done $0x0  }
0x35: {  	[sflag:s18] =	ssyncadd.s32 $0xFFFFE000  }
0x36: {  	s22 =	sadd.s32 $0x1, s22;
	[bflag:$0x0] =	sbarrier.arrive $0xFFFF  }
0x37: {  	p0 =	sne.s32 s22, s10;
	s7 =	sshll.u32 s24, $0x6;
	s6 =	rddreg [dreg:$0x4]  }
.Ltmp1:
0x38: {  	s0 =	sor.u32 $0x1C09, s7;
	s7 =	rddreg [dreg:$0x5];
	(pc) =	sbr.rel @!p0 .LBB2_8-.Ltmp1, $4  }
0x39: {  	[hbm:s6], [sflag:s0] =	dma.local [spmem:s7], $0x1400  }
0x3a: {  	_ =	swait.ge [sflag:s16], $0x1400  }
0x3b: {  	[sflag:s16] =	ssyncset.done $0x0  }
0x3c: {  	[sflag:s16] =	ssyncadd.s32 $0xFFFFEC00  }
.LBB2_1:
0x3d: {  	s0 =	simm.s32 $0x0;
	s6 =	simm.s32 $0x200  }
.LBB2_2:
0x3e: {  	p0 =	sne.s32 s6, $0x7E00;
	[tilespmem:s0+$0xA070] =	vst v0  }
0x3f: {  	[tilespmem:s0+$0xA000] =	vst v0  }
0x40: {  	[tilespmem:s0+$0xA010] =	vst v0  }
.Ltmp2:
0x41: {  	[tilespmem:s0+$0xA020] =	vst v0;
	(pc) =	sbr.rel @p0 .LBB2_2-.Ltmp2, $4  }
0x42: {  	[tilespmem:s0+$0xA030] =	vst v0  }
0x43: {  	[tilespmem:s0+$0xA040] =	vst v0  }
0x44: {  	[tilespmem:s0+$0xA050] =	vst v0  }
0x45: {  	[tilespmem:s0+$0xA060] =	vst v0;
	s0 =	sshra.s32 s6, $0x2;
	s6 =	sadd.s32 $0x200, s6  }
0x46: {  	[tilespmem:s0+$0xA070] =	vst v0  }
0x47: {  	[tilespmem:s0+$0xA000] =	vst v0  }
0x48: {  	[tilespmem:s0+$0xA010] =	vst v0  }
0x49: {  	[tilespmem:s0+$0xA020] =	vst v0  }
0x4a: {  	[tilespmem:s0+$0xA030] =	vst v0  }
0x4b: {  	[tilespmem:s0+$0xA040] =	vst v0  }
0x4c: {  	[tilespmem:s0+$0xA050] =	vst v0  }
0x4d: {  	[tilespmem:s0+$0xA060] =	vst v0  }
0x4e: {  	[spmem:s5] =	stream.linear.scatter [tilespmem:s15], [sflag:$0x9], $0x2000, $0x38;
	[tilespmem:$0x1C010] =	vst v63  }
0x4f: {  	_ =	swait.ge [sflag:s16], $0x2000  }
0x50: {  	[sflag:s16] =	ssyncset.done $0x0  }
0x51: {  	[sflag:s16] =	ssyncadd.s32 $0xFFFFE000  }
0x52: {  	[spmem:s11] =	stream.linear.scatter [tilespmem:s15], [sflag:$0x9], $0x2000, $0x38;
	[tilespmem:$0x1C010] =	vst v63  }
0x53: {  	_ =	swait.ge [sflag:s16], $0x2000  }
0x54: {  	[sflag:s16] =	ssyncset.done $0x0  }
0x55: {  	[sflag:s16] =	ssyncadd.s32 $0xFFFFE000  }
0x56: {  	[spmem:s12] =	stream.linear.scatter [tilespmem:s15], [sflag:$0x9], $0x2000, $0x38;
	[tilespmem:$0x1C010] =	vst v63  }
0x57: {  	_ =	swait.ge [sflag:s16], $0x2000  }
0x58: {  	[sflag:s16] =	ssyncset.done $0x0  }
0x59: {  	[sflag:s16] =	ssyncadd.s32 $0xFFFFE000  }
0x5a: {  	[spmem:s13] =	stream.linear.scatter [tilespmem:s15], [sflag:$0x9], $0x2000, $0x38;
	[tilespmem:$0x1C010] =	vst v63  }
0x5b: {  	_ =	swait.ge [sflag:s16], $0x2000  }
0x5c: {  	[sflag:s16] =	ssyncset.done $0x0  }
0x5d: {  	[sflag:s16] =	ssyncadd.s32 $0xFFFFE000  }
0x5e: {  	[spmem:s14] =	stream.linear.scatter [tilespmem:s15], [sflag:$0x9], $0x2000, $0x38;
	[tilespmem:$0x1C010] =	vst v63  }
0x5f: {  	_ =	swait.ge [sflag:s16], $0x2000  }
0x60: {  	[sflag:s16] =	ssyncset.done $0x0  }
0x61: {  	[sflag:s16] =	ssyncadd.s32 $0xFFFFE000  }
0x62: {  	[bflag:$0x0] =	sbarrier.arrive $0xFFFF  }
0x63: {  	s6 =	rddreg [dreg:$0x3]  }
0x64: {  	[tilespmem:s3], [sflag:$0x9] =	stream.linear.gather [hbm4b:s6+s3], $0x5000, $0x38;
	[tilespmem:$0x1C010] =	vst v63  }
0x65: {  	_ =	swait.ge [sflag:s16], $0x5000  }
0x66: {  	[sflag:s16] =	ssyncset.done $0x0  }
0x67: {  	[sflag:s16] =	ssyncadd.s32 $0xFFFFB000  }
0x68: {  	[tilespmem:s25], [sflag:$0x9] =	stream.linear.gather [hbm4b:s8+s3], $0x5000, $0x38;
	[tilespmem:$0x1C010] =	vst v63  }
0x69: {  	_ =	swait.ge [sflag:s16], $0x5000  }
0x6a: {  	[sflag:s16] =	ssyncset.done $0x0  }
0x6b: {  	s7 =	simm.s32 $0x12000;
	[sflag:s16] =	ssyncadd.s32 $0xFFFFB000  }
0x6c: {  	[tilespmem:s7], [sflag:$0x9] =	stream.linear.gather [hbm4b:s9+s3], $0x10, $0x38;
	[tilespmem:$0x1C010] =	vst v63  }
0x6d: {  	_ =	swait.ge [sflag:s16], $0x10  }
0x6e: {  	[sflag:s16] =	ssyncset.done $0x0  }
0x6f: {  	[sflag:s16] =	ssyncadd.s32 $0xFFFFFFF0  }
0x70: {  	v1 =	vld [tilespmem:$0x12000];
	_ =	sdelay $0x4  }
0x71: {  	v1 =	vxor.u32 $0x80000000, v1  }
0x72: {  	(xrf0) =	vmax.scan.msk.u32 $0xffff, v1;
	_ =	sdelay $0x5  }
0x73: {  	v1, _, _ =	vpop (xrf0)  }
0x74: {  	(v2sf) =	vpush v1, $0xF;
	_ =	sdelay $0xb  }
0x75: {  	[tilespmem:s15], [sflag:$0x1] =	stream.indirect.gather [hbm4b:s4+s20], $0x80, s3, s20, $0xb8;
	[tilespmem:$0x1C010] =	vst v63  }
0x76: {  	_ = 	snop  }
0x77: {  	[tilespmem:s21], [sflag:$0x2] =	stream.indirect.gather [hbm4b:s4+s20], $0x80, s20, s20, $0xb8;
	[tilespmem:$0x1C010] =	vst v63  }
0x78: {  	s6 =	spop (v2sf)  }
0x79: {  	s0 =	sadd.s32 $0x8000003F, s6  }
0x7a: {  	s6 =	sand.u32 $0x3F, s0  }
0x7b: {  	s7 =	sshra.s32 s0, $0x1F;
	p0 =	slt.s32 s0, $0x1;
	p1 =	sne.s32 s6, $0x0  }
0x7c: {  	s7 =	sshrl.u32 s7, $0x1A;
	p0 =	por !p0, !p1  }
0x7d: {  	s6 =	simm.s32 $0x1;
	s0 =	sadd.s32 s7, s0;
	p0 =	por !p0, !p0  }
0x7e: {  	s0 =	sshra.s32 s0, $0x6;
	s6 =	simm.s32 @!p0 $0x0  }
0x7f: {  	s0 =	ssub.s32 s0, s6  }
0x80: {  	s6 =	sadd.s32 $0x3, s0  }
0x81: {  	s7 =	sand.u32 $0x3, s6  }
0x82: {  	p5 =	slt.s32 s0, $0xFFFFFFFE;
	p6 =	sne.s32 s7, $0x0;
	s7 =	sshrl.u32 s6, $0x1E  }
0x83: {  	p0 =	por !p5, !p6;
	s0 =	sadd.s32 s7, s6  }
0x84: {  	s6 =	simm.s32 $0x1;
	s7 =	simm.s32 $0x80;
	p0 =	por !p0, !p0  }
0x85: {  	[tilespmem:s23], [sflag:$0x3] =	stream.indirect.gather [hbm4b:s4+s20], $0x80, s7, s20, $0xb8;
	[tilespmem:$0x1C010] =	vst v63  }
0x86: {  	s0 =	sshra.s32 s0, $0x2;
	s6 =	simm.s32 @!p0 $0x0  }
0x87: {  	s0 =	ssub.s32 s0, s6  }
0x88: {  	p1 =	slt.s32 s0, $0x2  }
.Ltmp3:
0x89: {  	s7 =	simm.s32 $0xC0;
	(pc) =	sbr.rel @p1 .LBB2_7-.Ltmp3, $4  }
0x8a: {  	[tilespmem:s26], [sflag:$0x4] =	stream.indirect.gather [hbm4b:s4+s20], $0x80, s7, s20, $0xb8;
	[tilespmem:$0x1C010] =	vst v63  }
0x8b: {  	p0 =	sgt.s32 s0, $0x1  }
0x8c: {  	s0 =	simm.s32 @!p0 $0x1  }
0x8d: {  	s0 =	sadd.s32 $0xFFFFFFFF, s0  }
0x8e: {  	_ =	swait.ge [sflag:s19], $0x2000  }
0x8f: {  	[sflag:s19] =	ssyncset.done $0x0  }
0x90: {  	s6 =	simm.s32 $0x5000;
	[sflag:s19] =	ssyncadd.s32 $0xFFFFE000  }
0x91: {  	[spmem:s2] =	stream.indirect.scatter.add.f32 [tilespmem:s15], [sflag:$0x5], $0x80, s6, s20, $0xb8;
	[tilespmem:$0x1C010] =	vst v63  }
0x92: {  	_ =	swait.ge [sflag:s28], $0x2000  }
0x93: {  	s25 =	smov.u32 s14;
	[sflag:s28] =	ssyncset.done $0x0  }
0x94: {  	s14 =	smov.u32 s13;
	s7 =	simm.s32 $0x5040;
	[sflag:s28] =	ssyncadd.s32 $0xFFFFE000  }
0x95: {  	[spmem:s2] =	stream.indirect.scatter.add.f32 [tilespmem:s21], [sflag:$0x6], $0x80, s7, s20, $0xb8;
	[tilespmem:$0x1C010] =	vst v63  }
0x96: {  	s13 =	smov.u32 s12;
	s12 =	smov.u32 s11;
	_ =	swait.ge [sflag:s29], $0x2000  }
0x97: {  	s11 =	smov.u32 s10;
	s10 =	smov.u32 s9;
	[sflag:s29] =	ssyncset.done $0x0  }
0x98: {  	s9 =	smov.u32 s8;
	s8 =	simm.s32 $0x5080;
	[sflag:s29] =	ssyncadd.s32 $0xFFFFE000  }
0x99: {  	[spmem:s2] =	stream.indirect.scatter.add.f32 [tilespmem:s23], [sflag:$0x7], $0x80, s8, s20, $0xb8;
	[tilespmem:$0x1C010] =	vst v63  }
0x9a: {  	_ =	swait.ge [sflag:s30], $0x2000  }
0x9b: {  	[sflag:s30] =	ssyncset.done $0x0  }
0x9c: {  	s24 =	simm.s32 $0x50C0;
	[sflag:s30] =	ssyncadd.s32 $0xFFFFE000  }
0x9d: {  	[spmem:s2] =	stream.indirect.scatter.add.f32 [tilespmem:s26], [sflag:$0x8], $0x80, s24, s20, $0xb8;
	[tilespmem:$0x1C010] =	vst v63  }
0x9e: {  	_ =	swait.ge [sflag:s31], $0x2000  }
0x9f: {  	[sflag:s31] =	ssyncset.done $0x0  }
0xa0: {  	s7 =	simm.s32 $0x100;
	[sflag:s31] =	ssyncadd.s32 $0xFFFFE000  }
0xa1: {  	[tilespmem:s15], [sflag:$0x1] =	stream.indirect.gather [hbm4b:s4+s20], $0x80, s7, s20, $0xb8;
	[tilespmem:$0x1C010] =	vst v63  }
0xa2: {  	_ =	swait.ge [sflag:s1], $0x2000  }
0xa3: {  	s24 =	smax.u32 s0, $0x1;
	[sflag:s1] =	ssyncset.done $0x0  }
0xa4: {  	s8 =	simm.s32 $0x140;
	s6 =	ssub.s32 $0x0, s24;
	[sflag:s1] =	ssyncadd.s32 $0xFFFFE000  }
0xa5: {  	[tilespmem:s21], [sflag:$0x2] =	stream.indirect.gather [hbm4b:s4+s20], $0x80, s8, s20, $0xb8;
	[tilespmem:$0x1C010] =	vst v63  }
0xa6: {  	s24 =	sadd.s32 $0x1, s6;
	_ =	swait.ge [sflag:s17], $0x2000  }
0xa7: {  	p0 =	seq.s32 s24, $0x0;
	[sflag:s17] =	ssyncset.done $0x0  }
.Ltmp4:
0xa8: {  	s7 =	simm.s32 $0x180;
	[sflag:s17] =	ssyncadd.s32 $0xFFFFE000;
	(pc) =	sbr.rel @p0 .LBB2_6-.Ltmp4, $4  }
0xa9: {  	[tilespmem:s23], [sflag:$0x3] =	stream.indirect.gather [hbm4b:s4+s20], $0x80, s7, s20, $0xb8;
	[tilespmem:$0x1C010] =	vst v63  }
0xaa: {  	_ =	swait.ge [sflag:s18], $0x2000  }
0xab: {  	[sflag:s18] =	ssyncset.done $0x0  }
0xac: {  	s6 =	simm.s32 $0x400;
	s7 =	simm.s32 $0x1C0;
	[sflag:s18] =	ssyncadd.s32 $0xFFFFE000  }
.LBB2_5:
0xad: {  	[tilespmem:s26], [sflag:$0x4] =	stream.indirect.gather [hbm4b:s4+s20], $0x80, s7, s20, $0xb8;
	[tilespmem:$0x1C010] =	vst v63  }
0xae: {  	s24 =	sadd.s32 $0x1, s24;
	_ =	swait.ge [sflag:s19], $0x2000  }
0xaf: {  	s7 =	sshra.s32 s6, $0x2;
	p0 =	seq.s32 s24, $0x0;
	[sflag:s19] =	ssyncset.done $0x0  }
0xb0: {  	s8 =	sadd.s32 $0x5000, s7;
	[sflag:s19] =	ssyncadd.s32 $0xFFFFE000  }
0xb1: {  	[spmem:s2] =	stream.indirect.scatter.add.f32 [tilespmem:s15], [sflag:$0x5], $0x80, s8, s20, $0xb8;
	[tilespmem:$0x1C010] =	vst v63  }
0xb2: {  	_ =	swait.ge [sflag:s28], $0x2000  }
0xb3: {  	[sflag:s28] =	ssyncset.done $0x0  }
0xb4: {  	s8 =	sadd.s32 $0x5040, s7;
	[sflag:s28] =	ssyncadd.s32 $0xFFFFE000  }
0xb5: {  	[spmem:s2] =	stream.indirect.scatter.add.f32 [tilespmem:s21], [sflag:$0x6], $0x80, s8, s20, $0xb8;
	[tilespmem:$0x1C010] =	vst v63  }
0xb6: {  	_ =	swait.ge [sflag:s29], $0x2000  }
0xb7: {  	[sflag:s29] =	ssyncset.done $0x0  }
0xb8: {  	s8 =	sadd.s32 $0x5080, s7;
	[sflag:s29] =	ssyncadd.s32 $0xFFFFE000  }
0xb9: {  	[spmem:s2] =	stream.indirect.scatter.add.f32 [tilespmem:s23], [sflag:$0x7], $0x80, s8, s20, $0xb8;
	[tilespmem:$0x1C010] =	vst v63  }
0xba: {  	_ =	swait.ge [sflag:s30], $0x2000  }
0xbb: {  	[sflag:s30] =	ssyncset.done $0x0  }
0xbc: {  	s8 =	sadd.s32 $0x50C0, s7;
	[sflag:s30] =	ssyncadd.s32 $0xFFFFE000  }
0xbd: {  	[spmem:s2] =	stream.indirect.scatter.add.f32 [tilespmem:s26], [sflag:$0x8], $0x80, s8, s20, $0xb8;
	[tilespmem:$0x1C010] =	vst v63  }
0xbe: {  	_ =	swait.ge [sflag:s31], $0x2000  }
0xbf: {  	[sflag:s31] =	ssyncset.done $0x0  }
0xc0: {  	s8 =	sadd.s32 $0x100, s7;
	[sflag:s31] =	ssyncadd.s32 $0xFFFFE000  }
0xc1: {  	[tilespmem:s15], [sflag:$0x1] =	stream.indirect.gather [hbm4b:s4+s20], $0x80, s8, s20, $0xb8;
	[tilespmem:$0x1C010] =	vst v63  }
0xc2: {  	_ =	swait.ge [sflag:s1], $0x2000  }
0xc3: {  	[sflag:s1] =	ssyncset.done $0x0  }
0xc4: {  	s8 =	sadd.s32 $0x140, s7;
	[sflag:s1] =	ssyncadd.s32 $0xFFFFE000  }
0xc5: {  	[tilespmem:s21], [sflag:$0x2] =	stream.indirect.gather [hbm4b:s4+s20], $0x80, s8, s20, $0xb8;
	[tilespmem:$0x1C010] =	vst v63  }
0xc6: {  	_ =	swait.ge [sflag:s17], $0x2000  }
0xc7: {  	[sflag:s17] =	ssyncset.done $0x0  }
.Ltmp5:
0xc8: {  	s8 =	sadd.s32 $0x180, s7;
	[sflag:s17] =	ssyncadd.s32 $0xFFFFE000;
	(pc) =	sbr.rel @!p0 .LBB2_5-.Ltmp5, $4  }
0xc9: {  	[tilespmem:s23], [sflag:$0x3] =	stream.indirect.gather [hbm4b:s4+s20], $0x80, s8, s20, $0xb8;
	[tilespmem:$0x1C010] =	vst v63  }
0xca: {  	_ =	swait.ge [sflag:s18], $0x2000  }
0xcb: {  	[sflag:s18] =	ssyncset.done $0x0  }
0xcc: {  	s6 =	sadd.s32 $0x400, s6;
	s7 =	sadd.s32 $0x1C0, s7;
	[sflag:s18] =	ssyncadd.s32 $0xFFFFE000  }
.Ltmp6:
0xcd: {  	_ = 	snop;
	(pc) =	sbr.rel .LBB2_6-.Ltmp6, $1  }
0xce: {  	_ =	sdelay $0x3  }
.LBB2_8:
0xcf: {  	_ =	sfence.sel $0x180000  }
0xd0: {  	[bflag:$0x0] =	sbarrier.arrive $0xFFFF  }
0xd1: {  	_ =	strace $0x9000004D  }
0xd2: {  	[bflag:$0x2] =	sbarrier.arrive $0xFFFF  }
0xd3: {  	p0 =	sne.s32 s24, $0x0;
	s0 =	rddreg [dreg:$0x2]  }
0xd4: {  	s0 =	sadd.s32 @!p0 $0x100000, s0  }
0xd5: {  	[sflag:s0] =	ssyncadd.tile.s32 @!p0 $0x1;
	_ =	shalt  }
.Lfunc_end2:
_tile_overlayer_lowered:
.L_overlay_start_2:
0xd6: {  	(tag) =	ssettag $0x2  }
0xd7: {  	s0 =	rddreg [dreg:$0x0];
	s2 =	stileid.u32  }
0xd8: {  	s1 =	rddreg [dreg:$0x1];
	p0 =	sne.s32 s2, $0x0  }
0xd9: {  	s3 =	rddreg [dreg:$0x2];
	[bflag:$0x3] =	sbarrier.arrive $0xFFFF;
	s2 =	simm.s32 @!p0 $0x1C09  }
0xda: {  	[timem:s3], [sflag:s2] =	dma.local @!p0 [hbm:s0], s1  }
0xdb: {  	s0 =	simm.s32 @!p0 $0x9  }
0xdc: {  	_ =	swait.ge @!p0 [sflag:s0], s1  }
0xdd: {  	s1 =	ssub.s32 @!p0 $0x0, s1;
	[sflag:s0] =	ssyncset.done @!p0 $0x0  }
0xde: {  	[sflag:s0] =	ssyncadd.s32 @!p0 s1  }
0xdf: {  	[bflag:$0x3] =	sbarrier.arrive $0xFFFF  }
0xe0: {  	_ =	shalt  }

// kernel: kernel.21.cloned.1.call-start
scs
__scs_entry_jumppad:
0x0: {  	(pc) =	sbr.rel $0x88, $3  }
0x1: {  	(tag) =	ssettag $0x0;
	lr =	simm.s32 $0x1  }
0x2: {  	[smem:$0x3F8E] =	sst lr;
	_ =	strace $0xD0000000  }
0x3: {  	_ = 	snop  }
0x4: {  	_ = 	snop  }
0x5: {  	_ = 	snop  }
0x6: {  	_ = 	snop  }
0x7: {  	_ = 	snop  }
__scs_overlays_trampoline_lowered:
0x8: {  	[smem:$0x3F9D] =	sst s0  }
0x9: {  	[smem:$0x3F9E] =	sst s1  }
0xa: {  	[smem:$0x3F9F] =	sst s2  }
0xb: {  	[smem:$0x3FA0] =	sst s3  }
0xc: {  	[smem:$0x3FA1] =	sst s4  }
0xd: {  	[smem:$0x3FA2] =	sst s5  }
0xe: {  	[smem:$0x3FA3] =	sst s6  }
0xf: {  	[smem:$0x3FA4] =	sst s7  }
0x10: {  	[smem:$0x3FA5] =	sst s8  }
0x11: {  	[smem:$0x3FA6] =	sst s9;
	s0 =	simm.s32 @!p0 $0x0  }
0x12: {  	s1 =	sld [smem:$0x3F8C];
	s0 =	simm.s32 @p0 $0x1  }
0x13: {  	[smem:$0x3FA7] =	sst s0;
	s0 =	simm.s32 @!p1 $0x0  }
0x14: {  	s2 =	sld [smem:$0x3F8B];
	s0 =	simm.s32 @p1 $0x1  }
0x15: {  	[smem:$0x3FA8] =	sst s0;
	s0 =	simm.s32 @!p2 $0x0  }
0x16: {  	s3 =	sld [smem:$0x3FDB];
	s0 =	simm.s32 @p2 $0x1  }
0x17: {  	s4 =	simm.s32 $0x1BF5;
	[smem:$0x3FAA] =	sst s0  }
0x18: {  	s0 =	sld [smem:$0x3F8D];
	_ =	swait.ge [sflag:s4], $0x0  }
0x19: {  	s7 =	sld [smem:$0x3F8E]  }
0x1a: {  	s8 =	sadd.s32 $0xFFFFE003, lr  }
0x1b: {  	s9 =	sadd.s32 $0xFFFFFEF7, lr;
	s5 =	simm.s32 $0xFFFFFFFF;
	p2 =	slt.u32 s8, $0xFFFFF086  }
0x1c: {  	p1 =	slt.u32 s9, $0xF7A;
	s5 =	simm.s32 @!p2 $0x0  }
0x1d: {  	s5 =	simm.s32 @p1 $0x1;
	p0 =	seq.s32 s7, s2  }
0x1e: {  	s7 =	smul.u32 @!p0 $0xF7A, s2;
	p2 =	seq.s32 @!p0 s5, $0x0  }
0x1f: {  	s9 =	smul.u32 $0xF7A, s1;
	s8 =	simm.s32 @!p0 $0x1BF5;
	p2 =	por !p2, p0  }
0x20: {  	[sflag:s8] =	ssyncset.s32 @!p0 $0xFFFFF086;
	s6 =	sadd.s32 @!p0 s3, s7;
	s7 =	simm.s32 @!p0 $0x108  }
0x21: {  	s3 =	sadd.s32 s3, s9;
	s6 =	sadd.s32 @!p0 $0x88, s6;
	s7 =	simm.s32 @p2 $0x1082  }
0x22: {  	[simem:s7], [sflag:s8] =	dma.local @!p0 [hbm:s6], $0xF7A  }
0x23: {  	s9 =	sor.u32 $0xD0000000, s2;
	s6 =	simm.s32 $0x108;
	_ =	swait.ge @!p0 [sflag:s8], $0x0  }
0x24: {  	s3 =	sadd.s32 $0x88, s3;
	s6 =	simm.s32 @!p1 $0x1082;
	[sflag:s4] =	ssyncset.s32 $0xFFFFF086  }
0x25: {  	[simem:s6], [sflag:s4] =	dma.local [hbm:s3], $0xF7A  }
0x26: {  	[smem:$0x3F8E] =	sst s1;
	(tag) =	ssettag s2;
	_ =	strace s9  }
0x27: {  	s1 =	sld [smem:$0x3F9E]  }
0x28: {  	s2 =	sld [smem:$0x3F9F]  }
0x29: {  	s4 =	sld [smem:$0x3FA1]  }
0x2a: {  	p0 =	seq.s32 s5, $0x0;
	s5 =	sld [smem:$0x3FA2]  }
0x2b: {  	s6 =	sld [smem:$0x3FA3]  }
0x2c: {  	s7 =	sld [smem:$0x3FA4]  }
0x2d: {  	s3 =	simm.s32 $0x108;
	s8 =	sld [smem:$0x3FA5]  }
0x2e: {  	s3 =	simm.s32 @!p0 $0x1082;
	s9 =	sld [smem:$0x3FA6]  }
0x2f: {  	lr =	sadd.s32 s0, s3;
	s0 =	sld [smem:$0x3F9D]  }
0x30: {  	s3 =	sld [smem:$0x3FA0]  }
0x31: {  	[smem:$0x3FA9] =	sst s10  }
0x32: {  	s10 =	sld [smem:$0x3FA7];
	_ =	sdelay $0x3  }
0x33: {  	p0 =	seq.s32 s10, $0x1;
	s10 =	sld [smem:$0x3FA9];
	_ =	sdelay $0x3  }
0x34: {  	[smem:$0x3FA9] =	sst s10  }
0x35: {  	s10 =	sld [smem:$0x3FA8];
	_ =	sdelay $0x3  }
0x36: {  	p1 =	seq.s32 s10, $0x1;
	s10 =	sld [smem:$0x3FA9];
	_ =	sdelay $0x3  }
0x37: {  	[smem:$0x3FA9] =	sst s10  }
0x38: {  	s10 =	sld [smem:$0x3FAA]  }
0x39: {  	_ = 	snop;
	(pc) =	sbr.ind lr, $3  }
0x3a: {  	_ = 	snop  }
0x3b: {  	_ = 	snop  }
0x3c: {  	p2 =	seq.s32 s10, $0x1;
	s10 =	sld [smem:$0x3FA9]  }
0x3d: {  	_ =	shalt  }
0x3e: {  	_ =	shalt  }
0x3f: {  	_ =	shalt  }
0x40: {  	_ =	shalt  }
0x41: {  	_ =	shalt  }
0x42: {  	_ =	shalt  }
0x43: {  	_ =	shalt  }
0x44: {  	_ =	shalt  }
0x45: {  	_ =	shalt  }
0x46: {  	_ =	shalt  }
0x47: {  	_ =	shalt  }
0x48: {  	_ =	shalt  }
0x49: {  	_ =	shalt  }
0x4a: {  	_ =	shalt  }
0x4b: {  	_ =	shalt  }
0x4c: {  	_ =	shalt  }
0x4d: {  	_ =	shalt  }
0x4e: {  	_ =	shalt  }
0x4f: {  	_ =	shalt  }
0x50: {  	_ =	shalt  }
0x51: {  	_ =	shalt  }
0x52: {  	_ =	shalt  }
0x53: {  	_ =	shalt  }
0x54: {  	_ =	shalt  }
0x55: {  	_ =	shalt  }
0x56: {  	_ =	shalt  }
0x57: {  	_ =	shalt  }
0x58: {  	_ =	shalt  }
0x59: {  	_ =	shalt  }
0x5a: {  	_ =	shalt  }
0x5b: {  	_ =	shalt  }
0x5c: {  	_ =	shalt  }
0x5d: {  	_ =	shalt  }
0x5e: {  	_ =	shalt  }
0x5f: {  	_ =	shalt  }
0x60: {  	_ =	shalt  }
0x61: {  	_ =	shalt  }
0x62: {  	_ =	shalt  }
0x63: {  	_ =	shalt  }
0x64: {  	_ =	shalt  }
0x65: {  	_ =	shalt  }
0x66: {  	_ =	shalt  }
0x67: {  	_ =	shalt  }
0x68: {  	_ =	shalt  }
0x69: {  	_ =	shalt  }
0x6a: {  	_ =	shalt  }
0x6b: {  	_ =	shalt  }
0x6c: {  	_ =	shalt  }
0x6d: {  	_ =	shalt  }
0x6e: {  	_ =	shalt  }
0x6f: {  	_ =	shalt  }
0x70: {  	_ =	shalt  }
0x71: {  	_ =	shalt  }
0x72: {  	_ =	shalt  }
0x73: {  	_ =	shalt  }
0x74: {  	_ =	shalt  }
0x75: {  	_ =	shalt  }
0x76: {  	_ =	shalt  }
0x77: {  	_ =	shalt  }
0x78: {  	_ =	shalt  }
0x79: {  	_ =	shalt  }
0x7a: {  	_ =	shalt  }
0x7b: {  	_ =	shalt  }
0x7c: {  	_ =	shalt  }
0x7d: {  	_ =	shalt  }
0x7e: {  	_ =	shalt  }
0x7f: {  	_ =	shalt  }
0x80: {  	_ =	shalt  }
0x81: {  	_ =	shalt  }
0x82: {  	_ =	shalt  }
0x83: {  	_ =	shalt  }
0x84: {  	_ =	shalt  }
0x85: {  	_ =	shalt  }
0x86: {  	_ =	shalt  }
0x87: {  	_ =	shalt  }
.Lfunc_end0:
.L_simem_size_0:
called_computation.3_lowered:
.L_overlay_start_0:
0x88: {  	s2 =	sld [smem:$0x3FD9]  }
0x89: {  	s3 =	sld [smem:$0x3FFE];
	_ =	sdelay $0x1  }
0x8a: {  	s1 =	srdreg.scid  }
0x8b: {  	s0 =	sand.u32 $0x1, s1  }
0x8c: {  	s16 =	sshll.u32 s0, $0xA;
	s2 =	sadd.s32 s3, s2  }
0x8d: {  	s2 =	sadd.s32 s2, s16  }
0x8e: {  	[smem:$0x3FB5] =	sst s2  }
0x8f: {  	_ = 	snop  }
0x90: {  	(tm) =	ssettm $0x1  }
0x91: {  	s17 =	sld [smem:$0x3FFB];
	_ =	sdelay $0x3  }
0x92: {  	_ =	strace s17  }
0x93: {  	s2 =	sld [smem:$0x3FFC];
	_ =	sdelay $0x3  }
0x94: {  	_ =	strace s2  }
0x95: {  	s2 =	sld [smem:$0x3FFD];
	_ =	sdelay $0x3  }
0x96: {  	_ =	strace s2  }
0x97: {  	_ =	strace $0x8FFFFFFF  }
0x98: {  	s18 =	sld [smem:$0x3FDB];
	_ =	sdelay $0x1  }
0x99: {  	s19 =	simm.s32 $_scs_section_size  }
0x9a: {  	s4 =	simm.s32 $_size__tile_overlayer_lowered;
	s5 =	simm.s32 $_tile_overlayer_lowered  }
0x9b: {  	s22 =	simm.s32 $0x1BFF;
	s21 =	sshll.u32 s5, $0x1;
	s2 =	sadd.s32 s19, s18  }
0x9c: {  	s6 =	simm.s32 $0x0;
	s20 =	sshll.u32 s4, $0x1;
	s4 =	sadd.s32 s21, s2  }
0x9d: {  	[timem:s6], [sflag:s22] =	dma.local [hbm:s4], s20  }
0x9e: {  	_ =	swait.ge [sflag:s22], s20  }
0x9f: {  	s3 =	ssub.s32 $0x0, s20;
	[sflag:s22] =	ssyncset.done $0x0  }
0xa0: {  	[sflag:s22] =	ssyncadd.s32 s3;
	_ =	sdelay $0x1  }
0xa1: {  	s23 =	simm.s32 $0x1B8B  }
0xa2: {  	_ =	swait.ge [sflag:s23], $0x1  }
0xa3: {  	[sflag:s23] =	ssyncset.done $0x0  }
0xa4: {  	s25 =	simm.s32 $0x1B8E;
	s24 =	sld [smem:$0x3FFE];
	[sflag:s23] =	ssyncadd.s32 $0xFFFFFFFF  }
0xa5: {  	s26 =	simm.s32 $execute0_lowered;
	[smem:$0x3FD2] =	sst s25  }
0xa6: {  	s4 =	sshll.u32 s26, $0x1;
	_ =	strace $0x8000004F;
	[dreg:$0x1] =	wrdreg $0xFFFFFFFF  }
0xa7: {  	s28 =	simm.s32 $_size_execute0_lowered;
	s2 =	sadd.s32 s2, s4;
	[dreg:$0x0] =	wrdreg $0x0  }
0xa8: {  	s4 =	sshll.u32 s28, $0x1;
	[dreg:$0x2] =	wrdreg s2  }
0xa9: {  	[dreg:$0x3] =	wrdreg s4  }
0xaa: {  	[dreg:$0x4] =	wrdreg $0xC0  }
0xab: {  	_ =	task [dreg:s6], $0x5FFFF  }
0xac: {  	[dreg:$0x1] =	wrdreg $0xFFFFFFFF  }
0xad: {  	[dreg:$0x0] =	wrdreg $0x60  }
0xae: {  	[dreg:$0x2] =	wrdreg s24  }
0xaf: {  	[dreg:$0x3] =	wrdreg $0x120100  }
0xb0: {  	[dreg:$0x4] =	wrdreg $0x9  }
0xb1: {  	_ =	task.clear_ibuf [dreg:s6], $0x5FFFF;
	_ =	strace $0x9000004F  }
0xb2: {  	s29 =	simm.s32 $0x9;
	_ =	strace $0x80000051  }
0xb3: {  	_ =	swait.ge [sflag:s29], $0x1  }
0xb4: {  	[sflag:s29] =	ssyncadd.s32 $0xFFFFFFFF  }
0xb5: {  	_ =	strace $0x90000051  }
0xb6: {  	_ =	sfence  }
0xb7: {  	s30 =	sld [smem:$0x0];
	_ =	sdelay $0x2  }
0xb8: {  	s31 =	sshll.u32 s1, $0xD;
	s1 =	sshrl.u32 s1, $0x2  }
0xb9: {  	s3 =	sand.u32 $0x4000, s31;
	s1 =	sadd.s32 s1, s30  }
0xba: {  	s0 =	sor.u32 s3, s0;
	s1 =	sshll.u32 s1, $0x11  }
0xbb: {  	s0 =	sor.u32 s1, s0  }
0xbc: {  	s0 =	sadd.s32 $0x8F2B, s0  }
0xbd: {  	[sflag:s0] =	ssyncadd.remote.s32 $0x1  }
0xbe: {  	_ =	sfence.sel $0xFFFF  }
0xbf: {  	[dreg:$0x0] =	wrdreg $0xFFFFFFFF;
	(pc) =	sbr.abs _section_cstart, $3  }
0xc0: {  	[dreg:$0x1] =	wrdreg $0xFFFFFFFF  }
0xc1: {  	_ =	task.clear_ibuf [dreg:s6], $0x2FFFF;
	_ =	strace $0x9FFFFFFF  }
0xc2: {  	(tm) =	ssettm $0x7FFFFFFF  }
0xc3: {  	_ =	shalt  }
tec
execute0_lowered:
.L_overlay_start_1:
0x0: {  	(tag) =	ssettag $0x1  }
0x1: {  	s0 =	srdreg.scid  }
0x2: {  	s1 =	rddreg [dreg:$0x0];
	s24 =	stileid.u32  }
0x3: {  	s2 =	rddreg [dreg:$0x1];
	s3 =	simm.s32 $0x0;
	s15 =	simm.s32 $0xA000  }
0x4: {  	s16 =	simm.s32 $0x9;
	s19 =	simm.s32 $0x1;
	s28 =	simm.s32 $0x2  }
0x5: {  	s29 =	simm.s32 $0x3;
	s30 =	simm.s32 $0x4;
	s5 =	smul.u32 $0x5000, s24  }
0x6: {  	s31 =	simm.s32 $0x5;
	s17 =	simm.s32 $0x7;
	s7 =	smul.u32 $0xA000, s24  }
0x7: {  	s18 =	simm.s32 $0x8;
	s0 =	sand.u32 $0x1, s0;
	s9 =	smul.u32 $0x28000, s24  }
0x8: {  	[smem:$0x7FF] =	sst s3;
	s21 =	sshll.u32 s24, $0x1;
	s4 =	smul.u32 $0x50000, s0  }
0x9: {  	s6 =	smul.u32 $0xA0000, s0;
	_ =	strace $0x80000050;
	s22 =	ssub.s32 $0x2, s0  }
0xa: {  	s0 =	sshll.u32 s0, $0x5;
	s10 =	sshrl.u32 s22, $0x1;
	s9 =	sshrl.u32 s9, $0x2  }
0xb: {  	s26 =	sadd.s32 s7, s2;
	s4 =	sadd.s32 s5, s4;
	s20 =	sadd.s32 s7, s6  }
0xc: {  	s6 =	sadd.s32 s21, s1;
	s10 =	ssub.s32 s22, s10;
	s21 =	simm.s32 $0xC000  }
0xd: {  	s22 =	simm.s32 $0x0;
	s5 =	sshrl.u32 s4, $0x3;
	s4 =	sadd.s32 $0x4600, s1  }
0xe: {  	s0 =	sadd.s32 s0, s6;
	s8 =	sadd.s32 s5, s1;
	s5 =	sshrl.u32 s20, $0x3  }
0xf: {  	s10 =	smax.u32 s10, $0x1;
	s20 =	simm.s32 $0x40;
	s1 =	sadd.s32 s5, s1  }
0x10: {  	s5 =	sadd.s32 s9, s2;
	s23 =	sadd.s32 $0x2C600, s8;
	s8 =	sadd.s32 $0x40600, s8  }
.Ltmp0:
0x11: {  	s9 =	sadd.s32 $0x54600, s0;
	s0 =	sshrl.u32 s26, $0x3;
	(pc) =	sbr.rel .LBB2_1-.Ltmp0, $4  }
0x12: {  	s26 =	simm.s32 $0x10000;
	[dreg:$0x3] =	wrdreg s23;
	s25 =	sadd.s32 $0x54800, s1  }
0x13: {  	s11 =	sadd.s32 $0x2000, s5;
	s12 =	sadd.s32 $0x4000, s5;
	s13 =	sadd.s32 $0x6000, s5  }
0x14: {  	s14 =	sadd.s32 $0x8000, s5;
	s23 =	simm.s32 $0xE000;
	[dreg:$0x5] =	wrdreg s0  }
0x15: {  	v0 =	vimm.f32 $0.0e+00;
	s1 =	simm.s32 $0x6;
	[dreg:$0x4] =	wrdreg s25;
	s25 =	simm.s32 $0x5000  }
.LBB2_6:
0x16: {  	[tilespmem:s26], [sflag:$0x4] =	stream.indirect.gather [hbm4b:s4+s20], $0x80, s7, s20, $0xb8;
	[tilespmem:$0x1C010] =	vst v63  }
0x17: {  	s24 =	stileid.u32;
	s8 =	smov.u32 s9;
	s9 =	smov.u32 s10  }
0x18: {  	s10 =	smov.u32 s11;
	s11 =	smov.u32 s12;
	s12 =	smov.u32 s13  }
0x19: {  	s13 =	smov.u32 s14;
	s14 =	smov.u32 s25;
	s25 =	simm.s32 $0x5000  }
.LBB2_7:
0x1a: {  	_ =	swait.ge [sflag:s19], $0x2000;
	s0 =	sshll.u32 s0, $0xA  }
0x1b: {  	[sflag:s19] =	ssyncset.done $0x0;
	s0 =	sshra.s32 s0, $0x2  }
0x1c: {  	[sflag:s19] =	ssyncadd.s32 $0xFFFFE000;
	s6 =	sadd.s32 $0x5000, s0  }
0x1d: {  	[spmem:s2] =	stream.indirect.scatter.add.f32 [tilespmem:s15], [sflag:$0x5], $0x80, s6, s20, $0xb8;
	[tilespmem:$0x1C010] =	vst v63  }
0x1e: {  	_ =	swait.ge [sflag:s28], $0x2000  }
0x1f: {  	[sflag:s28] =	ssyncset.done $0x0  }
0x20: {  	s7 =	sadd.s32 $0x5040, s0;
	[sflag:s28] =	ssyncadd.s32 $0xFFFFE000  }
0x21: {  	[spmem:s2] =	stream.indirect.scatter.add.f32 [tilespmem:s21], [sflag:$0x6], $0x80, s7, s20, $0xb8;
	[tilespmem:$0x1C010] =	vst v63  }
0x22: {  	_ =	swait.ge [sflag:s29], $0x2000  }
0x23: {  	[sflag:s29] =	ssyncset.done $0x0  }
0x24: {  	s7 =	sadd.s32 $0x5080, s0;
	[sflag:s29] =	ssyncadd.s32 $0xFFFFE000  }
0x25: {  	[spmem:s2] =	stream.indirect.scatter.add.f32 [tilespmem:s23], [sflag:$0x7], $0x80, s7, s20, $0xb8;
	[tilespmem:$0x1C010] =	vst v63  }
0x26: {  	_ =	swait.ge [sflag:s30], $0x2000  }
0x27: {  	[sflag:s30] =	ssyncset.done $0x0  }
0x28: {  	s0 =	sadd.s32 $0x50C0, s0;
	[sflag:s30] =	ssyncadd.s32 $0xFFFFE000  }
0x29: {  	[spmem:s2] =	stream.indirect.scatter.add.f32 [tilespmem:s26], [sflag:$0x8], $0x80, s0, s20, $0xb8;
	[tilespmem:$0x1C010] =	vst v63  }
0x2a: {  	_ =	swait.ge [sflag:s31], $0x2000  }
0x2b: {  	[sflag:s31] =	ssyncset.done $0x0  }
0x2c: {  	[sflag:s31] =	ssyncadd.s32 $0xFFFFE000  }
0x2d: {  	_ =	swait.ge [sflag:s1], $0x2000  }
0x2e: {  	[sflag:s1] =	ssyncset.done $0x0  }
0x2f: {  	[sflag:s1] =	ssyncadd.s32 $0xFFFFE000  }
0x30: {  	_ =	swait.ge [sflag:s17], $0x2000  }
0x31: {  	[sflag:s17] =	ssyncset.done $0x0  }
0x32: {  	[sflag:s17] =	ssyncadd.s32 $0xFFFFE000  }
0x33: {  	_ =	swait.ge [sflag:s18], $0x2000  }
0x34: {  	[sflag:s18] =	ssyncset.done $0x0  }
0x35: {  	[sflag:s18] =	ssyncadd.s32 $0xFFFFE000  }
0x36: {  	s22 =	sadd.s32 $0x1, s22;
	[bflag:$0x0] =	sbarrier.arrive $0xFFFF  }
0x37: {  	p0 =	sne.s32 s22, s10;
	s7 =	sshll.u32 s24, $0x6;
	s6 =	rddreg [dreg:$0x4]  }
.Ltmp1:
0x38: {  	s0 =	sor.u32 $0x1C09, s7;
	s7 =	rddreg [dreg:$0x5];
	(pc) =	sbr.rel @!p0 .LBB2_8-.Ltmp1, $4  }
0x39: {  	[hbm:s6], [sflag:s0] =	dma.local [spmem:s7], $0x1400  }
0x3a: {  	_ =	swait.ge [sflag:s16], $0x1400  }
0x3b: {  	[sflag:s16] =	ssyncset.done $0x0  }
0x3c: {  	[sflag:s16] =	ssyncadd.s32 $0xFFFFEC00  }
.LBB2_1:
0x3d: {  	s0 =	simm.s32 $0x0;
	s6 =	simm.s32 $0x200  }
.LBB2_2:
0x3e: {  	p0 =	sne.s32 s6, $0x7E00;
	[tilespmem:s0+$0xA070] =	vst v0  }
0x3f: {  	[tilespmem:s0+$0xA000] =	vst v0  }
0x40: {  	[tilespmem:s0+$0xA010] =	vst v0  }
.Ltmp2:
0x41: {  	[tilespmem:s0+$0xA020] =	vst v0;
	(pc) =	sbr.rel @p0 .LBB2_2-.Ltmp2, $4  }
0x42: {  	[tilespmem:s0+$0xA030] =	vst v0  }
0x43: {  	[tilespmem:s0+$0xA040] =	vst v0  }
0x44: {  	[tilespmem:s0+$0xA050] =	vst v0  }
0x45: {  	[tilespmem:s0+$0xA060] =	vst v0;
	s0 =	sshra.s32 s6, $0x2;
	s6 =	sadd.s32 $0x200, s6  }
0x46: {  	[tilespmem:s0+$0xA070] =	vst v0  }
0x47: {  	[tilespmem:s0+$0xA000] =	vst v0  }
0x48: {  	[tilespmem:s0+$0xA010] =	vst v0  }
0x49: {  	[tilespmem:s0+$0xA020] =	vst v0  }
0x4a: {  	[tilespmem:s0+$0xA030] =	vst v0  }
0x4b: {  	[tilespmem:s0+$0xA040] =	vst v0  }
0x4c: {  	[tilespmem:s0+$0xA050] =	vst v0  }
0x4d: {  	[tilespmem:s0+$0xA060] =	vst v0  }
0x4e: {  	[spmem:s5] =	stream.linear.scatter [tilespmem:s15], [sflag:$0x9], $0x2000, $0x38;
	[tilespmem:$0x1C010] =	vst v63  }
0x4f: {  	_ =	swait.ge [sflag:s16], $0x2000  }
0x50: {  	[sflag:s16] =	ssyncset.done $0x0  }
0x51: {  	[sflag:s16] =	ssyncadd.s32 $0xFFFFE000  }
0x52: {  	[spmem:s11] =	stream.linear.scatter [tilespmem:s15], [sflag:$0x9], $0x2000, $0x38;
	[tilespmem:$0x1C010] =	vst v63  }
0x53: {  	_ =	swait.ge [sflag:s16], $0x2000  }
0x54: {  	[sflag:s16] =	ssyncset.done $0x0  }
0x55: {  	[sflag:s16] =	ssyncadd.s32 $0xFFFFE000  }
0x56: {  	[spmem:s12] =	stream.linear.scatter [tilespmem:s15], [sflag:$0x9], $0x2000, $0x38;
	[tilespmem:$0x1C010] =	vst v63  }
0x57: {  	_ =	swait.ge [sflag:s16], $0x2000  }
0x58: {  	[sflag:s16] =	ssyncset.done $0x0  }
0x59: {  	[sflag:s16] =	ssyncadd.s32 $0xFFFFE000  }
0x5a: {  	[spmem:s13] =	stream.linear.scatter [tilespmem:s15], [sflag:$0x9], $0x2000, $0x38;
	[tilespmem:$0x1C010] =	vst v63  }
0x5b: {  	_ =	swait.ge [sflag:s16], $0x2000  }
0x5c: {  	[sflag:s16] =	ssyncset.done $0x0  }
0x5d: {  	[sflag:s16] =	ssyncadd.s32 $0xFFFFE000  }
0x5e: {  	[spmem:s14] =	stream.linear.scatter [tilespmem:s15], [sflag:$0x9], $0x2000, $0x38;
	[tilespmem:$0x1C010] =	vst v63  }
0x5f: {  	_ =	swait.ge [sflag:s16], $0x2000  }
0x60: {  	[sflag:s16] =	ssyncset.done $0x0  }
0x61: {  	[sflag:s16] =	ssyncadd.s32 $0xFFFFE000  }
0x62: {  	[bflag:$0x0] =	sbarrier.arrive $0xFFFF  }
0x63: {  	s6 =	rddreg [dreg:$0x3]  }
0x64: {  	[tilespmem:s3], [sflag:$0x9] =	stream.linear.gather [hbm4b:s6+s3], $0x5000, $0x38;
	[tilespmem:$0x1C010] =	vst v63  }
0x65: {  	_ =	swait.ge [sflag:s16], $0x5000  }
0x66: {  	[sflag:s16] =	ssyncset.done $0x0  }
0x67: {  	[sflag:s16] =	ssyncadd.s32 $0xFFFFB000  }
0x68: {  	[tilespmem:s25], [sflag:$0x9] =	stream.linear.gather [hbm4b:s8+s3], $0x5000, $0x38;
	[tilespmem:$0x1C010] =	vst v63  }
0x69: {  	_ =	swait.ge [sflag:s16], $0x5000  }
0x6a: {  	[sflag:s16] =	ssyncset.done $0x0  }
0x6b: {  	s7 =	simm.s32 $0x12000;
	[sflag:s16] =	ssyncadd.s32 $0xFFFFB000  }
0x6c: {  	[tilespmem:s7], [sflag:$0x9] =	stream.linear.gather [hbm4b:s9+s3], $0x10, $0x38;
	[tilespmem:$0x1C010] =	vst v63  }
0x6d: {  	_ =	swait.ge [sflag:s16], $0x10  }
0x6e: {  	[sflag:s16] =	ssyncset.done $0x0  }
0x6f: {  	[sflag:s16] =	ssyncadd.s32 $0xFFFFFFF0  }
0x70: {  	v1 =	vld [tilespmem:$0x12000];
	_ =	sdelay $0x4  }
0x71: {  	v1 =	vxor.u32 $0x80000000, v1  }
0x72: {  	(xrf0) =	vmax.scan.msk.u32 $0xffff, v1;
	_ =	sdelay $0x5  }
0x73: {  	v1, _, _ =	vpop (xrf0)  }
0x74: {  	(v2sf) =	vpush v1, $0xF;
	_ =	sdelay $0xb  }
0x75: {  	[tilespmem:s15], [sflag:$0x1] =	stream.indirect.gather [hbm4b:s4+s20], $0x80, s3, s20, $0xb8;
	[tilespmem:$0x1C010] =	vst v63  }
0x76: {  	_ = 	snop  }
0x77: {  	[tilespmem:s21], [sflag:$0x2] =	stream.indirect.gather [hbm4b:s4+s20], $0x80, s20, s20, $0xb8;
	[tilespmem:$0x1C010] =	vst v63  }
0x78: {  	s6 =	spop (v2sf)  }
0x79: {  	s0 =	sadd.s32 $0x8000003F, s6  }
0x7a: {  	s6 =	sand.u32 $0x3F, s0  }
0x7b: {  	s7 =	sshra.s32 s0, $0x1F;
	p0 =	slt.s32 s0, $0x1;
	p1 =	sne.s32 s6, $0x0  }
0x7c: {  	s7 =	sshrl.u32 s7, $0x1A;
	p0 =	por !p0, !p1  }
0x7d: {  	s6 =	simm.s32 $0x1;
	s0 =	sadd.s32 s7, s0;
	p0 =	por !p0, !p0  }
0x7e: {  	s0 =	sshra.s32 s0, $0x6;
	s6 =	simm.s32 @!p0 $0x0  }
0x7f: {  	s0 =	ssub.s32 s0, s6  }
0x80: {  	s6 =	sadd.s32 $0x3, s0  }
0x81: {  	s7 =	sand.u32 $0x3, s6  }
0x82: {  	p5 =	slt.s32 s0, $0xFFFFFFFE;
	p6 =	sne.s32 s7, $0x0;
	s7 =	sshrl.u32 s6, $0x1E  }
0x83: {  	p0 =	por !p5, !p6;
	s0 =	sadd.s32 s7, s6  }
0x84: {  	s6 =	simm.s32 $0x1;
	s7 =	simm.s32 $0x80;
	p0 =	por !p0, !p0  }
0x85: {  	[tilespmem:s23], [sflag:$0x3] =	stream.indirect.gather [hbm4b:s4+s20], $0x80, s7, s20, $0xb8;
	[tilespmem:$0x1C010] =	vst v63  }
0x86: {  	s0 =	sshra.s32 s0, $0x2;
	s6 =	simm.s32 @!p0 $0x0  }
0x87: {  	s0 =	ssub.s32 s0, s6  }
0x88: {  	p1 =	slt.s32 s0, $0x2  }
.Ltmp3:
0x89: {  	s7 =	simm.s32 $0xC0;
	(pc) =	sbr.rel @p1 .LBB2_7-.Ltmp3, $4  }
0x8a: {  	[tilespmem:s26], [sflag:$0x4] =	stream.indirect.gather [hbm4b:s4+s20], $0x80, s7, s20, $0xb8;
	[tilespmem:$0x1C010] =	vst v63  }
0x8b: {  	p0 =	sgt.s32 s0, $0x1  }
0x8c: {  	s0 =	simm.s32 @!p0 $0x1  }
0x8d: {  	s0 =	sadd.s32 $0xFFFFFFFF, s0  }
0x8e: {  	_ =	swait.ge [sflag:s19], $0x2000  }
0x8f: {  	[sflag:s19] =	ssyncset.done $0x0  }
0x90: {  	s6 =	simm.s32 $0x5000;
	[sflag:s19] =	ssyncadd.s32 $0xFFFFE000  }
0x91: {  	[spmem:s2] =	stream.indirect.scatter.add.f32 [tilespmem:s15], [sflag:$0x5], $0x80, s6, s20, $0xb8;
	[tilespmem:$0x1C010] =	vst v63  }
0x92: {  	_ =	swait.ge [sflag:s28], $0x2000  }
0x93: {  	s25 =	smov.u32 s14;
	[sflag:s28] =	ssyncset.done $0x0  }
0x94: {  	s14 =	smov.u32 s13;
	s7 =	simm.s32 $0x5040;
	[sflag:s28] =	ssyncadd.s32 $0xFFFFE000  }
0x95: {  	[spmem:s2] =	stream.indirect.scatter.add.f32 [tilespmem:s21], [sflag:$0x6], $0x80, s7, s20, $0xb8;
	[tilespmem:$0x1C010] =	vst v63  }
0x96: {  	s13 =	smov.u32 s12;
	s12 =	smov.u32 s11;
	_ =	swait.ge [sflag:s29], $0x2000  }
0x97: {  	s11 =	smov.u32 s10;
	s10 =	smov.u32 s9;
	[sflag:s29] =	ssyncset.done $0x0  }
0x98: {  	s9 =	smov.u32 s8;
	s8 =	simm.s32 $0x5080;
	[sflag:s29] =	ssyncadd.s32 $0xFFFFE000  }
0x99: {  	[spmem:s2] =	stream.indirect.scatter.add.f32 [tilespmem:s23], [sflag:$0x7], $0x80, s8, s20, $0xb8;
	[tilespmem:$0x1C010] =	vst v63  }
0x9a: {  	_ =	swait.ge [sflag:s30], $0x2000  }
0x9b: {  	[sflag:s30] =	ssyncset.done $0x0  }
0x9c: {  	s24 =	simm.s32 $0x50C0;
	[sflag:s30] =	ssyncadd.s32 $0xFFFFE000  }
0x9d: {  	[spmem:s2] =	stream.indirect.scatter.add.f32 [tilespmem:s26], [sflag:$0x8], $0x80, s24, s20, $0xb8;
	[tilespmem:$0x1C010] =	vst v63  }
0x9e: {  	_ =	swait.ge [sflag:s31], $0x2000  }
0x9f: {  	[sflag:s31] =	ssyncset.done $0x0  }
0xa0: {  	s7 =	simm.s32 $0x100;
	[sflag:s31] =	ssyncadd.s32 $0xFFFFE000  }
0xa1: {  	[tilespmem:s15], [sflag:$0x1] =	stream.indirect.gather [hbm4b:s4+s20], $0x80, s7, s20, $0xb8;
	[tilespmem:$0x1C010] =	vst v63  }
0xa2: {  	_ =	swait.ge [sflag:s1], $0x2000  }
0xa3: {  	s24 =	smax.u32 s0, $0x1;
	[sflag:s1] =	ssyncset.done $0x0  }
0xa4: {  	s8 =	simm.s32 $0x140;
	s6 =	ssub.s32 $0x0, s24;
	[sflag:s1] =	ssyncadd.s32 $0xFFFFE000  }
0xa5: {  	[tilespmem:s21], [sflag:$0x2] =	stream.indirect.gather [hbm4b:s4+s20], $0x80, s8, s20, $0xb8;
	[tilespmem:$0x1C010] =	vst v63  }
0xa6: {  	s24 =	sadd.s32 $0x1, s6;
	_ =	swait.ge [sflag:s17], $0x2000  }
0xa7: {  	p0 =	seq.s32 s24, $0x0;
	[sflag:s17] =	ssyncset.done $0x0  }
.Ltmp4:
0xa8: {  	s7 =	simm.s32 $0x180;
	[sflag:s17] =	ssyncadd.s32 $0xFFFFE000;
	(pc) =	sbr.rel @p0 .LBB2_6-.Ltmp4, $4  }
0xa9: {  	[tilespmem:s23], [sflag:$0x3] =	stream.indirect.gather [hbm4b:s4+s20], $0x80, s7, s20, $0xb8;
	[tilespmem:$0x1C010] =	vst v63  }
0xaa: {  	_ =	swait.ge [sflag:s18], $0x2000  }
0xab: {  	[sflag:s18] =	ssyncset.done $0x0  }
0xac: {  	s6 =	simm.s32 $0x400;
	s7 =	simm.s32 $0x1C0;
	[sflag:s18] =	ssyncadd.s32 $0xFFFFE000  }
.LBB2_5:
0xad: {  	[tilespmem:s26], [sflag:$0x4] =	stream.indirect.gather [hbm4b:s4+s20], $0x80, s7, s20, $0xb8;
	[tilespmem:$0x1C010] =	vst v63  }
0xae: {  	s24 =	sadd.s32 $0x1, s24;
	_ =	swait.ge [sflag:s19], $0x2000  }
0xaf: {  	s7 =	sshra.s32 s6, $0x2;
	p0 =	seq.s32 s24, $0x0;
	[sflag:s19] =	ssyncset.done $0x0  }
0xb0: {  	s8 =	sadd.s32 $0x5000, s7;
	[sflag:s19] =	ssyncadd.s32 $0xFFFFE000  }
0xb1: {  	[spmem:s2] =	stream.indirect.scatter.add.f32 [tilespmem:s15], [sflag:$0x5], $0x80, s8, s20, $0xb8;
	[tilespmem:$0x1C010] =	vst v63  }
0xb2: {  	_ =	swait.ge [sflag:s28], $0x2000  }
0xb3: {  	[sflag:s28] =	ssyncset.done $0x0  }
0xb4: {  	s8 =	sadd.s32 $0x5040, s7;
	[sflag:s28] =	ssyncadd.s32 $0xFFFFE000  }
0xb5: {  	[spmem:s2] =	stream.indirect.scatter.add.f32 [tilespmem:s21], [sflag:$0x6], $0x80, s8, s20, $0xb8;
	[tilespmem:$0x1C010] =	vst v63  }
0xb6: {  	_ =	swait.ge [sflag:s29], $0x2000  }
0xb7: {  	[sflag:s29] =	ssyncset.done $0x0  }
0xb8: {  	s8 =	sadd.s32 $0x5080, s7;
	[sflag:s29] =	ssyncadd.s32 $0xFFFFE000  }
0xb9: {  	[spmem:s2] =	stream.indirect.scatter.add.f32 [tilespmem:s23], [sflag:$0x7], $0x80, s8, s20, $0xb8;
	[tilespmem:$0x1C010] =	vst v63  }
0xba: {  	_ =	swait.ge [sflag:s30], $0x2000  }
0xbb: {  	[sflag:s30] =	ssyncset.done $0x0  }
0xbc: {  	s8 =	sadd.s32 $0x50C0, s7;
	[sflag:s30] =	ssyncadd.s32 $0xFFFFE000  }
0xbd: {  	[spmem:s2] =	stream.indirect.scatter.add.f32 [tilespmem:s26], [sflag:$0x8], $0x80, s8, s20, $0xb8;
	[tilespmem:$0x1C010] =	vst v63  }
0xbe: {  	_ =	swait.ge [sflag:s31], $0x2000  }
0xbf: {  	[sflag:s31] =	ssyncset.done $0x0  }
0xc0: {  	s8 =	sadd.s32 $0x100, s7;
	[sflag:s31] =	ssyncadd.s32 $0xFFFFE000  }
0xc1: {  	[tilespmem:s15], [sflag:$0x1] =	stream.indirect.gather [hbm4b:s4+s20], $0x80, s8, s20, $0xb8;
	[tilespmem:$0x1C010] =	vst v63  }
0xc2: {  	_ =	swait.ge [sflag:s1], $0x2000  }
0xc3: {  	[sflag:s1] =	ssyncset.done $0x0  }
0xc4: {  	s8 =	sadd.s32 $0x140, s7;
	[sflag:s1] =	ssyncadd.s32 $0xFFFFE000  }
0xc5: {  	[tilespmem:s21], [sflag:$0x2] =	stream.indirect.gather [hbm4b:s4+s20], $0x80, s8, s20, $0xb8;
	[tilespmem:$0x1C010] =	vst v63  }
0xc6: {  	_ =	swait.ge [sflag:s17], $0x2000  }
0xc7: {  	[sflag:s17] =	ssyncset.done $0x0  }
.Ltmp5:
0xc8: {  	s8 =	sadd.s32 $0x180, s7;
	[sflag:s17] =	ssyncadd.s32 $0xFFFFE000;
	(pc) =	sbr.rel @!p0 .LBB2_5-.Ltmp5, $4  }
0xc9: {  	[tilespmem:s23], [sflag:$0x3] =	stream.indirect.gather [hbm4b:s4+s20], $0x80, s8, s20, $0xb8;
	[tilespmem:$0x1C010] =	vst v63  }
0xca: {  	_ =	swait.ge [sflag:s18], $0x2000  }
0xcb: {  	[sflag:s18] =	ssyncset.done $0x0  }
0xcc: {  	s6 =	sadd.s32 $0x400, s6;
	s7 =	sadd.s32 $0x1C0, s7;
	[sflag:s18] =	ssyncadd.s32 $0xFFFFE000  }
.Ltmp6:
0xcd: {  	_ = 	snop;
	(pc) =	sbr.rel .LBB2_6-.Ltmp6, $1  }
0xce: {  	_ =	sdelay $0x3  }
.LBB2_8:
0xcf: {  	_ =	sfence.sel $0x180000  }
0xd0: {  	[bflag:$0x0] =	sbarrier.arrive $0xFFFF  }
0xd1: {  	_ =	strace $0x90000050  }
0xd2: {  	[bflag:$0x2] =	sbarrier.arrive $0xFFFF  }
0xd3: {  	p0 =	sne.s32 s24, $0x0;
	s0 =	rddreg [dreg:$0x2]  }
0xd4: {  	s0 =	sadd.s32 @!p0 $0x100000, s0  }
0xd5: {  	[sflag:s0] =	ssyncadd.tile.s32 @!p0 $0x1;
	_ =	shalt  }
.Lfunc_end2:
_tile_overlayer_lowered:
.L_overlay_start_2:
0xd6: {  	(tag) =	ssettag $0x2  }
0xd7: {  	s0 =	rddreg [dreg:$0x0];
	s2 =	stileid.u32  }
0xd8: {  	s1 =	rddreg [dreg:$0x1];
	p0 =	sne.s32 s2, $0x0  }
0xd9: {  	s3 =	rddreg [dreg:$0x2];
	[bflag:$0x3] =	sbarrier.arrive $0xFFFF;
	s2 =	simm.s32 @!p0 $0x1C09  }
0xda: {  	[timem:s3], [sflag:s2] =	dma.local @!p0 [hbm:s0], s1  }
0xdb: {  	s0 =	simm.s32 @!p0 $0x9  }
0xdc: {  	_ =	swait.ge @!p0 [sflag:s0], s1  }
0xdd: {  	s1 =	ssub.s32 @!p0 $0x0, s1;
	[sflag:s0] =	ssyncset.done @!p0 $0x0  }
0xde: {  	[sflag:s0] =	ssyncadd.s32 @!p0 s1  }
0xdf: {  	[bflag:$0x3] =	sbarrier.arrive $0xFFFF  }
0xe0: {  	_ =	shalt  }

</sc_bundles>
